<compile_context>
chip_gen: v7x
topology: tpu7x:2x2x1
jax: 0.10.2.dev20260603
libtpu: 0.0.44.dev20260713+nightly
codegen_flags: <defaults>
</compile_context>

<pallas_src>
import functools

import jax
import jax.numpy as jnp
from jax import lax
from jax.experimental import pallas as pl
from jax.experimental.pallas import tpu as pltpu
from jax.experimental.pallas import tpu_sc as plsc

N = 16384
M = 4096
CF = 128
CC = 256
K = 3
FW = 384
BLK = 256
GRID = N // BLK
CW = 128
NCH = M // CW


def _knn_body(q_ref, s_ref, idx_ref):
    q = q_ref[...]
    s = s_ref[...]
    qq = (q[:, 0:1] * q[:, 0:1] + q[:, 1:2] * q[:, 1:2]) + q[:, 2:3] * q[:, 2:3]
    ss = (s[0:1] * s[0:1] + s[1:2] * s[1:2]) + s[2:3] * s[2:3]
    qb = q.astype(jnp.bfloat16)
    sb = s.astype(jnp.bfloat16)
    qs = jnp.dot(qb, sb, preferred_element_type=jnp.float32)
    inf = jnp.float32(float("inf"))
    big = jnp.int32(2**30)
    v1 = jnp.full((BLK, CW), inf, jnp.float32)
    v2 = v1
    v3 = v1
    i1 = jnp.full((BLK, CW), big, jnp.int32)
    i2 = i1
    i3 = i1
    lane = lax.broadcasted_iota(jnp.int32, (BLK, CW), 1)
    for c in range(NCH):
        sl = slice(c * CW, (c + 1) * CW)
        v = (qq + ss[:, sl]) - 2.0 * qs[:, sl]
        iv = lane + (c * CW)
        lt1 = v < v1
        lt2 = v < v2
        lt3 = v < v3
        v3n = jnp.where(lt3, jnp.where(lt2, v2, v), v3)
        i3n = jnp.where(lt3, jnp.where(lt2, i2, iv), i3)
        v2n = jnp.where(lt2, jnp.where(lt1, v1, v), v2)
        i2n = jnp.where(lt2, jnp.where(lt1, i1, iv), i2)
        v1 = jnp.where(lt1, v, v1)
        i1 = jnp.where(lt1, iv, i1)
        v2, v3, i2, i3 = v2n, v3n, i2n, i3n
    V = jnp.concatenate([v1, v2, v3], axis=1)
    I = jnp.concatenate([i1, i2, i3], axis=1)
    idxs = []
    for _ in range(K):
        m = jnp.min(V, axis=1, keepdims=True)
        a = jnp.min(jnp.where(V == m, I, big), axis=1, keepdims=True)
        idxs.append(a)
        V = jnp.where((V == m) & (I == a), inf, V)
    idx_ref[...] = jnp.concatenate(idxs, axis=1)


def _knn(q, s):
    return pl.pallas_call(
        _knn_body,
        grid=(GRID,),
        in_specs=[
            pl.BlockSpec((BLK, 3), lambda i: (i, 0)),
            pl.BlockSpec((3, M), lambda i: (0, 0)),
        ],
        out_specs=pl.BlockSpec((BLK, K), lambda i: (i, 0)),
        out_shape=jax.ShapeDtypeStruct((N, K), jnp.int32),
    )(q, s)


_NC = 2
_NS = 16
_NW = _NC * _NS
_ROWS = K * N
_RPW = _ROWS // _NW
_CHUNK = 128
_NCHUNK = _RPW // _CHUNK


def _sc_gather(table, idx_flat):
    mesh = plsc.VectorSubcoreMesh(core_axis_name="c", subcore_axis_name="s")

    @functools.partial(
        pl.kernel,
        mesh=mesh,
        out_type=jax.ShapeDtypeStruct((_ROWS, FW), jnp.float32),
        scratch_types=[
            pltpu.VMEM((_RPW,), jnp.int32),
            pltpu.VMEM((_CHUNK, FW), jnp.float32),
            pltpu.VMEM((_CHUNK, FW), jnp.float32),
            pltpu.SemaphoreType.DMA,
            pltpu.SemaphoreType.DMA,
        ],
    )
    def k(table_hbm, idx_hbm, out_hbm, idx_v, b0, b1, s0, s1):
        wid = lax.axis_index("s") * _NC + lax.axis_index("c")
        base = wid * _RPW
        pltpu.sync_copy(idx_hbm.at[pl.ds(base, _RPW)], idx_v)
        bufs = (b0, b1)
        sems = (s0, s1)

        def issue(t, b):
            isl = idx_v.at[pl.ds(t * _CHUNK, _CHUNK)]
            return pltpu.async_copy(table_hbm.at[isl], bufs[b], sems[b])

        cps = [None, None]
        cps[0] = issue(0, 0)
        for t in range(_NCHUNK):
            b = t % 2
            nb = (t + 1) % 2
            if t + 1 < _NCHUNK:
                cps[nb] = issue(t + 1, nb)
            cps[b].wait()
            pltpu.sync_copy(bufs[b], out_hbm.at[pl.ds(base + t * _CHUNK, _CHUNK)])

    return k(table, idx_flat)


def _mlp1_body(g_ref, qp_ref, ff_ref, w1a_ref, w1b_ref,
               y1_ref, s_ref, q_ref):
    i = pl.program_id(0)
    qp = qp_ref[...]
    ws = []
    for j in range(K):
        t0 = qp[:, 0:1] - g_ref[j, :, CC : CC + 1]
        t1 = qp[:, 1:2] - g_ref[j, :, CC + 1 : CC + 2]
        t2 = qp[:, 2:3] - g_ref[j, :, CC + 2 : CC + 3]
        d2 = (t0 * t0 + t1 * t1) + t2 * t2
        d = jnp.maximum(jnp.sqrt(d2), 1e-8)
        ws.append(1.0 / d)
    tot = (ws[0] + ws[1]) + ws[2]
    wn = [wj / tot for wj in ws]
    interp = (wn[0] * g_ref[0, :, :CC] + wn[1] * g_ref[1, :, :CC]) \
        + wn[2] * g_ref[2, :, :CC]
    y = jnp.dot(interp, w1a_ref[...], preferred_element_type=jnp.float32)
    y = y + lax.dot_general(
        ff_ref[...], w1b_ref[...],
        dimension_numbers=(((0,), (0,)), ((), ())),
        preferred_element_type=jnp.float32)
    y1_ref[...] = y

    @pl.when(i == 0)
    def _init():
        s_ref[...] = jnp.zeros_like(s_ref)
        q_ref[...] = jnp.zeros_like(q_ref)

    s_ref[...] += jnp.sum(y, axis=0, keepdims=True)
    q_ref[...] += jnp.sum(y * y, axis=0, keepdims=True)


def _mlp1(g, q, ff, w1a_t, w1b_t):
    return pl.pallas_call(
        _mlp1_body,
        grid=(GRID,),
        in_specs=[
            pl.BlockSpec((K, BLK, FW), lambda i: (0, i, 0)),
            pl.BlockSpec((BLK, 3), lambda i: (i, 0)),
            pl.BlockSpec((CF, BLK), lambda i: (0, i)),
            pl.BlockSpec((CC, 256), lambda i: (0, 0)),
            pl.BlockSpec((CF, 256), lambda i: (0, 0)),
        ],
        out_specs=[
            pl.BlockSpec((BLK, 256), lambda i: (i, 0)),
            pl.BlockSpec((1, 256), lambda i: (0, 0)),
            pl.BlockSpec((1, 256), lambda i: (0, 0)),
        ],
        out_shape=[
            jax.ShapeDtypeStruct((N, 256), jnp.float32),
            jax.ShapeDtypeStruct((1, 256), jnp.float32),
            jax.ShapeDtypeStruct((1, 256), jnp.float32),
        ],
    )(g, q, ff, w1a_t, w1b_t)


def _bn_ab(s, q, gamma, beta):
    mean = s * (1.0 / N)
    var = q * (1.0 / N) - mean * mean
    a = gamma / jnp.sqrt(var + 1e-5)
    return a, beta - mean * a


def _mlp2_body(y1_ref, s1_ref, q1_ref, g1_ref, b1_ref, w2_ref,
               y2_ref, s_ref, q_ref):
    i = pl.program_id(0)
    a_, b_ = _bn_ab(s1_ref[...], q1_ref[...], g1_ref[...], b1_ref[...])
    h = jnp.maximum(y1_ref[...] * a_ + b_, 0.0)
    y = jnp.dot(h, w2_ref[...], preferred_element_type=jnp.float32)
    y2_ref[...] = y

    @pl.when(i == 0)
    def _init():
        s_ref[...] = jnp.zeros_like(s_ref)
        q_ref[...] = jnp.zeros_like(q_ref)

    s_ref[...] += jnp.sum(y, axis=0, keepdims=True)
    q_ref[...] += jnp.sum(y * y, axis=0, keepdims=True)


def _mlp2(y1, s1, q1, g1, b1, w2_t):
    return pl.pallas_call(
        _mlp2_body,
        grid=(GRID,),
        in_specs=[
            pl.BlockSpec((BLK, 256), lambda i: (i, 0)),
            pl.BlockSpec((1, 256), lambda i: (0, 0)),
            pl.BlockSpec((1, 256), lambda i: (0, 0)),
            pl.BlockSpec((1, 256), lambda i: (0, 0)),
            pl.BlockSpec((1, 256), lambda i: (0, 0)),
            pl.BlockSpec((256, 256), lambda i: (0, 0)),
        ],
        out_specs=[
            pl.BlockSpec((BLK, 256), lambda i: (i, 0)),
            pl.BlockSpec((1, 256), lambda i: (0, 0)),
            pl.BlockSpec((1, 256), lambda i: (0, 0)),
        ],
        out_shape=[
            jax.ShapeDtypeStruct((N, 256), jnp.float32),
            jax.ShapeDtypeStruct((1, 256), jnp.float32),
            jax.ShapeDtypeStruct((1, 256), jnp.float32),
        ],
    )(y1, s1, q1, g1, b1, w2_t)


def _norm_body(y2_ref, s2_ref, q2_ref, g2_ref, b2_ref, out_ref):
    a_, b_ = _bn_ab(s2_ref[...], q2_ref[...], g2_ref[...], b2_ref[...])
    o = jnp.maximum(y2_ref[...] * a_ + b_, 0.0)
    out_ref[...] = o.T


def _norm(y2, s2, q2, g2, b2):
    return pl.pallas_call(
        _norm_body,
        grid=(GRID,),
        in_specs=[
            pl.BlockSpec((BLK, 256), lambda i: (i, 0)),
            pl.BlockSpec((1, 256), lambda i: (0, 0)),
            pl.BlockSpec((1, 256), lambda i: (0, 0)),
            pl.BlockSpec((1, 256), lambda i: (0, 0)),
            pl.BlockSpec((1, 256), lambda i: (0, 0)),
        ],
        out_specs=pl.BlockSpec((256, BLK), lambda i: (0, i)),
        out_shape=jax.ShapeDtypeStruct((256, N), jnp.float32),
    )(y2, s2, q2, g2, b2)


def kernel(xyz_fine, xyz_coarse, feats_fine, feats_coarse,
           W1, gamma1, beta1, W2, gamma2, beta2):
    q = xyz_fine[0].T
    s = xyz_coarse[0]
    idx = _knn(q, s)

    table = jnp.pad(
        jnp.concatenate([feats_coarse[0].T, s.T], axis=1),
        ((0, 0), (0, FW - CC - 3)))
    idx_flat = idx.T.reshape(_ROWS)
    g_rows = _sc_gather(table, idx_flat)
    g = g_rows.reshape(K, N, FW)

    w1a_t = W1[:, :CC].T
    w1b_t = W1[:, CC:].T
    y1, s1, q1 = _mlp1(g, q, feats_fine[0], w1a_t, w1b_t)
    y2, s2, q2 = _mlp2(y1, s1, q1, gamma1[None], beta1[None], W2.T)
    out = _norm(y2, s2, q2, gamma2[None], beta2[None])
    return out[None]

# --- scband reference (transcript-rebuilt; emitter-appended) ---
"""Pipeline reference for scband-feature-propagation-7335804142069 (READ-ONLY COPY).

The authoritative reference and input builder live on the scoring server;
editing this copy changes nothing except your own understanding.
"""

import jax, jax.numpy as jnp
import numpy as np

N, M, CF, CC = 16384, 4096, 128, 256
IN_CH = CF + CC


def setup_inputs(seed: int = 0) -> dict:
    key = jax.random.key(seed)
    ks = jax.random.split(key, 8)
    xyz_fine = jax.random.normal(ks[0], (1, 3, N), dtype=jnp.float32)
    xyz_coarse = jax.random.normal(ks[1], (1, 3, M), dtype=jnp.float32)
    feats_fine = jax.random.normal(ks[2], (1, CF, N), dtype=jnp.float32)
    feats_coarse = jax.random.normal(ks[3], (1, CC, M), dtype=jnp.float32)
    W1 = jax.random.normal(ks[4], (256, IN_CH), dtype=jnp.float32) * (1.0 / np.sqrt(IN_CH))
    gamma1 = jnp.ones((256,), dtype=jnp.float32)
    beta1 = jnp.zeros((256,), dtype=jnp.float32)
    W2 = jax.random.normal(ks[5], (256, 256), dtype=jnp.float32) * (1.0 / np.sqrt(256))
    gamma2 = jnp.ones((256,), dtype=jnp.float32)
    beta2 = jnp.zeros((256,), dtype=jnp.float32)
    return {
        'xyz_fine': xyz_fine,
        'xyz_coarse': xyz_coarse,
        'feats_fine': feats_fine,
        'feats_coarse': feats_coarse,
        'W1': W1, 'gamma1': gamma1, 'beta1': beta1,
        'W2': W2, 'gamma2': gamma2, 'beta2': beta2,
    }


def _conv_bn_relu(x, W, gamma, beta):
    # 1x1 Conv1d (no bias) == channel matmul
    y = jnp.einsum('oc,bcn->bon', W, x)
    # BatchNorm1d in training mode: batch stats over (B, N), biased variance
    mean = jnp.mean(y, axis=(0, 2), keepdims=True)
    var = jnp.var(y, axis=(0, 2), keepdims=True)
    yn = (y - mean) / jnp.sqrt(var + 1e-5)
    yn = yn * gamma[None, :, None] + beta[None, :, None]
    return jax.nn.relu(yn)


def reference(xyz_fine, xyz_coarse, feats_fine, feats_coarse, W1, gamma1, beta1, W2, gamma2, beta2):
    n = xyz_fine.shape[2]
    m = xyz_coarse.shape[2]
    k = min(3, m)
    q = xyz_fine[0].T   # [N, 3] query (fine) points
    s = xyz_coarse[0].T  # [M, 3] support (coarse) points
    # brute-force kNN (matches cKDTree exact query); indices are non-differentiable constants
    d2 = jnp.sum(q * q, axis=1)[:, None] + jnp.sum(s * s, axis=1)[None, :] - 2.0 * (q @ s.T)
    _, idx = jax.lax.top_k(-jax.lax.stop_gradient(d2), k)  # [N, k]
    nbr_pts = s[idx]  # [N, k, 3]
    dists = jnp.linalg.norm(q[:, None, :] - nbr_pts, axis=2)
    dists = jnp.maximum(dists, 1e-8)
    w = 1.0 / dists
    w = w / jnp.sum(w, axis=1, keepdims=True)
    nbr_f = feats_coarse[0].T[idx]  # [N, k, Cc]
    interp = jnp.sum(w[:, :, None] * nbr_f, axis=1).T[None]  # [1, Cc, N]
    x = jnp.concatenate([interp, feats_fine], axis=1)  # [1, Cc+Cf, N]
    x = _conv_bn_relu(x, W1, gamma1, beta1)
    x = _conv_bn_relu(x, W2, gamma2, beta2)
    return x

if __name__ == "__main__":
    import jax
    _d = setup_inputs()
    print(jax.jit(kernel)(*tuple(_d.values())))

</pallas_src>

<mosaic_0001>
#map = affine_map<(d0, d1) -> (0, 0)>
#map1 = affine_map<(d0, d1) -> (0)>
module attributes {stable_mosaic.version = 14 : i64} {
  func.func @k(%arg0: i32, %arg1: i32, %arg2: memref<4096x384xf32, #tpu.memory_space<hbm>>, %arg3: memref<49152xi32, #tpu.memory_space<hbm>>, %arg4: memref<49152x384xf32, #tpu.memory_space<hbm>>, %arg5: memref<1536xi32, #tpu.memory_space<vmem>>, %arg6: memref<128x384xf32, #tpu.memory_space<vmem>>, %arg7: memref<128x384xf32, #tpu.memory_space<vmem>>, %arg8: memref<!tpu.dma_semaphore, #tpu.memory_space<semaphore_mem>>, %arg9: memref<!tpu.dma_semaphore, #tpu.memory_space<semaphore_mem>>) attributes {dimension_semantics = [#tpu.dimension_semantics<core_parallel>, #tpu.dimension_semantics<subcore_parallel>], iteration_bounds = array<i64: 2, 16>, scalar_prefetch = 0 : i64, scratch_operands = 5 : i64, tpu.core_type = #tpu.core_type<sc_vector_subcore>, window_params = [{transform_indices = #map}, {transform_indices = #map1}, {transform_indices = #map}]} {
    %mul3A = arith.constant 2 : i32
    %mul3A_0 = arith.muli %arg1, %mul3A : i32
    %add3A = arith.addi %mul3A_0, %arg0 : i32
    %mul3A_1 = arith.constant 1536 : i32
    %mul3A_2 = arith.muli %add3A, %mul3A_1 : i32
    "tpu.region"() ({
      %run_scoped3A = tpu.sem_alloc : memref<!tpu.dma_semaphore, #tpu.memory_space<semaphore_mem>>
      %dma_start3A_145 = tpu.memref_slice %arg3[%mul3A_2] : memref<49152xi32, #tpu.memory_space<hbm>> -> memref<1536xi32, #tpu.memory_space<hbm>>
      %dma_start3A_146 = tpu.memref_slice %arg3[%mul3A_2] : memref<49152xi32, #tpu.memory_space<hbm>> -> memref<1536xi32, #tpu.memory_space<hbm>>
      tpu.enqueue_dma source(%dma_start3A_146 : memref<1536xi32, #tpu.memory_space<hbm>>) target(%arg5 : memref<1536xi32, #tpu.memory_space<vmem>>) target_semaphore(%run_scoped3A : memref<!tpu.dma_semaphore, #tpu.memory_space<semaphore_mem>>)
      %dma_wait3A_147 = tpu.memref_slice %arg3[%mul3A_2] : memref<49152xi32, #tpu.memory_space<hbm>> -> memref<1536xi32, #tpu.memory_space<hbm>>
      %dma_wait3A_148 = tpu.memref_slice %arg3[%mul3A_2] : memref<49152xi32, #tpu.memory_space<hbm>> -> memref<1536xi32, #tpu.memory_space<hbm>>
      tpu.wait_dma2 semaphore(%run_scoped3A : memref<!tpu.dma_semaphore, #tpu.memory_space<semaphore_mem>>) src(%dma_wait3A_148 : memref<1536xi32, #tpu.memory_space<hbm>>) dst(%arg5 : memref<1536xi32, #tpu.memory_space<vmem>>)
      tpu.yield
    }) : () -> ()
    %dma_start3A = arith.constant 0 : i32
    %dma_start3A_3 = tpu.memref_slice %arg5[%dma_start3A] : memref<1536xi32, #tpu.memory_space<vmem>> -> memref<128xi32, #tpu.memory_space<vmem>>
    %dma_start3A_4 = arith.constant 0 : i32
    %dma_start3A_5 = arith.constant 0 : i32
    %dma_start3A_6 = tpu.memref_slice %arg2[%dma_start3A_4, %dma_start3A_5] : memref<4096x384xf32, #tpu.memory_space<hbm>> -> memref<4096x384xf32, #tpu.memory_space<hbm>>
    tpu.enqueue_indirect_dma source(%dma_start3A_6 : memref<4096x384xf32, #tpu.memory_space<hbm>>) target(%arg6 : memref<128x384xf32, #tpu.memory_space<vmem>>) offsets(%dma_start3A_3 : memref<128xi32, #tpu.memory_space<vmem>>) semaphore(%arg8 : memref<!tpu.dma_semaphore, #tpu.memory_space<semaphore_mem>>)
    %dma_start3A_7 = arith.constant 128 : i32
    %dma_start3A_8 = tpu.memref_slice %arg5[%dma_start3A_7] : memref<1536xi32, #tpu.memory_space<vmem>> -> memref<128xi32, #tpu.memory_space<vmem>>
    %dma_start3A_9 = arith.constant 0 : i32
    %dma_start3A_10 = arith.constant 0 : i32
    %dma_start3A_11 = tpu.memref_slice %arg2[%dma_start3A_9, %dma_start3A_10] : memref<4096x384xf32, #tpu.memory_space<hbm>> -> memref<4096x384xf32, #tpu.memory_space<hbm>>
    tpu.enqueue_indirect_dma source(%dma_start3A_11 : memref<4096x384xf32, #tpu.memory_space<hbm>>) target(%arg7 : memref<128x384xf32, #tpu.memory_space<vmem>>) offsets(%dma_start3A_8 : memref<128xi32, #tpu.memory_space<vmem>>) semaphore(%arg9 : memref<!tpu.dma_semaphore, #tpu.memory_space<semaphore_mem>>)
    %dma_wait3A = arith.constant 0 : i32
    %dma_wait3A_12 = tpu.memref_slice %arg5[%dma_wait3A] : memref<1536xi32, #tpu.memory_space<vmem>> -> memref<128xi32, #tpu.memory_space<vmem>>
    %dma_wait3A_13 = arith.constant 0 : i32
    %dma_wait3A_14 = arith.constant 0 : i32
    %dma_wait3A_15 = tpu.memref_slice %arg2[%dma_wait3A_13, %dma_wait3A_14] : memref<4096x384xf32, #tpu.memory_space<hbm>> -> memref<4096x384xf32, #tpu.memory_space<hbm>>
    tpu.wait_indirect_dma semaphore(%arg8 : memref<!tpu.dma_semaphore, #tpu.memory_space<semaphore_mem>>) src(%dma_wait3A_15 : memref<4096x384xf32, #tpu.memory_space<hbm>>) dst(%arg6 : memref<128x384xf32, #tpu.memory_space<vmem>>)
    %add3A_16 = arith.constant 0 : i32
    %add3A_17 = arith.addi %mul3A_2, %add3A_16 : i32
    "tpu.region"() ({
      %run_scoped3A = tpu.sem_alloc : memref<!tpu.dma_semaphore, #tpu.memory_space<semaphore_mem>>
      %dma_start3A_145 = arith.constant 0 : i32
      %dma_start3A_146 = tpu.memref_slice %arg4[%add3A_17, %dma_start3A_145] : memref<49152x384xf32, #tpu.memory_space<hbm>> -> memref<128x384xf32, #tpu.memory_space<hbm>>
      %dma_start3A_147 = arith.constant 0 : i32
      %dma_start3A_148 = tpu.memref_slice %arg4[%add3A_17, %dma_start3A_147] : memref<49152x384xf32, #tpu.memory_space<hbm>> -> memref<128x384xf32, #tpu.memory_space<hbm>>
      tpu.enqueue_dma source(%arg6 : memref<128x384xf32, #tpu.memory_space<vmem>>) target(%dma_start3A_148 : memref<128x384xf32, #tpu.memory_space<hbm>>) target_semaphore(%run_scoped3A : memref<!tpu.dma_semaphore, #tpu.memory_space<semaphore_mem>>)
      %dma_wait3A_149 = arith.constant 0 : i32
      %dma_wait3A_150 = tpu.memref_slice %arg4[%add3A_17, %dma_wait3A_149] : memref<49152x384xf32, #tpu.memory_space<hbm>> -> memref<128x384xf32, #tpu.memory_space<hbm>>
      %dma_wait3A_151 = arith.constant 0 : i32
      %dma_wait3A_152 = tpu.memref_slice %arg4[%add3A_17, %dma_wait3A_151] : memref<49152x384xf32, #tpu.memory_space<hbm>> -> memref<128x384xf32, #tpu.memory_space<hbm>>
      tpu.wait_dma2 semaphore(%run_scoped3A : memref<!tpu.dma_semaphore, #tpu.memory_space<semaphore_mem>>) src(%arg6 : memref<128x384xf32, #tpu.memory_space<vmem>>) dst(%dma_wait3A_152 : memref<128x384xf32, #tpu.memory_space<hbm>>)
      tpu.yield
    }) : () -> ()
    %dma_start3A_18 = arith.constant 256 : i32
    %dma_start3A_19 = tpu.memref_slice %arg5[%dma_start3A_18] : memref<1536xi32, #tpu.memory_space<vmem>> -> memref<128xi32, #tpu.memory_space<vmem>>
    %dma_start3A_20 = arith.constant 0 : i32
    %dma_start3A_21 = arith.constant 0 : i32
    %dma_start3A_22 = tpu.memref_slice %arg2[%dma_start3A_20, %dma_start3A_21] : memref<4096x384xf32, #tpu.memory_space<hbm>> -> memref<4096x384xf32, #tpu.memory_space<hbm>>
    tpu.enqueue_indirect_dma source(%dma_start3A_22 : memref<4096x384xf32, #tpu.memory_space<hbm>>) target(%arg6 : memref<128x384xf32, #tpu.memory_space<vmem>>) offsets(%dma_start3A_19 : memref<128xi32, #tpu.memory_space<vmem>>) semaphore(%arg8 : memref<!tpu.dma_semaphore, #tpu.memory_space<semaphore_mem>>)
    %dma_wait3A_23 = arith.constant 128 : i32
    %dma_wait3A_24 = tpu.memref_slice %arg5[%dma_wait3A_23] : memref<1536xi32, #tpu.memory_space<vmem>> -> memref<128xi32, #tpu.memory_space<vmem>>
    %dma_wait3A_25 = arith.constant 0 : i32
    %dma_wait3A_26 = arith.constant 0 : i32
    %dma_wait3A_27 = tpu.memref_slice %arg2[%dma_wait3A_25, %dma_wait3A_26] : memref<4096x384xf32, #tpu.memory_space<hbm>> -> memref<4096x384xf32, #tpu.memory_space<hbm>>
    tpu.wait_indirect_dma semaphore(%arg9 : memref<!tpu.dma_semaphore, #tpu.memory_space<semaphore_mem>>) src(%dma_wait3A_27 : memref<4096x384xf32, #tpu.memory_space<hbm>>) dst(%arg7 : memref<128x384xf32, #tpu.memory_space<vmem>>)
    %add3A_28 = arith.constant 128 : i32
    %add3A_29 = arith.addi %mul3A_2, %add3A_28 : i32
    "tpu.region"() ({
      %run_scoped3A = tpu.sem_alloc : memref<!tpu.dma_semaphore, #tpu.memory_space<semaphore_mem>>
      %dma_start3A_145 = arith.constant 0 : i32
      %dma_start3A_146 = tpu.memref_slice %arg4[%add3A_29, %dma_start3A_145] : memref<49152x384xf32, #tpu.memory_space<hbm>> -> memref<128x384xf32, #tpu.memory_space<hbm>>
      %dma_start3A_147 = arith.constant 0 : i32
      %dma_start3A_148 = tpu.memref_slice %arg4[%add3A_29, %dma_start3A_147] : memref<49152x384xf32, #tpu.memory_space<hbm>> -> memref<128x384xf32, #tpu.memory_space<hbm>>
      tpu.enqueue_dma source(%arg7 : memref<128x384xf32, #tpu.memory_space<vmem>>) target(%dma_start3A_148 : memref<128x384xf32, #tpu.memory_space<hbm>>) target_semaphore(%run_scoped3A : memref<!tpu.dma_semaphore, #tpu.memory_space<semaphore_mem>>)
      %dma_wait3A_149 = arith.constant 0 : i32
      %dma_wait3A_150 = tpu.memref_slice %arg4[%add3A_29, %dma_wait3A_149] : memref<49152x384xf32, #tpu.memory_space<hbm>> -> memref<128x384xf32, #tpu.memory_space<hbm>>
      %dma_wait3A_151 = arith.constant 0 : i32
      %dma_wait3A_152 = tpu.memref_slice %arg4[%add3A_29, %dma_wait3A_151] : memref<49152x384xf32, #tpu.memory_space<hbm>> -> memref<128x384xf32, #tpu.memory_space<hbm>>
      tpu.wait_dma2 semaphore(%run_scoped3A : memref<!tpu.dma_semaphore, #tpu.memory_space<semaphore_mem>>) src(%arg7 : memref<128x384xf32, #tpu.memory_space<vmem>>) dst(%dma_wait3A_152 : memref<128x384xf32, #tpu.memory_space<hbm>>)
      tpu.yield
    }) : () -> ()
    %dma_start3A_30 = arith.constant 384 : i32
    %dma_start3A_31 = tpu.memref_slice %arg5[%dma_start3A_30] : memref<1536xi32, #tpu.memory_space<vmem>> -> memref<128xi32, #tpu.memory_space<vmem>>
    %dma_start3A_32 = arith.constant 0 : i32
    %dma_start3A_33 = arith.constant 0 : i32
    %dma_start3A_34 = tpu.memref_slice %arg2[%dma_start3A_32, %dma_start3A_33] : memref<4096x384xf32, #tpu.memory_space<hbm>> -> memref<4096x384xf32, #tpu.memory_space<hbm>>
    tpu.enqueue_indirect_dma source(%dma_start3A_34 : memref<4096x384xf32, #tpu.memory_space<hbm>>) target(%arg7 : memref<128x384xf32, #tpu.memory_space<vmem>>) offsets(%dma_start3A_31 : memref<128xi32, #tpu.memory_space<vmem>>) semaphore(%arg9 : memref<!tpu.dma_semaphore, #tpu.memory_space<semaphore_mem>>)
    %dma_wait3A_35 = arith.constant 256 : i32
    %dma_wait3A_36 = tpu.memref_slice %arg5[%dma_wait3A_35] : memref<1536xi32, #tpu.memory_space<vmem>> -> memref<128xi32, #tpu.memory_space<vmem>>
    %dma_wait3A_37 = arith.constant 0 : i32
    %dma_wait3A_38 = arith.constant 0 : i32
    %dma_wait3A_39 = tpu.memref_slice %arg2[%dma_wait3A_37, %dma_wait3A_38] : memref<4096x384xf32, #tpu.memory_space<hbm>> -> memref<4096x384xf32, #tpu.memory_space<hbm>>
    tpu.wait_indirect_dma semaphore(%arg8 : memref<!tpu.dma_semaphore, #tpu.memory_space<semaphore_mem>>) src(%dma_wait3A_39 : memref<4096x384xf32, #tpu.memory_space<hbm>>) dst(%arg6 : memref<128x384xf32, #tpu.memory_space<vmem>>)
    %add3A_40 = arith.constant 256 : i32
    %add3A_41 = arith.addi %mul3A_2, %add3A_40 : i32
    "tpu.region"() ({
      %run_scoped3A = tpu.sem_alloc : memref<!tpu.dma_semaphore, #tpu.memory_space<semaphore_mem>>
      %dma_start3A_145 = arith.constant 0 : i32
      %dma_start3A_146 = tpu.memref_slice %arg4[%add3A_41, %dma_start3A_145] : memref<49152x384xf32, #tpu.memory_space<hbm>> -> memref<128x384xf32, #tpu.memory_space<hbm>>
      %dma_start3A_147 = arith.constant 0 : i32
      %dma_start3A_148 = tpu.memref_slice %arg4[%add3A_41, %dma_start3A_147] : memref<49152x384xf32, #tpu.memory_space<hbm>> -> memref<128x384xf32, #tpu.memory_space<hbm>>
      tpu.enqueue_dma source(%arg6 : memref<128x384xf32, #tpu.memory_space<vmem>>) target(%dma_start3A_148 : memref<128x384xf32, #tpu.memory_space<hbm>>) target_semaphore(%run_scoped3A : memref<!tpu.dma_semaphore, #tpu.memory_space<semaphore_mem>>)
      %dma_wait3A_149 = arith.constant 0 : i32
      %dma_wait3A_150 = tpu.memref_slice %arg4[%add3A_41, %dma_wait3A_149] : memref<49152x384xf32, #tpu.memory_space<hbm>> -> memref<128x384xf32, #tpu.memory_space<hbm>>
      %dma_wait3A_151 = arith.constant 0 : i32
      %dma_wait3A_152 = tpu.memref_slice %arg4[%add3A_41, %dma_wait3A_151] : memref<49152x384xf32, #tpu.memory_space<hbm>> -> memref<128x384xf32, #tpu.memory_space<hbm>>
      tpu.wait_dma2 semaphore(%run_scoped3A : memref<!tpu.dma_semaphore, #tpu.memory_space<semaphore_mem>>) src(%arg6 : memref<128x384xf32, #tpu.memory_space<vmem>>) dst(%dma_wait3A_152 : memref<128x384xf32, #tpu.memory_space<hbm>>)
      tpu.yield
    }) : () -> ()
    %dma_start3A_42 = arith.constant 512 : i32
    %dma_start3A_43 = tpu.memref_slice %arg5[%dma_start3A_42] : memref<1536xi32, #tpu.memory_space<vmem>> -> memref<128xi32, #tpu.memory_space<vmem>>
    %dma_start3A_44 = arith.constant 0 : i32
    %dma_start3A_45 = arith.constant 0 : i32
    %dma_start3A_46 = tpu.memref_slice %arg2[%dma_start3A_44, %dma_start3A_45] : memref<4096x384xf32, #tpu.memory_space<hbm>> -> memref<4096x384xf32, #tpu.memory_space<hbm>>
    tpu.enqueue_indirect_dma source(%dma_start3A_46 : memref<4096x384xf32, #tpu.memory_space<hbm>>) target(%arg6 : memref<128x384xf32, #tpu.memory_space<vmem>>) offsets(%dma_start3A_43 : memref<128xi32, #tpu.memory_space<vmem>>) semaphore(%arg8 : memref<!tpu.dma_semaphore, #tpu.memory_space<semaphore_mem>>)
    %dma_wait3A_47 = arith.constant 384 : i32
    %dma_wait3A_48 = tpu.memref_slice %arg5[%dma_wait3A_47] : memref<1536xi32, #tpu.memory_space<vmem>> -> memref<128xi32, #tpu.memory_space<vmem>>
    %dma_wait3A_49 = arith.constant 0 : i32
    %dma_wait3A_50 = arith.constant 0 : i32
    %dma_wait3A_51 = tpu.memref_slice %arg2[%dma_wait3A_49, %dma_wait3A_50] : memref<4096x384xf32, #tpu.memory_space<hbm>> -> memref<4096x384xf32, #tpu.memory_space<hbm>>
    tpu.wait_indirect_dma semaphore(%arg9 : memref<!tpu.dma_semaphore, #tpu.memory_space<semaphore_mem>>) src(%dma_wait3A_51 : memref<4096x384xf32, #tpu.memory_space<hbm>>) dst(%arg7 : memref<128x384xf32, #tpu.memory_space<vmem>>)
    %add3A_52 = arith.constant 384 : i32
    %add3A_53 = arith.addi %mul3A_2, %add3A_52 : i32
    "tpu.region"() ({
      %run_scoped3A = tpu.sem_alloc : memref<!tpu.dma_semaphore, #tpu.memory_space<semaphore_mem>>
      %dma_start3A_145 = arith.constant 0 : i32
      %dma_start3A_146 = tpu.memref_slice %arg4[%add3A_53, %dma_start3A_145] : memref<49152x384xf32, #tpu.memory_space<hbm>> -> memref<128x384xf32, #tpu.memory_space<hbm>>
      %dma_start3A_147 = arith.constant 0 : i32
      %dma_start3A_148 = tpu.memref_slice %arg4[%add3A_53, %dma_start3A_147] : memref<49152x384xf32, #tpu.memory_space<hbm>> -> memref<128x384xf32, #tpu.memory_space<hbm>>
      tpu.enqueue_dma source(%arg7 : memref<128x384xf32, #tpu.memory_space<vmem>>) target(%dma_start3A_148 : memref<128x384xf32, #tpu.memory_space<hbm>>) target_semaphore(%run_scoped3A : memref<!tpu.dma_semaphore, #tpu.memory_space<semaphore_mem>>)
      %dma_wait3A_149 = arith.constant 0 : i32
      %dma_wait3A_150 = tpu.memref_slice %arg4[%add3A_53, %dma_wait3A_149] : memref<49152x384xf32, #tpu.memory_space<hbm>> -> memref<128x384xf32, #tpu.memory_space<hbm>>
      %dma_wait3A_151 = arith.constant 0 : i32
      %dma_wait3A_152 = tpu.memref_slice %arg4[%add3A_53, %dma_wait3A_151] : memref<49152x384xf32, #tpu.memory_space<hbm>> -> memref<128x384xf32, #tpu.memory_space<hbm>>
      tpu.wait_dma2 semaphore(%run_scoped3A : memref<!tpu.dma_semaphore, #tpu.memory_space<semaphore_mem>>) src(%arg7 : memref<128x384xf32, #tpu.memory_space<vmem>>) dst(%dma_wait3A_152 : memref<128x384xf32, #tpu.memory_space<hbm>>)
      tpu.yield
    }) : () -> ()
    %dma_start3A_54 = arith.constant 640 : i32
    %dma_start3A_55 = tpu.memref_slice %arg5[%dma_start3A_54] : memref<1536xi32, #tpu.memory_space<vmem>> -> memref<128xi32, #tpu.memory_space<vmem>>
    %dma_start3A_56 = arith.constant 0 : i32
    %dma_start3A_57 = arith.constant 0 : i32
    %dma_start3A_58 = tpu.memref_slice %arg2[%dma_start3A_56, %dma_start3A_57] : memref<4096x384xf32, #tpu.memory_space<hbm>> -> memref<4096x384xf32, #tpu.memory_space<hbm>>
    tpu.enqueue_indirect_dma source(%dma_start3A_58 : memref<4096x384xf32, #tpu.memory_space<hbm>>) target(%arg7 : memref<128x384xf32, #tpu.memory_space<vmem>>) offsets(%dma_start3A_55 : memref<128xi32, #tpu.memory_space<vmem>>) semaphore(%arg9 : memref<!tpu.dma_semaphore, #tpu.memory_space<semaphore_mem>>)
    %dma_wait3A_59 = arith.constant 512 : i32
    %dma_wait3A_60 = tpu.memref_slice %arg5[%dma_wait3A_59] : memref<1536xi32, #tpu.memory_space<vmem>> -> memref<128xi32, #tpu.memory_space<vmem>>
    %dma_wait3A_61 = arith.constant 0 : i32
    %dma_wait3A_62 = arith.constant 0 : i32
    %dma_wait3A_63 = tpu.memref_slice %arg2[%dma_wait3A_61, %dma_wait3A_62] : memref<4096x384xf32, #tpu.memory_space<hbm>> -> memref<4096x384xf32, #tpu.memory_space<hbm>>
    tpu.wait_indirect_dma semaphore(%arg8 : memref<!tpu.dma_semaphore, #tpu.memory_space<semaphore_mem>>) src(%dma_wait3A_63 : memref<4096x384xf32, #tpu.memory_space<hbm>>) dst(%arg6 : memref<128x384xf32, #tpu.memory_space<vmem>>)
    %add3A_64 = arith.constant 512 : i32
    %add3A_65 = arith.addi %mul3A_2, %add3A_64 : i32
    "tpu.region"() ({
      %run_scoped3A = tpu.sem_alloc : memref<!tpu.dma_semaphore, #tpu.memory_space<semaphore_mem>>
      %dma_start3A_145 = arith.constant 0 : i32
      %dma_start3A_146 = tpu.memref_slice %arg4[%add3A_65, %dma_start3A_145] : memref<49152x384xf32, #tpu.memory_space<hbm>> -> memref<128x384xf32, #tpu.memory_space<hbm>>
      %dma_start3A_147 = arith.constant 0 : i32
      %dma_start3A_148 = tpu.memref_slice %arg4[%add3A_65, %dma_start3A_147] : memref<49152x384xf32, #tpu.memory_space<hbm>> -> memref<128x384xf32, #tpu.memory_space<hbm>>
      tpu.enqueue_dma source(%arg6 : memref<128x384xf32, #tpu.memory_space<vmem>>) target(%dma_start3A_148 : memref<128x384xf32, #tpu.memory_space<hbm>>) target_semaphore(%run_scoped3A : memref<!tpu.dma_semaphore, #tpu.memory_space<semaphore_mem>>)
      %dma_wait3A_149 = arith.constant 0 : i32
      %dma_wait3A_150 = tpu.memref_slice %arg4[%add3A_65, %dma_wait3A_149] : memref<49152x384xf32, #tpu.memory_space<hbm>> -> memref<128x384xf32, #tpu.memory_space<hbm>>
      %dma_wait3A_151 = arith.constant 0 : i32
      %dma_wait3A_152 = tpu.memref_slice %arg4[%add3A_65, %dma_wait3A_151] : memref<49152x384xf32, #tpu.memory_space<hbm>> -> memref<128x384xf32, #tpu.memory_space<hbm>>
      tpu.wait_dma2 semaphore(%run_scoped3A : memref<!tpu.dma_semaphore, #tpu.memory_space<semaphore_mem>>) src(%arg6 : memref<128x384xf32, #tpu.memory_space<vmem>>) dst(%dma_wait3A_152 : memref<128x384xf32, #tpu.memory_space<hbm>>)
      tpu.yield
    }) : () -> ()
    %dma_start3A_66 = arith.constant 768 : i32
    %dma_start3A_67 = tpu.memref_slice %arg5[%dma_start3A_66] : memref<1536xi32, #tpu.memory_space<vmem>> -> memref<128xi32, #tpu.memory_space<vmem>>
    %dma_start3A_68 = arith.constant 0 : i32
    %dma_start3A_69 = arith.constant 0 : i32
    %dma_start3A_70 = tpu.memref_slice %arg2[%dma_start3A_68, %dma_start3A_69] : memref<4096x384xf32, #tpu.memory_space<hbm>> -> memref<4096x384xf32, #tpu.memory_space<hbm>>
    tpu.enqueue_indirect_dma source(%dma_start3A_70 : memref<4096x384xf32, #tpu.memory_space<hbm>>) target(%arg6 : memref<128x384xf32, #tpu.memory_space<vmem>>) offsets(%dma_start3A_67 : memref<128xi32, #tpu.memory_space<vmem>>) semaphore(%arg8 : memref<!tpu.dma_semaphore, #tpu.memory_space<semaphore_mem>>)
    %dma_wait3A_71 = arith.constant 640 : i32
    %dma_wait3A_72 = tpu.memref_slice %arg5[%dma_wait3A_71] : memref<1536xi32, #tpu.memory_space<vmem>> -> memref<128xi32, #tpu.memory_space<vmem>>
    %dma_wait3A_73 = arith.constant 0 : i32
    %dma_wait3A_74 = arith.constant 0 : i32
    %dma_wait3A_75 = tpu.memref_slice %arg2[%dma_wait3A_73, %dma_wait3A_74] : memref<4096x384xf32, #tpu.memory_space<hbm>> -> memref<4096x384xf32, #tpu.memory_space<hbm>>
    tpu.wait_indirect_dma semaphore(%arg9 : memref<!tpu.dma_semaphore, #tpu.memory_space<semaphore_mem>>) src(%dma_wait3A_75 : memref<4096x384xf32, #tpu.memory_space<hbm>>) dst(%arg7 : memref<128x384xf32, #tpu.memory_space<vmem>>)
    %add3A_76 = arith.constant 640 : i32
    %add3A_77 = arith.addi %mul3A_2, %add3A_76 : i32
    "tpu.region"() ({
      %run_scoped3A = tpu.sem_alloc : memref<!tpu.dma_semaphore, #tpu.memory_space<semaphore_mem>>
      %dma_start3A_145 = arith.constant 0 : i32
      %dma_start3A_146 = tpu.memref_slice %arg4[%add3A_77, %dma_start3A_145] : memref<49152x384xf32, #tpu.memory_space<hbm>> -> memref<128x384xf32, #tpu.memory_space<hbm>>
      %dma_start3A_147 = arith.constant 0 : i32
      %dma_start3A_148 = tpu.memref_slice %arg4[%add3A_77, %dma_start3A_147] : memref<49152x384xf32, #tpu.memory_space<hbm>> -> memref<128x384xf32, #tpu.memory_space<hbm>>
      tpu.enqueue_dma source(%arg7 : memref<128x384xf32, #tpu.memory_space<vmem>>) target(%dma_start3A_148 : memref<128x384xf32, #tpu.memory_space<hbm>>) target_semaphore(%run_scoped3A : memref<!tpu.dma_semaphore, #tpu.memory_space<semaphore_mem>>)
      %dma_wait3A_149 = arith.constant 0 : i32
      %dma_wait3A_150 = tpu.memref_slice %arg4[%add3A_77, %dma_wait3A_149] : memref<49152x384xf32, #tpu.memory_space<hbm>> -> memref<128x384xf32, #tpu.memory_space<hbm>>
      %dma_wait3A_151 = arith.constant 0 : i32
      %dma_wait3A_152 = tpu.memref_slice %arg4[%add3A_77, %dma_wait3A_151] : memref<49152x384xf32, #tpu.memory_space<hbm>> -> memref<128x384xf32, #tpu.memory_space<hbm>>
      tpu.wait_dma2 semaphore(%run_scoped3A : memref<!tpu.dma_semaphore, #tpu.memory_space<semaphore_mem>>) src(%arg7 : memref<128x384xf32, #tpu.memory_space<vmem>>) dst(%dma_wait3A_152 : memref<128x384xf32, #tpu.memory_space<hbm>>)
      tpu.yield
    }) : () -> ()
    %dma_start3A_78 = arith.constant 896 : i32
    %dma_start3A_79 = tpu.memref_slice %arg5[%dma_start3A_78] : memref<1536xi32, #tpu.memory_space<vmem>> -> memref<128xi32, #tpu.memory_space<vmem>>
    %dma_start3A_80 = arith.constant 0 : i32
    %dma_start3A_81 = arith.constant 0 : i32
    %dma_start3A_82 = tpu.memref_slice %arg2[%dma_start3A_80, %dma_start3A_81] : memref<4096x384xf32, #tpu.memory_space<hbm>> -> memref<4096x384xf32, #tpu.memory_space<hbm>>
    tpu.enqueue_indirect_dma source(%dma_start3A_82 : memref<4096x384xf32, #tpu.memory_space<hbm>>) target(%arg7 : memref<128x384xf32, #tpu.memory_space<vmem>>) offsets(%dma_start3A_79 : memref<128xi32, #tpu.memory_space<vmem>>) semaphore(%arg9 : memref<!tpu.dma_semaphore, #tpu.memory_space<semaphore_mem>>)
    %dma_wait3A_83 = arith.constant 768 : i32
    %dma_wait3A_84 = tpu.memref_slice %arg5[%dma_wait3A_83] : memref<1536xi32, #tpu.memory_space<vmem>> -> memref<128xi32, #tpu.memory_space<vmem>>
    %dma_wait3A_85 = arith.constant 0 : i32
    %dma_wait3A_86 = arith.constant 0 : i32
    %dma_wait3A_87 = tpu.memref_slice %arg2[%dma_wait3A_85, %dma_wait3A_86] : memref<4096x384xf32, #tpu.memory_space<hbm>> -> memref<4096x384xf32, #tpu.memory_space<hbm>>
    tpu.wait_indirect_dma semaphore(%arg8 : memref<!tpu.dma_semaphore, #tpu.memory_space<semaphore_mem>>) src(%dma_wait3A_87 : memref<4096x384xf32, #tpu.memory_space<hbm>>) dst(%arg6 : memref<128x384xf32, #tpu.memory_space<vmem>>)
    %add3A_88 = arith.constant 768 : i32
    %add3A_89 = arith.addi %mul3A_2, %add3A_88 : i32
    "tpu.region"() ({
      %run_scoped3A = tpu.sem_alloc : memref<!tpu.dma_semaphore, #tpu.memory_space<semaphore_mem>>
      %dma_start3A_145 = arith.constant 0 : i32
      %dma_start3A_146 = tpu.memref_slice %arg4[%add3A_89, %dma_start3A_145] : memref<49152x384xf32, #tpu.memory_space<hbm>> -> memref<128x384xf32, #tpu.memory_space<hbm>>
      %dma_start3A_147 = arith.constant 0 : i32
      %dma_start3A_148 = tpu.memref_slice %arg4[%add3A_89, %dma_start3A_147] : memref<49152x384xf32, #tpu.memory_space<hbm>> -> memref<128x384xf32, #tpu.memory_space<hbm>>
      tpu.enqueue_dma source(%arg6 : memref<128x384xf32, #tpu.memory_space<vmem>>) target(%dma_start3A_148 : memref<128x384xf32, #tpu.memory_space<hbm>>) target_semaphore(%run_scoped3A : memref<!tpu.dma_semaphore, #tpu.memory_space<semaphore_mem>>)
      %dma_wait3A_149 = arith.constant 0 : i32
      %dma_wait3A_150 = tpu.memref_slice %arg4[%add3A_89, %dma_wait3A_149] : memref<49152x384xf32, #tpu.memory_space<hbm>> -> memref<128x384xf32, #tpu.memory_space<hbm>>
      %dma_wait3A_151 = arith.constant 0 : i32
      %dma_wait3A_152 = tpu.memref_slice %arg4[%add3A_89, %dma_wait3A_151] : memref<49152x384xf32, #tpu.memory_space<hbm>> -> memref<128x384xf32, #tpu.memory_space<hbm>>
      tpu.wait_dma2 semaphore(%run_scoped3A : memref<!tpu.dma_semaphore, #tpu.memory_space<semaphore_mem>>) src(%arg6 : memref<128x384xf32, #tpu.memory_space<vmem>>) dst(%dma_wait3A_152 : memref<128x384xf32, #tpu.memory_space<hbm>>)
      tpu.yield
    }) : () -> ()
    %dma_start3A_90 = arith.constant 1024 : i32
    %dma_start3A_91 = tpu.memref_slice %arg5[%dma_start3A_90] : memref<1536xi32, #tpu.memory_space<vmem>> -> memref<128xi32, #tpu.memory_space<vmem>>
    %dma_start3A_92 = arith.constant 0 : i32
    %dma_start3A_93 = arith.constant 0 : i32
    %dma_start3A_94 = tpu.memref_slice %arg2[%dma_start3A_92, %dma_start3A_93] : memref<4096x384xf32, #tpu.memory_space<hbm>> -> memref<4096x384xf32, #tpu.memory_space<hbm>>
    tpu.enqueue_indirect_dma source(%dma_start3A_94 : memref<4096x384xf32, #tpu.memory_space<hbm>>) target(%arg6 : memref<128x384xf32, #tpu.memory_space<vmem>>) offsets(%dma_start3A_91 : memref<128xi32, #tpu.memory_space<vmem>>) semaphore(%arg8 : memref<!tpu.dma_semaphore, #tpu.memory_space<semaphore_mem>>)
    %dma_wait3A_95 = arith.constant 896 : i32
    %dma_wait3A_96 = tpu.memref_slice %arg5[%dma_wait3A_95] : memref<1536xi32, #tpu.memory_space<vmem>> -> memref<128xi32, #tpu.memory_space<vmem>>
    %dma_wait3A_97 = arith.constant 0 : i32
    %dma_wait3A_98 = arith.constant 0 : i32
    %dma_wait3A_99 = tpu.memref_slice %arg2[%dma_wait3A_97, %dma_wait3A_98] : memref<4096x384xf32, #tpu.memory_space<hbm>> -> memref<4096x384xf32, #tpu.memory_space<hbm>>
    tpu.wait_indirect_dma semaphore(%arg9 : memref<!tpu.dma_semaphore, #tpu.memory_space<semaphore_mem>>) src(%dma_wait3A_99 : memref<4096x384xf32, #tpu.memory_space<hbm>>) dst(%arg7 : memref<128x384xf32, #tpu.memory_space<vmem>>)
    %add3A_100 = arith.constant 896 : i32
    %add3A_101 = arith.addi %mul3A_2, %add3A_100 : i32
    "tpu.region"() ({
      %run_scoped3A = tpu.sem_alloc : memref<!tpu.dma_semaphore, #tpu.memory_space<semaphore_mem>>
      %dma_start3A_145 = arith.constant 0 : i32
      %dma_start3A_146 = tpu.memref_slice %arg4[%add3A_101, %dma_start3A_145] : memref<49152x384xf32, #tpu.memory_space<hbm>> -> memref<128x384xf32, #tpu.memory_space<hbm>>
      %dma_start3A_147 = arith.constant 0 : i32
      %dma_start3A_148 = tpu.memref_slice %arg4[%add3A_101, %dma_start3A_147] : memref<49152x384xf32, #tpu.memory_space<hbm>> -> memref<128x384xf32, #tpu.memory_space<hbm>>
      tpu.enqueue_dma source(%arg7 : memref<128x384xf32, #tpu.memory_space<vmem>>) target(%dma_start3A_148 : memref<128x384xf32, #tpu.memory_space<hbm>>) target_semaphore(%run_scoped3A : memref<!tpu.dma_semaphore, #tpu.memory_space<semaphore_mem>>)
      %dma_wait3A_149 = arith.constant 0 : i32
      %dma_wait3A_150 = tpu.memref_slice %arg4[%add3A_101, %dma_wait3A_149] : memref<49152x384xf32, #tpu.memory_space<hbm>> -> memref<128x384xf32, #tpu.memory_space<hbm>>
      %dma_wait3A_151 = arith.constant 0 : i32
      %dma_wait3A_152 = tpu.memref_slice %arg4[%add3A_101, %dma_wait3A_151] : memref<49152x384xf32, #tpu.memory_space<hbm>> -> memref<128x384xf32, #tpu.memory_space<hbm>>
      tpu.wait_dma2 semaphore(%run_scoped3A : memref<!tpu.dma_semaphore, #tpu.memory_space<semaphore_mem>>) src(%arg7 : memref<128x384xf32, #tpu.memory_space<vmem>>) dst(%dma_wait3A_152 : memref<128x384xf32, #tpu.memory_space<hbm>>)
      tpu.yield
    }) : () -> ()
    %dma_start3A_102 = arith.constant 1152 : i32
    %dma_start3A_103 = tpu.memref_slice %arg5[%dma_start3A_102] : memref<1536xi32, #tpu.memory_space<vmem>> -> memref<128xi32, #tpu.memory_space<vmem>>
    %dma_start3A_104 = arith.constant 0 : i32
    %dma_start3A_105 = arith.constant 0 : i32
    %dma_start3A_106 = tpu.memref_slice %arg2[%dma_start3A_104, %dma_start3A_105] : memref<4096x384xf32, #tpu.memory_space<hbm>> -> memref<4096x384xf32, #tpu.memory_space<hbm>>
    tpu.enqueue_indirect_dma source(%dma_start3A_106 : memref<4096x384xf32, #tpu.memory_space<hbm>>) target(%arg7 : memref<128x384xf32, #tpu.memory_space<vmem>>) offsets(%dma_start3A_103 : memref<128xi32, #tpu.memory_space<vmem>>) semaphore(%arg9 : memref<!tpu.dma_semaphore, #tpu.memory_space<semaphore_mem>>)
    %dma_wait3A_107 = arith.constant 1024 : i32
    %dma_wait3A_108 = tpu.memref_slice %arg5[%dma_wait3A_107] : memref<1536xi32, #tpu.memory_space<vmem>> -> memref<128xi32, #tpu.memory_space<vmem>>
    %dma_wait3A_109 = arith.constant 0 : i32
    %dma_wait3A_110 = arith.constant 0 : i32
    %dma_wait3A_111 = tpu.memref_slice %arg2[%dma_wait3A_109, %dma_wait3A_110] : memref<4096x384xf32, #tpu.memory_space<hbm>> -> memref<4096x384xf32, #tpu.memory_space<hbm>>
    tpu.wait_indirect_dma semaphore(%arg8 : memref<!tpu.dma_semaphore, #tpu.memory_space<semaphore_mem>>) src(%dma_wait3A_111 : memref<4096x384xf32, #tpu.memory_space<hbm>>) dst(%arg6 : memref<128x384xf32, #tpu.memory_space<vmem>>)
    %add3A_112 = arith.constant 1024 : i32
    %add3A_113 = arith.addi %mul3A_2, %add3A_112 : i32
    "tpu.region"() ({
      %run_scoped3A = tpu.sem_alloc : memref<!tpu.dma_semaphore, #tpu.memory_space<semaphore_mem>>
      %dma_start3A_145 = arith.constant 0 : i32
      %dma_start3A_146 = tpu.memref_slice %arg4[%add3A_113, %dma_start3A_145] : memref<49152x384xf32, #tpu.memory_space<hbm>> -> memref<128x384xf32, #tpu.memory_space<hbm>>
      %dma_start3A_147 = arith.constant 0 : i32
      %dma_start3A_148 = tpu.memref_slice %arg4[%add3A_113, %dma_start3A_147] : memref<49152x384xf32, #tpu.memory_space<hbm>> -> memref<128x384xf32, #tpu.memory_space<hbm>>
      tpu.enqueue_dma source(%arg6 : memref<128x384xf32, #tpu.memory_space<vmem>>) target(%dma_start3A_148 : memref<128x384xf32, #tpu.memory_space<hbm>>) target_semaphore(%run_scoped3A : memref<!tpu.dma_semaphore, #tpu.memory_space<semaphore_mem>>)
      %dma_wait3A_149 = arith.constant 0 : i32
      %dma_wait3A_150 = tpu.memref_slice %arg4[%add3A_113, %dma_wait3A_149] : memref<49152x384xf32, #tpu.memory_space<hbm>> -> memref<128x384xf32, #tpu.memory_space<hbm>>
      %dma_wait3A_151 = arith.constant 0 : i32
      %dma_wait3A_152 = tpu.memref_slice %arg4[%add3A_113, %dma_wait3A_151] : memref<49152x384xf32, #tpu.memory_space<hbm>> -> memref<128x384xf32, #tpu.memory_space<hbm>>
      tpu.wait_dma2 semaphore(%run_scoped3A : memref<!tpu.dma_semaphore, #tpu.memory_space<semaphore_mem>>) src(%arg6 : memref<128x384xf32, #tpu.memory_space<vmem>>) dst(%dma_wait3A_152 : memref<128x384xf32, #tpu.memory_space<hbm>>)
      tpu.yield
    }) : () -> ()
    %dma_start3A_114 = arith.constant 1280 : i32
    %dma_start3A_115 = tpu.memref_slice %arg5[%dma_start3A_114] : memref<1536xi32, #tpu.memory_space<vmem>> -> memref<128xi32, #tpu.memory_space<vmem>>
    %dma_start3A_116 = arith.constant 0 : i32
    %dma_start3A_117 = arith.constant 0 : i32
    %dma_start3A_118 = tpu.memref_slice %arg2[%dma_start3A_116, %dma_start3A_117] : memref<4096x384xf32, #tpu.memory_space<hbm>> -> memref<4096x384xf32, #tpu.memory_space<hbm>>
    tpu.enqueue_indirect_dma source(%dma_start3A_118 : memref<4096x384xf32, #tpu.memory_space<hbm>>) target(%arg6 : memref<128x384xf32, #tpu.memory_space<vmem>>) offsets(%dma_start3A_115 : memref<128xi32, #tpu.memory_space<vmem>>) semaphore(%arg8 : memref<!tpu.dma_semaphore, #tpu.memory_space<semaphore_mem>>)
    %dma_wait3A_119 = arith.constant 1152 : i32
    %dma_wait3A_120 = tpu.memref_slice %arg5[%dma_wait3A_119] : memref<1536xi32, #tpu.memory_space<vmem>> -> memref<128xi32, #tpu.memory_space<vmem>>
    %dma_wait3A_121 = arith.constant 0 : i32
    %dma_wait3A_122 = arith.constant 0 : i32
    %dma_wait3A_123 = tpu.memref_slice %arg2[%dma_wait3A_121, %dma_wait3A_122] : memref<4096x384xf32, #tpu.memory_space<hbm>> -> memref<4096x384xf32, #tpu.memory_space<hbm>>
    tpu.wait_indirect_dma semaphore(%arg9 : memref<!tpu.dma_semaphore, #tpu.memory_space<semaphore_mem>>) src(%dma_wait3A_123 : memref<4096x384xf32, #tpu.memory_space<hbm>>) dst(%arg7 : memref<128x384xf32, #tpu.memory_space<vmem>>)
    %add3A_124 = arith.constant 1152 : i32
    %add3A_125 = arith.addi %mul3A_2, %add3A_124 : i32
    "tpu.region"() ({
      %run_scoped3A = tpu.sem_alloc : memref<!tpu.dma_semaphore, #tpu.memory_space<semaphore_mem>>
      %dma_start3A_145 = arith.constant 0 : i32
      %dma_start3A_146 = tpu.memref_slice %arg4[%add3A_125, %dma_start3A_145] : memref<49152x384xf32, #tpu.memory_space<hbm>> -> memref<128x384xf32, #tpu.memory_space<hbm>>
      %dma_start3A_147 = arith.constant 0 : i32
      %dma_start3A_148 = tpu.memref_slice %arg4[%add3A_125, %dma_start3A_147] : memref<49152x384xf32, #tpu.memory_space<hbm>> -> memref<128x384xf32, #tpu.memory_space<hbm>>
      tpu.enqueue_dma source(%arg7 : memref<128x384xf32, #tpu.memory_space<vmem>>) target(%dma_start3A_148 : memref<128x384xf32, #tpu.memory_space<hbm>>) target_semaphore(%run_scoped3A : memref<!tpu.dma_semaphore, #tpu.memory_space<semaphore_mem>>)
      %dma_wait3A_149 = arith.constant 0 : i32
      %dma_wait3A_150 = tpu.memref_slice %arg4[%add3A_125, %dma_wait3A_149] : memref<49152x384xf32, #tpu.memory_space<hbm>> -> memref<128x384xf32, #tpu.memory_space<hbm>>
      %dma_wait3A_151 = arith.constant 0 : i32
      %dma_wait3A_152 = tpu.memref_slice %arg4[%add3A_125, %dma_wait3A_151] : memref<49152x384xf32, #tpu.memory_space<hbm>> -> memref<128x384xf32, #tpu.memory_space<hbm>>
      tpu.wait_dma2 semaphore(%run_scoped3A : memref<!tpu.dma_semaphore, #tpu.memory_space<semaphore_mem>>) src(%arg7 : memref<128x384xf32, #tpu.memory_space<vmem>>) dst(%dma_wait3A_152 : memref<128x384xf32, #tpu.memory_space<hbm>>)
      tpu.yield
    }) : () -> ()
    %dma_start3A_126 = arith.constant 1408 : i32
    %dma_start3A_127 = tpu.memref_slice %arg5[%dma_start3A_126] : memref<1536xi32, #tpu.memory_space<vmem>> -> memref<128xi32, #tpu.memory_space<vmem>>
    %dma_start3A_128 = arith.constant 0 : i32
    %dma_start3A_129 = arith.constant 0 : i32
    %dma_start3A_130 = tpu.memref_slice %arg2[%dma_start3A_128, %dma_start3A_129] : memref<4096x384xf32, #tpu.memory_space<hbm>> -> memref<4096x384xf32, #tpu.memory_space<hbm>>
    tpu.enqueue_indirect_dma source(%dma_start3A_130 : memref<4096x384xf32, #tpu.memory_space<hbm>>) target(%arg7 : memref<128x384xf32, #tpu.memory_space<vmem>>) offsets(%dma_start3A_127 : memref<128xi32, #tpu.memory_space<vmem>>) semaphore(%arg9 : memref<!tpu.dma_semaphore, #tpu.memory_space<semaphore_mem>>)
    %dma_wait3A_131 = arith.constant 1280 : i32
    %dma_wait3A_132 = tpu.memref_slice %arg5[%dma_wait3A_131] : memref<1536xi32, #tpu.memory_space<vmem>> -> memref<128xi32, #tpu.memory_space<vmem>>
    %dma_wait3A_133 = arith.constant 0 : i32
    %dma_wait3A_134 = arith.constant 0 : i32
    %dma_wait3A_135 = tpu.memref_slice %arg2[%dma_wait3A_133, %dma_wait3A_134] : memref<4096x384xf32, #tpu.memory_space<hbm>> -> memref<4096x384xf32, #tpu.memory_space<hbm>>
    tpu.wait_indirect_dma semaphore(%arg8 : memref<!tpu.dma_semaphore, #tpu.memory_space<semaphore_mem>>) src(%dma_wait3A_135 : memref<4096x384xf32, #tpu.memory_space<hbm>>) dst(%arg6 : memref<128x384xf32, #tpu.memory_space<vmem>>)
    %add3A_136 = arith.constant 1280 : i32
    %add3A_137 = arith.addi %mul3A_2, %add3A_136 : i32
    "tpu.region"() ({
      %run_scoped3A = tpu.sem_alloc : memref<!tpu.dma_semaphore, #tpu.memory_space<semaphore_mem>>
      %dma_start3A_145 = arith.constant 0 : i32
      %dma_start3A_146 = tpu.memref_slice %arg4[%add3A_137, %dma_start3A_145] : memref<49152x384xf32, #tpu.memory_space<hbm>> -> memref<128x384xf32, #tpu.memory_space<hbm>>
      %dma_start3A_147 = arith.constant 0 : i32
      %dma_start3A_148 = tpu.memref_slice %arg4[%add3A_137, %dma_start3A_147] : memref<49152x384xf32, #tpu.memory_space<hbm>> -> memref<128x384xf32, #tpu.memory_space<hbm>>
      tpu.enqueue_dma source(%arg6 : memref<128x384xf32, #tpu.memory_space<vmem>>) target(%dma_start3A_148 : memref<128x384xf32, #tpu.memory_space<hbm>>) target_semaphore(%run_scoped3A : memref<!tpu.dma_semaphore, #tpu.memory_space<semaphore_mem>>)
      %dma_wait3A_149 = arith.constant 0 : i32
      %dma_wait3A_150 = tpu.memref_slice %arg4[%add3A_137, %dma_wait3A_149] : memref<49152x384xf32, #tpu.memory_space<hbm>> -> memref<128x384xf32, #tpu.memory_space<hbm>>
      %dma_wait3A_151 = arith.constant 0 : i32
      %dma_wait3A_152 = tpu.memref_slice %arg4[%add3A_137, %dma_wait3A_151] : memref<49152x384xf32, #tpu.memory_space<hbm>> -> memref<128x384xf32, #tpu.memory_space<hbm>>
      tpu.wait_dma2 semaphore(%run_scoped3A : memref<!tpu.dma_semaphore, #tpu.memory_space<semaphore_mem>>) src(%arg6 : memref<128x384xf32, #tpu.memory_space<vmem>>) dst(%dma_wait3A_152 : memref<128x384xf32, #tpu.memory_space<hbm>>)
      tpu.yield
    }) : () -> ()
    %dma_wait3A_138 = arith.constant 1408 : i32
    %dma_wait3A_139 = tpu.memref_slice %arg5[%dma_wait3A_138] : memref<1536xi32, #tpu.memory_space<vmem>> -> memref<128xi32, #tpu.memory_space<vmem>>
    %dma_wait3A_140 = arith.constant 0 : i32
    %dma_wait3A_141 = arith.constant 0 : i32
    %dma_wait3A_142 = tpu.memref_slice %arg2[%dma_wait3A_140, %dma_wait3A_141] : memref<4096x384xf32, #tpu.memory_space<hbm>> -> memref<4096x384xf32, #tpu.memory_space<hbm>>
    tpu.wait_indirect_dma semaphore(%arg9 : memref<!tpu.dma_semaphore, #tpu.memory_space<semaphore_mem>>) src(%dma_wait3A_142 : memref<4096x384xf32, #tpu.memory_space<hbm>>) dst(%arg7 : memref<128x384xf32, #tpu.memory_space<vmem>>)
    %add3A_143 = arith.constant 1408 : i32
    %add3A_144 = arith.addi %mul3A_2, %add3A_143 : i32
    "tpu.region"() ({
      %run_scoped3A = tpu.sem_alloc : memref<!tpu.dma_semaphore, #tpu.memory_space<semaphore_mem>>
      %dma_start3A_145 = arith.constant 0 : i32
      %dma_start3A_146 = tpu.memref_slice %arg4[%add3A_144, %dma_start3A_145] : memref<49152x384xf32, #tpu.memory_space<hbm>> -> memref<128x384xf32, #tpu.memory_space<hbm>>
      %dma_start3A_147 = arith.constant 0 : i32
      %dma_start3A_148 = tpu.memref_slice %arg4[%add3A_144, %dma_start3A_147] : memref<49152x384xf32, #tpu.memory_space<hbm>> -> memref<128x384xf32, #tpu.memory_space<hbm>>
      tpu.enqueue_dma source(%arg7 : memref<128x384xf32, #tpu.memory_space<vmem>>) target(%dma_start3A_148 : memref<128x384xf32, #tpu.memory_space<hbm>>) target_semaphore(%run_scoped3A : memref<!tpu.dma_semaphore, #tpu.memory_space<semaphore_mem>>)
      %dma_wait3A_149 = arith.constant 0 : i32
      %dma_wait3A_150 = tpu.memref_slice %arg4[%add3A_144, %dma_wait3A_149] : memref<49152x384xf32, #tpu.memory_space<hbm>> -> memref<128x384xf32, #tpu.memory_space<hbm>>
      %dma_wait3A_151 = arith.constant 0 : i32
      %dma_wait3A_152 = tpu.memref_slice %arg4[%add3A_144, %dma_wait3A_151] : memref<49152x384xf32, #tpu.memory_space<hbm>> -> memref<128x384xf32, #tpu.memory_space<hbm>>
      tpu.wait_dma2 semaphore(%run_scoped3A : memref<!tpu.dma_semaphore, #tpu.memory_space<semaphore_mem>>) src(%arg7 : memref<128x384xf32, #tpu.memory_space<vmem>>) dst(%dma_wait3A_152 : memref<128x384xf32, #tpu.memory_space<hbm>>)
      tpu.yield
    }) : () -> ()
    return
  }
}

module attributes {stable_mosaic.version = 14 : i64} {
  func.func @_knn_body(%arg0: i32, %arg1: memref<256x3xf32, #tpu.memory_space<vmem>>, %arg2: memref<3x4096xf32, #tpu.memory_space<vmem>>, %arg3: memref<256x3xi32, #tpu.memory_space<vmem>>) attributes {dimension_semantics = [#tpu.dimension_semantics<arbitrary>], iteration_bounds = array<i64: 64>, scalar_prefetch = 0 : i64, scratch_operands = 0 : i64, tpu.core_type = #tpu.core_type<tc>, window_params = [{transform_indices = @transform_0, window_bounds = array<i64: 256, 3>}, {pipeline_mode = #tpu.pipeline_mode<synchronous>, transform_indices = @transform_1, window_bounds = array<i64: 3, 4096>}, {transform_indices = @transform_2, window_bounds = array<i64: 256, 3>}]} {
    %get3A = arith.constant 0 : index
    %get3A_0 = arith.constant 0 : index
    %get3A_1 = vector.load %arg1[%get3A, %get3A_0] : memref<256x3xf32, #tpu.memory_space<vmem>>, vector<256x3xf32>
    %get3A_2 = arith.constant 0 : index
    %get3A_3 = arith.constant 0 : index
    %get3A_4 = vector.load %arg2[%get3A_2, %get3A_3] : memref<3x4096xf32, #tpu.memory_space<vmem>>, vector<3x4096xf32>
    %slice3A = vector.extract_strided_slice %get3A_1 {offsets = [0, 0], sizes = [256, 1], strides = [1, 1]} : vector<256x3xf32> to vector<256x1xf32>
    %slice3A_5 = vector.extract_strided_slice %get3A_1 {offsets = [0, 0], sizes = [256, 1], strides = [1, 1]} : vector<256x3xf32> to vector<256x1xf32>
    %mul3A = arith.mulf %slice3A, %slice3A_5 : vector<256x1xf32>
    %slice3A_6 = vector.extract_strided_slice %get3A_1 {offsets = [0, 1], sizes = [256, 1], strides = [1, 1]} : vector<256x3xf32> to vector<256x1xf32>
    %slice3A_7 = vector.extract_strided_slice %get3A_1 {offsets = [0, 1], sizes = [256, 1], strides = [1, 1]} : vector<256x3xf32> to vector<256x1xf32>
    %mul3A_8 = arith.mulf %slice3A_6, %slice3A_7 : vector<256x1xf32>
    %add3A = arith.addf %mul3A, %mul3A_8 : vector<256x1xf32>
    %slice3A_9 = vector.extract_strided_slice %get3A_1 {offsets = [0, 2], sizes = [256, 1], strides = [1, 1]} : vector<256x3xf32> to vector<256x1xf32>
    %slice3A_10 = vector.extract_strided_slice %get3A_1 {offsets = [0, 2], sizes = [256, 1], strides = [1, 1]} : vector<256x3xf32> to vector<256x1xf32>
    %mul3A_11 = arith.mulf %slice3A_9, %slice3A_10 : vector<256x1xf32>
    %add3A_12 = arith.addf %add3A, %mul3A_11 : vector<256x1xf32>
    %slice3A_13 = vector.extract_strided_slice %get3A_4 {offsets = [0, 0], sizes = [1, 4096], strides = [1, 1]} : vector<3x4096xf32> to vector<1x4096xf32>
    %slice3A_14 = vector.extract_strided_slice %get3A_4 {offsets = [0, 0], sizes = [1, 4096], strides = [1, 1]} : vector<3x4096xf32> to vector<1x4096xf32>
    %mul3A_15 = arith.mulf %slice3A_13, %slice3A_14 : vector<1x4096xf32>
    %slice3A_16 = vector.extract_strided_slice %get3A_4 {offsets = [1, 0], sizes = [1, 4096], strides = [1, 1]} : vector<3x4096xf32> to vector<1x4096xf32>
    %slice3A_17 = vector.extract_strided_slice %get3A_4 {offsets = [1, 0], sizes = [1, 4096], strides = [1, 1]} : vector<3x4096xf32> to vector<1x4096xf32>
    %mul3A_18 = arith.mulf %slice3A_16, %slice3A_17 : vector<1x4096xf32>
    %add3A_19 = arith.addf %mul3A_15, %mul3A_18 : vector<1x4096xf32>
    %slice3A_20 = vector.extract_strided_slice %get3A_4 {offsets = [2, 0], sizes = [1, 4096], strides = [1, 1]} : vector<3x4096xf32> to vector<1x4096xf32>
    %slice3A_21 = vector.extract_strided_slice %get3A_4 {offsets = [2, 0], sizes = [1, 4096], strides = [1, 1]} : vector<3x4096xf32> to vector<1x4096xf32>
    %mul3A_22 = arith.mulf %slice3A_20, %slice3A_21 : vector<1x4096xf32>
    %add3A_23 = arith.addf %add3A_19, %mul3A_22 : vector<1x4096xf32>
    %convert_element_type3A = arith.truncf %get3A_1 : vector<256x3xf32> to vector<256x3xbf16>
    %convert_element_type3A_24 = arith.truncf %get3A_4 : vector<3x4096xf32> to vector<3x4096xbf16>
    %dot_general3A = arith.constant dense<0.000000e+00> : vector<256x4096xf32>
    %dot_general3A_25 = tpu.matmul %convert_element_type3A, %convert_element_type3A_24, %dot_general3A {dimension_numbers = #tpu.dot_dimension_numbers<[1], [0], [0], [1], [0, 0, 1, 1], [], []>, transpose_lhs_hint = false} : vector<256x3xbf16>, vector<3x4096xbf16>, vector<256x4096xf32> -> vector<256x4096xf32>
    %broadcast_in_dim3A = arith.constant 0x7F800000 : f32
    %broadcast_in_dim3A_26 = vector.broadcast %broadcast_in_dim3A : f32 to vector<256x128xf32>
    %broadcast_in_dim3A_27 = arith.constant 1073741824 : i32
    %broadcast_in_dim3A_28 = vector.broadcast %broadcast_in_dim3A_27 : i32 to vector<256x128xi32>
    %iota3A = tpu.iota {dimensions = array<i32: 1>} : vector<256x128xi32>
    %slice3A_29 = vector.extract_strided_slice %add3A_23 {offsets = [0, 0], sizes = [1, 128], strides = [1, 1]} : vector<1x4096xf32> to vector<1x128xf32>
    %add3A_30 = vector.broadcast %add3A_12 : vector<256x1xf32> to vector<256x128xf32>
    %add3A_31 = vector.broadcast %slice3A_29 : vector<1x128xf32> to vector<256x128xf32>
    %add3A_32 = arith.addf %add3A_30, %add3A_31 : vector<256x128xf32>
    %slice3A_33 = vector.extract_strided_slice %dot_general3A_25 {offsets = [0, 0], sizes = [256, 128], strides = [1, 1]} : vector<256x4096xf32> to vector<256x128xf32>
    %mul3A_34 = arith.constant 2.000000e+00 : f32
    %mul3A_35 = vector.broadcast %mul3A_34 : f32 to vector<256x128xf32>
    %mul3A_36 = arith.mulf %mul3A_35, %slice3A_33 : vector<256x128xf32>
    %sub3A = arith.subf %add3A_32, %mul3A_36 : vector<256x128xf32>
    %add3A_37 = arith.constant 0 : i32
    %add3A_38 = vector.broadcast %add3A_37 : i32 to vector<256x128xi32>
    %add3A_39 = arith.addi %iota3A, %add3A_38 : vector<256x128xi32>
    %lt3A = arith.cmpf olt, %sub3A, %broadcast_in_dim3A_26 : vector<256x128xf32>
    %lt3A_40 = arith.cmpf olt, %sub3A, %broadcast_in_dim3A_26 : vector<256x128xf32>
    %lt3A_41 = arith.cmpf olt, %sub3A, %broadcast_in_dim3A_26 : vector<256x128xf32>
    %select_n3A = arith.select %lt3A_40, %broadcast_in_dim3A_26, %sub3A : vector<256x128xi1>, vector<256x128xf32>
    %select_n3A_42 = arith.select %lt3A_41, %select_n3A, %broadcast_in_dim3A_26 : vector<256x128xi1>, vector<256x128xf32>
    %select_n3A_43 = arith.select %lt3A_40, %broadcast_in_dim3A_28, %add3A_39 : vector<256x128xi1>, vector<256x128xi32>
    %select_n3A_44 = arith.select %lt3A_41, %select_n3A_43, %broadcast_in_dim3A_28 : vector<256x128xi1>, vector<256x128xi32>
    %select_n3A_45 = arith.select %lt3A, %broadcast_in_dim3A_26, %sub3A : vector<256x128xi1>, vector<256x128xf32>
    %select_n3A_46 = arith.select %lt3A_40, %select_n3A_45, %broadcast_in_dim3A_26 : vector<256x128xi1>, vector<256x128xf32>
    %select_n3A_47 = arith.select %lt3A, %broadcast_in_dim3A_28, %add3A_39 : vector<256x128xi1>, vector<256x128xi32>
    %select_n3A_48 = arith.select %lt3A_40, %select_n3A_47, %broadcast_in_dim3A_28 : vector<256x128xi1>, vector<256x128xi32>
    %select_n3A_49 = arith.select %lt3A, %sub3A, %broadcast_in_dim3A_26 : vector<256x128xi1>, vector<256x128xf32>
    %select_n3A_50 = arith.select %lt3A, %add3A_39, %broadcast_in_dim3A_28 : vector<256x128xi1>, vector<256x128xi32>
    %slice3A_51 = vector.extract_strided_slice %add3A_23 {offsets = [0, 128], sizes = [1, 128], strides = [1, 1]} : vector<1x4096xf32> to vector<1x128xf32>
    %add3A_52 = vector.broadcast %add3A_12 : vector<256x1xf32> to vector<256x128xf32>
    %add3A_53 = vector.broadcast %slice3A_51 : vector<1x128xf32> to vector<256x128xf32>
    %add3A_54 = arith.addf %add3A_52, %add3A_53 : vector<256x128xf32>
    %slice3A_55 = vector.extract_strided_slice %dot_general3A_25 {offsets = [0, 128], sizes = [256, 128], strides = [1, 1]} : vector<256x4096xf32> to vector<256x128xf32>
    %mul3A_56 = arith.constant 2.000000e+00 : f32
    %mul3A_57 = vector.broadcast %mul3A_56 : f32 to vector<256x128xf32>
    %mul3A_58 = arith.mulf %mul3A_57, %slice3A_55 : vector<256x128xf32>
    %sub3A_59 = arith.subf %add3A_54, %mul3A_58 : vector<256x128xf32>
    %add3A_60 = arith.constant 128 : i32
    %add3A_61 = vector.broadcast %add3A_60 : i32 to vector<256x128xi32>
    %add3A_62 = arith.addi %iota3A, %add3A_61 : vector<256x128xi32>
    %lt3A_63 = arith.cmpf olt, %sub3A_59, %select_n3A_49 : vector<256x128xf32>
    %lt3A_64 = arith.cmpf olt, %sub3A_59, %select_n3A_46 : vector<256x128xf32>
    %lt3A_65 = arith.cmpf olt, %sub3A_59, %select_n3A_42 : vector<256x128xf32>
    %select_n3A_66 = arith.select %lt3A_64, %select_n3A_46, %sub3A_59 : vector<256x128xi1>, vector<256x128xf32>
    %select_n3A_67 = arith.select %lt3A_65, %select_n3A_66, %select_n3A_42 : vector<256x128xi1>, vector<256x128xf32>
    %select_n3A_68 = arith.select %lt3A_64, %select_n3A_48, %add3A_62 : vector<256x128xi1>, vector<256x128xi32>
    %select_n3A_69 = arith.select %lt3A_65, %select_n3A_68, %select_n3A_44 : vector<256x128xi1>, vector<256x128xi32>
    %select_n3A_70 = arith.select %lt3A_63, %select_n3A_49, %sub3A_59 : vector<256x128xi1>, vector<256x128xf32>
    %select_n3A_71 = arith.select %lt3A_64, %select_n3A_70, %select_n3A_46 : vector<256x128xi1>, vector<256x128xf32>
    %select_n3A_72 = arith.select %lt3A_63, %select_n3A_50, %add3A_62 : vector<256x128xi1>, vector<256x128xi32>
    %select_n3A_73 = arith.select %lt3A_64, %select_n3A_72, %select_n3A_48 : vector<256x128xi1>, vector<256x128xi32>
    %select_n3A_74 = arith.select %lt3A_63, %sub3A_59, %select_n3A_49 : vector<256x128xi1>, vector<256x128xf32>
    %select_n3A_75 = arith.select %lt3A_63, %add3A_62, %select_n3A_50 : vector<256x128xi1>, vector<256x128xi32>
    %slice3A_76 = vector.extract_strided_slice %add3A_23 {offsets = [0, 256], sizes = [1, 128], strides = [1, 1]} : vector<1x4096xf32> to vector<1x128xf32>
    %add3A_77 = vector.broadcast %add3A_12 : vector<256x1xf32> to vector<256x128xf32>
    %add3A_78 = vector.broadcast %slice3A_76 : vector<1x128xf32> to vector<256x128xf32>
    %add3A_79 = arith.addf %add3A_77, %add3A_78 : vector<256x128xf32>
    %slice3A_80 = vector.extract_strided_slice %dot_general3A_25 {offsets = [0, 256], sizes = [256, 128], strides = [1, 1]} : vector<256x4096xf32> to vector<256x128xf32>
    %mul3A_81 = arith.constant 2.000000e+00 : f32
    %mul3A_82 = vector.broadcast %mul3A_81 : f32 to vector<256x128xf32>
    %mul3A_83 = arith.mulf %mul3A_82, %slice3A_80 : vector<256x128xf32>
    %sub3A_84 = arith.subf %add3A_79, %mul3A_83 : vector<256x128xf32>
    %add3A_85 = arith.constant 256 : i32
    %add3A_86 = vector.broadcast %add3A_85 : i32 to vector<256x128xi32>
    %add3A_87 = arith.addi %iota3A, %add3A_86 : vector<256x128xi32>
    %lt3A_88 = arith.cmpf olt, %sub3A_84, %select_n3A_74 : vector<256x128xf32>
    %lt3A_89 = arith.cmpf olt, %sub3A_84, %select_n3A_71 : vector<256x128xf32>
    %lt3A_90 = arith.cmpf olt, %sub3A_84, %select_n3A_67 : vector<256x128xf32>
    %select_n3A_91 = arith.select %lt3A_89, %select_n3A_71, %sub3A_84 : vector<256x128xi1>, vector<256x128xf32>
    %select_n3A_92 = arith.select %lt3A_90, %select_n3A_91, %select_n3A_67 : vector<256x128xi1>, vector<256x128xf32>
    %select_n3A_93 = arith.select %lt3A_89, %select_n3A_73, %add3A_87 : vector<256x128xi1>, vector<256x128xi32>
    %select_n3A_94 = arith.select %lt3A_90, %select_n3A_93, %select_n3A_69 : vector<256x128xi1>, vector<256x128xi32>
    %select_n3A_95 = arith.select %lt3A_88, %select_n3A_74, %sub3A_84 : vector<256x128xi1>, vector<256x128xf32>
    %select_n3A_96 = arith.select %lt3A_89, %select_n3A_95, %select_n3A_71 : vector<256x128xi1>, vector<256x128xf32>
    %select_n3A_97 = arith.select %lt3A_88, %select_n3A_75, %add3A_87 : vector<256x128xi1>, vector<256x128xi32>
    %select_n3A_98 = arith.select %lt3A_89, %select_n3A_97, %select_n3A_73 : vector<256x128xi1>, vector<256x128xi32>
    %select_n3A_99 = arith.select %lt3A_88, %sub3A_84, %select_n3A_74 : vector<256x128xi1>, vector<256x128xf32>
    %select_n3A_100 = arith.select %lt3A_88, %add3A_87, %select_n3A_75 : vector<256x128xi1>, vector<256x128xi32>
    %slice3A_101 = vector.extract_strided_slice %add3A_23 {offsets = [0, 384], sizes = [1, 128], strides = [1, 1]} : vector<1x4096xf32> to vector<1x128xf32>
    %add3A_102 = vector.broadcast %add3A_12 : vector<256x1xf32> to vector<256x128xf32>
    %add3A_103 = vector.broadcast %slice3A_101 : vector<1x128xf32> to vector<256x128xf32>
    %add3A_104 = arith.addf %add3A_102, %add3A_103 : vector<256x128xf32>
    %slice3A_105 = vector.extract_strided_slice %dot_general3A_25 {offsets = [0, 384], sizes = [256, 128], strides = [1, 1]} : vector<256x4096xf32> to vector<256x128xf32>
    %mul3A_106 = arith.constant 2.000000e+00 : f32
    %mul3A_107 = vector.broadcast %mul3A_106 : f32 to vector<256x128xf32>
    %mul3A_108 = arith.mulf %mul3A_107, %slice3A_105 : vector<256x128xf32>
    %sub3A_109 = arith.subf %add3A_104, %mul3A_108 : vector<256x128xf32>
    %add3A_110 = arith.constant 384 : i32
    %add3A_111 = vector.broadcast %add3A_110 : i32 to vector<256x128xi32>
    %add3A_112 = arith.addi %iota3A, %add3A_111 : vector<256x128xi32>
    %lt3A_113 = arith.cmpf olt, %sub3A_109, %select_n3A_99 : vector<256x128xf32>
    %lt3A_114 = arith.cmpf olt, %sub3A_109, %select_n3A_96 : vector<256x128xf32>
    %lt3A_115 = arith.cmpf olt, %sub3A_109, %select_n3A_92 : vector<256x128xf32>
    %select_n3A_116 = arith.select %lt3A_114, %select_n3A_96, %sub3A_109 : vector<256x128xi1>, vector<256x128xf32>
    %select_n3A_117 = arith.select %lt3A_115, %select_n3A_116, %select_n3A_92 : vector<256x128xi1>, vector<256x128xf32>
    %select_n3A_118 = arith.select %lt3A_114, %select_n3A_98, %add3A_112 : vector<256x128xi1>, vector<256x128xi32>
    %select_n3A_119 = arith.select %lt3A_115, %select_n3A_118, %select_n3A_94 : vector<256x128xi1>, vector<256x128xi32>
    %select_n3A_120 = arith.select %lt3A_113, %select_n3A_99, %sub3A_109 : vector<256x128xi1>, vector<256x128xf32>
    %select_n3A_121 = arith.select %lt3A_114, %select_n3A_120, %select_n3A_96 : vector<256x128xi1>, vector<256x128xf32>
    %select_n3A_122 = arith.select %lt3A_113, %select_n3A_100, %add3A_112 : vector<256x128xi1>, vector<256x128xi32>
    %select_n3A_123 = arith.select %lt3A_114, %select_n3A_122, %select_n3A_98 : vector<256x128xi1>, vector<256x128xi32>
    %select_n3A_124 = arith.select %lt3A_113, %sub3A_109, %select_n3A_99 : vector<256x128xi1>, vector<256x128xf32>
    %select_n3A_125 = arith.select %lt3A_113, %add3A_112, %select_n3A_100 : vector<256x128xi1>, vector<256x128xi32>
    %slice3A_126 = vector.extract_strided_slice %add3A_23 {offsets = [0, 512], sizes = [1, 128], strides = [1, 1]} : vector<1x4096xf32> to vector<1x128xf32>
    %add3A_127 = vector.broadcast %add3A_12 : vector<256x1xf32> to vector<256x128xf32>
    %add3A_128 = vector.broadcast %slice3A_126 : vector<1x128xf32> to vector<256x128xf32>
    %add3A_129 = arith.addf %add3A_127, %add3A_128 : vector<256x128xf32>
    %slice3A_130 = vector.extract_strided_slice %dot_general3A_25 {offsets = [0, 512], sizes = [256, 128], strides = [1, 1]} : vector<256x4096xf32> to vector<256x128xf32>
    %mul3A_131 = arith.constant 2.000000e+00 : f32
    %mul3A_132 = vector.broadcast %mul3A_131 : f32 to vector<256x128xf32>
    %mul3A_133 = arith.mulf %mul3A_132, %slice3A_130 : vector<256x128xf32>
    %sub3A_134 = arith.subf %add3A_129, %mul3A_133 : vector<256x128xf32>
    %add3A_135 = arith.constant 512 : i32
    %add3A_136 = vector.broadcast %add3A_135 : i32 to vector<256x128xi32>
    %add3A_137 = arith.addi %iota3A, %add3A_136 : vector<256x128xi32>
    %lt3A_138 = arith.cmpf olt, %sub3A_134, %select_n3A_124 : vector<256x128xf32>
    %lt3A_139 = arith.cmpf olt, %sub3A_134, %select_n3A_121 : vector<256x128xf32>
    %lt3A_140 = arith.cmpf olt, %sub3A_134, %select_n3A_117 : vector<256x128xf32>
    %select_n3A_141 = arith.select %lt3A_139, %select_n3A_121, %sub3A_134 : vector<256x128xi1>, vector<256x128xf32>
    %select_n3A_142 = arith.select %lt3A_140, %select_n3A_141, %select_n3A_117 : vector<256x128xi1>, vector<256x128xf32>
    %select_n3A_143 = arith.select %lt3A_139, %select_n3A_123, %add3A_137 : vector<256x128xi1>, vector<256x128xi32>
    %select_n3A_144 = arith.select %lt3A_140, %select_n3A_143, %select_n3A_119 : vector<256x128xi1>, vector<256x128xi32>
    %select_n3A_145 = arith.select %lt3A_138, %select_n3A_124, %sub3A_134 : vector<256x128xi1>, vector<256x128xf32>
    %select_n3A_146 = arith.select %lt3A_139, %select_n3A_145, %select_n3A_121 : vector<256x128xi1>, vector<256x128xf32>
    %select_n3A_147 = arith.select %lt3A_138, %select_n3A_125, %add3A_137 : vector<256x128xi1>, vector<256x128xi32>
    %select_n3A_148 = arith.select %lt3A_139, %select_n3A_147, %select_n3A_123 : vector<256x128xi1>, vector<256x128xi32>
    %select_n3A_149 = arith.select %lt3A_138, %sub3A_134, %select_n3A_124 : vector<256x128xi1>, vector<256x128xf32>
    %select_n3A_150 = arith.select %lt3A_138, %add3A_137, %select_n3A_125 : vector<256x128xi1>, vector<256x128xi32>
    %slice3A_151 = vector.extract_strided_slice %add3A_23 {offsets = [0, 640], sizes = [1, 128], strides = [1, 1]} : vector<1x4096xf32> to vector<1x128xf32>
    %add3A_152 = vector.broadcast %add3A_12 : vector<256x1xf32> to vector<256x128xf32>
    %add3A_153 = vector.broadcast %slice3A_151 : vector<1x128xf32> to vector<256x128xf32>
    %add3A_154 = arith.addf %add3A_152, %add3A_153 : vector<256x128xf32>
    %slice3A_155 = vector.extract_strided_slice %dot_general3A_25 {offsets = [0, 640], sizes = [256, 128], strides = [1, 1]} : vector<256x4096xf32> to vector<256x128xf32>
    %mul3A_156 = arith.constant 2.000000e+00 : f32
    %mul3A_157 = vector.broadcast %mul3A_156 : f32 to vector<256x128xf32>
    %mul3A_158 = arith.mulf %mul3A_157, %slice3A_155 : vector<256x128xf32>
    %sub3A_159 = arith.subf %add3A_154, %mul3A_158 : vector<256x128xf32>
    %add3A_160 = arith.constant 640 : i32
    %add3A_161 = vector.broadcast %add3A_160 : i32 to vector<256x128xi32>
    %add3A_162 = arith.addi %iota3A, %add3A_161 : vector<256x128xi32>
    %lt3A_163 = arith.cmpf olt, %sub3A_159, %select_n3A_149 : vector<256x128xf32>
    %lt3A_164 = arith.cmpf olt, %sub3A_159, %select_n3A_146 : vector<256x128xf32>
    %lt3A_165 = arith.cmpf olt, %sub3A_159, %select_n3A_142 : vector<256x128xf32>
    %select_n3A_166 = arith.select %lt3A_164, %select_n3A_146, %sub3A_159 : vector<256x128xi1>, vector<256x128xf32>
    %select_n3A_167 = arith.select %lt3A_165, %select_n3A_166, %select_n3A_142 : vector<256x128xi1>, vector<256x128xf32>
    %select_n3A_168 = arith.select %lt3A_164, %select_n3A_148, %add3A_162 : vector<256x128xi1>, vector<256x128xi32>
    %select_n3A_169 = arith.select %lt3A_165, %select_n3A_168, %select_n3A_144 : vector<256x128xi1>, vector<256x128xi32>
    %select_n3A_170 = arith.select %lt3A_163, %select_n3A_149, %sub3A_159 : vector<256x128xi1>, vector<256x128xf32>
    %select_n3A_171 = arith.select %lt3A_164, %select_n3A_170, %select_n3A_146 : vector<256x128xi1>, vector<256x128xf32>
    %select_n3A_172 = arith.select %lt3A_163, %select_n3A_150, %add3A_162 : vector<256x128xi1>, vector<256x128xi32>
    %select_n3A_173 = arith.select %lt3A_164, %select_n3A_172, %select_n3A_148 : vector<256x128xi1>, vector<256x128xi32>
    %select_n3A_174 = arith.select %lt3A_163, %sub3A_159, %select_n3A_149 : vector<256x128xi1>, vector<256x128xf32>
    %select_n3A_175 = arith.select %lt3A_163, %add3A_162, %select_n3A_150 : vector<256x128xi1>, vector<256x128xi32>
    %slice3A_176 = vector.extract_strided_slice %add3A_23 {offsets = [0, 768], sizes = [1, 128], strides = [1, 1]} : vector<1x4096xf32> to vector<1x128xf32>
    %add3A_177 = vector.broadcast %add3A_12 : vector<256x1xf32> to vector<256x128xf32>
    %add3A_178 = vector.broadcast %slice3A_176 : vector<1x128xf32> to vector<256x128xf32>
    %add3A_179 = arith.addf %add3A_177, %add3A_178 : vector<256x128xf32>
    %slice3A_180 = vector.extract_strided_slice %dot_general3A_25 {offsets = [0, 768], sizes = [256, 128], strides = [1, 1]} : vector<256x4096xf32> to vector<256x128xf32>
    %mul3A_181 = arith.constant 2.000000e+00 : f32
    %mul3A_182 = vector.broadcast %mul3A_181 : f32 to vector<256x128xf32>
    %mul3A_183 = arith.mulf %mul3A_182, %slice3A_180 : vector<256x128xf32>
    %sub3A_184 = arith.subf %add3A_179, %mul3A_183 : vector<256x128xf32>
    %add3A_185 = arith.constant 768 : i32
    %add3A_186 = vector.broadcast %add3A_185 : i32 to vector<256x128xi32>
    %add3A_187 = arith.addi %iota3A, %add3A_186 : vector<256x128xi32>
    %lt3A_188 = arith.cmpf olt, %sub3A_184, %select_n3A_174 : vector<256x128xf32>
    %lt3A_189 = arith.cmpf olt, %sub3A_184, %select_n3A_171 : vector<256x128xf32>
    %lt3A_190 = arith.cmpf olt, %sub3A_184, %select_n3A_167 : vector<256x128xf32>
    %select_n3A_191 = arith.select %lt3A_189, %select_n3A_171, %sub3A_184 : vector<256x128xi1>, vector<256x128xf32>
    %select_n3A_192 = arith.select %lt3A_190, %select_n3A_191, %select_n3A_167 : vector<256x128xi1>, vector<256x128xf32>
    %select_n3A_193 = arith.select %lt3A_189, %select_n3A_173, %add3A_187 : vector<256x128xi1>, vector<256x128xi32>
    %select_n3A_194 = arith.select %lt3A_190, %select_n3A_193, %select_n3A_169 : vector<256x128xi1>, vector<256x128xi32>
    %select_n3A_195 = arith.select %lt3A_188, %select_n3A_174, %sub3A_184 : vector<256x128xi1>, vector<256x128xf32>
    %select_n3A_196 = arith.select %lt3A_189, %select_n3A_195, %select_n3A_171 : vector<256x128xi1>, vector<256x128xf32>
    %select_n3A_197 = arith.select %lt3A_188, %select_n3A_175, %add3A_187 : vector<256x128xi1>, vector<256x128xi32>
    %select_n3A_198 = arith.select %lt3A_189, %select_n3A_197, %select_n3A_173 : vector<256x128xi1>, vector<256x128xi32>
    %select_n3A_199 = arith.select %lt3A_188, %sub3A_184, %select_n3A_174 : vector<256x128xi1>, vector<256x128xf32>
    %select_n3A_200 = arith.select %lt3A_188, %add3A_187, %select_n3A_175 : vector<256x128xi1>, vector<256x128xi32>
    %slice3A_201 = vector.extract_strided_slice %add3A_23 {offsets = [0, 896], sizes = [1, 128], strides = [1, 1]} : vector<1x4096xf32> to vector<1x128xf32>
    %add3A_202 = vector.broadcast %add3A_12 : vector<256x1xf32> to vector<256x128xf32>
    %add3A_203 = vector.broadcast %slice3A_201 : vector<1x128xf32> to vector<256x128xf32>
    %add3A_204 = arith.addf %add3A_202, %add3A_203 : vector<256x128xf32>
    %slice3A_205 = vector.extract_strided_slice %dot_general3A_25 {offsets = [0, 896], sizes = [256, 128], strides = [1, 1]} : vector<256x4096xf32> to vector<256x128xf32>
    %mul3A_206 = arith.constant 2.000000e+00 : f32
    %mul3A_207 = vector.broadcast %mul3A_206 : f32 to vector<256x128xf32>
    %mul3A_208 = arith.mulf %mul3A_207, %slice3A_205 : vector<256x128xf32>
    %sub3A_209 = arith.subf %add3A_204, %mul3A_208 : vector<256x128xf32>
    %add3A_210 = arith.constant 896 : i32
    %add3A_211 = vector.broadcast %add3A_210 : i32 to vector<256x128xi32>
    %add3A_212 = arith.addi %iota3A, %add3A_211 : vector<256x128xi32>
    %lt3A_213 = arith.cmpf olt, %sub3A_209, %select_n3A_199 : vector<256x128xf32>
    %lt3A_214 = arith.cmpf olt, %sub3A_209, %select_n3A_196 : vector<256x128xf32>
    %lt3A_215 = arith.cmpf olt, %sub3A_209, %select_n3A_192 : vector<256x128xf32>
    %select_n3A_216 = arith.select %lt3A_214, %select_n3A_196, %sub3A_209 : vector<256x128xi1>, vector<256x128xf32>
    %select_n3A_217 = arith.select %lt3A_215, %select_n3A_216, %select_n3A_192 : vector<256x128xi1>, vector<256x128xf32>
    %select_n3A_218 = arith.select %lt3A_214, %select_n3A_198, %add3A_212 : vector<256x128xi1>, vector<256x128xi32>
    %select_n3A_219 = arith.select %lt3A_215, %select_n3A_218, %select_n3A_194 : vector<256x128xi1>, vector<256x128xi32>
    %select_n3A_220 = arith.select %lt3A_213, %select_n3A_199, %sub3A_209 : vector<256x128xi1>, vector<256x128xf32>
    %select_n3A_221 = arith.select %lt3A_214, %select_n3A_220, %select_n3A_196 : vector<256x128xi1>, vector<256x128xf32>
    %select_n3A_222 = arith.select %lt3A_213, %select_n3A_200, %add3A_212 : vector<256x128xi1>, vector<256x128xi32>
    %select_n3A_223 = arith.select %lt3A_214, %select_n3A_222, %select_n3A_198 : vector<256x128xi1>, vector<256x128xi32>
    %select_n3A_224 = arith.select %lt3A_213, %sub3A_209, %select_n3A_199 : vector<256x128xi1>, vector<256x128xf32>
    %select_n3A_225 = arith.select %lt3A_213, %add3A_212, %select_n3A_200 : vector<256x128xi1>, vector<256x128xi32>
    %slice3A_226 = vector.extract_strided_slice %add3A_23 {offsets = [0, 1024], sizes = [1, 128], strides = [1, 1]} : vector<1x4096xf32> to vector<1x128xf32>
    %add3A_227 = vector.broadcast %add3A_12 : vector<256x1xf32> to vector<256x128xf32>
    %add3A_228 = vector.broadcast %slice3A_226 : vector<1x128xf32> to vector<256x128xf32>
    %add3A_229 = arith.addf %add3A_227, %add3A_228 : vector<256x128xf32>
    %slice3A_230 = vector.extract_strided_slice %dot_general3A_25 {offsets = [0, 1024], sizes = [256, 128], strides = [1, 1]} : vector<256x4096xf32> to vector<256x128xf32>
    %mul3A_231 = arith.constant 2.000000e+00 : f32
    %mul3A_232 = vector.broadcast %mul3A_231 : f32 to vector<256x128xf32>
    %mul3A_233 = arith.mulf %mul3A_232, %slice3A_230 : vector<256x128xf32>
    %sub3A_234 = arith.subf %add3A_229, %mul3A_233 : vector<256x128xf32>
    %add3A_235 = arith.constant 1024 : i32
    %add3A_236 = vector.broadcast %add3A_235 : i32 to vector<256x128xi32>
    %add3A_237 = arith.addi %iota3A, %add3A_236 : vector<256x128xi32>
    %lt3A_238 = arith.cmpf olt, %sub3A_234, %select_n3A_224 : vector<256x128xf32>
    %lt3A_239 = arith.cmpf olt, %sub3A_234, %select_n3A_221 : vector<256x128xf32>
    %lt3A_240 = arith.cmpf olt, %sub3A_234, %select_n3A_217 : vector<256x128xf32>
    %select_n3A_241 = arith.select %lt3A_239, %select_n3A_221, %sub3A_234 : vector<256x128xi1>, vector<256x128xf32>
    %select_n3A_242 = arith.select %lt3A_240, %select_n3A_241, %select_n3A_217 : vector<256x128xi1>, vector<256x128xf32>
    %select_n3A_243 = arith.select %lt3A_239, %select_n3A_223, %add3A_237 : vector<256x128xi1>, vector<256x128xi32>
    %select_n3A_244 = arith.select %lt3A_240, %select_n3A_243, %select_n3A_219 : vector<256x128xi1>, vector<256x128xi32>
    %select_n3A_245 = arith.select %lt3A_238, %select_n3A_224, %sub3A_234 : vector<256x128xi1>, vector<256x128xf32>
    %select_n3A_246 = arith.select %lt3A_239, %select_n3A_245, %select_n3A_221 : vector<256x128xi1>, vector<256x128xf32>
    %select_n3A_247 = arith.select %lt3A_238, %select_n3A_225, %add3A_237 : vector<256x128xi1>, vector<256x128xi32>
    %select_n3A_248 = arith.select %lt3A_239, %select_n3A_247, %select_n3A_223 : vector<256x128xi1>, vector<256x128xi32>
    %select_n3A_249 = arith.select %lt3A_238, %sub3A_234, %select_n3A_224 : vector<256x128xi1>, vector<256x128xf32>
    %select_n3A_250 = arith.select %lt3A_238, %add3A_237, %select_n3A_225 : vector<256x128xi1>, vector<256x128xi32>
    %slice3A_251 = vector.extract_strided_slice %add3A_23 {offsets = [0, 1152], sizes = [1, 128], strides = [1, 1]} : vector<1x4096xf32> to vector<1x128xf32>
    %add3A_252 = vector.broadcast %add3A_12 : vector<256x1xf32> to vector<256x128xf32>
    %add3A_253 = vector.broadcast %slice3A_251 : vector<1x128xf32> to vector<256x128xf32>
    %add3A_254 = arith.addf %add3A_252, %add3A_253 : vector<256x128xf32>
    %slice3A_255 = vector.extract_strided_slice %dot_general3A_25 {offsets = [0, 1152], sizes = [256, 128], strides = [1, 1]} : vector<256x4096xf32> to vector<256x128xf32>
    %mul3A_256 = arith.constant 2.000000e+00 : f32
    %mul3A_257 = vector.broadcast %mul3A_256 : f32 to vector<256x128xf32>
    %mul3A_258 = arith.mulf %mul3A_257, %slice3A_255 : vector<256x128xf32>
    %sub3A_259 = arith.subf %add3A_254, %mul3A_258 : vector<256x128xf32>
    %add3A_260 = arith.constant 1152 : i32
    %add3A_261 = vector.broadcast %add3A_260 : i32 to vector<256x128xi32>
    %add3A_262 = arith.addi %iota3A, %add3A_261 : vector<256x128xi32>
    %lt3A_263 = arith.cmpf olt, %sub3A_259, %select_n3A_249 : vector<256x128xf32>
    %lt3A_264 = arith.cmpf olt, %sub3A_259, %select_n3A_246 : vector<256x128xf32>
    %lt3A_265 = arith.cmpf olt, %sub3A_259, %select_n3A_242 : vector<256x128xf32>
    %select_n3A_266 = arith.select %lt3A_264, %select_n3A_246, %sub3A_259 : vector<256x128xi1>, vector<256x128xf32>
    %select_n3A_267 = arith.select %lt3A_265, %select_n3A_266, %select_n3A_242 : vector<256x128xi1>, vector<256x128xf32>
    %select_n3A_268 = arith.select %lt3A_264, %select_n3A_248, %add3A_262 : vector<256x128xi1>, vector<256x128xi32>
    %select_n3A_269 = arith.select %lt3A_265, %select_n3A_268, %select_n3A_244 : vector<256x128xi1>, vector<256x128xi32>
    %select_n3A_270 = arith.select %lt3A_263, %select_n3A_249, %sub3A_259 : vector<256x128xi1>, vector<256x128xf32>
    %select_n3A_271 = arith.select %lt3A_264, %select_n3A_270, %select_n3A_246 : vector<256x128xi1>, vector<256x128xf32>
    %select_n3A_272 = arith.select %lt3A_263, %select_n3A_250, %add3A_262 : vector<256x128xi1>, vector<256x128xi32>
    %select_n3A_273 = arith.select %lt3A_264, %select_n3A_272, %select_n3A_248 : vector<256x128xi1>, vector<256x128xi32>
    %select_n3A_274 = arith.select %lt3A_263, %sub3A_259, %select_n3A_249 : vector<256x128xi1>, vector<256x128xf32>
    %select_n3A_275 = arith.select %lt3A_263, %add3A_262, %select_n3A_250 : vector<256x128xi1>, vector<256x128xi32>
    %slice3A_276 = vector.extract_strided_slice %add3A_23 {offsets = [0, 1280], sizes = [1, 128], strides = [1, 1]} : vector<1x4096xf32> to vector<1x128xf32>
    %add3A_277 = vector.broadcast %add3A_12 : vector<256x1xf32> to vector<256x128xf32>
    %add3A_278 = vector.broadcast %slice3A_276 : vector<1x128xf32> to vector<256x128xf32>
    %add3A_279 = arith.addf %add3A_277, %add3A_278 : vector<256x128xf32>
    %slice3A_280 = vector.extract_strided_slice %dot_general3A_25 {offsets = [0, 1280], sizes = [256, 128], strides = [1, 1]} : vector<256x4096xf32> to vector<256x128xf32>
    %mul3A_281 = arith.constant 2.000000e+00 : f32
    %mul3A_282 = vector.broadcast %mul3A_281 : f32 to vector<256x128xf32>
    %mul3A_283 = arith.mulf %mul3A_282, %slice3A_280 : vector<256x128xf32>
    %sub3A_284 = arith.subf %add3A_279, %mul3A_283 : vector<256x128xf32>
    %add3A_285 = arith.constant 1280 : i32
    %add3A_286 = vector.broadcast %add3A_285 : i32 to vector<256x128xi32>
    %add3A_287 = arith.addi %iota3A, %add3A_286 : vector<256x128xi32>
    %lt3A_288 = arith.cmpf olt, %sub3A_284, %select_n3A_274 : vector<256x128xf32>
    %lt3A_289 = arith.cmpf olt, %sub3A_284, %select_n3A_271 : vector<256x128xf32>
    %lt3A_290 = arith.cmpf olt, %sub3A_284, %select_n3A_267 : vector<256x128xf32>
    %select_n3A_291 = arith.select %lt3A_289, %select_n3A_271, %sub3A_284 : vector<256x128xi1>, vector<256x128xf32>
    %select_n3A_292 = arith.select %lt3A_290, %select_n3A_291, %select_n3A_267 : vector<256x128xi1>, vector<256x128xf32>
    %select_n3A_293 = arith.select %lt3A_289, %select_n3A_273, %add3A_287 : vector<256x128xi1>, vector<256x128xi32>
    %select_n3A_294 = arith.select %lt3A_290, %select_n3A_293, %select_n3A_269 : vector<256x128xi1>, vector<256x128xi32>
    %select_n3A_295 = arith.select %lt3A_288, %select_n3A_274, %sub3A_284 : vector<256x128xi1>, vector<256x128xf32>
    %select_n3A_296 = arith.select %lt3A_289, %select_n3A_295, %select_n3A_271 : vector<256x128xi1>, vector<256x128xf32>
    %select_n3A_297 = arith.select %lt3A_288, %select_n3A_275, %add3A_287 : vector<256x128xi1>, vector<256x128xi32>
    %select_n3A_298 = arith.select %lt3A_289, %select_n3A_297, %select_n3A_273 : vector<256x128xi1>, vector<256x128xi32>
    %select_n3A_299 = arith.select %lt3A_288, %sub3A_284, %select_n3A_274 : vector<256x128xi1>, vector<256x128xf32>
    %select_n3A_300 = arith.select %lt3A_288, %add3A_287, %select_n3A_275 : vector<256x128xi1>, vector<256x128xi32>
    %slice3A_301 = vector.extract_strided_slice %add3A_23 {offsets = [0, 1408], sizes = [1, 128], strides = [1, 1]} : vector<1x4096xf32> to vector<1x128xf32>
    %add3A_302 = vector.broadcast %add3A_12 : vector<256x1xf32> to vector<256x128xf32>
    %add3A_303 = vector.broadcast %slice3A_301 : vector<1x128xf32> to vector<256x128xf32>
    %add3A_304 = arith.addf %add3A_302, %add3A_303 : vector<256x128xf32>
    %slice3A_305 = vector.extract_strided_slice %dot_general3A_25 {offsets = [0, 1408], sizes = [256, 128], strides = [1, 1]} : vector<256x4096xf32> to vector<256x128xf32>
    %mul3A_306 = arith.constant 2.000000e+00 : f32
    %mul3A_307 = vector.broadcast %mul3A_306 : f32 to vector<256x128xf32>
    %mul3A_308 = arith.mulf %mul3A_307, %slice3A_305 : vector<256x128xf32>
    %sub3A_309 = arith.subf %add3A_304, %mul3A_308 : vector<256x128xf32>
    %add3A_310 = arith.constant 1408 : i32
    %add3A_311 = vector.broadcast %add3A_310 : i32 to vector<256x128xi32>
    %add3A_312 = arith.addi %iota3A, %add3A_311 : vector<256x128xi32>
    %lt3A_313 = arith.cmpf olt, %sub3A_309, %select_n3A_299 : vector<256x128xf32>
    %lt3A_314 = arith.cmpf olt, %sub3A_309, %select_n3A_296 : vector<256x128xf32>
    %lt3A_315 = arith.cmpf olt, %sub3A_309, %select_n3A_292 : vector<256x128xf32>
    %select_n3A_316 = arith.select %lt3A_314, %select_n3A_296, %sub3A_309 : vector<256x128xi1>, vector<256x128xf32>
    %select_n3A_317 = arith.select %lt3A_315, %select_n3A_316, %select_n3A_292 : vector<256x128xi1>, vector<256x128xf32>
    %select_n3A_318 = arith.select %lt3A_314, %select_n3A_298, %add3A_312 : vector<256x128xi1>, vector<256x128xi32>
    %select_n3A_319 = arith.select %lt3A_315, %select_n3A_318, %select_n3A_294 : vector<256x128xi1>, vector<256x128xi32>
    %select_n3A_320 = arith.select %lt3A_313, %select_n3A_299, %sub3A_309 : vector<256x128xi1>, vector<256x128xf32>
    %select_n3A_321 = arith.select %lt3A_314, %select_n3A_320, %select_n3A_296 : vector<256x128xi1>, vector<256x128xf32>
    %select_n3A_322 = arith.select %lt3A_313, %select_n3A_300, %add3A_312 : vector<256x128xi1>, vector<256x128xi32>
    %select_n3A_323 = arith.select %lt3A_314, %select_n3A_322, %select_n3A_298 : vector<256x128xi1>, vector<256x128xi32>
    %select_n3A_324 = arith.select %lt3A_313, %sub3A_309, %select_n3A_299 : vector<256x128xi1>, vector<256x128xf32>
    %select_n3A_325 = arith.select %lt3A_313, %add3A_312, %select_n3A_300 : vector<256x128xi1>, vector<256x128xi32>
    %slice3A_326 = vector.extract_strided_slice %add3A_23 {offsets = [0, 1536], sizes = [1, 128], strides = [1, 1]} : vector<1x4096xf32> to vector<1x128xf32>
    %add3A_327 = vector.broadcast %add3A_12 : vector<256x1xf32> to vector<256x128xf32>
    %add3A_328 = vector.broadcast %slice3A_326 : vector<1x128xf32> to vector<256x128xf32>
    %add3A_329 = arith.addf %add3A_327, %add3A_328 : vector<256x128xf32>
    %slice3A_330 = vector.extract_strided_slice %dot_general3A_25 {offsets = [0, 1536], sizes = [256, 128], strides = [1, 1]} : vector<256x4096xf32> to vector<256x128xf32>
    %mul3A_331 = arith.constant 2.000000e+00 : f32
    %mul3A_332 = vector.broadcast %mul3A_331 : f32 to vector<256x128xf32>
    %mul3A_333 = arith.mulf %mul3A_332, %slice3A_330 : vector<256x128xf32>
    %sub3A_334 = arith.subf %add3A_329, %mul3A_333 : vector<256x128xf32>
    %add3A_335 = arith.constant 1536 : i32
    %add3A_336 = vector.broadcast %add3A_335 : i32 to vector<256x128xi32>
    %add3A_337 = arith.addi %iota3A, %add3A_336 : vector<256x128xi32>
    %lt3A_338 = arith.cmpf olt, %sub3A_334, %select_n3A_324 : vector<256x128xf32>
    %lt3A_339 = arith.cmpf olt, %sub3A_334, %select_n3A_321 : vector<256x128xf32>
    %lt3A_340 = arith.cmpf olt, %sub3A_334, %select_n3A_317 : vector<256x128xf32>
    %select_n3A_341 = arith.select %lt3A_339, %select_n3A_321, %sub3A_334 : vector<256x128xi1>, vector<256x128xf32>
    %select_n3A_342 = arith.select %lt3A_340, %select_n3A_341, %select_n3A_317 : vector<256x128xi1>, vector<256x128xf32>
    %select_n3A_343 = arith.select %lt3A_339, %select_n3A_323, %add3A_337 : vector<256x128xi1>, vector<256x128xi32>
    %select_n3A_344 = arith.select %lt3A_340, %select_n3A_343, %select_n3A_319 : vector<256x128xi1>, vector<256x128xi32>
    %select_n3A_345 = arith.select %lt3A_338, %select_n3A_324, %sub3A_334 : vector<256x128xi1>, vector<256x128xf32>
    %select_n3A_346 = arith.select %lt3A_339, %select_n3A_345, %select_n3A_321 : vector<256x128xi1>, vector<256x128xf32>
    %select_n3A_347 = arith.select %lt3A_338, %select_n3A_325, %add3A_337 : vector<256x128xi1>, vector<256x128xi32>
    %select_n3A_348 = arith.select %lt3A_339, %select_n3A_347, %select_n3A_323 : vector<256x128xi1>, vector<256x128xi32>
    %select_n3A_349 = arith.select %lt3A_338, %sub3A_334, %select_n3A_324 : vector<256x128xi1>, vector<256x128xf32>
    %select_n3A_350 = arith.select %lt3A_338, %add3A_337, %select_n3A_325 : vector<256x128xi1>, vector<256x128xi32>
    %slice3A_351 = vector.extract_strided_slice %add3A_23 {offsets = [0, 1664], sizes = [1, 128], strides = [1, 1]} : vector<1x4096xf32> to vector<1x128xf32>
    %add3A_352 = vector.broadcast %add3A_12 : vector<256x1xf32> to vector<256x128xf32>
    %add3A_353 = vector.broadcast %slice3A_351 : vector<1x128xf32> to vector<256x128xf32>
    %add3A_354 = arith.addf %add3A_352, %add3A_353 : vector<256x128xf32>
    %slice3A_355 = vector.extract_strided_slice %dot_general3A_25 {offsets = [0, 1664], sizes = [256, 128], strides = [1, 1]} : vector<256x4096xf32> to vector<256x128xf32>
    %mul3A_356 = arith.constant 2.000000e+00 : f32
    %mul3A_357 = vector.broadcast %mul3A_356 : f32 to vector<256x128xf32>
    %mul3A_358 = arith.mulf %mul3A_357, %slice3A_355 : vector<256x128xf32>
    %sub3A_359 = arith.subf %add3A_354, %mul3A_358 : vector<256x128xf32>
    %add3A_360 = arith.constant 1664 : i32
    %add3A_361 = vector.broadcast %add3A_360 : i32 to vector<256x128xi32>
    %add3A_362 = arith.addi %iota3A, %add3A_361 : vector<256x128xi32>
    %lt3A_363 = arith.cmpf olt, %sub3A_359, %select_n3A_349 : vector<256x128xf32>
    %lt3A_364 = arith.cmpf olt, %sub3A_359, %select_n3A_346 : vector<256x128xf32>
    %lt3A_365 = arith.cmpf olt, %sub3A_359, %select_n3A_342 : vector<256x128xf32>
    %select_n3A_366 = arith.select %lt3A_364, %select_n3A_346, %sub3A_359 : vector<256x128xi1>, vector<256x128xf32>
    %select_n3A_367 = arith.select %lt3A_365, %select_n3A_366, %select_n3A_342 : vector<256x128xi1>, vector<256x128xf32>
    %select_n3A_368 = arith.select %lt3A_364, %select_n3A_348, %add3A_362 : vector<256x128xi1>, vector<256x128xi32>
    %select_n3A_369 = arith.select %lt3A_365, %select_n3A_368, %select_n3A_344 : vector<256x128xi1>, vector<256x128xi32>
    %select_n3A_370 = arith.select %lt3A_363, %select_n3A_349, %sub3A_359 : vector<256x128xi1>, vector<256x128xf32>
    %select_n3A_371 = arith.select %lt3A_364, %select_n3A_370, %select_n3A_346 : vector<256x128xi1>, vector<256x128xf32>
    %select_n3A_372 = arith.select %lt3A_363, %select_n3A_350, %add3A_362 : vector<256x128xi1>, vector<256x128xi32>
    %select_n3A_373 = arith.select %lt3A_364, %select_n3A_372, %select_n3A_348 : vector<256x128xi1>, vector<256x128xi32>
    %select_n3A_374 = arith.select %lt3A_363, %sub3A_359, %select_n3A_349 : vector<256x128xi1>, vector<256x128xf32>
    %select_n3A_375 = arith.select %lt3A_363, %add3A_362, %select_n3A_350 : vector<256x128xi1>, vector<256x128xi32>
    %slice3A_376 = vector.extract_strided_slice %add3A_23 {offsets = [0, 1792], sizes = [1, 128], strides = [1, 1]} : vector<1x4096xf32> to vector<1x128xf32>
    %add3A_377 = vector.broadcast %add3A_12 : vector<256x1xf32> to vector<256x128xf32>
    %add3A_378 = vector.broadcast %slice3A_376 : vector<1x128xf32> to vector<256x128xf32>
    %add3A_379 = arith.addf %add3A_377, %add3A_378 : vector<256x128xf32>
    %slice3A_380 = vector.extract_strided_slice %dot_general3A_25 {offsets = [0, 1792], sizes = [256, 128], strides = [1, 1]} : vector<256x4096xf32> to vector<256x128xf32>
    %mul3A_381 = arith.constant 2.000000e+00 : f32
    %mul3A_382 = vector.broadcast %mul3A_381 : f32 to vector<256x128xf32>
    %mul3A_383 = arith.mulf %mul3A_382, %slice3A_380 : vector<256x128xf32>
    %sub3A_384 = arith.subf %add3A_379, %mul3A_383 : vector<256x128xf32>
    %add3A_385 = arith.constant 1792 : i32
    %add3A_386 = vector.broadcast %add3A_385 : i32 to vector<256x128xi32>
    %add3A_387 = arith.addi %iota3A, %add3A_386 : vector<256x128xi32>
    %lt3A_388 = arith.cmpf olt, %sub3A_384, %select_n3A_374 : vector<256x128xf32>
    %lt3A_389 = arith.cmpf olt, %sub3A_384, %select_n3A_371 : vector<256x128xf32>
    %lt3A_390 = arith.cmpf olt, %sub3A_384, %select_n3A_367 : vector<256x128xf32>
    %select_n3A_391 = arith.select %lt3A_389, %select_n3A_371, %sub3A_384 : vector<256x128xi1>, vector<256x128xf32>
    %select_n3A_392 = arith.select %lt3A_390, %select_n3A_391, %select_n3A_367 : vector<256x128xi1>, vector<256x128xf32>
    %select_n3A_393 = arith.select %lt3A_389, %select_n3A_373, %add3A_387 : vector<256x128xi1>, vector<256x128xi32>
    %select_n3A_394 = arith.select %lt3A_390, %select_n3A_393, %select_n3A_369 : vector<256x128xi1>, vector<256x128xi32>
    %select_n3A_395 = arith.select %lt3A_388, %select_n3A_374, %sub3A_384 : vector<256x128xi1>, vector<256x128xf32>
    %select_n3A_396 = arith.select %lt3A_389, %select_n3A_395, %select_n3A_371 : vector<256x128xi1>, vector<256x128xf32>
    %select_n3A_397 = arith.select %lt3A_388, %select_n3A_375, %add3A_387 : vector<256x128xi1>, vector<256x128xi32>
    %select_n3A_398 = arith.select %lt3A_389, %select_n3A_397, %select_n3A_373 : vector<256x128xi1>, vector<256x128xi32>
    %select_n3A_399 = arith.select %lt3A_388, %sub3A_384, %select_n3A_374 : vector<256x128xi1>, vector<256x128xf32>
    %select_n3A_400 = arith.select %lt3A_388, %add3A_387, %select_n3A_375 : vector<256x128xi1>, vector<256x128xi32>
    %slice3A_401 = vector.extract_strided_slice %add3A_23 {offsets = [0, 1920], sizes = [1, 128], strides = [1, 1]} : vector<1x4096xf32> to vector<1x128xf32>
    %add3A_402 = vector.broadcast %add3A_12 : vector<256x1xf32> to vector<256x128xf32>
    %add3A_403 = vector.broadcast %slice3A_401 : vector<1x128xf32> to vector<256x128xf32>
    %add3A_404 = arith.addf %add3A_402, %add3A_403 : vector<256x128xf32>
    %slice3A_405 = vector.extract_strided_slice %dot_general3A_25 {offsets = [0, 1920], sizes = [256, 128], strides = [1, 1]} : vector<256x4096xf32> to vector<256x128xf32>
    %mul3A_406 = arith.constant 2.000000e+00 : f32
    %mul3A_407 = vector.broadcast %mul3A_406 : f32 to vector<256x128xf32>
    %mul3A_408 = arith.mulf %mul3A_407, %slice3A_405 : vector<256x128xf32>
    %sub3A_409 = arith.subf %add3A_404, %mul3A_408 : vector<256x128xf32>
    %add3A_410 = arith.constant 1920 : i32
    %add3A_411 = vector.broadcast %add3A_410 : i32 to vector<256x128xi32>
    %add3A_412 = arith.addi %iota3A, %add3A_411 : vector<256x128xi32>
    %lt3A_413 = arith.cmpf olt, %sub3A_409, %select_n3A_399 : vector<256x128xf32>
    %lt3A_414 = arith.cmpf olt, %sub3A_409, %select_n3A_396 : vector<256x128xf32>
    %lt3A_415 = arith.cmpf olt, %sub3A_409, %select_n3A_392 : vector<256x128xf32>
    %select_n3A_416 = arith.select %lt3A_414, %select_n3A_396, %sub3A_409 : vector<256x128xi1>, vector<256x128xf32>
    %select_n3A_417 = arith.select %lt3A_415, %select_n3A_416, %select_n3A_392 : vector<256x128xi1>, vector<256x128xf32>
    %select_n3A_418 = arith.select %lt3A_414, %select_n3A_398, %add3A_412 : vector<256x128xi1>, vector<256x128xi32>
    %select_n3A_419 = arith.select %lt3A_415, %select_n3A_418, %select_n3A_394 : vector<256x128xi1>, vector<256x128xi32>
    %select_n3A_420 = arith.select %lt3A_413, %select_n3A_399, %sub3A_409 : vector<256x128xi1>, vector<256x128xf32>
    %select_n3A_421 = arith.select %lt3A_414, %select_n3A_420, %select_n3A_396 : vector<256x128xi1>, vector<256x128xf32>
    %select_n3A_422 = arith.select %lt3A_413, %select_n3A_400, %add3A_412 : vector<256x128xi1>, vector<256x128xi32>
    %select_n3A_423 = arith.select %lt3A_414, %select_n3A_422, %select_n3A_398 : vector<256x128xi1>, vector<256x128xi32>
    %select_n3A_424 = arith.select %lt3A_413, %sub3A_409, %select_n3A_399 : vector<256x128xi1>, vector<256x128xf32>
    %select_n3A_425 = arith.select %lt3A_413, %add3A_412, %select_n3A_400 : vector<256x128xi1>, vector<256x128xi32>
    %slice3A_426 = vector.extract_strided_slice %add3A_23 {offsets = [0, 2048], sizes = [1, 128], strides = [1, 1]} : vector<1x4096xf32> to vector<1x128xf32>
    %add3A_427 = vector.broadcast %add3A_12 : vector<256x1xf32> to vector<256x128xf32>
    %add3A_428 = vector.broadcast %slice3A_426 : vector<1x128xf32> to vector<256x128xf32>
    %add3A_429 = arith.addf %add3A_427, %add3A_428 : vector<256x128xf32>
    %slice3A_430 = vector.extract_strided_slice %dot_general3A_25 {offsets = [0, 2048], sizes = [256, 128], strides = [1, 1]} : vector<256x4096xf32> to vector<256x128xf32>
    %mul3A_431 = arith.constant 2.000000e+00 : f32
    %mul3A_432 = vector.broadcast %mul3A_431 : f32 to vector<256x128xf32>
    %mul3A_433 = arith.mulf %mul3A_432, %slice3A_430 : vector<256x128xf32>
    %sub3A_434 = arith.subf %add3A_429, %mul3A_433 : vector<256x128xf32>
    %add3A_435 = arith.constant 2048 : i32
    %add3A_436 = vector.broadcast %add3A_435 : i32 to vector<256x128xi32>
    %add3A_437 = arith.addi %iota3A, %add3A_436 : vector<256x128xi32>
    %lt3A_438 = arith.cmpf olt, %sub3A_434, %select_n3A_424 : vector<256x128xf32>
    %lt3A_439 = arith.cmpf olt, %sub3A_434, %select_n3A_421 : vector<256x128xf32>
    %lt3A_440 = arith.cmpf olt, %sub3A_434, %select_n3A_417 : vector<256x128xf32>
    %select_n3A_441 = arith.select %lt3A_439, %select_n3A_421, %sub3A_434 : vector<256x128xi1>, vector<256x128xf32>
    %select_n3A_442 = arith.select %lt3A_440, %select_n3A_441, %select_n3A_417 : vector<256x128xi1>, vector<256x128xf32>
    %select_n3A_443 = arith.select %lt3A_439, %select_n3A_423, %add3A_437 : vector<256x128xi1>, vector<256x128xi32>
    %select_n3A_444 = arith.select %lt3A_440, %select_n3A_443, %select_n3A_419 : vector<256x128xi1>, vector<256x128xi32>
    %select_n3A_445 = arith.select %lt3A_438, %select_n3A_424, %sub3A_434 : vector<256x128xi1>, vector<256x128xf32>
    %select_n3A_446 = arith.select %lt3A_439, %select_n3A_445, %select_n3A_421 : vector<256x128xi1>, vector<256x128xf32>
    %select_n3A_447 = arith.select %lt3A_438, %select_n3A_425, %add3A_437 : vector<256x128xi1>, vector<256x128xi32>
    %select_n3A_448 = arith.select %lt3A_439, %select_n3A_447, %select_n3A_423 : vector<256x128xi1>, vector<256x128xi32>
    %select_n3A_449 = arith.select %lt3A_438, %sub3A_434, %select_n3A_424 : vector<256x128xi1>, vector<256x128xf32>
    %select_n3A_450 = arith.select %lt3A_438, %add3A_437, %select_n3A_425 : vector<256x128xi1>, vector<256x128xi32>
    %slice3A_451 = vector.extract_strided_slice %add3A_23 {offsets = [0, 2176], sizes = [1, 128], strides = [1, 1]} : vector<1x4096xf32> to vector<1x128xf32>
    %add3A_452 = vector.broadcast %add3A_12 : vector<256x1xf32> to vector<256x128xf32>
    %add3A_453 = vector.broadcast %slice3A_451 : vector<1x128xf32> to vector<256x128xf32>
    %add3A_454 = arith.addf %add3A_452, %add3A_453 : vector<256x128xf32>
    %slice3A_455 = vector.extract_strided_slice %dot_general3A_25 {offsets = [0, 2176], sizes = [256, 128], strides = [1, 1]} : vector<256x4096xf32> to vector<256x128xf32>
    %mul3A_456 = arith.constant 2.000000e+00 : f32
    %mul3A_457 = vector.broadcast %mul3A_456 : f32 to vector<256x128xf32>
    %mul3A_458 = arith.mulf %mul3A_457, %slice3A_455 : vector<256x128xf32>
    %sub3A_459 = arith.subf %add3A_454, %mul3A_458 : vector<256x128xf32>
    %add3A_460 = arith.constant 2176 : i32
    %add3A_461 = vector.broadcast %add3A_460 : i32 to vector<256x128xi32>
    %add3A_462 = arith.addi %iota3A, %add3A_461 : vector<256x128xi32>
    %lt3A_463 = arith.cmpf olt, %sub3A_459, %select_n3A_449 : vector<256x128xf32>
    %lt3A_464 = arith.cmpf olt, %sub3A_459, %select_n3A_446 : vector<256x128xf32>
    %lt3A_465 = arith.cmpf olt, %sub3A_459, %select_n3A_442 : vector<256x128xf32>
    %select_n3A_466 = arith.select %lt3A_464, %select_n3A_446, %sub3A_459 : vector<256x128xi1>, vector<256x128xf32>
    %select_n3A_467 = arith.select %lt3A_465, %select_n3A_466, %select_n3A_442 : vector<256x128xi1>, vector<256x128xf32>
    %select_n3A_468 = arith.select %lt3A_464, %select_n3A_448, %add3A_462 : vector<256x128xi1>, vector<256x128xi32>
    %select_n3A_469 = arith.select %lt3A_465, %select_n3A_468, %select_n3A_444 : vector<256x128xi1>, vector<256x128xi32>
    %select_n3A_470 = arith.select %lt3A_463, %select_n3A_449, %sub3A_459 : vector<256x128xi1>, vector<256x128xf32>
    %select_n3A_471 = arith.select %lt3A_464, %select_n3A_470, %select_n3A_446 : vector<256x128xi1>, vector<256x128xf32>
    %select_n3A_472 = arith.select %lt3A_463, %select_n3A_450, %add3A_462 : vector<256x128xi1>, vector<256x128xi32>
    %select_n3A_473 = arith.select %lt3A_464, %select_n3A_472, %select_n3A_448 : vector<256x128xi1>, vector<256x128xi32>
    %select_n3A_474 = arith.select %lt3A_463, %sub3A_459, %select_n3A_449 : vector<256x128xi1>, vector<256x128xf32>
    %select_n3A_475 = arith.select %lt3A_463, %add3A_462, %select_n3A_450 : vector<256x128xi1>, vector<256x128xi32>
    %slice3A_476 = vector.extract_strided_slice %add3A_23 {offsets = [0, 2304], sizes = [1, 128], strides = [1, 1]} : vector<1x4096xf32> to vector<1x128xf32>
    %add3A_477 = vector.broadcast %add3A_12 : vector<256x1xf32> to vector<256x128xf32>
    %add3A_478 = vector.broadcast %slice3A_476 : vector<1x128xf32> to vector<256x128xf32>
    %add3A_479 = arith.addf %add3A_477, %add3A_478 : vector<256x128xf32>
    %slice3A_480 = vector.extract_strided_slice %dot_general3A_25 {offsets = [0, 2304], sizes = [256, 128], strides = [1, 1]} : vector<256x4096xf32> to vector<256x128xf32>
    %mul3A_481 = arith.constant 2.000000e+00 : f32
    %mul3A_482 = vector.broadcast %mul3A_481 : f32 to vector<256x128xf32>
    %mul3A_483 = arith.mulf %mul3A_482, %slice3A_480 : vector<256x128xf32>
    %sub3A_484 = arith.subf %add3A_479, %mul3A_483 : vector<256x128xf32>
    %add3A_485 = arith.constant 2304 : i32
    %add3A_486 = vector.broadcast %add3A_485 : i32 to vector<256x128xi32>
    %add3A_487 = arith.addi %iota3A, %add3A_486 : vector<256x128xi32>
    %lt3A_488 = arith.cmpf olt, %sub3A_484, %select_n3A_474 : vector<256x128xf32>
    %lt3A_489 = arith.cmpf olt, %sub3A_484, %select_n3A_471 : vector<256x128xf32>
    %lt3A_490 = arith.cmpf olt, %sub3A_484, %select_n3A_467 : vector<256x128xf32>
    %select_n3A_491 = arith.select %lt3A_489, %select_n3A_471, %sub3A_484 : vector<256x128xi1>, vector<256x128xf32>
    %select_n3A_492 = arith.select %lt3A_490, %select_n3A_491, %select_n3A_467 : vector<256x128xi1>, vector<256x128xf32>
    %select_n3A_493 = arith.select %lt3A_489, %select_n3A_473, %add3A_487 : vector<256x128xi1>, vector<256x128xi32>
    %select_n3A_494 = arith.select %lt3A_490, %select_n3A_493, %select_n3A_469 : vector<256x128xi1>, vector<256x128xi32>
    %select_n3A_495 = arith.select %lt3A_488, %select_n3A_474, %sub3A_484 : vector<256x128xi1>, vector<256x128xf32>
    %select_n3A_496 = arith.select %lt3A_489, %select_n3A_495, %select_n3A_471 : vector<256x128xi1>, vector<256x128xf32>
    %select_n3A_497 = arith.select %lt3A_488, %select_n3A_475, %add3A_487 : vector<256x128xi1>, vector<256x128xi32>
    %select_n3A_498 = arith.select %lt3A_489, %select_n3A_497, %select_n3A_473 : vector<256x128xi1>, vector<256x128xi32>
    %select_n3A_499 = arith.select %lt3A_488, %sub3A_484, %select_n3A_474 : vector<256x128xi1>, vector<256x128xf32>
    %select_n3A_500 = arith.select %lt3A_488, %add3A_487, %select_n3A_475 : vector<256x128xi1>, vector<256x128xi32>
    %slice3A_501 = vector.extract_strided_slice %add3A_23 {offsets = [0, 2432], sizes = [1, 128], strides = [1, 1]} : vector<1x4096xf32> to vector<1x128xf32>
    %add3A_502 = vector.broadcast %add3A_12 : vector<256x1xf32> to vector<256x128xf32>
    %add3A_503 = vector.broadcast %slice3A_501 : vector<1x128xf32> to vector<256x128xf32>
    %add3A_504 = arith.addf %add3A_502, %add3A_503 : vector<256x128xf32>
    %slice3A_505 = vector.extract_strided_slice %dot_general3A_25 {offsets = [0, 2432], sizes = [256, 128], strides = [1, 1]} : vector<256x4096xf32> to vector<256x128xf32>
    %mul3A_506 = arith.constant 2.000000e+00 : f32
    %mul3A_507 = vector.broadcast %mul3A_506 : f32 to vector<256x128xf32>
    %mul3A_508 = arith.mulf %mul3A_507, %slice3A_505 : vector<256x128xf32>
    %sub3A_509 = arith.subf %add3A_504, %mul3A_508 : vector<256x128xf32>
    %add3A_510 = arith.constant 2432 : i32
    %add3A_511 = vector.broadcast %add3A_510 : i32 to vector<256x128xi32>
    %add3A_512 = arith.addi %iota3A, %add3A_511 : vector<256x128xi32>
    %lt3A_513 = arith.cmpf olt, %sub3A_509, %select_n3A_499 : vector<256x128xf32>
    %lt3A_514 = arith.cmpf olt, %sub3A_509, %select_n3A_496 : vector<256x128xf32>
    %lt3A_515 = arith.cmpf olt, %sub3A_509, %select_n3A_492 : vector<256x128xf32>
    %select_n3A_516 = arith.select %lt3A_514, %select_n3A_496, %sub3A_509 : vector<256x128xi1>, vector<256x128xf32>
    %select_n3A_517 = arith.select %lt3A_515, %select_n3A_516, %select_n3A_492 : vector<256x128xi1>, vector<256x128xf32>
    %select_n3A_518 = arith.select %lt3A_514, %select_n3A_498, %add3A_512 : vector<256x128xi1>, vector<256x128xi32>
    %select_n3A_519 = arith.select %lt3A_515, %select_n3A_518, %select_n3A_494 : vector<256x128xi1>, vector<256x128xi32>
    %select_n3A_520 = arith.select %lt3A_513, %select_n3A_499, %sub3A_509 : vector<256x128xi1>, vector<256x128xf32>
    %select_n3A_521 = arith.select %lt3A_514, %select_n3A_520, %select_n3A_496 : vector<256x128xi1>, vector<256x128xf32>
    %select_n3A_522 = arith.select %lt3A_513, %select_n3A_500, %add3A_512 : vector<256x128xi1>, vector<256x128xi32>
    %select_n3A_523 = arith.select %lt3A_514, %select_n3A_522, %select_n3A_498 : vector<256x128xi1>, vector<256x128xi32>
    %select_n3A_524 = arith.select %lt3A_513, %sub3A_509, %select_n3A_499 : vector<256x128xi1>, vector<256x128xf32>
    %select_n3A_525 = arith.select %lt3A_513, %add3A_512, %select_n3A_500 : vector<256x128xi1>, vector<256x128xi32>
    %slice3A_526 = vector.extract_strided_slice %add3A_23 {offsets = [0, 2560], sizes = [1, 128], strides = [1, 1]} : vector<1x4096xf32> to vector<1x128xf32>
    %add3A_527 = vector.broadcast %add3A_12 : vector<256x1xf32> to vector<256x128xf32>
    %add3A_528 = vector.broadcast %slice3A_526 : vector<1x128xf32> to vector<256x128xf32>
    %add3A_529 = arith.addf %add3A_527, %add3A_528 : vector<256x128xf32>
    %slice3A_530 = vector.extract_strided_slice %dot_general3A_25 {offsets = [0, 2560], sizes = [256, 128], strides = [1, 1]} : vector<256x4096xf32> to vector<256x128xf32>
    %mul3A_531 = arith.constant 2.000000e+00 : f32
    %mul3A_532 = vector.broadcast %mul3A_531 : f32 to vector<256x128xf32>
    %mul3A_533 = arith.mulf %mul3A_532, %slice3A_530 : vector<256x128xf32>
    %sub3A_534 = arith.subf %add3A_529, %mul3A_533 : vector<256x128xf32>
    %add3A_535 = arith.constant 2560 : i32
    %add3A_536 = vector.broadcast %add3A_535 : i32 to vector<256x128xi32>
    %add3A_537 = arith.addi %iota3A, %add3A_536 : vector<256x128xi32>
    %lt3A_538 = arith.cmpf olt, %sub3A_534, %select_n3A_524 : vector<256x128xf32>
    %lt3A_539 = arith.cmpf olt, %sub3A_534, %select_n3A_521 : vector<256x128xf32>
    %lt3A_540 = arith.cmpf olt, %sub3A_534, %select_n3A_517 : vector<256x128xf32>
    %select_n3A_541 = arith.select %lt3A_539, %select_n3A_521, %sub3A_534 : vector<256x128xi1>, vector<256x128xf32>
    %select_n3A_542 = arith.select %lt3A_540, %select_n3A_541, %select_n3A_517 : vector<256x128xi1>, vector<256x128xf32>
    %select_n3A_543 = arith.select %lt3A_539, %select_n3A_523, %add3A_537 : vector<256x128xi1>, vector<256x128xi32>
    %select_n3A_544 = arith.select %lt3A_540, %select_n3A_543, %select_n3A_519 : vector<256x128xi1>, vector<256x128xi32>
    %select_n3A_545 = arith.select %lt3A_538, %select_n3A_524, %sub3A_534 : vector<256x128xi1>, vector<256x128xf32>
    %select_n3A_546 = arith.select %lt3A_539, %select_n3A_545, %select_n3A_521 : vector<256x128xi1>, vector<256x128xf32>
    %select_n3A_547 = arith.select %lt3A_538, %select_n3A_525, %add3A_537 : vector<256x128xi1>, vector<256x128xi32>
    %select_n3A_548 = arith.select %lt3A_539, %select_n3A_547, %select_n3A_523 : vector<256x128xi1>, vector<256x128xi32>
    %select_n3A_549 = arith.select %lt3A_538, %sub3A_534, %select_n3A_524 : vector<256x128xi1>, vector<256x128xf32>
    %select_n3A_550 = arith.select %lt3A_538, %add3A_537, %select_n3A_525 : vector<256x128xi1>, vector<256x128xi32>
    %slice3A_551 = vector.extract_strided_slice %add3A_23 {offsets = [0, 2688], sizes = [1, 128], strides = [1, 1]} : vector<1x4096xf32> to vector<1x128xf32>
    %add3A_552 = vector.broadcast %add3A_12 : vector<256x1xf32> to vector<256x128xf32>
    %add3A_553 = vector.broadcast %slice3A_551 : vector<1x128xf32> to vector<256x128xf32>
    %add3A_554 = arith.addf %add3A_552, %add3A_553 : vector<256x128xf32>
    %slice3A_555 = vector.extract_strided_slice %dot_general3A_25 {offsets = [0, 2688], sizes = [256, 128], strides = [1, 1]} : vector<256x4096xf32> to vector<256x128xf32>
    %mul3A_556 = arith.constant 2.000000e+00 : f32
    %mul3A_557 = vector.broadcast %mul3A_556 : f32 to vector<256x128xf32>
    %mul3A_558 = arith.mulf %mul3A_557, %slice3A_555 : vector<256x128xf32>
    %sub3A_559 = arith.subf %add3A_554, %mul3A_558 : vector<256x128xf32>
    %add3A_560 = arith.constant 2688 : i32
    %add3A_561 = vector.broadcast %add3A_560 : i32 to vector<256x128xi32>
    %add3A_562 = arith.addi %iota3A, %add3A_561 : vector<256x128xi32>
    %lt3A_563 = arith.cmpf olt, %sub3A_559, %select_n3A_549 : vector<256x128xf32>
    %lt3A_564 = arith.cmpf olt, %sub3A_559, %select_n3A_546 : vector<256x128xf32>
    %lt3A_565 = arith.cmpf olt, %sub3A_559, %select_n3A_542 : vector<256x128xf32>
    %select_n3A_566 = arith.select %lt3A_564, %select_n3A_546, %sub3A_559 : vector<256x128xi1>, vector<256x128xf32>
    %select_n3A_567 = arith.select %lt3A_565, %select_n3A_566, %select_n3A_542 : vector<256x128xi1>, vector<256x128xf32>
    %select_n3A_568 = arith.select %lt3A_564, %select_n3A_548, %add3A_562 : vector<256x128xi1>, vector<256x128xi32>
    %select_n3A_569 = arith.select %lt3A_565, %select_n3A_568, %select_n3A_544 : vector<256x128xi1>, vector<256x128xi32>
    %select_n3A_570 = arith.select %lt3A_563, %select_n3A_549, %sub3A_559 : vector<256x128xi1>, vector<256x128xf32>
    %select_n3A_571 = arith.select %lt3A_564, %select_n3A_570, %select_n3A_546 : vector<256x128xi1>, vector<256x128xf32>
    %select_n3A_572 = arith.select %lt3A_563, %select_n3A_550, %add3A_562 : vector<256x128xi1>, vector<256x128xi32>
    %select_n3A_573 = arith.select %lt3A_564, %select_n3A_572, %select_n3A_548 : vector<256x128xi1>, vector<256x128xi32>
    %select_n3A_574 = arith.select %lt3A_563, %sub3A_559, %select_n3A_549 : vector<256x128xi1>, vector<256x128xf32>
    %select_n3A_575 = arith.select %lt3A_563, %add3A_562, %select_n3A_550 : vector<256x128xi1>, vector<256x128xi32>
    %slice3A_576 = vector.extract_strided_slice %add3A_23 {offsets = [0, 2816], sizes = [1, 128], strides = [1, 1]} : vector<1x4096xf32> to vector<1x128xf32>
    %add3A_577 = vector.broadcast %add3A_12 : vector<256x1xf32> to vector<256x128xf32>
    %add3A_578 = vector.broadcast %slice3A_576 : vector<1x128xf32> to vector<256x128xf32>
    %add3A_579 = arith.addf %add3A_577, %add3A_578 : vector<256x128xf32>
    %slice3A_580 = vector.extract_strided_slice %dot_general3A_25 {offsets = [0, 2816], sizes = [256, 128], strides = [1, 1]} : vector<256x4096xf32> to vector<256x128xf32>
    %mul3A_581 = arith.constant 2.000000e+00 : f32
    %mul3A_582 = vector.broadcast %mul3A_581 : f32 to vector<256x128xf32>
    %mul3A_583 = arith.mulf %mul3A_582, %slice3A_580 : vector<256x128xf32>
    %sub3A_584 = arith.subf %add3A_579, %mul3A_583 : vector<256x128xf32>
    %add3A_585 = arith.constant 2816 : i32
    %add3A_586 = vector.broadcast %add3A_585 : i32 to vector<256x128xi32>
    %add3A_587 = arith.addi %iota3A, %add3A_586 : vector<256x128xi32>
    %lt3A_588 = arith.cmpf olt, %sub3A_584, %select_n3A_574 : vector<256x128xf32>
    %lt3A_589 = arith.cmpf olt, %sub3A_584, %select_n3A_571 : vector<256x128xf32>
    %lt3A_590 = arith.cmpf olt, %sub3A_584, %select_n3A_567 : vector<256x128xf32>
    %select_n3A_591 = arith.select %lt3A_589, %select_n3A_571, %sub3A_584 : vector<256x128xi1>, vector<256x128xf32>
    %select_n3A_592 = arith.select %lt3A_590, %select_n3A_591, %select_n3A_567 : vector<256x128xi1>, vector<256x128xf32>
    %select_n3A_593 = arith.select %lt3A_589, %select_n3A_573, %add3A_587 : vector<256x128xi1>, vector<256x128xi32>
    %select_n3A_594 = arith.select %lt3A_590, %select_n3A_593, %select_n3A_569 : vector<256x128xi1>, vector<256x128xi32>
    %select_n3A_595 = arith.select %lt3A_588, %select_n3A_574, %sub3A_584 : vector<256x128xi1>, vector<256x128xf32>
    %select_n3A_596 = arith.select %lt3A_589, %select_n3A_595, %select_n3A_571 : vector<256x128xi1>, vector<256x128xf32>
    %select_n3A_597 = arith.select %lt3A_588, %select_n3A_575, %add3A_587 : vector<256x128xi1>, vector<256x128xi32>
    %select_n3A_598 = arith.select %lt3A_589, %select_n3A_597, %select_n3A_573 : vector<256x128xi1>, vector<256x128xi32>
    %select_n3A_599 = arith.select %lt3A_588, %sub3A_584, %select_n3A_574 : vector<256x128xi1>, vector<256x128xf32>
    %select_n3A_600 = arith.select %lt3A_588, %add3A_587, %select_n3A_575 : vector<256x128xi1>, vector<256x128xi32>
    %slice3A_601 = vector.extract_strided_slice %add3A_23 {offsets = [0, 2944], sizes = [1, 128], strides = [1, 1]} : vector<1x4096xf32> to vector<1x128xf32>
    %add3A_602 = vector.broadcast %add3A_12 : vector<256x1xf32> to vector<256x128xf32>
    %add3A_603 = vector.broadcast %slice3A_601 : vector<1x128xf32> to vector<256x128xf32>
    %add3A_604 = arith.addf %add3A_602, %add3A_603 : vector<256x128xf32>
    %slice3A_605 = vector.extract_strided_slice %dot_general3A_25 {offsets = [0, 2944], sizes = [256, 128], strides = [1, 1]} : vector<256x4096xf32> to vector<256x128xf32>
    %mul3A_606 = arith.constant 2.000000e+00 : f32
    %mul3A_607 = vector.broadcast %mul3A_606 : f32 to vector<256x128xf32>
    %mul3A_608 = arith.mulf %mul3A_607, %slice3A_605 : vector<256x128xf32>
    %sub3A_609 = arith.subf %add3A_604, %mul3A_608 : vector<256x128xf32>
    %add3A_610 = arith.constant 2944 : i32
    %add3A_611 = vector.broadcast %add3A_610 : i32 to vector<256x128xi32>
    %add3A_612 = arith.addi %iota3A, %add3A_611 : vector<256x128xi32>
    %lt3A_613 = arith.cmpf olt, %sub3A_609, %select_n3A_599 : vector<256x128xf32>
    %lt3A_614 = arith.cmpf olt, %sub3A_609, %select_n3A_596 : vector<256x128xf32>
    %lt3A_615 = arith.cmpf olt, %sub3A_609, %select_n3A_592 : vector<256x128xf32>
    %select_n3A_616 = arith.select %lt3A_614, %select_n3A_596, %sub3A_609 : vector<256x128xi1>, vector<256x128xf32>
    %select_n3A_617 = arith.select %lt3A_615, %select_n3A_616, %select_n3A_592 : vector<256x128xi1>, vector<256x128xf32>
    %select_n3A_618 = arith.select %lt3A_614, %select_n3A_598, %add3A_612 : vector<256x128xi1>, vector<256x128xi32>
    %select_n3A_619 = arith.select %lt3A_615, %select_n3A_618, %select_n3A_594 : vector<256x128xi1>, vector<256x128xi32>
    %select_n3A_620 = arith.select %lt3A_613, %select_n3A_599, %sub3A_609 : vector<256x128xi1>, vector<256x128xf32>
    %select_n3A_621 = arith.select %lt3A_614, %select_n3A_620, %select_n3A_596 : vector<256x128xi1>, vector<256x128xf32>
    %select_n3A_622 = arith.select %lt3A_613, %select_n3A_600, %add3A_612 : vector<256x128xi1>, vector<256x128xi32>
    %select_n3A_623 = arith.select %lt3A_614, %select_n3A_622, %select_n3A_598 : vector<256x128xi1>, vector<256x128xi32>
    %select_n3A_624 = arith.select %lt3A_613, %sub3A_609, %select_n3A_599 : vector<256x128xi1>, vector<256x128xf32>
    %select_n3A_625 = arith.select %lt3A_613, %add3A_612, %select_n3A_600 : vector<256x128xi1>, vector<256x128xi32>
    %slice3A_626 = vector.extract_strided_slice %add3A_23 {offsets = [0, 3072], sizes = [1, 128], strides = [1, 1]} : vector<1x4096xf32> to vector<1x128xf32>
    %add3A_627 = vector.broadcast %add3A_12 : vector<256x1xf32> to vector<256x128xf32>
    %add3A_628 = vector.broadcast %slice3A_626 : vector<1x128xf32> to vector<256x128xf32>
    %add3A_629 = arith.addf %add3A_627, %add3A_628 : vector<256x128xf32>
    %slice3A_630 = vector.extract_strided_slice %dot_general3A_25 {offsets = [0, 3072], sizes = [256, 128], strides = [1, 1]} : vector<256x4096xf32> to vector<256x128xf32>
    %mul3A_631 = arith.constant 2.000000e+00 : f32
    %mul3A_632 = vector.broadcast %mul3A_631 : f32 to vector<256x128xf32>
    %mul3A_633 = arith.mulf %mul3A_632, %slice3A_630 : vector<256x128xf32>
    %sub3A_634 = arith.subf %add3A_629, %mul3A_633 : vector<256x128xf32>
    %add3A_635 = arith.constant 3072 : i32
    %add3A_636 = vector.broadcast %add3A_635 : i32 to vector<256x128xi32>
    %add3A_637 = arith.addi %iota3A, %add3A_636 : vector<256x128xi32>
    %lt3A_638 = arith.cmpf olt, %sub3A_634, %select_n3A_624 : vector<256x128xf32>
    %lt3A_639 = arith.cmpf olt, %sub3A_634, %select_n3A_621 : vector<256x128xf32>
    %lt3A_640 = arith.cmpf olt, %sub3A_634, %select_n3A_617 : vector<256x128xf32>
    %select_n3A_641 = arith.select %lt3A_639, %select_n3A_621, %sub3A_634 : vector<256x128xi1>, vector<256x128xf32>
    %select_n3A_642 = arith.select %lt3A_640, %select_n3A_641, %select_n3A_617 : vector<256x128xi1>, vector<256x128xf32>
    %select_n3A_643 = arith.select %lt3A_639, %select_n3A_623, %add3A_637 : vector<256x128xi1>, vector<256x128xi32>
    %select_n3A_644 = arith.select %lt3A_640, %select_n3A_643, %select_n3A_619 : vector<256x128xi1>, vector<256x128xi32>
    %select_n3A_645 = arith.select %lt3A_638, %select_n3A_624, %sub3A_634 : vector<256x128xi1>, vector<256x128xf32>
    %select_n3A_646 = arith.select %lt3A_639, %select_n3A_645, %select_n3A_621 : vector<256x128xi1>, vector<256x128xf32>
    %select_n3A_647 = arith.select %lt3A_638, %select_n3A_625, %add3A_637 : vector<256x128xi1>, vector<256x128xi32>
    %select_n3A_648 = arith.select %lt3A_639, %select_n3A_647, %select_n3A_623 : vector<256x128xi1>, vector<256x128xi32>
    %select_n3A_649 = arith.select %lt3A_638, %sub3A_634, %select_n3A_624 : vector<256x128xi1>, vector<256x128xf32>
    %select_n3A_650 = arith.select %lt3A_638, %add3A_637, %select_n3A_625 : vector<256x128xi1>, vector<256x128xi32>
    %slice3A_651 = vector.extract_strided_slice %add3A_23 {offsets = [0, 3200], sizes = [1, 128], strides = [1, 1]} : vector<1x4096xf32> to vector<1x128xf32>
    %add3A_652 = vector.broadcast %add3A_12 : vector<256x1xf32> to vector<256x128xf32>
    %add3A_653 = vector.broadcast %slice3A_651 : vector<1x128xf32> to vector<256x128xf32>
    %add3A_654 = arith.addf %add3A_652, %add3A_653 : vector<256x128xf32>
    %slice3A_655 = vector.extract_strided_slice %dot_general3A_25 {offsets = [0, 3200], sizes = [256, 128], strides = [1, 1]} : vector<256x4096xf32> to vector<256x128xf32>
    %mul3A_656 = arith.constant 2.000000e+00 : f32
    %mul3A_657 = vector.broadcast %mul3A_656 : f32 to vector<256x128xf32>
    %mul3A_658 = arith.mulf %mul3A_657, %slice3A_655 : vector<256x128xf32>
    %sub3A_659 = arith.subf %add3A_654, %mul3A_658 : vector<256x128xf32>
    %add3A_660 = arith.constant 3200 : i32
    %add3A_661 = vector.broadcast %add3A_660 : i32 to vector<256x128xi32>
    %add3A_662 = arith.addi %iota3A, %add3A_661 : vector<256x128xi32>
    %lt3A_663 = arith.cmpf olt, %sub3A_659, %select_n3A_649 : vector<256x128xf32>
    %lt3A_664 = arith.cmpf olt, %sub3A_659, %select_n3A_646 : vector<256x128xf32>
    %lt3A_665 = arith.cmpf olt, %sub3A_659, %select_n3A_642 : vector<256x128xf32>
    %select_n3A_666 = arith.select %lt3A_664, %select_n3A_646, %sub3A_659 : vector<256x128xi1>, vector<256x128xf32>
    %select_n3A_667 = arith.select %lt3A_665, %select_n3A_666, %select_n3A_642 : vector<256x128xi1>, vector<256x128xf32>
    %select_n3A_668 = arith.select %lt3A_664, %select_n3A_648, %add3A_662 : vector<256x128xi1>, vector<256x128xi32>
    %select_n3A_669 = arith.select %lt3A_665, %select_n3A_668, %select_n3A_644 : vector<256x128xi1>, vector<256x128xi32>
    %select_n3A_670 = arith.select %lt3A_663, %select_n3A_649, %sub3A_659 : vector<256x128xi1>, vector<256x128xf32>
    %select_n3A_671 = arith.select %lt3A_664, %select_n3A_670, %select_n3A_646 : vector<256x128xi1>, vector<256x128xf32>
    %select_n3A_672 = arith.select %lt3A_663, %select_n3A_650, %add3A_662 : vector<256x128xi1>, vector<256x128xi32>
    %select_n3A_673 = arith.select %lt3A_664, %select_n3A_672, %select_n3A_648 : vector<256x128xi1>, vector<256x128xi32>
    %select_n3A_674 = arith.select %lt3A_663, %sub3A_659, %select_n3A_649 : vector<256x128xi1>, vector<256x128xf32>
    %select_n3A_675 = arith.select %lt3A_663, %add3A_662, %select_n3A_650 : vector<256x128xi1>, vector<256x128xi32>
    %slice3A_676 = vector.extract_strided_slice %add3A_23 {offsets = [0, 3328], sizes = [1, 128], strides = [1, 1]} : vector<1x4096xf32> to vector<1x128xf32>
    %add3A_677 = vector.broadcast %add3A_12 : vector<256x1xf32> to vector<256x128xf32>
    %add3A_678 = vector.broadcast %slice3A_676 : vector<1x128xf32> to vector<256x128xf32>
    %add3A_679 = arith.addf %add3A_677, %add3A_678 : vector<256x128xf32>
    %slice3A_680 = vector.extract_strided_slice %dot_general3A_25 {offsets = [0, 3328], sizes = [256, 128], strides = [1, 1]} : vector<256x4096xf32> to vector<256x128xf32>
    %mul3A_681 = arith.constant 2.000000e+00 : f32
    %mul3A_682 = vector.broadcast %mul3A_681 : f32 to vector<256x128xf32>
    %mul3A_683 = arith.mulf %mul3A_682, %slice3A_680 : vector<256x128xf32>
    %sub3A_684 = arith.subf %add3A_679, %mul3A_683 : vector<256x128xf32>
    %add3A_685 = arith.constant 3328 : i32
    %add3A_686 = vector.broadcast %add3A_685 : i32 to vector<256x128xi32>
    %add3A_687 = arith.addi %iota3A, %add3A_686 : vector<256x128xi32>
    %lt3A_688 = arith.cmpf olt, %sub3A_684, %select_n3A_674 : vector<256x128xf32>
    %lt3A_689 = arith.cmpf olt, %sub3A_684, %select_n3A_671 : vector<256x128xf32>
    %lt3A_690 = arith.cmpf olt, %sub3A_684, %select_n3A_667 : vector<256x128xf32>
    %select_n3A_691 = arith.select %lt3A_689, %select_n3A_671, %sub3A_684 : vector<256x128xi1>, vector<256x128xf32>
    %select_n3A_692 = arith.select %lt3A_690, %select_n3A_691, %select_n3A_667 : vector<256x128xi1>, vector<256x128xf32>
    %select_n3A_693 = arith.select %lt3A_689, %select_n3A_673, %add3A_687 : vector<256x128xi1>, vector<256x128xi32>
    %select_n3A_694 = arith.select %lt3A_690, %select_n3A_693, %select_n3A_669 : vector<256x128xi1>, vector<256x128xi32>
    %select_n3A_695 = arith.select %lt3A_688, %select_n3A_674, %sub3A_684 : vector<256x128xi1>, vector<256x128xf32>
    %select_n3A_696 = arith.select %lt3A_689, %select_n3A_695, %select_n3A_671 : vector<256x128xi1>, vector<256x128xf32>
    %select_n3A_697 = arith.select %lt3A_688, %select_n3A_675, %add3A_687 : vector<256x128xi1>, vector<256x128xi32>
    %select_n3A_698 = arith.select %lt3A_689, %select_n3A_697, %select_n3A_673 : vector<256x128xi1>, vector<256x128xi32>
    %select_n3A_699 = arith.select %lt3A_688, %sub3A_684, %select_n3A_674 : vector<256x128xi1>, vector<256x128xf32>
    %select_n3A_700 = arith.select %lt3A_688, %add3A_687, %select_n3A_675 : vector<256x128xi1>, vector<256x128xi32>
    %slice3A_701 = vector.extract_strided_slice %add3A_23 {offsets = [0, 3456], sizes = [1, 128], strides = [1, 1]} : vector<1x4096xf32> to vector<1x128xf32>
    %add3A_702 = vector.broadcast %add3A_12 : vector<256x1xf32> to vector<256x128xf32>
    %add3A_703 = vector.broadcast %slice3A_701 : vector<1x128xf32> to vector<256x128xf32>
    %add3A_704 = arith.addf %add3A_702, %add3A_703 : vector<256x128xf32>
    %slice3A_705 = vector.extract_strided_slice %dot_general3A_25 {offsets = [0, 3456], sizes = [256, 128], strides = [1, 1]} : vector<256x4096xf32> to vector<256x128xf32>
    %mul3A_706 = arith.constant 2.000000e+00 : f32
    %mul3A_707 = vector.broadcast %mul3A_706 : f32 to vector<256x128xf32>
    %mul3A_708 = arith.mulf %mul3A_707, %slice3A_705 : vector<256x128xf32>
    %sub3A_709 = arith.subf %add3A_704, %mul3A_708 : vector<256x128xf32>
    %add3A_710 = arith.constant 3456 : i32
    %add3A_711 = vector.broadcast %add3A_710 : i32 to vector<256x128xi32>
    %add3A_712 = arith.addi %iota3A, %add3A_711 : vector<256x128xi32>
    %lt3A_713 = arith.cmpf olt, %sub3A_709, %select_n3A_699 : vector<256x128xf32>
    %lt3A_714 = arith.cmpf olt, %sub3A_709, %select_n3A_696 : vector<256x128xf32>
    %lt3A_715 = arith.cmpf olt, %sub3A_709, %select_n3A_692 : vector<256x128xf32>
    %select_n3A_716 = arith.select %lt3A_714, %select_n3A_696, %sub3A_709 : vector<256x128xi1>, vector<256x128xf32>
    %select_n3A_717 = arith.select %lt3A_715, %select_n3A_716, %select_n3A_692 : vector<256x128xi1>, vector<256x128xf32>
    %select_n3A_718 = arith.select %lt3A_714, %select_n3A_698, %add3A_712 : vector<256x128xi1>, vector<256x128xi32>
    %select_n3A_719 = arith.select %lt3A_715, %select_n3A_718, %select_n3A_694 : vector<256x128xi1>, vector<256x128xi32>
    %select_n3A_720 = arith.select %lt3A_713, %select_n3A_699, %sub3A_709 : vector<256x128xi1>, vector<256x128xf32>
    %select_n3A_721 = arith.select %lt3A_714, %select_n3A_720, %select_n3A_696 : vector<256x128xi1>, vector<256x128xf32>
    %select_n3A_722 = arith.select %lt3A_713, %select_n3A_700, %add3A_712 : vector<256x128xi1>, vector<256x128xi32>
    %select_n3A_723 = arith.select %lt3A_714, %select_n3A_722, %select_n3A_698 : vector<256x128xi1>, vector<256x128xi32>
    %select_n3A_724 = arith.select %lt3A_713, %sub3A_709, %select_n3A_699 : vector<256x128xi1>, vector<256x128xf32>
    %select_n3A_725 = arith.select %lt3A_713, %add3A_712, %select_n3A_700 : vector<256x128xi1>, vector<256x128xi32>
    %slice3A_726 = vector.extract_strided_slice %add3A_23 {offsets = [0, 3584], sizes = [1, 128], strides = [1, 1]} : vector<1x4096xf32> to vector<1x128xf32>
    %add3A_727 = vector.broadcast %add3A_12 : vector<256x1xf32> to vector<256x128xf32>
    %add3A_728 = vector.broadcast %slice3A_726 : vector<1x128xf32> to vector<256x128xf32>
    %add3A_729 = arith.addf %add3A_727, %add3A_728 : vector<256x128xf32>
    %slice3A_730 = vector.extract_strided_slice %dot_general3A_25 {offsets = [0, 3584], sizes = [256, 128], strides = [1, 1]} : vector<256x4096xf32> to vector<256x128xf32>
    %mul3A_731 = arith.constant 2.000000e+00 : f32
    %mul3A_732 = vector.broadcast %mul3A_731 : f32 to vector<256x128xf32>
    %mul3A_733 = arith.mulf %mul3A_732, %slice3A_730 : vector<256x128xf32>
    %sub3A_734 = arith.subf %add3A_729, %mul3A_733 : vector<256x128xf32>
    %add3A_735 = arith.constant 3584 : i32
    %add3A_736 = vector.broadcast %add3A_735 : i32 to vector<256x128xi32>
    %add3A_737 = arith.addi %iota3A, %add3A_736 : vector<256x128xi32>
    %lt3A_738 = arith.cmpf olt, %sub3A_734, %select_n3A_724 : vector<256x128xf32>
    %lt3A_739 = arith.cmpf olt, %sub3A_734, %select_n3A_721 : vector<256x128xf32>
    %lt3A_740 = arith.cmpf olt, %sub3A_734, %select_n3A_717 : vector<256x128xf32>
    %select_n3A_741 = arith.select %lt3A_739, %select_n3A_721, %sub3A_734 : vector<256x128xi1>, vector<256x128xf32>
    %select_n3A_742 = arith.select %lt3A_740, %select_n3A_741, %select_n3A_717 : vector<256x128xi1>, vector<256x128xf32>
    %select_n3A_743 = arith.select %lt3A_739, %select_n3A_723, %add3A_737 : vector<256x128xi1>, vector<256x128xi32>
    %select_n3A_744 = arith.select %lt3A_740, %select_n3A_743, %select_n3A_719 : vector<256x128xi1>, vector<256x128xi32>
    %select_n3A_745 = arith.select %lt3A_738, %select_n3A_724, %sub3A_734 : vector<256x128xi1>, vector<256x128xf32>
    %select_n3A_746 = arith.select %lt3A_739, %select_n3A_745, %select_n3A_721 : vector<256x128xi1>, vector<256x128xf32>
    %select_n3A_747 = arith.select %lt3A_738, %select_n3A_725, %add3A_737 : vector<256x128xi1>, vector<256x128xi32>
    %select_n3A_748 = arith.select %lt3A_739, %select_n3A_747, %select_n3A_723 : vector<256x128xi1>, vector<256x128xi32>
    %select_n3A_749 = arith.select %lt3A_738, %sub3A_734, %select_n3A_724 : vector<256x128xi1>, vector<256x128xf32>
    %select_n3A_750 = arith.select %lt3A_738, %add3A_737, %select_n3A_725 : vector<256x128xi1>, vector<256x128xi32>
    %slice3A_751 = vector.extract_strided_slice %add3A_23 {offsets = [0, 3712], sizes = [1, 128], strides = [1, 1]} : vector<1x4096xf32> to vector<1x128xf32>
    %add3A_752 = vector.broadcast %add3A_12 : vector<256x1xf32> to vector<256x128xf32>
    %add3A_753 = vector.broadcast %slice3A_751 : vector<1x128xf32> to vector<256x128xf32>
    %add3A_754 = arith.addf %add3A_752, %add3A_753 : vector<256x128xf32>
    %slice3A_755 = vector.extract_strided_slice %dot_general3A_25 {offsets = [0, 3712], sizes = [256, 128], strides = [1, 1]} : vector<256x4096xf32> to vector<256x128xf32>
    %mul3A_756 = arith.constant 2.000000e+00 : f32
    %mul3A_757 = vector.broadcast %mul3A_756 : f32 to vector<256x128xf32>
    %mul3A_758 = arith.mulf %mul3A_757, %slice3A_755 : vector<256x128xf32>
    %sub3A_759 = arith.subf %add3A_754, %mul3A_758 : vector<256x128xf32>
    %add3A_760 = arith.constant 3712 : i32
    %add3A_761 = vector.broadcast %add3A_760 : i32 to vector<256x128xi32>
    %add3A_762 = arith.addi %iota3A, %add3A_761 : vector<256x128xi32>
    %lt3A_763 = arith.cmpf olt, %sub3A_759, %select_n3A_749 : vector<256x128xf32>
    %lt3A_764 = arith.cmpf olt, %sub3A_759, %select_n3A_746 : vector<256x128xf32>
    %lt3A_765 = arith.cmpf olt, %sub3A_759, %select_n3A_742 : vector<256x128xf32>
    %select_n3A_766 = arith.select %lt3A_764, %select_n3A_746, %sub3A_759 : vector<256x128xi1>, vector<256x128xf32>
    %select_n3A_767 = arith.select %lt3A_765, %select_n3A_766, %select_n3A_742 : vector<256x128xi1>, vector<256x128xf32>
    %select_n3A_768 = arith.select %lt3A_764, %select_n3A_748, %add3A_762 : vector<256x128xi1>, vector<256x128xi32>
    %select_n3A_769 = arith.select %lt3A_765, %select_n3A_768, %select_n3A_744 : vector<256x128xi1>, vector<256x128xi32>
    %select_n3A_770 = arith.select %lt3A_763, %select_n3A_749, %sub3A_759 : vector<256x128xi1>, vector<256x128xf32>
    %select_n3A_771 = arith.select %lt3A_764, %select_n3A_770, %select_n3A_746 : vector<256x128xi1>, vector<256x128xf32>
    %select_n3A_772 = arith.select %lt3A_763, %select_n3A_750, %add3A_762 : vector<256x128xi1>, vector<256x128xi32>
    %select_n3A_773 = arith.select %lt3A_764, %select_n3A_772, %select_n3A_748 : vector<256x128xi1>, vector<256x128xi32>
    %select_n3A_774 = arith.select %lt3A_763, %sub3A_759, %select_n3A_749 : vector<256x128xi1>, vector<256x128xf32>
    %select_n3A_775 = arith.select %lt3A_763, %add3A_762, %select_n3A_750 : vector<256x128xi1>, vector<256x128xi32>
    %slice3A_776 = vector.extract_strided_slice %add3A_23 {offsets = [0, 3840], sizes = [1, 128], strides = [1, 1]} : vector<1x4096xf32> to vector<1x128xf32>
    %add3A_777 = vector.broadcast %add3A_12 : vector<256x1xf32> to vector<256x128xf32>
    %add3A_778 = vector.broadcast %slice3A_776 : vector<1x128xf32> to vector<256x128xf32>
    %add3A_779 = arith.addf %add3A_777, %add3A_778 : vector<256x128xf32>
    %slice3A_780 = vector.extract_strided_slice %dot_general3A_25 {offsets = [0, 3840], sizes = [256, 128], strides = [1, 1]} : vector<256x4096xf32> to vector<256x128xf32>
    %mul3A_781 = arith.constant 2.000000e+00 : f32
    %mul3A_782 = vector.broadcast %mul3A_781 : f32 to vector<256x128xf32>
    %mul3A_783 = arith.mulf %mul3A_782, %slice3A_780 : vector<256x128xf32>
    %sub3A_784 = arith.subf %add3A_779, %mul3A_783 : vector<256x128xf32>
    %add3A_785 = arith.constant 3840 : i32
    %add3A_786 = vector.broadcast %add3A_785 : i32 to vector<256x128xi32>
    %add3A_787 = arith.addi %iota3A, %add3A_786 : vector<256x128xi32>
    %lt3A_788 = arith.cmpf olt, %sub3A_784, %select_n3A_774 : vector<256x128xf32>
    %lt3A_789 = arith.cmpf olt, %sub3A_784, %select_n3A_771 : vector<256x128xf32>
    %lt3A_790 = arith.cmpf olt, %sub3A_784, %select_n3A_767 : vector<256x128xf32>
    %select_n3A_791 = arith.select %lt3A_789, %select_n3A_771, %sub3A_784 : vector<256x128xi1>, vector<256x128xf32>
    %select_n3A_792 = arith.select %lt3A_790, %select_n3A_791, %select_n3A_767 : vector<256x128xi1>, vector<256x128xf32>
    %select_n3A_793 = arith.select %lt3A_789, %select_n3A_773, %add3A_787 : vector<256x128xi1>, vector<256x128xi32>
    %select_n3A_794 = arith.select %lt3A_790, %select_n3A_793, %select_n3A_769 : vector<256x128xi1>, vector<256x128xi32>
    %select_n3A_795 = arith.select %lt3A_788, %select_n3A_774, %sub3A_784 : vector<256x128xi1>, vector<256x128xf32>
    %select_n3A_796 = arith.select %lt3A_789, %select_n3A_795, %select_n3A_771 : vector<256x128xi1>, vector<256x128xf32>
    %select_n3A_797 = arith.select %lt3A_788, %select_n3A_775, %add3A_787 : vector<256x128xi1>, vector<256x128xi32>
    %select_n3A_798 = arith.select %lt3A_789, %select_n3A_797, %select_n3A_773 : vector<256x128xi1>, vector<256x128xi32>
    %select_n3A_799 = arith.select %lt3A_788, %sub3A_784, %select_n3A_774 : vector<256x128xi1>, vector<256x128xf32>
    %select_n3A_800 = arith.select %lt3A_788, %add3A_787, %select_n3A_775 : vector<256x128xi1>, vector<256x128xi32>
    %slice3A_801 = vector.extract_strided_slice %add3A_23 {offsets = [0, 3968], sizes = [1, 128], strides = [1, 1]} : vector<1x4096xf32> to vector<1x128xf32>
    %add3A_802 = vector.broadcast %add3A_12 : vector<256x1xf32> to vector<256x128xf32>
    %add3A_803 = vector.broadcast %slice3A_801 : vector<1x128xf32> to vector<256x128xf32>
    %add3A_804 = arith.addf %add3A_802, %add3A_803 : vector<256x128xf32>
    %slice3A_805 = vector.extract_strided_slice %dot_general3A_25 {offsets = [0, 3968], sizes = [256, 128], strides = [1, 1]} : vector<256x4096xf32> to vector<256x128xf32>
    %mul3A_806 = arith.constant 2.000000e+00 : f32
    %mul3A_807 = vector.broadcast %mul3A_806 : f32 to vector<256x128xf32>
    %mul3A_808 = arith.mulf %mul3A_807, %slice3A_805 : vector<256x128xf32>
    %sub3A_809 = arith.subf %add3A_804, %mul3A_808 : vector<256x128xf32>
    %add3A_810 = arith.constant 3968 : i32
    %add3A_811 = vector.broadcast %add3A_810 : i32 to vector<256x128xi32>
    %add3A_812 = arith.addi %iota3A, %add3A_811 : vector<256x128xi32>
    %lt3A_813 = arith.cmpf olt, %sub3A_809, %select_n3A_799 : vector<256x128xf32>
    %lt3A_814 = arith.cmpf olt, %sub3A_809, %select_n3A_796 : vector<256x128xf32>
    %lt3A_815 = arith.cmpf olt, %sub3A_809, %select_n3A_792 : vector<256x128xf32>
    %select_n3A_816 = arith.select %lt3A_814, %select_n3A_796, %sub3A_809 : vector<256x128xi1>, vector<256x128xf32>
    %select_n3A_817 = arith.select %lt3A_815, %select_n3A_816, %select_n3A_792 : vector<256x128xi1>, vector<256x128xf32>
    %select_n3A_818 = arith.select %lt3A_814, %select_n3A_798, %add3A_812 : vector<256x128xi1>, vector<256x128xi32>
    %select_n3A_819 = arith.select %lt3A_815, %select_n3A_818, %select_n3A_794 : vector<256x128xi1>, vector<256x128xi32>
    %select_n3A_820 = arith.select %lt3A_813, %select_n3A_799, %sub3A_809 : vector<256x128xi1>, vector<256x128xf32>
    %select_n3A_821 = arith.select %lt3A_814, %select_n3A_820, %select_n3A_796 : vector<256x128xi1>, vector<256x128xf32>
    %select_n3A_822 = arith.select %lt3A_813, %select_n3A_800, %add3A_812 : vector<256x128xi1>, vector<256x128xi32>
    %select_n3A_823 = arith.select %lt3A_814, %select_n3A_822, %select_n3A_798 : vector<256x128xi1>, vector<256x128xi32>
    %select_n3A_824 = arith.select %lt3A_813, %sub3A_809, %select_n3A_799 : vector<256x128xi1>, vector<256x128xf32>
    %select_n3A_825 = arith.select %lt3A_813, %add3A_812, %select_n3A_800 : vector<256x128xi1>, vector<256x128xi32>
    %concatenate3A = tpu.concatenate %select_n3A_824, %select_n3A_821, %select_n3A_817 in 1 : vector<256x128xf32>, vector<256x128xf32>, vector<256x128xf32> -> vector<256x384xf32>
    %concatenate3A_826 = tpu.concatenate %select_n3A_825, %select_n3A_823, %select_n3A_819 in 1 : vector<256x128xi32>, vector<256x128xi32>, vector<256x128xi32> -> vector<256x384xi32>
    %reduce_min3A = arith.constant dense<0x7F800000> : vector<256xf32>
    %reduce_min3A_827 = vector.multi_reduction <minimumf>, %concatenate3A, %reduce_min3A [1] : vector<256x384xf32> to vector<256xf32>
    %broadcast_in_dim3A_828 = vector.shape_cast %reduce_min3A_827 : vector<256xf32> to vector<256x1xf32>
    %eq3A = vector.broadcast %broadcast_in_dim3A_828 : vector<256x1xf32> to vector<256x384xf32>
    %eq3A_829 = arith.cmpf oeq, %concatenate3A, %eq3A : vector<256x384xf32>
    %jit3A = arith.constant 1073741824 : i32
    %broadcast_in_dim3A_830 = vector.broadcast %jit3A : i32 to vector<256x384xi32>
    %select_n3A_831 = arith.select %eq3A_829, %concatenate3A_826, %broadcast_in_dim3A_830 : vector<256x384xi1>, vector<256x384xi32>
    %reduce_min3A_832 = arith.constant dense<2147483647> : vector<256xi32>
    %reduce_min3A_833 = vector.multi_reduction <minsi>, %select_n3A_831, %reduce_min3A_832 [1] : vector<256x384xi32> to vector<256xi32>
    %broadcast_in_dim3A_834 = vector.shape_cast %reduce_min3A_833 : vector<256xi32> to vector<256x1xi32>
    %eq3A_835 = vector.broadcast %broadcast_in_dim3A_828 : vector<256x1xf32> to vector<256x384xf32>
    %eq3A_836 = arith.cmpf oeq, %concatenate3A, %eq3A_835 : vector<256x384xf32>
    %eq3A_837 = vector.broadcast %broadcast_in_dim3A_834 : vector<256x1xi32> to vector<256x384xi32>
    %eq3A_838 = arith.cmpi eq, %concatenate3A_826, %eq3A_837 : vector<256x384xi32>
    %and3A = arith.andi %eq3A_836, %eq3A_838 : vector<256x384xi1>
    %jit3A_839 = arith.constant 0x7F800000 : f32
    %broadcast_in_dim3A_840 = vector.broadcast %jit3A_839 : f32 to vector<256x384xf32>
    %select_n3A_841 = arith.select %and3A, %broadcast_in_dim3A_840, %concatenate3A : vector<256x384xi1>, vector<256x384xf32>
    %reduce_min3A_842 = arith.constant dense<0x7F800000> : vector<256xf32>
    %reduce_min3A_843 = vector.multi_reduction <minimumf>, %select_n3A_841, %reduce_min3A_842 [1] : vector<256x384xf32> to vector<256xf32>
    %broadcast_in_dim3A_844 = vector.shape_cast %reduce_min3A_843 : vector<256xf32> to vector<256x1xf32>
    %eq3A_845 = vector.broadcast %broadcast_in_dim3A_844 : vector<256x1xf32> to vector<256x384xf32>
    %eq3A_846 = arith.cmpf oeq, %select_n3A_841, %eq3A_845 : vector<256x384xf32>
    %jit3A_847 = arith.constant 1073741824 : i32
    %broadcast_in_dim3A_848 = vector.broadcast %jit3A_847 : i32 to vector<256x384xi32>
    %select_n3A_849 = arith.select %eq3A_846, %concatenate3A_826, %broadcast_in_dim3A_848 : vector<256x384xi1>, vector<256x384xi32>
    %reduce_min3A_850 = arith.constant dense<2147483647> : vector<256xi32>
    %reduce_min3A_851 = vector.multi_reduction <minsi>, %select_n3A_849, %reduce_min3A_850 [1] : vector<256x384xi32> to vector<256xi32>
    %broadcast_in_dim3A_852 = vector.shape_cast %reduce_min3A_851 : vector<256xi32> to vector<256x1xi32>
    %eq3A_853 = vector.broadcast %broadcast_in_dim3A_844 : vector<256x1xf32> to vector<256x384xf32>
    %eq3A_854 = arith.cmpf oeq, %select_n3A_841, %eq3A_853 : vector<256x384xf32>
    %eq3A_855 = vector.broadcast %broadcast_in_dim3A_852 : vector<256x1xi32> to vector<256x384xi32>
    %eq3A_856 = arith.cmpi eq, %concatenate3A_826, %eq3A_855 : vector<256x384xi32>
    %and3A_857 = arith.andi %eq3A_854, %eq3A_856 : vector<256x384xi1>
    %jit3A_858 = arith.constant 0x7F800000 : f32
    %broadcast_in_dim3A_859 = vector.broadcast %jit3A_858 : f32 to vector<256x384xf32>
    %select_n3A_860 = arith.select %and3A_857, %broadcast_in_dim3A_859, %select_n3A_841 : vector<256x384xi1>, vector<256x384xf32>
    %reduce_min3A_861 = arith.constant dense<0x7F800000> : vector<256xf32>
    %reduce_min3A_862 = vector.multi_reduction <minimumf>, %select_n3A_860, %reduce_min3A_861 [1] : vector<256x384xf32> to vector<256xf32>
    %broadcast_in_dim3A_863 = vector.shape_cast %reduce_min3A_862 : vector<256xf32> to vector<256x1xf32>
    %eq3A_864 = vector.broadcast %broadcast_in_dim3A_863 : vector<256x1xf32> to vector<256x384xf32>
    %eq3A_865 = arith.cmpf oeq, %select_n3A_860, %eq3A_864 : vector<256x384xf32>
    %jit3A_866 = arith.constant 1073741824 : i32
    %broadcast_in_dim3A_867 = vector.broadcast %jit3A_866 : i32 to vector<256x384xi32>
    %select_n3A_868 = arith.select %eq3A_865, %concatenate3A_826, %broadcast_in_dim3A_867 : vector<256x384xi1>, vector<256x384xi32>
    %reduce_min3A_869 = arith.constant dense<2147483647> : vector<256xi32>
    %reduce_min3A_870 = vector.multi_reduction <minsi>, %select_n3A_868, %reduce_min3A_869 [1] : vector<256x384xi32> to vector<256xi32>
    %broadcast_in_dim3A_871 = vector.shape_cast %reduce_min3A_870 : vector<256xi32> to vector<256x1xi32>
    %concatenate3A_872 = tpu.concatenate %broadcast_in_dim3A_834, %broadcast_in_dim3A_852, %broadcast_in_dim3A_871 in 1 : vector<256x1xi32>, vector<256x1xi32>, vector<256x1xi32> -> vector<256x3xi32>
    %swap3A = arith.constant 0 : index
    %swap3A_873 = arith.constant 0 : index
    %swap3A_874 = vector.load %arg3[%swap3A, %swap3A_873] : memref<256x3xi32, #tpu.memory_space<vmem>>, vector<256x3xi32>
    tpu.vector_store %arg3[%swap3A, %swap3A_873], %concatenate3A_872 {strides = array<i32>} : memref<256x3xi32, #tpu.memory_space<vmem>>, vector<256x3xi32>,
    return
  }
  func.func @transform_0(%arg0: i32) -> (i32, i32) {
    %c0_i32 = arith.constant 0 : i32
    %c0_i32_0 = arith.constant 0 : i32
    return %arg0, %c0_i32 : i32, i32
  }
  func.func @transform_1(%arg0: i32) -> (i32, i32) {
    %c0_i32 = arith.constant 0 : i32
    %c0_i32_0 = arith.constant 0 : i32
    %c0_i32_1 = arith.constant 0 : i32
    return %c0_i32, %c0_i32_0 : i32, i32
  }
  func.func @transform_2(%arg0: i32) -> (i32, i32) {
    %c0_i32 = arith.constant 0 : i32
    %c0_i32_0 = arith.constant 0 : i32
    return %arg0, %c0_i32 : i32, i32
  }
}

module attributes {stable_mosaic.version = 14 : i64} {
  func.func @_mlp2_body(%arg0: i32, %arg1: memref<256x256xf32, #tpu.memory_space<vmem>>, %arg2: memref<1x256xf32, #tpu.memory_space<vmem>>, %arg3: memref<1x256xf32, #tpu.memory_space<vmem>>, %arg4: memref<1x256xf32, #tpu.memory_space<vmem>>, %arg5: memref<1x256xf32, #tpu.memory_space<vmem>>, %arg6: memref<256x256xf32, #tpu.memory_space<vmem>>, %arg7: memref<256x256xf32, #tpu.memory_space<vmem>>, %arg8: memref<1x256xf32, #tpu.memory_space<vmem>>, %arg9: memref<1x256xf32, #tpu.memory_space<vmem>>) attributes {dimension_semantics = [#tpu.dimension_semantics<arbitrary>], iteration_bounds = array<i64: 64>, scalar_prefetch = 0 : i64, scratch_operands = 0 : i64, tpu.core_type = #tpu.core_type<tc>, window_params = [{transform_indices = @transform_0, window_bounds = array<i64: 256, 256>}, {pipeline_mode = #tpu.pipeline_mode<synchronous>, transform_indices = @transform_1, window_bounds = array<i64: 1, 256>}, {pipeline_mode = #tpu.pipeline_mode<synchronous>, transform_indices = @transform_2, window_bounds = array<i64: 1, 256>}, {pipeline_mode = #tpu.pipeline_mode<synchronous>, transform_indices = @transform_3, window_bounds = array<i64: 1, 256>}, {pipeline_mode = #tpu.pipeline_mode<synchronous>, transform_indices = @transform_4, window_bounds = array<i64: 1, 256>}, {pipeline_mode = #tpu.pipeline_mode<synchronous>, transform_indices = @transform_5, window_bounds = array<i64: 256, 256>}, {transform_indices = @transform_6, window_bounds = array<i64: 256, 256>}, {pipeline_mode = #tpu.pipeline_mode<synchronous>, transform_indices = @transform_7, window_bounds = array<i64: 1, 256>}, {pipeline_mode = #tpu.pipeline_mode<synchronous>, transform_indices = @transform_8, window_bounds = array<i64: 1, 256>}]} {
    %get3A = arith.constant 0 : index
    %get3A_0 = arith.constant 0 : index
    %get3A_1 = vector.load %arg2[%get3A, %get3A_0] : memref<1x256xf32, #tpu.memory_space<vmem>>, vector<1x256xf32>
    %get3A_2 = arith.constant 0 : index
    %get3A_3 = arith.constant 0 : index
    %get3A_4 = vector.load %arg3[%get3A_2, %get3A_3] : memref<1x256xf32, #tpu.memory_space<vmem>>, vector<1x256xf32>
    %get3A_5 = arith.constant 0 : index
    %get3A_6 = arith.constant 0 : index
    %get3A_7 = vector.load %arg4[%get3A_5, %get3A_6] : memref<1x256xf32, #tpu.memory_space<vmem>>, vector<1x256xf32>
    %get3A_8 = arith.constant 0 : index
    %get3A_9 = arith.constant 0 : index
    %get3A_10 = vector.load %arg5[%get3A_8, %get3A_9] : memref<1x256xf32, #tpu.memory_space<vmem>>, vector<1x256xf32>
    %mul3A = arith.constant 6.10351563E-5 : f32
    %mul3A_11 = vector.broadcast %mul3A : f32 to vector<1x256xf32>
    %mul3A_12 = arith.mulf %get3A_1, %mul3A_11 : vector<1x256xf32>
    %mul3A_13 = arith.constant 6.10351563E-5 : f32
    %mul3A_14 = vector.broadcast %mul3A_13 : f32 to vector<1x256xf32>
    %mul3A_15 = arith.mulf %get3A_4, %mul3A_14 : vector<1x256xf32>
    %mul3A_16 = arith.mulf %mul3A_12, %mul3A_12 : vector<1x256xf32>
    %sub3A = arith.subf %mul3A_15, %mul3A_16 : vector<1x256xf32>
    %add3A = arith.constant 9.99999974E-6 : f32
    %add3A_17 = vector.broadcast %add3A : f32 to vector<1x256xf32>
    %add3A_18 = arith.addf %sub3A, %add3A_17 : vector<1x256xf32>
    %sqrt3A = math.sqrt %add3A_18 : vector<1x256xf32>
    %div3A = arith.divf %get3A_7, %sqrt3A : vector<1x256xf32>
    %mul3A_19 = arith.mulf %mul3A_12, %div3A : vector<1x256xf32>
    %sub3A_20 = arith.subf %get3A_10, %mul3A_19 : vector<1x256xf32>
    %get3A_21 = arith.constant 0 : index
    %get3A_22 = arith.constant 0 : index
    %get3A_23 = vector.load %arg1[%get3A_21, %get3A_22] : memref<256x256xf32, #tpu.memory_space<vmem>>, vector<256x256xf32>
    %mul3A_24 = vector.broadcast %div3A : vector<1x256xf32> to vector<256x256xf32>
    %mul3A_25 = arith.mulf %get3A_23, %mul3A_24 : vector<256x256xf32>
    %add3A_26 = vector.broadcast %sub3A_20 : vector<1x256xf32> to vector<256x256xf32>
    %add3A_27 = arith.addf %mul3A_25, %add3A_26 : vector<256x256xf32>
    %max3A = arith.constant 0.000000e+00 : f32
    %max3A_28 = vector.broadcast %max3A : f32 to vector<256x256xf32>
    %max3A_29 = arith.maximumf %add3A_27, %max3A_28 : vector<256x256xf32>
    %get3A_30 = arith.constant 0 : index
    %get3A_31 = arith.constant 0 : index
    %get3A_32 = vector.load %arg6[%get3A_30, %get3A_31] : memref<256x256xf32, #tpu.memory_space<vmem>>, vector<256x256xf32>
    %dot_general3A = arith.constant dense<0.000000e+00> : vector<256x256xf32>
    %dot_general3A_33 = tpu.matmul %max3A_29, %get3A_32, %dot_general3A {dimension_numbers = #tpu.dot_dimension_numbers<[1], [0], [0], [1], [0, 0, 1, 1], [], []>, transpose_lhs_hint = false} : vector<256x256xf32>, vector<256x256xf32>, vector<256x256xf32> -> vector<256x256xf32>
    %swap3A = arith.constant 0 : index
    %swap3A_34 = arith.constant 0 : index
    %swap3A_35 = vector.load %arg7[%swap3A, %swap3A_34] : memref<256x256xf32, #tpu.memory_space<vmem>>, vector<256x256xf32>
    tpu.vector_store %arg7[%swap3A, %swap3A_34], %dot_general3A_33 {strides = array<i32>} : memref<256x256xf32, #tpu.memory_space<vmem>>, vector<256x256xf32>,
    %eq3A = arith.constant 0 : i32
    %eq3A_36 = arith.cmpi eq, %arg0, %eq3A : i32
    %convert_element_type3A = arith.extui %eq3A_36 : i1 to i32
    %cond3A = arith.constant 0 : i32
    %cond3A_37 = arith.cmpi ne, %convert_element_type3A, %cond3A : i32
    scf.if %cond3A_37 {
      %broadcast_in_dim3A_57 = arith.constant 0.000000e+00 : f32
      %broadcast_in_dim3A_58 = vector.broadcast %broadcast_in_dim3A_57 : f32 to vector<1x256xf32>
      %swap3A_59 = arith.constant 0 : index
      %swap3A_60 = arith.constant 0 : index
      %swap3A_61 = vector.load %arg8[%swap3A_59, %swap3A_60] : memref<1x256xf32, #tpu.memory_space<vmem>>, vector<1x256xf32>
      tpu.vector_store %arg8[%swap3A_59, %swap3A_60], %broadcast_in_dim3A_58 {strides = array<i32>} : memref<1x256xf32, #tpu.memory_space<vmem>>, vector<1x256xf32>,
      %broadcast_in_dim3A_62 = arith.constant 0.000000e+00 : f32
      %broadcast_in_dim3A_63 = vector.broadcast %broadcast_in_dim3A_62 : f32 to vector<1x256xf32>
      %swap3A_64 = arith.constant 0 : index
      %swap3A_65 = arith.constant 0 : index
      %swap3A_66 = vector.load %arg9[%swap3A_64, %swap3A_65] : memref<1x256xf32, #tpu.memory_space<vmem>>, vector<1x256xf32>
      tpu.vector_store %arg9[%swap3A_64, %swap3A_65], %broadcast_in_dim3A_63 {strides = array<i32>} : memref<1x256xf32, #tpu.memory_space<vmem>>, vector<1x256xf32>,
    } else {
    }
    %get3A_38 = arith.constant 0 : index
    %get3A_39 = arith.constant 0 : index
    %get3A_40 = vector.load %arg8[%get3A_38, %get3A_39] : memref<1x256xf32, #tpu.memory_space<vmem>>, vector<1x256xf32>
    %reduce_sum3A = arith.constant dense<0.000000e+00> : vector<256xf32>
    %reduce_sum3A_41 = vector.multi_reduction <add>, %dot_general3A_33, %reduce_sum3A [0] : vector<256x256xf32> to vector<256xf32>
    %broadcast_in_dim3A = vector.shape_cast %reduce_sum3A_41 : vector<256xf32> to vector<1x256xf32>
    %add3A_42 = arith.addf %get3A_40, %broadcast_in_dim3A : vector<1x256xf32>
    %swap3A_43 = arith.constant 0 : index
    %swap3A_44 = arith.constant 0 : index
    %swap3A_45 = vector.load %arg8[%swap3A_43, %swap3A_44] : memref<1x256xf32, #tpu.memory_space<vmem>>, vector<1x256xf32>
    tpu.vector_store %arg8[%swap3A_43, %swap3A_44], %add3A_42 {strides = array<i32>} : memref<1x256xf32, #tpu.memory_space<vmem>>, vector<1x256xf32>,
    %get3A_46 = arith.constant 0 : index
    %get3A_47 = arith.constant 0 : index
    %get3A_48 = vector.load %arg9[%get3A_46, %get3A_47] : memref<1x256xf32, #tpu.memory_space<vmem>>, vector<1x256xf32>
    %mul3A_49 = arith.mulf %dot_general3A_33, %dot_general3A_33 : vector<256x256xf32>
    %reduce_sum3A_50 = arith.constant dense<0.000000e+00> : vector<256xf32>
    %reduce_sum3A_51 = vector.multi_reduction <add>, %mul3A_49, %reduce_sum3A_50 [0] : vector<256x256xf32> to vector<256xf32>
    %broadcast_in_dim3A_52 = vector.shape_cast %reduce_sum3A_51 : vector<256xf32> to vector<1x256xf32>
    %add3A_53 = arith.addf %get3A_48, %broadcast_in_dim3A_52 : vector<1x256xf32>
    %swap3A_54 = arith.constant 0 : index
    %swap3A_55 = arith.constant 0 : index
    %swap3A_56 = vector.load %arg9[%swap3A_54, %swap3A_55] : memref<1x256xf32, #tpu.memory_space<vmem>>, vector<1x256xf32>
    tpu.vector_store %arg9[%swap3A_54, %swap3A_55], %add3A_53 {strides = array<i32>} : memref<1x256xf32, #tpu.memory_space<vmem>>, vector<1x256xf32>,
    return
  }
  func.func @transform_0(%arg0: i32) -> (i32, i32) {
    %c0_i32 = arith.constant 0 : i32
    %c0_i32_0 = arith.constant 0 : i32
    return %arg0, %c0_i32 : i32, i32
  }
  func.func @transform_1(%arg0: i32) -> (i32, i32) {
    %c0_i32 = arith.constant 0 : i32
    %c0_i32_0 = arith.constant 0 : i32
    %c0_i32_1 = arith.constant 0 : i32
    return %c0_i32, %c0_i32_0 : i32, i32
  }
  func.func @transform_2(%arg0: i32) -> (i32, i32) {
    %c0_i32 = arith.constant 0 : i32
    %c0_i32_0 = arith.constant 0 : i32
    %c0_i32_1 = arith.constant 0 : i32
    return %c0_i32, %c0_i32_0 : i32, i32
  }
  func.func @transform_3(%arg0: i32) -> (i32, i32) {
    %c0_i32 = arith.constant 0 : i32
    %c0_i32_0 = arith.constant 0 : i32
    %c0_i32_1 = arith.constant 0 : i32
    return %c0_i32, %c0_i32_0 : i32, i32
  }
  func.func @transform_4(%arg0: i32) -> (i32, i32) {
    %c0_i32 = arith.constant 0 : i32
    %c0_i32_0 = arith.constant 0 : i32
    %c0_i32_1 = arith.constant 0 : i32
    return %c0_i32, %c0_i32_0 : i32, i32
  }
  func.func @transform_5(%arg0: i32) -> (i32, i32) {
    %c0_i32 = arith.constant 0 : i32
    %c0_i32_0 = arith.constant 0 : i32
    %c0_i32_1 = arith.constant 0 : i32
    return %c0_i32, %c0_i32_0 : i32, i32
  }
  func.func @transform_6(%arg0: i32) -> (i32, i32) {
    %c0_i32 = arith.constant 0 : i32
    %c0_i32_0 = arith.constant 0 : i32
    return %arg0, %c0_i32 : i32, i32
  }
  func.func @transform_7(%arg0: i32) -> (i32, i32) {
    %c0_i32 = arith.constant 0 : i32
    %c0_i32_0 = arith.constant 0 : i32
    %c0_i32_1 = arith.constant 0 : i32
    return %c0_i32, %c0_i32_0 : i32, i32
  }
  func.func @transform_8(%arg0: i32) -> (i32, i32) {
    %c0_i32 = arith.constant 0 : i32
    %c0_i32_0 = arith.constant 0 : i32
    %c0_i32_1 = arith.constant 0 : i32
    return %c0_i32, %c0_i32_0 : i32, i32
  }
}

module attributes {stable_mosaic.version = 14 : i64} {
  func.func @_mlp1_body(%arg0: i32, %arg1: memref<3x256x384xf32, #tpu.memory_space<vmem>>, %arg2: memref<256x3xf32, #tpu.memory_space<vmem>>, %arg3: memref<128x256xf32, #tpu.memory_space<vmem>>, %arg4: memref<256x256xf32, #tpu.memory_space<vmem>>, %arg5: memref<128x256xf32, #tpu.memory_space<vmem>>, %arg6: memref<256x256xf32, #tpu.memory_space<vmem>>, %arg7: memref<1x256xf32, #tpu.memory_space<vmem>>, %arg8: memref<1x256xf32, #tpu.memory_space<vmem>>) attributes {dimension_semantics = [#tpu.dimension_semantics<arbitrary>], iteration_bounds = array<i64: 64>, scalar_prefetch = 0 : i64, scratch_operands = 0 : i64, tpu.core_type = #tpu.core_type<tc>, window_params = [{transform_indices = @transform_0, window_bounds = array<i64: 3, 256, 384>}, {transform_indices = @transform_1, window_bounds = array<i64: 256, 3>}, {transform_indices = @transform_2, window_bounds = array<i64: 128, 256>}, {pipeline_mode = #tpu.pipeline_mode<synchronous>, transform_indices = @transform_3, window_bounds = array<i64: 256, 256>}, {pipeline_mode = #tpu.pipeline_mode<synchronous>, transform_indices = @transform_4, window_bounds = array<i64: 128, 256>}, {transform_indices = @transform_5, window_bounds = array<i64: 256, 256>}, {pipeline_mode = #tpu.pipeline_mode<synchronous>, transform_indices = @transform_6, window_bounds = array<i64: 1, 256>}, {pipeline_mode = #tpu.pipeline_mode<synchronous>, transform_indices = @transform_7, window_bounds = array<i64: 1, 256>}]} {
    %get3A = arith.constant 0 : index
    %get3A_0 = arith.constant 0 : index
    %get3A_1 = vector.load %arg2[%get3A, %get3A_0] : memref<256x3xf32, #tpu.memory_space<vmem>>, vector<256x3xf32>
    %slice3A = vector.extract_strided_slice %get3A_1 {offsets = [0, 0], sizes = [256, 1], strides = [1, 1]} : vector<256x3xf32> to vector<256x1xf32>
    %get3A_2 = arith.constant 0 : index
    %get3A_3 = arith.constant 0 : index
    %get3A_4 = arith.constant 256 : index
    %get3A_5 = vector.load %arg1[%get3A_2, %get3A_3, %get3A_4] : memref<3x256x384xf32, #tpu.memory_space<vmem>>, vector<1x256x1xf32>
    %get3A_6 = vector.shape_cast %get3A_5 : vector<1x256x1xf32> to vector<256x1xf32>
    %sub3A = arith.subf %slice3A, %get3A_6 : vector<256x1xf32>
    %slice3A_7 = vector.extract_strided_slice %get3A_1 {offsets = [0, 1], sizes = [256, 1], strides = [1, 1]} : vector<256x3xf32> to vector<256x1xf32>
    %get3A_8 = arith.constant 0 : index
    %get3A_9 = arith.constant 0 : index
    %get3A_10 = arith.constant 257 : index
    %get3A_11 = vector.load %arg1[%get3A_8, %get3A_9, %get3A_10] : memref<3x256x384xf32, #tpu.memory_space<vmem>>, vector<1x256x1xf32>
    %get3A_12 = vector.shape_cast %get3A_11 : vector<1x256x1xf32> to vector<256x1xf32>
    %sub3A_13 = arith.subf %slice3A_7, %get3A_12 : vector<256x1xf32>
    %slice3A_14 = vector.extract_strided_slice %get3A_1 {offsets = [0, 2], sizes = [256, 1], strides = [1, 1]} : vector<256x3xf32> to vector<256x1xf32>
    %get3A_15 = arith.constant 0 : index
    %get3A_16 = arith.constant 0 : index
    %get3A_17 = arith.constant 258 : index
    %get3A_18 = vector.load %arg1[%get3A_15, %get3A_16, %get3A_17] : memref<3x256x384xf32, #tpu.memory_space<vmem>>, vector<1x256x1xf32>
    %get3A_19 = vector.shape_cast %get3A_18 : vector<1x256x1xf32> to vector<256x1xf32>
    %sub3A_20 = arith.subf %slice3A_14, %get3A_19 : vector<256x1xf32>
    %mul3A = arith.mulf %sub3A, %sub3A : vector<256x1xf32>
    %mul3A_21 = arith.mulf %sub3A_13, %sub3A_13 : vector<256x1xf32>
    %add3A = arith.addf %mul3A, %mul3A_21 : vector<256x1xf32>
    %mul3A_22 = arith.mulf %sub3A_20, %sub3A_20 : vector<256x1xf32>
    %add3A_23 = arith.addf %add3A, %mul3A_22 : vector<256x1xf32>
    %sqrt3A = math.sqrt %add3A_23 : vector<256x1xf32>
    %max3A = arith.constant 9.99999993E-9 : f32
    %max3A_24 = vector.broadcast %max3A : f32 to vector<256x1xf32>
    %max3A_25 = arith.maximumf %sqrt3A, %max3A_24 : vector<256x1xf32>
    %div3A = arith.constant 1.000000e+00 : f32
    %div3A_26 = vector.broadcast %div3A : f32 to vector<256x1xf32>
    %div3A_27 = arith.divf %div3A_26, %max3A_25 : vector<256x1xf32>
    %slice3A_28 = vector.extract_strided_slice %get3A_1 {offsets = [0, 0], sizes = [256, 1], strides = [1, 1]} : vector<256x3xf32> to vector<256x1xf32>
    %get3A_29 = arith.constant 1 : index
    %get3A_30 = arith.constant 0 : index
    %get3A_31 = arith.constant 256 : index
    %get3A_32 = vector.load %arg1[%get3A_29, %get3A_30, %get3A_31] : memref<3x256x384xf32, #tpu.memory_space<vmem>>, vector<1x256x1xf32>
    %get3A_33 = vector.shape_cast %get3A_32 : vector<1x256x1xf32> to vector<256x1xf32>
    %sub3A_34 = arith.subf %slice3A_28, %get3A_33 : vector<256x1xf32>
    %slice3A_35 = vector.extract_strided_slice %get3A_1 {offsets = [0, 1], sizes = [256, 1], strides = [1, 1]} : vector<256x3xf32> to vector<256x1xf32>
    %get3A_36 = arith.constant 1 : index
    %get3A_37 = arith.constant 0 : index
    %get3A_38 = arith.constant 257 : index
    %get3A_39 = vector.load %arg1[%get3A_36, %get3A_37, %get3A_38] : memref<3x256x384xf32, #tpu.memory_space<vmem>>, vector<1x256x1xf32>
    %get3A_40 = vector.shape_cast %get3A_39 : vector<1x256x1xf32> to vector<256x1xf32>
    %sub3A_41 = arith.subf %slice3A_35, %get3A_40 : vector<256x1xf32>
    %slice3A_42 = vector.extract_strided_slice %get3A_1 {offsets = [0, 2], sizes = [256, 1], strides = [1, 1]} : vector<256x3xf32> to vector<256x1xf32>
    %get3A_43 = arith.constant 1 : index
    %get3A_44 = arith.constant 0 : index
    %get3A_45 = arith.constant 258 : index
    %get3A_46 = vector.load %arg1[%get3A_43, %get3A_44, %get3A_45] : memref<3x256x384xf32, #tpu.memory_space<vmem>>, vector<1x256x1xf32>
    %get3A_47 = vector.shape_cast %get3A_46 : vector<1x256x1xf32> to vector<256x1xf32>
    %sub3A_48 = arith.subf %slice3A_42, %get3A_47 : vector<256x1xf32>
    %mul3A_49 = arith.mulf %sub3A_34, %sub3A_34 : vector<256x1xf32>
    %mul3A_50 = arith.mulf %sub3A_41, %sub3A_41 : vector<256x1xf32>
    %add3A_51 = arith.addf %mul3A_49, %mul3A_50 : vector<256x1xf32>
    %mul3A_52 = arith.mulf %sub3A_48, %sub3A_48 : vector<256x1xf32>
    %add3A_53 = arith.addf %add3A_51, %mul3A_52 : vector<256x1xf32>
    %sqrt3A_54 = math.sqrt %add3A_53 : vector<256x1xf32>
    %max3A_55 = arith.constant 9.99999993E-9 : f32
    %max3A_56 = vector.broadcast %max3A_55 : f32 to vector<256x1xf32>
    %max3A_57 = arith.maximumf %sqrt3A_54, %max3A_56 : vector<256x1xf32>
    %div3A_58 = arith.constant 1.000000e+00 : f32
    %div3A_59 = vector.broadcast %div3A_58 : f32 to vector<256x1xf32>
    %div3A_60 = arith.divf %div3A_59, %max3A_57 : vector<256x1xf32>
    %slice3A_61 = vector.extract_strided_slice %get3A_1 {offsets = [0, 0], sizes = [256, 1], strides = [1, 1]} : vector<256x3xf32> to vector<256x1xf32>
    %get3A_62 = arith.constant 2 : index
    %get3A_63 = arith.constant 0 : index
    %get3A_64 = arith.constant 256 : index
    %get3A_65 = vector.load %arg1[%get3A_62, %get3A_63, %get3A_64] : memref<3x256x384xf32, #tpu.memory_space<vmem>>, vector<1x256x1xf32>
    %get3A_66 = vector.shape_cast %get3A_65 : vector<1x256x1xf32> to vector<256x1xf32>
    %sub3A_67 = arith.subf %slice3A_61, %get3A_66 : vector<256x1xf32>
    %slice3A_68 = vector.extract_strided_slice %get3A_1 {offsets = [0, 1], sizes = [256, 1], strides = [1, 1]} : vector<256x3xf32> to vector<256x1xf32>
    %get3A_69 = arith.constant 2 : index
    %get3A_70 = arith.constant 0 : index
    %get3A_71 = arith.constant 257 : index
    %get3A_72 = vector.load %arg1[%get3A_69, %get3A_70, %get3A_71] : memref<3x256x384xf32, #tpu.memory_space<vmem>>, vector<1x256x1xf32>
    %get3A_73 = vector.shape_cast %get3A_72 : vector<1x256x1xf32> to vector<256x1xf32>
    %sub3A_74 = arith.subf %slice3A_68, %get3A_73 : vector<256x1xf32>
    %slice3A_75 = vector.extract_strided_slice %get3A_1 {offsets = [0, 2], sizes = [256, 1], strides = [1, 1]} : vector<256x3xf32> to vector<256x1xf32>
    %get3A_76 = arith.constant 2 : index
    %get3A_77 = arith.constant 0 : index
    %get3A_78 = arith.constant 258 : index
    %get3A_79 = vector.load %arg1[%get3A_76, %get3A_77, %get3A_78] : memref<3x256x384xf32, #tpu.memory_space<vmem>>, vector<1x256x1xf32>
    %get3A_80 = vector.shape_cast %get3A_79 : vector<1x256x1xf32> to vector<256x1xf32>
    %sub3A_81 = arith.subf %slice3A_75, %get3A_80 : vector<256x1xf32>
    %mul3A_82 = arith.mulf %sub3A_67, %sub3A_67 : vector<256x1xf32>
    %mul3A_83 = arith.mulf %sub3A_74, %sub3A_74 : vector<256x1xf32>
    %add3A_84 = arith.addf %mul3A_82, %mul3A_83 : vector<256x1xf32>
    %mul3A_85 = arith.mulf %sub3A_81, %sub3A_81 : vector<256x1xf32>
    %add3A_86 = arith.addf %add3A_84, %mul3A_85 : vector<256x1xf32>
    %sqrt3A_87 = math.sqrt %add3A_86 : vector<256x1xf32>
    %max3A_88 = arith.constant 9.99999993E-9 : f32
    %max3A_89 = vector.broadcast %max3A_88 : f32 to vector<256x1xf32>
    %max3A_90 = arith.maximumf %sqrt3A_87, %max3A_89 : vector<256x1xf32>
    %div3A_91 = arith.constant 1.000000e+00 : f32
    %div3A_92 = vector.broadcast %div3A_91 : f32 to vector<256x1xf32>
    %div3A_93 = arith.divf %div3A_92, %max3A_90 : vector<256x1xf32>
    %add3A_94 = arith.addf %div3A_27, %div3A_60 : vector<256x1xf32>
    %add3A_95 = arith.addf %add3A_94, %div3A_93 : vector<256x1xf32>
    %div3A_96 = arith.divf %div3A_27, %add3A_95 : vector<256x1xf32>
    %div3A_97 = arith.divf %div3A_60, %add3A_95 : vector<256x1xf32>
    %div3A_98 = arith.divf %div3A_93, %add3A_95 : vector<256x1xf32>
    %get3A_99 = arith.constant 0 : index
    %get3A_100 = arith.constant 0 : index
    %get3A_101 = arith.constant 0 : index
    %get3A_102 = vector.load %arg1[%get3A_99, %get3A_100, %get3A_101] : memref<3x256x384xf32, #tpu.memory_space<vmem>>, vector<1x256x256xf32>
    %get3A_103 = vector.shape_cast %get3A_102 : vector<1x256x256xf32> to vector<256x256xf32>
    %mul3A_104 = vector.broadcast %div3A_96 : vector<256x1xf32> to vector<256x256xf32>
    %mul3A_105 = arith.mulf %mul3A_104, %get3A_103 : vector<256x256xf32>
    %get3A_106 = arith.constant 1 : index
    %get3A_107 = arith.constant 0 : index
    %get3A_108 = arith.constant 0 : index
    %get3A_109 = vector.load %arg1[%get3A_106, %get3A_107, %get3A_108] : memref<3x256x384xf32, #tpu.memory_space<vmem>>, vector<1x256x256xf32>
    %get3A_110 = vector.shape_cast %get3A_109 : vector<1x256x256xf32> to vector<256x256xf32>
    %mul3A_111 = vector.broadcast %div3A_97 : vector<256x1xf32> to vector<256x256xf32>
    %mul3A_112 = arith.mulf %mul3A_111, %get3A_110 : vector<256x256xf32>
    %add3A_113 = arith.addf %mul3A_105, %mul3A_112 : vector<256x256xf32>
    %get3A_114 = arith.constant 2 : index
    %get3A_115 = arith.constant 0 : index
    %get3A_116 = arith.constant 0 : index
    %get3A_117 = vector.load %arg1[%get3A_114, %get3A_115, %get3A_116] : memref<3x256x384xf32, #tpu.memory_space<vmem>>, vector<1x256x256xf32>
    %get3A_118 = vector.shape_cast %get3A_117 : vector<1x256x256xf32> to vector<256x256xf32>
    %mul3A_119 = vector.broadcast %div3A_98 : vector<256x1xf32> to vector<256x256xf32>
    %mul3A_120 = arith.mulf %mul3A_119, %get3A_118 : vector<256x256xf32>
    %add3A_121 = arith.addf %add3A_113, %mul3A_120 : vector<256x256xf32>
    %get3A_122 = arith.constant 0 : index
    %get3A_123 = arith.constant 0 : index
    %get3A_124 = vector.load %arg4[%get3A_122, %get3A_123] : memref<256x256xf32, #tpu.memory_space<vmem>>, vector<256x256xf32>
    %dot_general3A = arith.constant dense<0.000000e+00> : vector<256x256xf32>
    %dot_general3A_125 = tpu.matmul %add3A_121, %get3A_124, %dot_general3A {dimension_numbers = #tpu.dot_dimension_numbers<[1], [0], [0], [1], [0, 0, 1, 1], [], []>, transpose_lhs_hint = false} : vector<256x256xf32>, vector<256x256xf32>, vector<256x256xf32> -> vector<256x256xf32>
    %get3A_126 = arith.constant 0 : index
    %get3A_127 = arith.constant 0 : index
    %get3A_128 = vector.load %arg3[%get3A_126, %get3A_127] : memref<128x256xf32, #tpu.memory_space<vmem>>, vector<128x256xf32>
    %get3A_129 = arith.constant 0 : index
    %get3A_130 = arith.constant 0 : index
    %get3A_131 = vector.load %arg5[%get3A_129, %get3A_130] : memref<128x256xf32, #tpu.memory_space<vmem>>, vector<128x256xf32>
    %dot_general3A_132 = arith.constant dense<0.000000e+00> : vector<256x256xf32>
    %dot_general3A_133 = tpu.matmul %get3A_128, %get3A_131, %dot_general3A_132 {dimension_numbers = #tpu.dot_dimension_numbers<[0], [0], [1], [1], [0, 1, 1, 1], [], []>, transpose_lhs_hint = false} : vector<128x256xf32>, vector<128x256xf32>, vector<256x256xf32> -> vector<256x256xf32>
    %add3A_134 = arith.addf %dot_general3A_125, %dot_general3A_133 : vector<256x256xf32>
    %swap3A = arith.constant 0 : index
    %swap3A_135 = arith.constant 0 : index
    %swap3A_136 = vector.load %arg6[%swap3A, %swap3A_135] : memref<256x256xf32, #tpu.memory_space<vmem>>, vector<256x256xf32>
    tpu.vector_store %arg6[%swap3A, %swap3A_135], %add3A_134 {strides = array<i32>} : memref<256x256xf32, #tpu.memory_space<vmem>>, vector<256x256xf32>,
    %eq3A = arith.constant 0 : i32
    %eq3A_137 = arith.cmpi eq, %arg0, %eq3A : i32
    %convert_element_type3A = arith.extui %eq3A_137 : i1 to i32
    %cond3A = arith.constant 0 : i32
    %cond3A_138 = arith.cmpi ne, %convert_element_type3A, %cond3A : i32
    scf.if %cond3A_138 {
      %broadcast_in_dim3A_158 = arith.constant 0.000000e+00 : f32
      %broadcast_in_dim3A_159 = vector.broadcast %broadcast_in_dim3A_158 : f32 to vector<1x256xf32>
      %swap3A_160 = arith.constant 0 : index
      %swap3A_161 = arith.constant 0 : index
      %swap3A_162 = vector.load %arg7[%swap3A_160, %swap3A_161] : memref<1x256xf32, #tpu.memory_space<vmem>>, vector<1x256xf32>
      tpu.vector_store %arg7[%swap3A_160, %swap3A_161], %broadcast_in_dim3A_159 {strides = array<i32>} : memref<1x256xf32, #tpu.memory_space<vmem>>, vector<1x256xf32>,
      %broadcast_in_dim3A_163 = arith.constant 0.000000e+00 : f32
      %broadcast_in_dim3A_164 = vector.broadcast %broadcast_in_dim3A_163 : f32 to vector<1x256xf32>
      %swap3A_165 = arith.constant 0 : index
      %swap3A_166 = arith.constant 0 : index
      %swap3A_167 = vector.load %arg8[%swap3A_165, %swap3A_166] : memref<1x256xf32, #tpu.memory_space<vmem>>, vector<1x256xf32>
      tpu.vector_store %arg8[%swap3A_165, %swap3A_166], %broadcast_in_dim3A_164 {strides = array<i32>} : memref<1x256xf32, #tpu.memory_space<vmem>>, vector<1x256xf32>,
    } else {
    }
    %get3A_139 = arith.constant 0 : index
    %get3A_140 = arith.constant 0 : index
    %get3A_141 = vector.load %arg7[%get3A_139, %get3A_140] : memref<1x256xf32, #tpu.memory_space<vmem>>, vector<1x256xf32>
    %reduce_sum3A = arith.constant dense<0.000000e+00> : vector<256xf32>
    %reduce_sum3A_142 = vector.multi_reduction <add>, %add3A_134, %reduce_sum3A [0] : vector<256x256xf32> to vector<256xf32>
    %broadcast_in_dim3A = vector.shape_cast %reduce_sum3A_142 : vector<256xf32> to vector<1x256xf32>
    %add3A_143 = arith.addf %get3A_141, %broadcast_in_dim3A : vector<1x256xf32>
    %swap3A_144 = arith.constant 0 : index
    %swap3A_145 = arith.constant 0 : index
    %swap3A_146 = vector.load %arg7[%swap3A_144, %swap3A_145] : memref<1x256xf32, #tpu.memory_space<vmem>>, vector<1x256xf32>
    tpu.vector_store %arg7[%swap3A_144, %swap3A_145], %add3A_143 {strides = array<i32>} : memref<1x256xf32, #tpu.memory_space<vmem>>, vector<1x256xf32>,
    %get3A_147 = arith.constant 0 : index
    %get3A_148 = arith.constant 0 : index
    %get3A_149 = vector.load %arg8[%get3A_147, %get3A_148] : memref<1x256xf32, #tpu.memory_space<vmem>>, vector<1x256xf32>
    %mul3A_150 = arith.mulf %add3A_134, %add3A_134 : vector<256x256xf32>
    %reduce_sum3A_151 = arith.constant dense<0.000000e+00> : vector<256xf32>
    %reduce_sum3A_152 = vector.multi_reduction <add>, %mul3A_150, %reduce_sum3A_151 [0] : vector<256x256xf32> to vector<256xf32>
    %broadcast_in_dim3A_153 = vector.shape_cast %reduce_sum3A_152 : vector<256xf32> to vector<1x256xf32>
    %add3A_154 = arith.addf %get3A_149, %broadcast_in_dim3A_153 : vector<1x256xf32>
    %swap3A_155 = arith.constant 0 : index
    %swap3A_156 = arith.constant 0 : index
    %swap3A_157 = vector.load %arg8[%swap3A_155, %swap3A_156] : memref<1x256xf32, #tpu.memory_space<vmem>>, vector<1x256xf32>
    tpu.vector_store %arg8[%swap3A_155, %swap3A_156], %add3A_154 {strides = array<i32>} : memref<1x256xf32, #tpu.memory_space<vmem>>, vector<1x256xf32>,
    return
  }
  func.func @transform_0(%arg0: i32) -> (i32, i32, i32) {
    %c0_i32 = arith.constant 0 : i32
    %c0_i32_0 = arith.constant 0 : i32
    %c0_i32_1 = arith.constant 0 : i32
    return %c0_i32, %arg0, %c0_i32_0 : i32, i32, i32
  }
  func.func @transform_1(%arg0: i32) -> (i32, i32) {
    %c0_i32 = arith.constant 0 : i32
    %c0_i32_0 = arith.constant 0 : i32
    return %arg0, %c0_i32 : i32, i32
  }
  func.func @transform_2(%arg0: i32) -> (i32, i32) {
    %c0_i32 = arith.constant 0 : i32
    %c0_i32_0 = arith.constant 0 : i32
    return %c0_i32, %arg0 : i32, i32
  }
  func.func @transform_3(%arg0: i32) -> (i32, i32) {
    %c0_i32 = arith.constant 0 : i32
    %c0_i32_0 = arith.constant 0 : i32
    %c0_i32_1 = arith.constant 0 : i32
    return %c0_i32, %c0_i32_0 : i32, i32
  }
  func.func @transform_4(%arg0: i32) -> (i32, i32) {
    %c0_i32 = arith.constant 0 : i32
    %c0_i32_0 = arith.constant 0 : i32
    %c0_i32_1 = arith.constant 0 : i32
    return %c0_i32, %c0_i32_0 : i32, i32
  }
  func.func @transform_5(%arg0: i32) -> (i32, i32) {
    %c0_i32 = arith.constant 0 : i32
    %c0_i32_0 = arith.constant 0 : i32
    return %arg0, %c0_i32 : i32, i32
  }
  func.func @transform_6(%arg0: i32) -> (i32, i32) {
    %c0_i32 = arith.constant 0 : i32
    %c0_i32_0 = arith.constant 0 : i32
    %c0_i32_1 = arith.constant 0 : i32
    return %c0_i32, %c0_i32_0 : i32, i32
  }
  func.func @transform_7(%arg0: i32) -> (i32, i32) {
    %c0_i32 = arith.constant 0 : i32
    %c0_i32_0 = arith.constant 0 : i32
    %c0_i32_1 = arith.constant 0 : i32
    return %c0_i32, %c0_i32_0 : i32, i32
  }
}

module attributes {stable_mosaic.version = 14 : i64} {
  func.func @_norm_body(%arg0: i32, %arg1: memref<256x256xf32, #tpu.memory_space<vmem>>, %arg2: memref<1x256xf32, #tpu.memory_space<vmem>>, %arg3: memref<1x256xf32, #tpu.memory_space<vmem>>, %arg4: memref<1x256xf32, #tpu.memory_space<vmem>>, %arg5: memref<1x256xf32, #tpu.memory_space<vmem>>, %arg6: memref<256x256xf32, #tpu.memory_space<vmem>>) attributes {dimension_semantics = [#tpu.dimension_semantics<arbitrary>], iteration_bounds = array<i64: 64>, scalar_prefetch = 0 : i64, scratch_operands = 0 : i64, tpu.core_type = #tpu.core_type<tc>, window_params = [{transform_indices = @transform_0, window_bounds = array<i64: 256, 256>}, {pipeline_mode = #tpu.pipeline_mode<synchronous>, transform_indices = @transform_1, window_bounds = array<i64: 1, 256>}, {pipeline_mode = #tpu.pipeline_mode<synchronous>, transform_indices = @transform_2, window_bounds = array<i64: 1, 256>}, {pipeline_mode = #tpu.pipeline_mode<synchronous>, transform_indices = @transform_3, window_bounds = array<i64: 1, 256>}, {pipeline_mode = #tpu.pipeline_mode<synchronous>, transform_indices = @transform_4, window_bounds = array<i64: 1, 256>}, {transform_indices = @transform_5, window_bounds = array<i64: 256, 256>}]} {
    %get3A = arith.constant 0 : index
    %get3A_0 = arith.constant 0 : index
    %get3A_1 = vector.load %arg2[%get3A, %get3A_0] : memref<1x256xf32, #tpu.memory_space<vmem>>, vector<1x256xf32>
    %get3A_2 = arith.constant 0 : index
    %get3A_3 = arith.constant 0 : index
    %get3A_4 = vector.load %arg3[%get3A_2, %get3A_3] : memref<1x256xf32, #tpu.memory_space<vmem>>, vector<1x256xf32>
    %get3A_5 = arith.constant 0 : index
    %get3A_6 = arith.constant 0 : index
    %get3A_7 = vector.load %arg4[%get3A_5, %get3A_6] : memref<1x256xf32, #tpu.memory_space<vmem>>, vector<1x256xf32>
    %get3A_8 = arith.constant 0 : index
    %get3A_9 = arith.constant 0 : index
    %get3A_10 = vector.load %arg5[%get3A_8, %get3A_9] : memref<1x256xf32, #tpu.memory_space<vmem>>, vector<1x256xf32>
    %mul3A = arith.constant 6.10351563E-5 : f32
    %mul3A_11 = vector.broadcast %mul3A : f32 to vector<1x256xf32>
    %mul3A_12 = arith.mulf %get3A_1, %mul3A_11 : vector<1x256xf32>
    %mul3A_13 = arith.constant 6.10351563E-5 : f32
    %mul3A_14 = vector.broadcast %mul3A_13 : f32 to vector<1x256xf32>
    %mul3A_15 = arith.mulf %get3A_4, %mul3A_14 : vector<1x256xf32>
    %mul3A_16 = arith.mulf %mul3A_12, %mul3A_12 : vector<1x256xf32>
    %sub3A = arith.subf %mul3A_15, %mul3A_16 : vector<1x256xf32>
    %add3A = arith.constant 9.99999974E-6 : f32
    %add3A_17 = vector.broadcast %add3A : f32 to vector<1x256xf32>
    %add3A_18 = arith.addf %sub3A, %add3A_17 : vector<1x256xf32>
    %sqrt3A = math.sqrt %add3A_18 : vector<1x256xf32>
    %div3A = arith.divf %get3A_7, %sqrt3A : vector<1x256xf32>
    %mul3A_19 = arith.mulf %mul3A_12, %div3A : vector<1x256xf32>
    %sub3A_20 = arith.subf %get3A_10, %mul3A_19 : vector<1x256xf32>
    %get3A_21 = arith.constant 0 : index
    %get3A_22 = arith.constant 0 : index
    %get3A_23 = vector.load %arg1[%get3A_21, %get3A_22] : memref<256x256xf32, #tpu.memory_space<vmem>>, vector<256x256xf32>
    %mul3A_24 = vector.broadcast %div3A : vector<1x256xf32> to vector<256x256xf32>
    %mul3A_25 = arith.mulf %get3A_23, %mul3A_24 : vector<256x256xf32>
    %add3A_26 = vector.broadcast %sub3A_20 : vector<1x256xf32> to vector<256x256xf32>
    %add3A_27 = arith.addf %mul3A_25, %add3A_26 : vector<256x256xf32>
    %max3A = arith.constant 0.000000e+00 : f32
    %max3A_28 = vector.broadcast %max3A : f32 to vector<256x256xf32>
    %max3A_29 = arith.maximumf %add3A_27, %max3A_28 : vector<256x256xf32>
    %transpose3A = tpu.transpose %max3A_29, [1, 0] : vector<256x256xf32> -> vector<256x256xf32>
    %swap3A = arith.constant 0 : index
    %swap3A_30 = arith.constant 0 : index
    %swap3A_31 = vector.load %arg6[%swap3A, %swap3A_30] : memref<256x256xf32, #tpu.memory_space<vmem>>, vector<256x256xf32>
    tpu.vector_store %arg6[%swap3A, %swap3A_30], %transpose3A {strides = array<i32>} : memref<256x256xf32, #tpu.memory_space<vmem>>, vector<256x256xf32>,
    return
  }
  func.func @transform_0(%arg0: i32) -> (i32, i32) {
    %c0_i32 = arith.constant 0 : i32
    %c0_i32_0 = arith.constant 0 : i32
    return %arg0, %c0_i32 : i32, i32
  }
  func.func @transform_1(%arg0: i32) -> (i32, i32) {
    %c0_i32 = arith.constant 0 : i32
    %c0_i32_0 = arith.constant 0 : i32
    %c0_i32_1 = arith.constant 0 : i32
    return %c0_i32, %c0_i32_0 : i32, i32
  }
  func.func @transform_2(%arg0: i32) -> (i32, i32) {
    %c0_i32 = arith.constant 0 : i32
    %c0_i32_0 = arith.constant 0 : i32
    %c0_i32_1 = arith.constant 0 : i32
    return %c0_i32, %c0_i32_0 : i32, i32
  }
  func.func @transform_3(%arg0: i32) -> (i32, i32) {
    %c0_i32 = arith.constant 0 : i32
    %c0_i32_0 = arith.constant 0 : i32
    %c0_i32_1 = arith.constant 0 : i32
    return %c0_i32, %c0_i32_0 : i32, i32
  }
  func.func @transform_4(%arg0: i32) -> (i32, i32) {
    %c0_i32 = arith.constant 0 : i32
    %c0_i32_0 = arith.constant 0 : i32
    %c0_i32_1 = arith.constant 0 : i32
    return %c0_i32, %c0_i32_0 : i32, i32
  }
  func.func @transform_5(%arg0: i32) -> (i32, i32) {
    %c0_i32 = arith.constant 0 : i32
    %c0_i32_0 = arith.constant 0 : i32
    return %c0_i32, %arg0 : i32, i32
  }
}

</mosaic_0001>

<sc_bundles>
// kernel: kernel.7.cloned.1.call-start
scs
__scs_entry_jumppad:
0x0: {  	(pc) =	sbr.rel $0x88, $3  }
0x1: {  	(tag) =	ssettag $0x0;
	lr =	simm.s32 $0x1  }
0x2: {  	[smem:$0x3F97] =	sst lr;
	_ =	strace $0xD0000000  }
0x3: {  	_ = 	snop  }
0x4: {  	_ = 	snop  }
0x5: {  	_ = 	snop  }
0x6: {  	_ = 	snop  }
0x7: {  	_ = 	snop  }
__scs_overlays_trampoline_lowered:
0x8: {  	[smem:$0x3FA6] =	sst s0  }
0x9: {  	[smem:$0x3FA7] =	sst s1  }
0xa: {  	[smem:$0x3FA8] =	sst s2  }
0xb: {  	[smem:$0x3FA9] =	sst s3  }
0xc: {  	[smem:$0x3FAA] =	sst s4  }
0xd: {  	[smem:$0x3FAB] =	sst s5  }
0xe: {  	[smem:$0x3FAC] =	sst s6  }
0xf: {  	[smem:$0x3FAD] =	sst s7  }
0x10: {  	[smem:$0x3FAE] =	sst s8  }
0x11: {  	[smem:$0x3FAF] =	sst s9;
	s0 =	simm.s32 @!p0 $0x0  }
0x12: {  	s1 =	sld [smem:$0x3F95];
	s0 =	simm.s32 @p0 $0x1  }
0x13: {  	[smem:$0x3FB0] =	sst s0;
	s0 =	simm.s32 @!p1 $0x0  }
0x14: {  	s2 =	sld [smem:$0x3F94];
	s0 =	simm.s32 @p1 $0x1  }
0x15: {  	[smem:$0x3FB1] =	sst s0;
	s0 =	simm.s32 @!p2 $0x0  }
0x16: {  	s3 =	sld [smem:$0x3FDB];
	s0 =	simm.s32 @p2 $0x1  }
0x17: {  	s4 =	simm.s32 $0x1BF5;
	[smem:$0x3FB3] =	sst s0  }
0x18: {  	s0 =	sld [smem:$0x3F96];
	_ =	swait.ge [sflag:s4], $0x0  }
0x19: {  	s7 =	sld [smem:$0x3F97]  }
0x1a: {  	s8 =	sadd.s32 $0xFFFFE003, lr  }
0x1b: {  	s9 =	sadd.s32 $0xFFFFFEF7, lr;
	s5 =	simm.s32 $0xFFFFFFFF;
	p2 =	slt.u32 s8, $0xFFFFF086  }
0x1c: {  	p1 =	slt.u32 s9, $0xF7A;
	s5 =	simm.s32 @!p2 $0x0  }
0x1d: {  	s5 =	simm.s32 @p1 $0x1;
	p0 =	seq.s32 s7, s2  }
0x1e: {  	s7 =	smul.u32 @!p0 $0xF7A, s2;
	p2 =	seq.s32 @!p0 s5, $0x0  }
0x1f: {  	s9 =	smul.u32 $0xF7A, s1;
	s8 =	simm.s32 @!p0 $0x1BF5;
	p2 =	por !p2, p0  }
0x20: {  	[sflag:s8] =	ssyncset.s32 @!p0 $0xFFFFF086;
	s6 =	sadd.s32 @!p0 s3, s7;
	s7 =	simm.s32 @!p0 $0x108  }
0x21: {  	s3 =	sadd.s32 s3, s9;
	s6 =	sadd.s32 @!p0 $0x88, s6;
	s7 =	simm.s32 @p2 $0x1082  }
0x22: {  	[simem:s7], [sflag:s8] =	dma.local @!p0 [hbm:s6], $0xF7A  }
0x23: {  	s9 =	sor.u32 $0xD0000000, s2;
	s6 =	simm.s32 $0x108;
	_ =	swait.ge @!p0 [sflag:s8], $0x0  }
0x24: {  	s3 =	sadd.s32 $0x88, s3;
	s6 =	simm.s32 @!p1 $0x1082;
	[sflag:s4] =	ssyncset.s32 $0xFFFFF086  }
0x25: {  	[simem:s6], [sflag:s4] =	dma.local [hbm:s3], $0xF7A  }
0x26: {  	[smem:$0x3F97] =	sst s1;
	(tag) =	ssettag s2;
	_ =	strace s9  }
0x27: {  	s1 =	sld [smem:$0x3FA7]  }
0x28: {  	s2 =	sld [smem:$0x3FA8]  }
0x29: {  	s4 =	sld [smem:$0x3FAA]  }
0x2a: {  	p0 =	seq.s32 s5, $0x0;
	s5 =	sld [smem:$0x3FAB]  }
0x2b: {  	s6 =	sld [smem:$0x3FAC]  }
0x2c: {  	s7 =	sld [smem:$0x3FAD]  }
0x2d: {  	s3 =	simm.s32 $0x108;
	s8 =	sld [smem:$0x3FAE]  }
0x2e: {  	s3 =	simm.s32 @!p0 $0x1082;
	s9 =	sld [smem:$0x3FAF]  }
0x2f: {  	lr =	sadd.s32 s0, s3;
	s0 =	sld [smem:$0x3FA6]  }
0x30: {  	s3 =	sld [smem:$0x3FA9]  }
0x31: {  	[smem:$0x3FB2] =	sst s10  }
0x32: {  	s10 =	sld [smem:$0x3FB0];
	_ =	sdelay $0x3  }
0x33: {  	p0 =	seq.s32 s10, $0x1;
	s10 =	sld [smem:$0x3FB2];
	_ =	sdelay $0x3  }
0x34: {  	[smem:$0x3FB2] =	sst s10  }
0x35: {  	s10 =	sld [smem:$0x3FB1];
	_ =	sdelay $0x3  }
0x36: {  	p1 =	seq.s32 s10, $0x1;
	s10 =	sld [smem:$0x3FB2];
	_ =	sdelay $0x3  }
0x37: {  	[smem:$0x3FB2] =	sst s10  }
0x38: {  	s10 =	sld [smem:$0x3FB3]  }
0x39: {  	_ = 	snop;
	(pc) =	sbr.ind lr, $3  }
0x3a: {  	_ = 	snop  }
0x3b: {  	_ = 	snop  }
0x3c: {  	p2 =	seq.s32 s10, $0x1;
	s10 =	sld [smem:$0x3FB2]  }
0x3d: {  	_ =	shalt  }
0x3e: {  	_ =	shalt  }
0x3f: {  	_ =	shalt  }
0x40: {  	_ =	shalt  }
0x41: {  	_ =	shalt  }
0x42: {  	_ =	shalt  }
0x43: {  	_ =	shalt  }
0x44: {  	_ =	shalt  }
0x45: {  	_ =	shalt  }
0x46: {  	_ =	shalt  }
0x47: {  	_ =	shalt  }
0x48: {  	_ =	shalt  }
0x49: {  	_ =	shalt  }
0x4a: {  	_ =	shalt  }
0x4b: {  	_ =	shalt  }
0x4c: {  	_ =	shalt  }
0x4d: {  	_ =	shalt  }
0x4e: {  	_ =	shalt  }
0x4f: {  	_ =	shalt  }
0x50: {  	_ =	shalt  }
0x51: {  	_ =	shalt  }
0x52: {  	_ =	shalt  }
0x53: {  	_ =	shalt  }
0x54: {  	_ =	shalt  }
0x55: {  	_ =	shalt  }
0x56: {  	_ =	shalt  }
0x57: {  	_ =	shalt  }
0x58: {  	_ =	shalt  }
0x59: {  	_ =	shalt  }
0x5a: {  	_ =	shalt  }
0x5b: {  	_ =	shalt  }
0x5c: {  	_ =	shalt  }
0x5d: {  	_ =	shalt  }
0x5e: {  	_ =	shalt  }
0x5f: {  	_ =	shalt  }
0x60: {  	_ =	shalt  }
0x61: {  	_ =	shalt  }
0x62: {  	_ =	shalt  }
0x63: {  	_ =	shalt  }
0x64: {  	_ =	shalt  }
0x65: {  	_ =	shalt  }
0x66: {  	_ =	shalt  }
0x67: {  	_ =	shalt  }
0x68: {  	_ =	shalt  }
0x69: {  	_ =	shalt  }
0x6a: {  	_ =	shalt  }
0x6b: {  	_ =	shalt  }
0x6c: {  	_ =	shalt  }
0x6d: {  	_ =	shalt  }
0x6e: {  	_ =	shalt  }
0x6f: {  	_ =	shalt  }
0x70: {  	_ =	shalt  }
0x71: {  	_ =	shalt  }
0x72: {  	_ =	shalt  }
0x73: {  	_ =	shalt  }
0x74: {  	_ =	shalt  }
0x75: {  	_ =	shalt  }
0x76: {  	_ =	shalt  }
0x77: {  	_ =	shalt  }
0x78: {  	_ =	shalt  }
0x79: {  	_ =	shalt  }
0x7a: {  	_ =	shalt  }
0x7b: {  	_ =	shalt  }
0x7c: {  	_ =	shalt  }
0x7d: {  	_ =	shalt  }
0x7e: {  	_ =	shalt  }
0x7f: {  	_ =	shalt  }
0x80: {  	_ =	shalt  }
0x81: {  	_ =	shalt  }
0x82: {  	_ =	shalt  }
0x83: {  	_ =	shalt  }
0x84: {  	_ =	shalt  }
0x85: {  	_ =	shalt  }
0x86: {  	_ =	shalt  }
0x87: {  	_ =	shalt  }
.Lfunc_end0:
.L_simem_size_0:
called_computation_lowered:
.L_overlay_start_0:
0x88: {  	s2 =	sld [smem:$0x3FD9]  }
0x89: {  	s3 =	sld [smem:$0x3FFE];
	_ =	sdelay $0x1  }
0x8a: {  	s1 =	srdreg.scid  }
0x8b: {  	s0 =	sand.u32 $0x1, s1  }
0x8c: {  	s17 =	sshll.u32 s0, $0xA;
	s2 =	sadd.s32 s3, s2  }
0x8d: {  	s2 =	sadd.s32 s2, s17  }
0x8e: {  	[smem:$0x3FBE] =	sst s2  }
0x8f: {  	_ = 	snop  }
0x90: {  	s2 =	sld [smem:$0x3FD0];
	(tm) =	ssettm $0x1  }
0x91: {  	s18 =	sld [smem:$0x3FFB];
	_ =	sdelay $0x3  }
0x92: {  	_ =	strace s18  }
0x93: {  	s3 =	sld [smem:$0x3FFC];
	_ =	sdelay $0x3  }
0x94: {  	_ =	strace s3  }
0x95: {  	s3 =	sld [smem:$0x3FFD];
	_ =	sdelay $0x3  }
0x96: {  	_ =	strace s3  }
0x97: {  	_ =	strace $0x8FFFFFFF  }
0x98: {  	s19 =	sld [smem:$0x3FDB];
	_ =	sdelay $0x1  }
0x99: {  	s4 =	simm.s32 $_scs_section_size  }
0x9a: {  	s5 =	simm.s32 $_size__tile_overlayer_lowered;
	s6 =	simm.s32 $_tile_overlayer_lowered  }
0x9b: {  	s22 =	simm.s32 $0x1BFF;
	s21 =	sshll.u32 s6, $0x1;
	s3 =	sadd.s32 s4, s19  }
0x9c: {  	s7 =	simm.s32 $0x0;
	s20 =	sshll.u32 s5, $0x1;
	s5 =	sadd.s32 s21, s3  }
0x9d: {  	[timem:s7], [sflag:s22] =	dma.local [hbm:s5], s20  }
0x9e: {  	_ =	swait.ge [sflag:s22], s20  }
0x9f: {  	s4 =	ssub.s32 $0x0, s20;
	[sflag:s22] =	ssyncset.done $0x0  }
0xa0: {  	[sflag:s22] =	ssyncadd.s32 s4;
	_ =	sdelay $0x1  }
0xa1: {  	s23 =	simm.s32 $0x1B8B  }
0xa2: {  	_ =	swait.ge [sflag:s23], $0x1  }
0xa3: {  	[sflag:s23] =	ssyncset.done $0x0  }
0xa4: {  	s25 =	simm.s32 $0x1B8E;
	s24 =	sld [smem:$0x3FFE];
	[sflag:s23] =	ssyncadd.s32 $0xFFFFFFFF  }
0xa5: {  	s26 =	simm.s32 $execute0_lowered;
	[smem:$0x3FD2] =	sst s25  }
0xa6: {  	s5 =	sshll.u32 s26, $0x1;
	_ =	strace $0x80000046;
	[dreg:$0x1] =	wrdreg $0xFFFFFFFF  }
0xa7: {  	s28 =	simm.s32 $_size_execute0_lowered;
	s3 =	sadd.s32 s3, s5;
	[dreg:$0x0] =	wrdreg $0x0  }
0xa8: {  	s5 =	sshll.u32 s28, $0x1;
	[dreg:$0x2] =	wrdreg s3  }
0xa9: {  	[dreg:$0x3] =	wrdreg s5  }
0xaa: {  	[dreg:$0x4] =	wrdreg $0xC0  }
0xab: {  	_ =	task [dreg:s7], $0x5FFFF  }
0xac: {  	[dreg:$0x1] =	wrdreg $0xFFFFFFFF  }
0xad: {  	[dreg:$0x0] =	wrdreg $0x60  }
0xae: {  	[dreg:$0x2] =	wrdreg s2  }
0xaf: {  	[dreg:$0x3] =	wrdreg s24  }
0xb0: {  	[dreg:$0x4] =	wrdreg $0x9  }
0xb1: {  	_ =	task.clear_ibuf [dreg:s7], $0x5FFFF;
	_ =	strace $0x90000046  }
0xb2: {  	s29 =	simm.s32 $0x9;
	_ =	strace $0x80000048  }
0xb3: {  	_ =	swait.ge [sflag:s29], $0x1  }
0xb4: {  	[sflag:s29] =	ssyncadd.s32 $0xFFFFFFFF  }
0xb5: {  	_ =	strace $0x90000048  }
0xb6: {  	_ =	sfence  }
0xb7: {  	s30 =	sld [smem:$0x0];
	_ =	sdelay $0x2  }
0xb8: {  	s31 =	sshll.u32 s1, $0xD;
	s1 =	sshrl.u32 s1, $0x2  }
0xb9: {  	s3 =	sand.u32 $0x4000, s31;
	s1 =	sadd.s32 s1, s30  }
0xba: {  	s0 =	sor.u32 s3, s0;
	s1 =	sshll.u32 s1, $0x11  }
0xbb: {  	s0 =	sor.u32 s1, s0  }
0xbc: {  	s0 =	sadd.s32 $0x8F2B, s0  }
0xbd: {  	[sflag:s0] =	ssyncadd.remote.s32 $0x1  }
0xbe: {  	_ =	sfence.sel $0xFFFF  }
0xbf: {  	[dreg:$0x0] =	wrdreg $0xFFFFFFFF;
	(pc) =	sbr.abs _section_cstart, $3  }
0xc0: {  	[dreg:$0x1] =	wrdreg $0xFFFFFFFF  }
0xc1: {  	_ =	task.clear_ibuf [dreg:s7], $0x2FFFF;
	_ =	strace $0x9FFFFFFF  }
0xc2: {  	(tm) =	ssettm $0x7FFFFFFF  }
0xc3: {  	_ =	shalt  }
tec
execute0_lowered:
.L_overlay_start_1:
0x0: {  	(tag) =	ssettag $0x1  }
0x1: {  	s0 =	srdreg.scid;
	s1 =	stileid.u32  }
0x2: {  	s0 =	sand.u32 $0x1, s0;
	s1 =	sshll.u32 s1, $0x1  }
0x3: {  	s1 =	sor.u32 s0, s1  }
0x4: {  	s1 =	smul.u32 $0x600, s1;
	_ =	sdelay $0x1  }
0x5: {  	s2 =	rddreg [dreg:$0x0];
	s1 =	sshrl.u32 s1, $0x3  }
0x6: {  	s4 =	rddreg [dreg:$0x1];
	s5 =	smul.u32 $0x180, s1  }
0x7: {  	s3 =	simm.s32 $0x0;
	s6 =	smul.u32 $0xC00, s1;
	s1 =	sadd.s32 s1, s4  }
0x8: {  	[smem:$0x7FF] =	sst s3;
	s4 =	sadd.s32 $0x4200, s4;
	s1 =	sadd.s32 $0x2A00, s1  }
0x9: {  	_ =	strace $0x80000047;
	s7 =	sadd.s32 s4, s5;
	[dreg:$0x3] =	wrdreg s1  }
0xa: {  	s19 =	sadd.s32 $0x1800, s7;
	[dreg:$0xf] =	wrdreg s7  }
0xb: {  	s22 =	sadd.s32 $0x6000, s7;
	[dreg:$0x4] =	wrdreg s19  }
0xc: {  	s23 =	sadd.s32 $0x7800, s7;
	[dreg:$0x7] =	wrdreg s22  }
0xd: {  	s0 =	ssub.s32 $0x2, s0;
	s24 =	sadd.s32 $0x9000, s7;
	[dreg:$0x8] =	wrdreg s23  }
0xe: {  	s28 =	sshrl.u32 s0, $0x1;
	s25 =	sadd.s32 $0xA800, s7;
	[dreg:$0x9] =	wrdreg s24  }
0xf: {  	s0 =	ssub.s32 s0, s28;
	s26 =	sadd.s32 $0xC000, s7;
	[dreg:$0xa] =	wrdreg s25  }
0x10: {  	s0 =	smax.u32 s0, $0x1;
	s29 =	sadd.s32 $0xD800, s7;
	[dreg:$0xb] =	wrdreg s26  }
0x11: {  	s18 =	sshrl.u32 s6, $0x3;
	s30 =	sadd.s32 $0xF000, s7;
	[dreg:$0xc] =	wrdreg s29  }
0x12: {  	s4 =	sadd.s32 s4, s18;
	s31 =	sadd.s32 $0x10800, s7;
	[dreg:$0xd] =	wrdreg s30  }
0x13: {  	v2 =	vlaneseq.u32;
	s5 =	sadd.s32 $0x100, s2;
	s20 =	sadd.s32 $0x3000, s4;
	[dreg:$0xe] =	wrdreg s31  }
0x14: {  	vm0 =	vmmov $0xffff;
	vm1 =	vmmov $0xff;
	v1 =	vshrl.u32 v2, $0x3;
	s7 =	simm.s32 $0x3;
	s21 =	sadd.s32 $0x4800, s4;
	[dreg:$0x5] =	wrdreg s20  }
0x15: {  	v0 =	vand.u32 $0x7, v2;
	v2 =	vor.u32 $0x8, v2;
	v1 =	vmul.u32 $0x8, v1;
	s23 =	simm.s32 $0x1;
	s24 =	simm.s32 $0x2;
	[dreg:$0x6] =	wrdreg s21  }
.LBB2_1:
0x16: {  	[dreg:$0x10] =	wrdreg s0  }
0x17: {  	s25 =	rddreg [dreg:$0x3]  }
0x18: {  	[tilespmem:s3], [sflag:$0x3] =	stream.linear.gather [hbm4b:s25+s3], $0x600, $0x38;
	[tilespmem:$0x18600] =	vst v63  }
0x19: {  	_ =	swait.ge [sflag:s7], $0x600  }
0x1a: {  	[sflag:s7] =	ssyncset.done $0x0  }
0x1b: {  	[sflag:s7] =	ssyncadd.s32 $0xFFFFFA00  }
0x1c: {  	v3 =	vld [tilespmem:$0x0];
	_ =	sdelay $0x4  }
0x1d: {  	v4 =	vshrl.u32 v3, $0x3  }
0x1e: {  	v4 =	vmul.u32 $0x18, v4  }
0x1f: {  	v3 =	vand.u32 $0x7, v3  }
0x20: {  	v3 =	vor.u32 v3, v4  }
0x21: {  	v4 =	vperm.xlane v3, v0;
	_ =	sdelay $0x1  }
0x22: {  	v4 =	vadd.s32 v1, v4;
	_ =	sdelay $0x1  }
0x23: {  	v3 =	vperm.xlane v3, v2;
	_ =	sdelay $0x1  }
0x24: {  	s10 =	simm.s32 $0x600;
	v3 =	vadd.s32 v1, v3  }
0x25: {  	[tilespmem:s10], [sflag:$0x1] =	stream.indirect_vreg.gather [hbm4b:s2+s3], $0x80, v4, vm0, $0xb8;
	[tilespmem:$0x18600] =	vst v63  }
0x26: {  	s11 =	simm.s32 $0xE00  }
0x27: {  	[tilespmem:s11], [sflag:$0x1] =	stream.indirect_vreg.gather [hbm4b:s5+s3], $0x80, v4, vm1, $0xb8;
	[tilespmem:$0x18600] =	vst v63  }
0x28: {  	s12 =	simm.s32 $0x1200  }
0x29: {  	[tilespmem:s12], [sflag:$0x1] =	stream.indirect_vreg.gather [hbm4b:s2+s3], $0x80, v3, vm0, $0xb8;
	[tilespmem:$0x18600] =	vst v63  }
0x2a: {  	s13 =	simm.s32 $0x1A00  }
0x2b: {  	[tilespmem:s13], [sflag:$0x1] =	stream.indirect_vreg.gather [hbm4b:s5+s3], $0x80, v3, vm1, $0xb8;
	[tilespmem:$0x18600] =	vst v63  }
0x2c: {  	v3 =	vld [tilespmem:$0x10];
	_ =	sdelay $0x4  }
0x2d: {  	v25 =	vshrl.u32 v3, $0x3  }
0x2e: {  	v4 =	vmul.u32 $0x18, v25  }
0x2f: {  	v3 =	vand.u32 $0x7, v3  }
0x30: {  	v3 =	vor.u32 v3, v4  }
0x31: {  	v4 =	vperm.xlane v3, v0;
	_ =	sdelay $0x1  }
0x32: {  	v4 =	vadd.s32 v1, v4;
	_ =	sdelay $0x1  }
0x33: {  	v3 =	vperm.xlane v3, v2;
	_ =	sdelay $0x1  }
0x34: {  	s14 =	simm.s32 $0x1E00;
	v3 =	vadd.s32 v1, v3  }
0x35: {  	[tilespmem:s14], [sflag:$0x1] =	stream.indirect_vreg.gather [hbm4b:s2+s3], $0x80, v4, vm0, $0xb8;
	[tilespmem:$0x18600] =	vst v63  }
0x36: {  	s15 =	simm.s32 $0x2600  }
0x37: {  	[tilespmem:s15], [sflag:$0x1] =	stream.indirect_vreg.gather [hbm4b:s5+s3], $0x80, v4, vm1, $0xb8;
	[tilespmem:$0x18600] =	vst v63  }
0x38: {  	s16 =	simm.s32 $0x2A00  }
0x39: {  	[tilespmem:s16], [sflag:$0x1] =	stream.indirect_vreg.gather [hbm4b:s2+s3], $0x80, v3, vm0, $0xb8;
	[tilespmem:$0x18600] =	vst v63  }
0x3a: {  	s17 =	simm.s32 $0x3200  }
0x3b: {  	[tilespmem:s17], [sflag:$0x1] =	stream.indirect_vreg.gather [hbm4b:s5+s3], $0x80, v3, vm1, $0xb8;
	[tilespmem:$0x18600] =	vst v63  }
0x3c: {  	v3 =	vld [tilespmem:$0x20];
	_ =	sdelay $0x4  }
0x3d: {  	v26 =	vshrl.u32 v3, $0x3  }
0x3e: {  	v4 =	vmul.u32 $0x18, v26  }
0x3f: {  	v3 =	vand.u32 $0x7, v3  }
0x40: {  	v3 =	vor.u32 v3, v4  }
0x41: {  	v4 =	vperm.xlane v3, v0;
	_ =	sdelay $0x1  }
0x42: {  	v4 =	vadd.s32 v1, v4;
	_ =	sdelay $0x1  }
0x43: {  	v3 =	vperm.xlane v3, v2;
	_ =	sdelay $0x1  }
0x44: {  	s18 =	simm.s32 $0x3600;
	v3 =	vadd.s32 v1, v3  }
0x45: {  	[tilespmem:s18], [sflag:$0x1] =	stream.indirect_vreg.gather [hbm4b:s2+s3], $0x80, v4, vm0, $0xb8;
	[tilespmem:$0x18600] =	vst v63  }
0x46: {  	s19 =	simm.s32 $0x3E00  }
0x47: {  	[tilespmem:s19], [sflag:$0x1] =	stream.indirect_vreg.gather [hbm4b:s5+s3], $0x80, v4, vm1, $0xb8;
	[tilespmem:$0x18600] =	vst v63  }
0x48: {  	s20 =	simm.s32 $0x4200  }
0x49: {  	[tilespmem:s20], [sflag:$0x1] =	stream.indirect_vreg.gather [hbm4b:s2+s3], $0x80, v3, vm0, $0xb8;
	[tilespmem:$0x18600] =	vst v63  }
0x4a: {  	s21 =	simm.s32 $0x4A00  }
0x4b: {  	[tilespmem:s21], [sflag:$0x1] =	stream.indirect_vreg.gather [hbm4b:s5+s3], $0x80, v3, vm1, $0xb8;
	[tilespmem:$0x18600] =	vst v63  }
0x4c: {  	v3 =	vld [tilespmem:$0x30];
	_ =	sdelay $0x4  }
0x4d: {  	v27 =	vshrl.u32 v3, $0x3  }
0x4e: {  	v4 =	vmul.u32 $0x18, v27  }
0x4f: {  	v3 =	vand.u32 $0x7, v3  }
0x50: {  	v3 =	vor.u32 v3, v4  }
0x51: {  	v4 =	vperm.xlane v3, v0;
	_ =	sdelay $0x1  }
0x52: {  	v4 =	vadd.s32 v1, v4;
	_ =	sdelay $0x1  }
0x53: {  	v3 =	vperm.xlane v3, v2;
	_ =	sdelay $0x1  }
0x54: {  	s22 =	simm.s32 $0x4E00;
	v3 =	vadd.s32 v1, v3  }
0x55: {  	[tilespmem:s22], [sflag:$0x1] =	stream.indirect_vreg.gather [hbm4b:s2+s3], $0x80, v4, vm0, $0xb8;
	[tilespmem:$0x18600] =	vst v63  }
0x56: {  	s25 =	simm.s32 $0x5600  }
0x57: {  	[tilespmem:s25], [sflag:$0x1] =	stream.indirect_vreg.gather [hbm4b:s5+s3], $0x80, v4, vm1, $0xb8;
	[tilespmem:$0x18600] =	vst v63  }
0x58: {  	s26 =	simm.s32 $0x5A00  }
0x59: {  	[tilespmem:s26], [sflag:$0x1] =	stream.indirect_vreg.gather [hbm4b:s2+s3], $0x80, v3, vm0, $0xb8;
	[tilespmem:$0x18600] =	vst v63  }
0x5a: {  	s28 =	simm.s32 $0x6200  }
0x5b: {  	[tilespmem:s28], [sflag:$0x1] =	stream.indirect_vreg.gather [hbm4b:s5+s3], $0x80, v3, vm1, $0xb8;
	[tilespmem:$0x18600] =	vst v63  }
0x5c: {  	v3 =	vld [tilespmem:$0x40];
	_ =	sdelay $0x4  }
0x5d: {  	v28 =	vshrl.u32 v3, $0x3  }
0x5e: {  	v4 =	vmul.u32 $0x18, v28  }
0x5f: {  	v3 =	vand.u32 $0x7, v3  }
0x60: {  	v3 =	vor.u32 v3, v4  }
0x61: {  	v4 =	vperm.xlane v3, v0;
	_ =	sdelay $0x1  }
0x62: {  	v4 =	vadd.s32 v1, v4;
	_ =	sdelay $0x1  }
0x63: {  	v3 =	vperm.xlane v3, v2;
	_ =	sdelay $0x1  }
0x64: {  	s29 =	simm.s32 $0x6600;
	v3 =	vadd.s32 v1, v3  }
0x65: {  	[tilespmem:s29], [sflag:$0x1] =	stream.indirect_vreg.gather [hbm4b:s2+s3], $0x80, v4, vm0, $0xb8;
	[tilespmem:$0x18600] =	vst v63  }
0x66: {  	s30 =	simm.s32 $0x6E00  }
0x67: {  	[tilespmem:s30], [sflag:$0x1] =	stream.indirect_vreg.gather [hbm4b:s5+s3], $0x80, v4, vm1, $0xb8;
	[tilespmem:$0x18600] =	vst v63  }
0x68: {  	s31 =	simm.s32 $0x7200  }
0x69: {  	[tilespmem:s31], [sflag:$0x1] =	stream.indirect_vreg.gather [hbm4b:s2+s3], $0x80, v3, vm0, $0xb8;
	[tilespmem:$0x18600] =	vst v63  }
0x6a: {  	s1 =	simm.s32 $0x7A00  }
0x6b: {  	[tilespmem:s1], [sflag:$0x1] =	stream.indirect_vreg.gather [hbm4b:s5+s3], $0x80, v3, vm1, $0xb8;
	[tilespmem:$0x18600] =	vst v63  }
0x6c: {  	v3 =	vld [tilespmem:$0x50];
	_ =	sdelay $0x4  }
0x6d: {  	v29 =	vshrl.u32 v3, $0x3  }
0x6e: {  	v4 =	vmul.u32 $0x18, v29  }
0x6f: {  	v3 =	vand.u32 $0x7, v3  }
0x70: {  	v3 =	vor.u32 v3, v4  }
0x71: {  	v4 =	vperm.xlane v3, v0;
	_ =	sdelay $0x1  }
0x72: {  	v4 =	vadd.s32 v1, v4;
	_ =	sdelay $0x1  }
0x73: {  	v3 =	vperm.xlane v3, v2;
	_ =	sdelay $0x1  }
0x74: {  	s6 =	simm.s32 $0x7E00;
	v3 =	vadd.s32 v1, v3  }
0x75: {  	[tilespmem:s6], [sflag:$0x1] =	stream.indirect_vreg.gather [hbm4b:s2+s3], $0x80, v4, vm0, $0xb8;
	[tilespmem:$0x18600] =	vst v63  }
0x76: {  	s8 =	simm.s32 $0x8600  }
0x77: {  	[tilespmem:s8], [sflag:$0x1] =	stream.indirect_vreg.gather [hbm4b:s5+s3], $0x80, v4, vm1, $0xb8;
	[tilespmem:$0x18600] =	vst v63  }
0x78: {  	s13 =	simm.s32 $0x8A00  }
0x79: {  	[tilespmem:s13], [sflag:$0x1] =	stream.indirect_vreg.gather [hbm4b:s2+s3], $0x80, v3, vm0, $0xb8;
	[tilespmem:$0x18600] =	vst v63  }
0x7a: {  	s14 =	simm.s32 $0x9200  }
0x7b: {  	[tilespmem:s14], [sflag:$0x1] =	stream.indirect_vreg.gather [hbm4b:s5+s3], $0x80, v3, vm1, $0xb8;
	[tilespmem:$0x18600] =	vst v63  }
0x7c: {  	v3 =	vld [tilespmem:$0x60];
	_ =	sdelay $0x4  }
0x7d: {  	v30 =	vshrl.u32 v3, $0x3  }
0x7e: {  	v4 =	vmul.u32 $0x18, v30  }
0x7f: {  	v3 =	vand.u32 $0x7, v3  }
0x80: {  	v3 =	vor.u32 v3, v4  }
0x81: {  	v4 =	vperm.xlane v3, v0;
	_ =	sdelay $0x1  }
0x82: {  	v4 =	vadd.s32 v1, v4;
	_ =	sdelay $0x1  }
0x83: {  	v3 =	vperm.xlane v3, v2;
	_ =	sdelay $0x1  }
0x84: {  	s15 =	simm.s32 $0x9600;
	v3 =	vadd.s32 v1, v3  }
0x85: {  	[tilespmem:s15], [sflag:$0x1] =	stream.indirect_vreg.gather [hbm4b:s2+s3], $0x80, v4, vm0, $0xb8;
	[tilespmem:$0x18600] =	vst v63  }
0x86: {  	s16 =	simm.s32 $0x9E00  }
0x87: {  	[tilespmem:s16], [sflag:$0x1] =	stream.indirect_vreg.gather [hbm4b:s5+s3], $0x80, v4, vm1, $0xb8;
	[tilespmem:$0x18600] =	vst v63  }
0x88: {  	s17 =	simm.s32 $0xA200  }
0x89: {  	[tilespmem:s17], [sflag:$0x1] =	stream.indirect_vreg.gather [hbm4b:s2+s3], $0x80, v3, vm0, $0xb8;
	[tilespmem:$0x18600] =	vst v63  }
0x8a: {  	s18 =	simm.s32 $0xAA00  }
0x8b: {  	[tilespmem:s18], [sflag:$0x1] =	stream.indirect_vreg.gather [hbm4b:s5+s3], $0x80, v3, vm1, $0xb8;
	[tilespmem:$0x18600] =	vst v63  }
0x8c: {  	v3 =	vld [tilespmem:$0x70];
	_ =	sdelay $0x4  }
0x8d: {  	v31 =	vshrl.u32 v3, $0x3  }
0x8e: {  	v4 =	vmul.u32 $0x18, v31  }
0x8f: {  	v3 =	vand.u32 $0x7, v3  }
0x90: {  	v3 =	vor.u32 v3, v4  }
0x91: {  	v4 =	vperm.xlane v3, v0;
	_ =	sdelay $0x1  }
0x92: {  	v4 =	vadd.s32 v1, v4;
	_ =	sdelay $0x1  }
0x93: {  	v3 =	vperm.xlane v3, v2;
	_ =	sdelay $0x1  }
0x94: {  	s19 =	simm.s32 $0xAE00;
	v3 =	vadd.s32 v1, v3  }
0x95: {  	[tilespmem:s19], [sflag:$0x1] =	stream.indirect_vreg.gather [hbm4b:s2+s3], $0x80, v4, vm0, $0xb8;
	[tilespmem:$0x18600] =	vst v63  }
0x96: {  	s20 =	simm.s32 $0xB600  }
0x97: {  	[tilespmem:s20], [sflag:$0x1] =	stream.indirect_vreg.gather [hbm4b:s5+s3], $0x80, v4, vm1, $0xb8;
	[tilespmem:$0x18600] =	vst v63  }
0x98: {  	s21 =	simm.s32 $0xBA00  }
0x99: {  	[tilespmem:s21], [sflag:$0x1] =	stream.indirect_vreg.gather [hbm4b:s2+s3], $0x80, v3, vm0, $0xb8;
	[tilespmem:$0x18600] =	vst v63  }
0x9a: {  	s22 =	simm.s32 $0xC200  }
0x9b: {  	[tilespmem:s22], [sflag:$0x1] =	stream.indirect_vreg.gather [hbm4b:s5+s3], $0x80, v3, vm1, $0xb8;
	[tilespmem:$0x18600] =	vst v63  }
0x9c: {  	v3 =	vld [tilespmem:$0x80];
	_ =	sdelay $0x4  }
0x9d: {  	v32 =	vshrl.u32 v3, $0x3  }
0x9e: {  	v4 =	vmul.u32 $0x18, v32  }
0x9f: {  	v3 =	vand.u32 $0x7, v3  }
0xa0: {  	v3 =	vor.u32 v3, v4  }
0xa1: {  	v4 =	vperm.xlane v3, v0;
	_ =	sdelay $0x1  }
0xa2: {  	v4 =	vadd.s32 v1, v4;
	_ =	sdelay $0x1  }
0xa3: {  	v3 =	vperm.xlane v3, v2;
	_ =	sdelay $0x1  }
0xa4: {  	s25 =	simm.s32 $0xC600;
	v3 =	vadd.s32 v1, v3  }
0xa5: {  	[tilespmem:s25], [sflag:$0x2] =	stream.indirect_vreg.gather [hbm4b:s2+s3], $0x80, v4, vm0, $0xb8;
	[tilespmem:$0x18600] =	vst v63  }
0xa6: {  	s26 =	simm.s32 $0xCE00  }
0xa7: {  	[tilespmem:s26], [sflag:$0x2] =	stream.indirect_vreg.gather [hbm4b:s5+s3], $0x80, v4, vm1, $0xb8;
	[tilespmem:$0x18600] =	vst v63  }
0xa8: {  	s28 =	simm.s32 $0xD200  }
0xa9: {  	[tilespmem:s28], [sflag:$0x2] =	stream.indirect_vreg.gather [hbm4b:s2+s3], $0x80, v3, vm0, $0xb8;
	[tilespmem:$0x18600] =	vst v63  }
0xaa: {  	s29 =	simm.s32 $0xDA00  }
0xab: {  	[tilespmem:s29], [sflag:$0x2] =	stream.indirect_vreg.gather [hbm4b:s5+s3], $0x80, v3, vm1, $0xb8;
	[tilespmem:$0x18600] =	vst v63  }
0xac: {  	v3 =	vld [tilespmem:$0x90];
	_ =	sdelay $0x4  }
0xad: {  	v33 =	vshrl.u32 v3, $0x3  }
0xae: {  	v4 =	vmul.u32 $0x18, v33  }
0xaf: {  	v3 =	vand.u32 $0x7, v3  }
0xb0: {  	v3 =	vor.u32 v3, v4  }
0xb1: {  	v4 =	vperm.xlane v3, v0;
	_ =	sdelay $0x1  }
0xb2: {  	v4 =	vadd.s32 v1, v4;
	_ =	sdelay $0x1  }
0xb3: {  	v3 =	vperm.xlane v3, v2;
	_ =	sdelay $0x1  }
0xb4: {  	s30 =	simm.s32 $0xDE00;
	v3 =	vadd.s32 v1, v3  }
0xb5: {  	[tilespmem:s30], [sflag:$0x2] =	stream.indirect_vreg.gather [hbm4b:s2+s3], $0x80, v4, vm0, $0xb8;
	[tilespmem:$0x18600] =	vst v63  }
0xb6: {  	s31 =	simm.s32 $0xE600  }
0xb7: {  	[tilespmem:s31], [sflag:$0x2] =	stream.indirect_vreg.gather [hbm4b:s5+s3], $0x80, v4, vm1, $0xb8;
	[tilespmem:$0x18600] =	vst v63  }
0xb8: {  	s0 =	simm.s32 $0xEA00  }
0xb9: {  	[tilespmem:s0], [sflag:$0x2] =	stream.indirect_vreg.gather [hbm4b:s2+s3], $0x80, v3, vm0, $0xb8;
	[tilespmem:$0x18600] =	vst v63  }
0xba: {  	s1 =	simm.s32 $0xF200  }
0xbb: {  	[tilespmem:s1], [sflag:$0x2] =	stream.indirect_vreg.gather [hbm4b:s5+s3], $0x80, v3, vm1, $0xb8;
	[tilespmem:$0x18600] =	vst v63  }
0xbc: {  	v3 =	vld [tilespmem:$0xA0];
	_ =	sdelay $0x4  }
0xbd: {  	v34 =	vshrl.u32 v3, $0x3  }
0xbe: {  	v4 =	vmul.u32 $0x18, v34  }
0xbf: {  	v3 =	vand.u32 $0x7, v3  }
0xc0: {  	v3 =	vor.u32 v3, v4  }
0xc1: {  	v4 =	vperm.xlane v3, v0;
	_ =	sdelay $0x1  }
0xc2: {  	v4 =	vadd.s32 v1, v4;
	_ =	sdelay $0x1  }
0xc3: {  	v3 =	vperm.xlane v3, v2;
	_ =	sdelay $0x1  }
0xc4: {  	s6 =	simm.s32 $0xF600;
	v3 =	vadd.s32 v1, v3  }
0xc5: {  	[tilespmem:s6], [sflag:$0x2] =	stream.indirect_vreg.gather [hbm4b:s2+s3], $0x80, v4, vm0, $0xb8;
	[tilespmem:$0x18600] =	vst v63  }
0xc6: {  	s8 =	simm.s32 $0xFE00  }
0xc7: {  	[tilespmem:s8], [sflag:$0x2] =	stream.indirect_vreg.gather [hbm4b:s5+s3], $0x80, v4, vm1, $0xb8;
	[tilespmem:$0x18600] =	vst v63  }
0xc8: {  	s14 =	simm.s32 $0x10200  }
0xc9: {  	[tilespmem:s14], [sflag:$0x2] =	stream.indirect_vreg.gather [hbm4b:s2+s3], $0x80, v3, vm0, $0xb8;
	[tilespmem:$0x18600] =	vst v63  }
0xca: {  	s16 =	simm.s32 $0x10A00  }
0xcb: {  	[tilespmem:s16], [sflag:$0x2] =	stream.indirect_vreg.gather [hbm4b:s5+s3], $0x80, v3, vm1, $0xb8;
	[tilespmem:$0x18600] =	vst v63  }
0xcc: {  	v3 =	vld [tilespmem:$0xB0];
	_ =	sdelay $0x4  }
0xcd: {  	v35 =	vshrl.u32 v3, $0x3  }
0xce: {  	v4 =	vmul.u32 $0x18, v35  }
0xcf: {  	v3 =	vand.u32 $0x7, v3  }
0xd0: {  	v3 =	vor.u32 v3, v4  }
0xd1: {  	v4 =	vperm.xlane v3, v0;
	_ =	sdelay $0x1  }
0xd2: {  	v4 =	vadd.s32 v1, v4;
	_ =	sdelay $0x1  }
0xd3: {  	v3 =	vperm.xlane v3, v2;
	_ =	sdelay $0x1  }
0xd4: {  	s17 =	simm.s32 $0x10E00;
	v3 =	vadd.s32 v1, v3  }
0xd5: {  	[tilespmem:s17], [sflag:$0x2] =	stream.indirect_vreg.gather [hbm4b:s2+s3], $0x80, v4, vm0, $0xb8;
	[tilespmem:$0x18600] =	vst v63  }
0xd6: {  	s18 =	simm.s32 $0x11600  }
0xd7: {  	[tilespmem:s18], [sflag:$0x2] =	stream.indirect_vreg.gather [hbm4b:s5+s3], $0x80, v4, vm1, $0xb8;
	[tilespmem:$0x18600] =	vst v63  }
0xd8: {  	s19 =	simm.s32 $0x11A00  }
0xd9: {  	[tilespmem:s19], [sflag:$0x2] =	stream.indirect_vreg.gather [hbm4b:s2+s3], $0x80, v3, vm0, $0xb8;
	[tilespmem:$0x18600] =	vst v63  }
0xda: {  	s20 =	simm.s32 $0x12200  }
0xdb: {  	[tilespmem:s20], [sflag:$0x2] =	stream.indirect_vreg.gather [hbm4b:s5+s3], $0x80, v3, vm1, $0xb8;
	[tilespmem:$0x18600] =	vst v63  }
0xdc: {  	v3 =	vld [tilespmem:$0xC0];
	_ =	sdelay $0x4  }
0xdd: {  	v36 =	vshrl.u32 v3, $0x3  }
0xde: {  	v4 =	vmul.u32 $0x18, v36  }
0xdf: {  	v3 =	vand.u32 $0x7, v3  }
0xe0: {  	v3 =	vor.u32 v3, v4  }
0xe1: {  	v4 =	vperm.xlane v3, v0;
	_ =	sdelay $0x1  }
0xe2: {  	v4 =	vadd.s32 v1, v4;
	_ =	sdelay $0x1  }
0xe3: {  	v3 =	vperm.xlane v3, v2;
	_ =	sdelay $0x1  }
0xe4: {  	s21 =	simm.s32 $0x12600;
	v3 =	vadd.s32 v1, v3  }
0xe5: {  	[tilespmem:s21], [sflag:$0x2] =	stream.indirect_vreg.gather [hbm4b:s2+s3], $0x80, v4, vm0, $0xb8;
	[tilespmem:$0x18600] =	vst v63  }
0xe6: {  	s22 =	simm.s32 $0x12E00  }
0xe7: {  	[tilespmem:s22], [sflag:$0x2] =	stream.indirect_vreg.gather [hbm4b:s5+s3], $0x80, v4, vm1, $0xb8;
	[tilespmem:$0x18600] =	vst v63  }
0xe8: {  	s26 =	simm.s32 $0x13200  }
0xe9: {  	[tilespmem:s26], [sflag:$0x2] =	stream.indirect_vreg.gather [hbm4b:s2+s3], $0x80, v3, vm0, $0xb8;
	[tilespmem:$0x18600] =	vst v63  }
0xea: {  	s28 =	simm.s32 $0x13A00  }
0xeb: {  	[tilespmem:s28], [sflag:$0x2] =	stream.indirect_vreg.gather [hbm4b:s5+s3], $0x80, v3, vm1, $0xb8;
	[tilespmem:$0x18600] =	vst v63  }
0xec: {  	v3 =	vld [tilespmem:$0xD0];
	_ =	sdelay $0x4  }
0xed: {  	v37 =	vshrl.u32 v3, $0x3  }
0xee: {  	v4 =	vmul.u32 $0x18, v37  }
0xef: {  	v3 =	vand.u32 $0x7, v3  }
0xf0: {  	v3 =	vor.u32 v3, v4  }
0xf1: {  	v4 =	vperm.xlane v3, v0;
	_ =	sdelay $0x1  }
0xf2: {  	v4 =	vadd.s32 v1, v4;
	_ =	sdelay $0x1  }
0xf3: {  	v3 =	vperm.xlane v3, v2;
	_ =	sdelay $0x1  }
0xf4: {  	s29 =	simm.s32 $0x13E00;
	v3 =	vadd.s32 v1, v3  }
0xf5: {  	[tilespmem:s29], [sflag:$0x2] =	stream.indirect_vreg.gather [hbm4b:s2+s3], $0x80, v4, vm0, $0xb8;
	[tilespmem:$0x18600] =	vst v63  }
0xf6: {  	s30 =	simm.s32 $0x14600  }
0xf7: {  	[tilespmem:s30], [sflag:$0x2] =	stream.indirect_vreg.gather [hbm4b:s5+s3], $0x80, v4, vm1, $0xb8;
	[tilespmem:$0x18600] =	vst v63  }
0xf8: {  	s31 =	simm.s32 $0x14A00  }
0xf9: {  	[tilespmem:s31], [sflag:$0x2] =	stream.indirect_vreg.gather [hbm4b:s2+s3], $0x80, v3, vm0, $0xb8;
	[tilespmem:$0x18600] =	vst v63  }
0xfa: {  	s0 =	simm.s32 $0x15200  }
0xfb: {  	[tilespmem:s0], [sflag:$0x2] =	stream.indirect_vreg.gather [hbm4b:s5+s3], $0x80, v3, vm1, $0xb8;
	[tilespmem:$0x18600] =	vst v63  }
0xfc: {  	v3 =	vld [tilespmem:$0xE0];
	_ =	sdelay $0x4  }
0xfd: {  	v38 =	vshrl.u32 v3, $0x3  }
0xfe: {  	v4 =	vmul.u32 $0x18, v38  }
0xff: {  	v3 =	vand.u32 $0x7, v3  }
0x100: {  	v3 =	vor.u32 v3, v4  }
0x101: {  	v4 =	vperm.xlane v3, v0;
	_ =	sdelay $0x1  }
0x102: {  	v4 =	vadd.s32 v1, v4;
	_ =	sdelay $0x1  }
0x103: {  	v3 =	vperm.xlane v3, v2;
	_ =	sdelay $0x1  }
0x104: {  	s1 =	simm.s32 $0x15600;
	v3 =	vadd.s32 v1, v3  }
0x105: {  	[tilespmem:s1], [sflag:$0x2] =	stream.indirect_vreg.gather [hbm4b:s2+s3], $0x80, v4, vm0, $0xb8;
	[tilespmem:$0x18600] =	vst v63  }
0x106: {  	s6 =	simm.s32 $0x15E00  }
0x107: {  	[tilespmem:s6], [sflag:$0x2] =	stream.indirect_vreg.gather [hbm4b:s5+s3], $0x80, v4, vm1, $0xb8;
	[tilespmem:$0x18600] =	vst v63  }
0x108: {  	s8 =	simm.s32 $0x16200  }
0x109: {  	[tilespmem:s8], [sflag:$0x2] =	stream.indirect_vreg.gather [hbm4b:s2+s3], $0x80, v3, vm0, $0xb8;
	[tilespmem:$0x18600] =	vst v63  }
0x10a: {  	s14 =	simm.s32 $0x16A00  }
0x10b: {  	[tilespmem:s14], [sflag:$0x2] =	stream.indirect_vreg.gather [hbm4b:s5+s3], $0x80, v3, vm1, $0xb8;
	[tilespmem:$0x18600] =	vst v63  }
0x10c: {  	v3 =	vld [tilespmem:$0xF0];
	_ =	sdelay $0x4  }
0x10d: {  	v39 =	vshrl.u32 v3, $0x3  }
0x10e: {  	v4 =	vmul.u32 $0x18, v39  }
0x10f: {  	v3 =	vand.u32 $0x7, v3  }
0x110: {  	v3 =	vor.u32 v3, v4  }
0x111: {  	v4 =	vperm.xlane v3, v0;
	_ =	sdelay $0x1  }
0x112: {  	v4 =	vadd.s32 v1, v4;
	_ =	sdelay $0x1  }
0x113: {  	v3 =	vperm.xlane v3, v2;
	_ =	sdelay $0x1  }
0x114: {  	s16 =	simm.s32 $0x16E00;
	v3 =	vadd.s32 v1, v3  }
0x115: {  	[tilespmem:s16], [sflag:$0x2] =	stream.indirect_vreg.gather [hbm4b:s2+s3], $0x80, v4, vm0, $0xb8;
	[tilespmem:$0x18600] =	vst v63  }
0x116: {  	s17 =	simm.s32 $0x17600  }
0x117: {  	[tilespmem:s17], [sflag:$0x2] =	stream.indirect_vreg.gather [hbm4b:s5+s3], $0x80, v4, vm1, $0xb8;
	[tilespmem:$0x18600] =	vst v63  }
0x118: {  	s18 =	simm.s32 $0x17A00  }
0x119: {  	[tilespmem:s18], [sflag:$0x2] =	stream.indirect_vreg.gather [hbm4b:s2+s3], $0x80, v3, vm0, $0xb8;
	[tilespmem:$0x18600] =	vst v63  }
0x11a: {  	s19 =	simm.s32 $0x18200  }
0x11b: {  	[tilespmem:s19], [sflag:$0x2] =	stream.indirect_vreg.gather [hbm4b:s5+s3], $0x80, v3, vm1, $0xb8;
	[tilespmem:$0x18600] =	vst v63  }
0x11c: {  	_ =	swait.ge [sflag:s23], $0xC000  }
0x11d: {  	[sflag:s23] =	ssyncset.done $0x0  }
0x11e: {  	s21 =	simm.s32 $0x600;
	s20 =	rddreg [dreg:$0xf];
	[sflag:s23] =	ssyncadd.s32 $0xFFFF4000  }
0x11f: {  	[hbm4b:s20+s3] =	stream.linear.scatter [tilespmem:s21], [sflag:$0x3], $0xC000, $0x38;
	[tilespmem:$0x18600] =	vst v63  }
0x120: {  	_ =	swait.ge [sflag:s7], $0xC000  }
0x121: {  	[sflag:s7] =	ssyncset.done $0x0  }
0x122: {  	[sflag:s7] =	ssyncadd.s32 $0xFFFF4000  }
0x123: {  	v3 =	vld [tilespmem:$0x100];
	_ =	sdelay $0x4  }
0x124: {  	v40 =	vshrl.u32 v3, $0x3  }
0x125: {  	v4 =	vmul.u32 $0x18, v40  }
0x126: {  	v3 =	vand.u32 $0x7, v3  }
0x127: {  	v3 =	vor.u32 v3, v4  }
0x128: {  	v4 =	vperm.xlane v3, v0;
	_ =	sdelay $0x1  }
0x129: {  	v4 =	vadd.s32 v1, v4;
	_ =	sdelay $0x1  }
0x12a: {  	v3 =	vperm.xlane v3, v2;
	_ =	sdelay $0x1  }
0x12b: {  	v3 =	vadd.s32 v1, v3  }
0x12c: {  	[tilespmem:s21], [sflag:$0x1] =	stream.indirect_vreg.gather [hbm4b:s2+s3], $0x80, v4, vm0, $0xb8;
	[tilespmem:$0x18600] =	vst v63  }
0x12d: {  	s22 =	simm.s32 $0xE00  }
0x12e: {  	[tilespmem:s22], [sflag:$0x1] =	stream.indirect_vreg.gather [hbm4b:s5+s3], $0x80, v4, vm1, $0xb8;
	[tilespmem:$0x18600] =	vst v63  }
0x12f: {  	s1 =	simm.s32 $0x1200  }
0x130: {  	[tilespmem:s1], [sflag:$0x1] =	stream.indirect_vreg.gather [hbm4b:s2+s3], $0x80, v3, vm0, $0xb8;
	[tilespmem:$0x18600] =	vst v63  }
0x131: {  	s4 =	simm.s32 $0x1A00  }
0x132: {  	[tilespmem:s4], [sflag:$0x1] =	stream.indirect_vreg.gather [hbm4b:s5+s3], $0x80, v3, vm1, $0xb8;
	[tilespmem:$0x18600] =	vst v63  }
0x133: {  	v3 =	vld [tilespmem:$0x110];
	_ =	sdelay $0x4  }
0x134: {  	v41 =	vshrl.u32 v3, $0x3  }
0x135: {  	v4 =	vmul.u32 $0x18, v41  }
0x136: {  	v3 =	vand.u32 $0x7, v3  }
0x137: {  	v3 =	vor.u32 v3, v4  }
0x138: {  	v4 =	vperm.xlane v3, v0;
	_ =	sdelay $0x1  }
0x139: {  	v4 =	vadd.s32 v1, v4;
	_ =	sdelay $0x1  }
0x13a: {  	v3 =	vperm.xlane v3, v2;
	_ =	sdelay $0x1  }
0x13b: {  	s4 =	simm.s32 $0x1E00;
	v3 =	vadd.s32 v1, v3  }
0x13c: {  	[tilespmem:s4], [sflag:$0x1] =	stream.indirect_vreg.gather [hbm4b:s2+s3], $0x80, v4, vm0, $0xb8;
	[tilespmem:$0x18600] =	vst v63  }
0x13d: {  	s8 =	simm.s32 $0x2600  }
0x13e: {  	[tilespmem:s8], [sflag:$0x1] =	stream.indirect_vreg.gather [hbm4b:s5+s3], $0x80, v4, vm1, $0xb8;
	[tilespmem:$0x18600] =	vst v63  }
0x13f: {  	s18 =	simm.s32 $0x2A00  }
0x140: {  	[tilespmem:s18], [sflag:$0x1] =	stream.indirect_vreg.gather [hbm4b:s2+s3], $0x80, v3, vm0, $0xb8;
	[tilespmem:$0x18600] =	vst v63  }
0x141: {  	s9 =	simm.s32 $0x3200  }
0x142: {  	[tilespmem:s9], [sflag:$0x1] =	stream.indirect_vreg.gather [hbm4b:s5+s3], $0x80, v3, vm1, $0xb8;
	[tilespmem:$0x18600] =	vst v63  }
0x143: {  	v3 =	vld [tilespmem:$0x120];
	_ =	sdelay $0x4  }
0x144: {  	v42 =	vshrl.u32 v3, $0x3  }
0x145: {  	v4 =	vmul.u32 $0x18, v42  }
0x146: {  	v3 =	vand.u32 $0x7, v3  }
0x147: {  	v3 =	vor.u32 v3, v4  }
0x148: {  	v4 =	vperm.xlane v3, v0;
	_ =	sdelay $0x1  }
0x149: {  	v4 =	vadd.s32 v1, v4;
	_ =	sdelay $0x1  }
0x14a: {  	v3 =	vperm.xlane v3, v2;
	_ =	sdelay $0x1  }
0x14b: {  	s19 =	simm.s32 $0x3600;
	v3 =	vadd.s32 v1, v3  }
0x14c: {  	[tilespmem:s19], [sflag:$0x1] =	stream.indirect_vreg.gather [hbm4b:s2+s3], $0x80, v4, vm0, $0xb8;
	[tilespmem:$0x18600] =	vst v63  }
0x14d: {  	s20 =	simm.s32 $0x3E00  }
0x14e: {  	[tilespmem:s20], [sflag:$0x1] =	stream.indirect_vreg.gather [hbm4b:s5+s3], $0x80, v4, vm1, $0xb8;
	[tilespmem:$0x18600] =	vst v63  }
0x14f: {  	s21 =	simm.s32 $0x4200  }
0x150: {  	[tilespmem:s21], [sflag:$0x1] =	stream.indirect_vreg.gather [hbm4b:s2+s3], $0x80, v3, vm0, $0xb8;
	[tilespmem:$0x18600] =	vst v63  }
0x151: {  	s10 =	simm.s32 $0x4A00  }
0x152: {  	[tilespmem:s10], [sflag:$0x1] =	stream.indirect_vreg.gather [hbm4b:s5+s3], $0x80, v3, vm1, $0xb8;
	[tilespmem:$0x18600] =	vst v63  }
0x153: {  	v3 =	vld [tilespmem:$0x130];
	_ =	sdelay $0x4  }
0x154: {  	v43 =	vshrl.u32 v3, $0x3  }
0x155: {  	v4 =	vmul.u32 $0x18, v43  }
0x156: {  	v3 =	vand.u32 $0x7, v3  }
0x157: {  	v3 =	vor.u32 v3, v4  }
0x158: {  	v4 =	vperm.xlane v3, v0;
	_ =	sdelay $0x1  }
0x159: {  	v4 =	vadd.s32 v1, v4;
	_ =	sdelay $0x1  }
0x15a: {  	v3 =	vperm.xlane v3, v2;
	_ =	sdelay $0x1  }
0x15b: {  	s22 =	simm.s32 $0x4E00;
	v3 =	vadd.s32 v1, v3  }
0x15c: {  	[tilespmem:s22], [sflag:$0x1] =	stream.indirect_vreg.gather [hbm4b:s2+s3], $0x80, v4, vm0, $0xb8;
	[tilespmem:$0x18600] =	vst v63  }
0x15d: {  	s26 =	simm.s32 $0x5600  }
0x15e: {  	[tilespmem:s26], [sflag:$0x1] =	stream.indirect_vreg.gather [hbm4b:s5+s3], $0x80, v4, vm1, $0xb8;
	[tilespmem:$0x18600] =	vst v63  }
0x15f: {  	s28 =	simm.s32 $0x5A00  }
0x160: {  	[tilespmem:s28], [sflag:$0x1] =	stream.indirect_vreg.gather [hbm4b:s2+s3], $0x80, v3, vm0, $0xb8;
	[tilespmem:$0x18600] =	vst v63  }
0x161: {  	s11 =	simm.s32 $0x6200  }
0x162: {  	[tilespmem:s11], [sflag:$0x1] =	stream.indirect_vreg.gather [hbm4b:s5+s3], $0x80, v3, vm1, $0xb8;
	[tilespmem:$0x18600] =	vst v63  }
0x163: {  	v3 =	vld [tilespmem:$0x140];
	_ =	sdelay $0x4  }
0x164: {  	v44 =	vshrl.u32 v3, $0x3  }
0x165: {  	v4 =	vmul.u32 $0x18, v44  }
0x166: {  	v3 =	vand.u32 $0x7, v3  }
0x167: {  	v3 =	vor.u32 v3, v4  }
0x168: {  	v4 =	vperm.xlane v3, v0;
	_ =	sdelay $0x1  }
0x169: {  	v4 =	vadd.s32 v1, v4;
	_ =	sdelay $0x1  }
0x16a: {  	v3 =	vperm.xlane v3, v2;
	_ =	sdelay $0x1  }
0x16b: {  	s29 =	simm.s32 $0x6600;
	v3 =	vadd.s32 v1, v3  }
0x16c: {  	[tilespmem:s29], [sflag:$0x1] =	stream.indirect_vreg.gather [hbm4b:s2+s3], $0x80, v4, vm0, $0xb8;
	[tilespmem:$0x18600] =	vst v63  }
0x16d: {  	s30 =	simm.s32 $0x6E00  }
0x16e: {  	[tilespmem:s30], [sflag:$0x1] =	stream.indirect_vreg.gather [hbm4b:s5+s3], $0x80, v4, vm1, $0xb8;
	[tilespmem:$0x18600] =	vst v63  }
0x16f: {  	s31 =	simm.s32 $0x7200  }
0x170: {  	[tilespmem:s31], [sflag:$0x1] =	stream.indirect_vreg.gather [hbm4b:s2+s3], $0x80, v3, vm0, $0xb8;
	[tilespmem:$0x18600] =	vst v63  }
0x171: {  	s12 =	simm.s32 $0x7A00  }
0x172: {  	[tilespmem:s12], [sflag:$0x1] =	stream.indirect_vreg.gather [hbm4b:s5+s3], $0x80, v3, vm1, $0xb8;
	[tilespmem:$0x18600] =	vst v63  }
0x173: {  	v3 =	vld [tilespmem:$0x150];
	_ =	sdelay $0x4  }
0x174: {  	v45 =	vshrl.u32 v3, $0x3  }
0x175: {  	v4 =	vmul.u32 $0x18, v45  }
0x176: {  	v3 =	vand.u32 $0x7, v3  }
0x177: {  	v3 =	vor.u32 v3, v4  }
0x178: {  	v4 =	vperm.xlane v3, v0;
	_ =	sdelay $0x1  }
0x179: {  	v4 =	vadd.s32 v1, v4;
	_ =	sdelay $0x1  }
0x17a: {  	v3 =	vperm.xlane v3, v2;
	_ =	sdelay $0x1  }
0x17b: {  	s9 =	simm.s32 $0x7E00;
	v3 =	vadd.s32 v1, v3  }
0x17c: {  	[tilespmem:s9], [sflag:$0x1] =	stream.indirect_vreg.gather [hbm4b:s2+s3], $0x80, v4, vm0, $0xb8;
	[tilespmem:$0x18600] =	vst v63  }
0x17d: {  	s10 =	simm.s32 $0x8600  }
0x17e: {  	[tilespmem:s10], [sflag:$0x1] =	stream.indirect_vreg.gather [hbm4b:s5+s3], $0x80, v4, vm1, $0xb8;
	[tilespmem:$0x18600] =	vst v63  }
0x17f: {  	s11 =	simm.s32 $0x8A00  }
0x180: {  	[tilespmem:s11], [sflag:$0x1] =	stream.indirect_vreg.gather [hbm4b:s2+s3], $0x80, v3, vm0, $0xb8;
	[tilespmem:$0x18600] =	vst v63  }
0x181: {  	s13 =	simm.s32 $0x9200  }
0x182: {  	[tilespmem:s13], [sflag:$0x1] =	stream.indirect_vreg.gather [hbm4b:s5+s3], $0x80, v3, vm1, $0xb8;
	[tilespmem:$0x18600] =	vst v63  }
0x183: {  	v3 =	vld [tilespmem:$0x160];
	_ =	sdelay $0x4  }
0x184: {  	v46 =	vshrl.u32 v3, $0x3  }
0x185: {  	v4 =	vmul.u32 $0x18, v46  }
0x186: {  	v3 =	vand.u32 $0x7, v3  }
0x187: {  	v3 =	vor.u32 v3, v4  }
0x188: {  	v4 =	vperm.xlane v3, v0;
	_ =	sdelay $0x1  }
0x189: {  	v4 =	vadd.s32 v1, v4;
	_ =	sdelay $0x1  }
0x18a: {  	v3 =	vperm.xlane v3, v2;
	_ =	sdelay $0x1  }
0x18b: {  	s12 =	simm.s32 $0x9600;
	v3 =	vadd.s32 v1, v3  }
0x18c: {  	[tilespmem:s12], [sflag:$0x1] =	stream.indirect_vreg.gather [hbm4b:s2+s3], $0x80, v4, vm0, $0xb8;
	[tilespmem:$0x18600] =	vst v63  }
0x18d: {  	s13 =	simm.s32 $0x9E00  }
0x18e: {  	[tilespmem:s13], [sflag:$0x1] =	stream.indirect_vreg.gather [hbm4b:s5+s3], $0x80, v4, vm1, $0xb8;
	[tilespmem:$0x18600] =	vst v63  }
0x18f: {  	s14 =	simm.s32 $0xA200  }
0x190: {  	[tilespmem:s14], [sflag:$0x1] =	stream.indirect_vreg.gather [hbm4b:s2+s3], $0x80, v3, vm0, $0xb8;
	[tilespmem:$0x18600] =	vst v63  }
0x191: {  	s15 =	simm.s32 $0xAA00  }
0x192: {  	[tilespmem:s15], [sflag:$0x1] =	stream.indirect_vreg.gather [hbm4b:s5+s3], $0x80, v3, vm1, $0xb8;
	[tilespmem:$0x18600] =	vst v63  }
0x193: {  	v3 =	vld [tilespmem:$0x170];
	_ =	sdelay $0x4  }
0x194: {  	v47 =	vshrl.u32 v3, $0x3  }
0x195: {  	v4 =	vmul.u32 $0x18, v47  }
0x196: {  	v3 =	vand.u32 $0x7, v3  }
0x197: {  	v3 =	vor.u32 v3, v4  }
0x198: {  	v4 =	vperm.xlane v3, v0;
	_ =	sdelay $0x1  }
0x199: {  	v4 =	vadd.s32 v1, v4;
	_ =	sdelay $0x1  }
0x19a: {  	v3 =	vperm.xlane v3, v2;
	_ =	sdelay $0x1  }
0x19b: {  	s16 =	simm.s32 $0xAE00;
	v3 =	vadd.s32 v1, v3  }
0x19c: {  	[tilespmem:s16], [sflag:$0x1] =	stream.indirect_vreg.gather [hbm4b:s2+s3], $0x80, v4, vm0, $0xb8;
	[tilespmem:$0x18600] =	vst v63  }
0x19d: {  	s17 =	simm.s32 $0xB600  }
0x19e: {  	[tilespmem:s17], [sflag:$0x1] =	stream.indirect_vreg.gather [hbm4b:s5+s3], $0x80, v4, vm1, $0xb8;
	[tilespmem:$0x18600] =	vst v63  }
0x19f: {  	s15 =	simm.s32 $0xBA00  }
0x1a0: {  	[tilespmem:s15], [sflag:$0x1] =	stream.indirect_vreg.gather [hbm4b:s2+s3], $0x80, v3, vm0, $0xb8;
	[tilespmem:$0x18600] =	vst v63  }
0x1a1: {  	s6 =	simm.s32 $0xC200  }
0x1a2: {  	[tilespmem:s6], [sflag:$0x1] =	stream.indirect_vreg.gather [hbm4b:s5+s3], $0x80, v3, vm1, $0xb8;
	[tilespmem:$0x18600] =	vst v63  }
0x1a3: {  	_ =	swait.ge [sflag:s24], $0xC000  }
0x1a4: {  	[sflag:s24] =	ssyncset.done $0x0  }
0x1a5: {  	s0 =	simm.s32 $0xC600;
	s25 =	rddreg [dreg:$0x4];
	[sflag:s24] =	ssyncadd.s32 $0xFFFF4000  }
0x1a6: {  	[hbm4b:s25+s3] =	stream.linear.scatter [tilespmem:s0], [sflag:$0x3], $0xC000, $0x38;
	[tilespmem:$0x18600] =	vst v63  }
0x1a7: {  	_ =	swait.ge [sflag:s7], $0xC000  }
0x1a8: {  	[sflag:s7] =	ssyncset.done $0x0  }
0x1a9: {  	[sflag:s7] =	ssyncadd.s32 $0xFFFF4000  }
0x1aa: {  	v3 =	vld [tilespmem:$0x180];
	_ =	sdelay $0x4  }
0x1ab: {  	v48 =	vshrl.u32 v3, $0x3  }
0x1ac: {  	v4 =	vmul.u32 $0x18, v48  }
0x1ad: {  	v3 =	vand.u32 $0x7, v3  }
0x1ae: {  	v3 =	vor.u32 v3, v4  }
0x1af: {  	v4 =	vperm.xlane v3, v0;
	_ =	sdelay $0x1  }
0x1b0: {  	v4 =	vadd.s32 v1, v4;
	_ =	sdelay $0x1  }
0x1b1: {  	v3 =	vperm.xlane v3, v2;
	_ =	sdelay $0x1  }
0x1b2: {  	v3 =	vadd.s32 v1, v3  }
0x1b3: {  	[tilespmem:s0], [sflag:$0x2] =	stream.indirect_vreg.gather [hbm4b:s2+s3], $0x80, v4, vm0, $0xb8;
	[tilespmem:$0x18600] =	vst v63  }
0x1b4: {  	s25 =	simm.s32 $0xCE00  }
0x1b5: {  	[tilespmem:s25], [sflag:$0x2] =	stream.indirect_vreg.gather [hbm4b:s5+s3], $0x80, v4, vm1, $0xb8;
	[tilespmem:$0x18600] =	vst v63  }
0x1b6: {  	s25 =	simm.s32 $0xD200  }
0x1b7: {  	[tilespmem:s25], [sflag:$0x2] =	stream.indirect_vreg.gather [hbm4b:s2+s3], $0x80, v3, vm0, $0xb8;
	[tilespmem:$0x18600] =	vst v63  }
0x1b8: {  	s25 =	simm.s32 $0xDA00  }
0x1b9: {  	[tilespmem:s25], [sflag:$0x2] =	stream.indirect_vreg.gather [hbm4b:s5+s3], $0x80, v3, vm1, $0xb8;
	[tilespmem:$0x18600] =	vst v63  }
0x1ba: {  	v3 =	vld [tilespmem:$0x190];
	_ =	sdelay $0x4  }
0x1bb: {  	v49 =	vshrl.u32 v3, $0x3  }
0x1bc: {  	v4 =	vmul.u32 $0x18, v49  }
0x1bd: {  	v3 =	vand.u32 $0x7, v3  }
0x1be: {  	v3 =	vor.u32 v3, v4  }
0x1bf: {  	v4 =	vperm.xlane v3, v0;
	_ =	sdelay $0x1  }
0x1c0: {  	v4 =	vadd.s32 v1, v4;
	_ =	sdelay $0x1  }
0x1c1: {  	v3 =	vperm.xlane v3, v2;
	_ =	sdelay $0x1  }
0x1c2: {  	s25 =	simm.s32 $0xDE00;
	v3 =	vadd.s32 v1, v3  }
0x1c3: {  	[tilespmem:s25], [sflag:$0x2] =	stream.indirect_vreg.gather [hbm4b:s2+s3], $0x80, v4, vm0, $0xb8;
	[tilespmem:$0x18600] =	vst v63  }
0x1c4: {  	s25 =	simm.s32 $0xE600  }
0x1c5: {  	[tilespmem:s25], [sflag:$0x2] =	stream.indirect_vreg.gather [hbm4b:s5+s3], $0x80, v4, vm1, $0xb8;
	[tilespmem:$0x18600] =	vst v63  }
0x1c6: {  	s25 =	simm.s32 $0xEA00  }
0x1c7: {  	[tilespmem:s25], [sflag:$0x2] =	stream.indirect_vreg.gather [hbm4b:s2+s3], $0x80, v3, vm0, $0xb8;
	[tilespmem:$0x18600] =	vst v63  }
0x1c8: {  	s25 =	simm.s32 $0xF200  }
0x1c9: {  	[tilespmem:s25], [sflag:$0x2] =	stream.indirect_vreg.gather [hbm4b:s5+s3], $0x80, v3, vm1, $0xb8;
	[tilespmem:$0x18600] =	vst v63  }
0x1ca: {  	v3 =	vld [tilespmem:$0x1A0];
	_ =	sdelay $0x4  }
0x1cb: {  	v50 =	vshrl.u32 v3, $0x3  }
0x1cc: {  	v4 =	vmul.u32 $0x18, v50  }
0x1cd: {  	v3 =	vand.u32 $0x7, v3  }
0x1ce: {  	v3 =	vor.u32 v3, v4  }
0x1cf: {  	v4 =	vperm.xlane v3, v0;
	_ =	sdelay $0x1  }
0x1d0: {  	v4 =	vadd.s32 v1, v4;
	_ =	sdelay $0x1  }
0x1d1: {  	v3 =	vperm.xlane v3, v2;
	_ =	sdelay $0x1  }
0x1d2: {  	s25 =	simm.s32 $0xF600;
	v3 =	vadd.s32 v1, v3  }
0x1d3: {  	[tilespmem:s25], [sflag:$0x2] =	stream.indirect_vreg.gather [hbm4b:s2+s3], $0x80, v4, vm0, $0xb8;
	[tilespmem:$0x18600] =	vst v63  }
0x1d4: {  	s25 =	simm.s32 $0xFE00  }
0x1d5: {  	[tilespmem:s25], [sflag:$0x2] =	stream.indirect_vreg.gather [hbm4b:s5+s3], $0x80, v4, vm1, $0xb8;
	[tilespmem:$0x18600] =	vst v63  }
0x1d6: {  	s25 =	simm.s32 $0x10200  }
0x1d7: {  	[tilespmem:s25], [sflag:$0x2] =	stream.indirect_vreg.gather [hbm4b:s2+s3], $0x80, v3, vm0, $0xb8;
	[tilespmem:$0x18600] =	vst v63  }
0x1d8: {  	s25 =	simm.s32 $0x10A00  }
0x1d9: {  	[tilespmem:s25], [sflag:$0x2] =	stream.indirect_vreg.gather [hbm4b:s5+s3], $0x80, v3, vm1, $0xb8;
	[tilespmem:$0x18600] =	vst v63  }
0x1da: {  	v3 =	vld [tilespmem:$0x1B0];
	_ =	sdelay $0x4  }
0x1db: {  	v51 =	vshrl.u32 v3, $0x3  }
0x1dc: {  	v4 =	vmul.u32 $0x18, v51  }
0x1dd: {  	v3 =	vand.u32 $0x7, v3  }
0x1de: {  	v3 =	vor.u32 v3, v4  }
0x1df: {  	v4 =	vperm.xlane v3, v0;
	_ =	sdelay $0x1  }
0x1e0: {  	v4 =	vadd.s32 v1, v4;
	_ =	sdelay $0x1  }
0x1e1: {  	v3 =	vperm.xlane v3, v2;
	_ =	sdelay $0x1  }
0x1e2: {  	s25 =	simm.s32 $0x10E00;
	v3 =	vadd.s32 v1, v3  }
0x1e3: {  	[tilespmem:s25], [sflag:$0x2] =	stream.indirect_vreg.gather [hbm4b:s2+s3], $0x80, v4, vm0, $0xb8;
	[tilespmem:$0x18600] =	vst v63  }
0x1e4: {  	s25 =	simm.s32 $0x11600  }
0x1e5: {  	[tilespmem:s25], [sflag:$0x2] =	stream.indirect_vreg.gather [hbm4b:s5+s3], $0x80, v4, vm1, $0xb8;
	[tilespmem:$0x18600] =	vst v63  }
0x1e6: {  	s25 =	simm.s32 $0x11A00  }
0x1e7: {  	[tilespmem:s25], [sflag:$0x2] =	stream.indirect_vreg.gather [hbm4b:s2+s3], $0x80, v3, vm0, $0xb8;
	[tilespmem:$0x18600] =	vst v63  }
0x1e8: {  	s25 =	simm.s32 $0x12200  }
0x1e9: {  	[tilespmem:s25], [sflag:$0x2] =	stream.indirect_vreg.gather [hbm4b:s5+s3], $0x80, v3, vm1, $0xb8;
	[tilespmem:$0x18600] =	vst v63  }
0x1ea: {  	v3 =	vld [tilespmem:$0x1C0];
	_ =	sdelay $0x4  }
0x1eb: {  	v52 =	vshrl.u32 v3, $0x3  }
0x1ec: {  	v4 =	vmul.u32 $0x18, v52  }
0x1ed: {  	v3 =	vand.u32 $0x7, v3  }
0x1ee: {  	v3 =	vor.u32 v3, v4  }
0x1ef: {  	v4 =	vperm.xlane v3, v0;
	_ =	sdelay $0x1  }
0x1f0: {  	v4 =	vadd.s32 v1, v4;
	_ =	sdelay $0x1  }
0x1f1: {  	v3 =	vperm.xlane v3, v2;
	_ =	sdelay $0x1  }
0x1f2: {  	s25 =	simm.s32 $0x12600;
	v3 =	vadd.s32 v1, v3  }
0x1f3: {  	[tilespmem:s25], [sflag:$0x2] =	stream.indirect_vreg.gather [hbm4b:s2+s3], $0x80, v4, vm0, $0xb8;
	[tilespmem:$0x18600] =	vst v63  }
0x1f4: {  	s25 =	simm.s32 $0x12E00  }
0x1f5: {  	[tilespmem:s25], [sflag:$0x2] =	stream.indirect_vreg.gather [hbm4b:s5+s3], $0x80, v4, vm1, $0xb8;
	[tilespmem:$0x18600] =	vst v63  }
0x1f6: {  	s25 =	simm.s32 $0x13200  }
0x1f7: {  	[tilespmem:s25], [sflag:$0x2] =	stream.indirect_vreg.gather [hbm4b:s2+s3], $0x80, v3, vm0, $0xb8;
	[tilespmem:$0x18600] =	vst v63  }
0x1f8: {  	s25 =	simm.s32 $0x13A00  }
0x1f9: {  	[tilespmem:s25], [sflag:$0x2] =	stream.indirect_vreg.gather [hbm4b:s5+s3], $0x80, v3, vm1, $0xb8;
	[tilespmem:$0x18600] =	vst v63  }
0x1fa: {  	v3 =	vld [tilespmem:$0x1D0];
	_ =	sdelay $0x4  }
0x1fb: {  	v53 =	vshrl.u32 v3, $0x3  }
0x1fc: {  	v4 =	vmul.u32 $0x18, v53  }
0x1fd: {  	v3 =	vand.u32 $0x7, v3  }
0x1fe: {  	v3 =	vor.u32 v3, v4  }
0x1ff: {  	v4 =	vperm.xlane v3, v0;
	_ =	sdelay $0x1  }
0x200: {  	v4 =	vadd.s32 v1, v4;
	_ =	sdelay $0x1  }
0x201: {  	v3 =	vperm.xlane v3, v2;
	_ =	sdelay $0x1  }
0x202: {  	s25 =	simm.s32 $0x13E00;
	v3 =	vadd.s32 v1, v3  }
0x203: {  	[tilespmem:s25], [sflag:$0x2] =	stream.indirect_vreg.gather [hbm4b:s2+s3], $0x80, v4, vm0, $0xb8;
	[tilespmem:$0x18600] =	vst v63  }
0x204: {  	s25 =	simm.s32 $0x14600  }
0x205: {  	[tilespmem:s25], [sflag:$0x2] =	stream.indirect_vreg.gather [hbm4b:s5+s3], $0x80, v4, vm1, $0xb8;
	[tilespmem:$0x18600] =	vst v63  }
0x206: {  	s25 =	simm.s32 $0x14A00  }
0x207: {  	[tilespmem:s25], [sflag:$0x2] =	stream.indirect_vreg.gather [hbm4b:s2+s3], $0x80, v3, vm0, $0xb8;
	[tilespmem:$0x18600] =	vst v63  }
0x208: {  	s25 =	simm.s32 $0x15200  }
0x209: {  	[tilespmem:s25], [sflag:$0x2] =	stream.indirect_vreg.gather [hbm4b:s5+s3], $0x80, v3, vm1, $0xb8;
	[tilespmem:$0x18600] =	vst v63  }
0x20a: {  	v3 =	vld [tilespmem:$0x1E0];
	_ =	sdelay $0x4  }
0x20b: {  	v54 =	vshrl.u32 v3, $0x3  }
0x20c: {  	v4 =	vmul.u32 $0x18, v54  }
0x20d: {  	v3 =	vand.u32 $0x7, v3  }
0x20e: {  	v3 =	vor.u32 v3, v4  }
0x20f: {  	v4 =	vperm.xlane v3, v0;
	_ =	sdelay $0x1  }
0x210: {  	v4 =	vadd.s32 v1, v4;
	_ =	sdelay $0x1  }
0x211: {  	v3 =	vperm.xlane v3, v2;
	_ =	sdelay $0x1  }
0x212: {  	s25 =	simm.s32 $0x15600;
	v3 =	vadd.s32 v1, v3  }
0x213: {  	[tilespmem:s25], [sflag:$0x2] =	stream.indirect_vreg.gather [hbm4b:s2+s3], $0x80, v4, vm0, $0xb8;
	[tilespmem:$0x18600] =	vst v63  }
0x214: {  	s25 =	simm.s32 $0x15E00  }
0x215: {  	[tilespmem:s25], [sflag:$0x2] =	stream.indirect_vreg.gather [hbm4b:s5+s3], $0x80, v4, vm1, $0xb8;
	[tilespmem:$0x18600] =	vst v63  }
0x216: {  	s25 =	simm.s32 $0x16200  }
0x217: {  	[tilespmem:s25], [sflag:$0x2] =	stream.indirect_vreg.gather [hbm4b:s2+s3], $0x80, v3, vm0, $0xb8;
	[tilespmem:$0x18600] =	vst v63  }
0x218: {  	s25 =	simm.s32 $0x16A00  }
0x219: {  	[tilespmem:s25], [sflag:$0x2] =	stream.indirect_vreg.gather [hbm4b:s5+s3], $0x80, v3, vm1, $0xb8;
	[tilespmem:$0x18600] =	vst v63  }
0x21a: {  	v3 =	vld [tilespmem:$0x1F0];
	_ =	sdelay $0x4  }
0x21b: {  	v55 =	vshrl.u32 v3, $0x3  }
0x21c: {  	v4 =	vmul.u32 $0x18, v55  }
0x21d: {  	v3 =	vand.u32 $0x7, v3  }
0x21e: {  	v3 =	vor.u32 v3, v4  }
0x21f: {  	v4 =	vperm.xlane v3, v0;
	_ =	sdelay $0x1  }
0x220: {  	v4 =	vadd.s32 v1, v4;
	_ =	sdelay $0x1  }
0x221: {  	v3 =	vperm.xlane v3, v2;
	_ =	sdelay $0x1  }
0x222: {  	s25 =	simm.s32 $0x16E00;
	v3 =	vadd.s32 v1, v3  }
0x223: {  	[tilespmem:s25], [sflag:$0x2] =	stream.indirect_vreg.gather [hbm4b:s2+s3], $0x80, v4, vm0, $0xb8;
	[tilespmem:$0x18600] =	vst v63  }
0x224: {  	s25 =	simm.s32 $0x17600  }
0x225: {  	[tilespmem:s25], [sflag:$0x2] =	stream.indirect_vreg.gather [hbm4b:s5+s3], $0x80, v4, vm1, $0xb8;
	[tilespmem:$0x18600] =	vst v63  }
0x226: {  	s25 =	simm.s32 $0x17A00  }
0x227: {  	[tilespmem:s25], [sflag:$0x2] =	stream.indirect_vreg.gather [hbm4b:s2+s3], $0x80, v3, vm0, $0xb8;
	[tilespmem:$0x18600] =	vst v63  }
0x228: {  	s25 =	simm.s32 $0x18200  }
0x229: {  	[tilespmem:s25], [sflag:$0x2] =	stream.indirect_vreg.gather [hbm4b:s5+s3], $0x80, v3, vm1, $0xb8;
	[tilespmem:$0x18600] =	vst v63  }
0x22a: {  	_ =	swait.ge [sflag:s23], $0xC000  }
0x22b: {  	[sflag:s23] =	ssyncset.done $0x0  }
0x22c: {  	s0 =	simm.s32 $0x600;
	s25 =	rddreg [dreg:$0x5];
	[sflag:s23] =	ssyncadd.s32 $0xFFFF4000  }
0x22d: {  	[hbm4b:s25+s3] =	stream.linear.scatter [tilespmem:s0], [sflag:$0x3], $0xC000, $0x38;
	[tilespmem:$0x18600] =	vst v63  }
0x22e: {  	_ =	swait.ge [sflag:s7], $0xC000  }
0x22f: {  	[sflag:s7] =	ssyncset.done $0x0  }
0x230: {  	[sflag:s7] =	ssyncadd.s32 $0xFFFF4000  }
0x231: {  	v3 =	vld [tilespmem:$0x200];
	_ =	sdelay $0x4  }
0x232: {  	v56 =	vshrl.u32 v3, $0x3  }
0x233: {  	v4 =	vmul.u32 $0x18, v56  }
0x234: {  	v3 =	vand.u32 $0x7, v3  }
0x235: {  	v3 =	vor.u32 v3, v4  }
0x236: {  	v4 =	vperm.xlane v3, v0;
	_ =	sdelay $0x1  }
0x237: {  	v4 =	vadd.s32 v1, v4;
	_ =	sdelay $0x1  }
0x238: {  	v3 =	vperm.xlane v3, v2;
	_ =	sdelay $0x1  }
0x239: {  	v3 =	vadd.s32 v1, v3  }
0x23a: {  	[tilespmem:s0], [sflag:$0x1] =	stream.indirect_vreg.gather [hbm4b:s2+s3], $0x80, v4, vm0, $0xb8;
	[tilespmem:$0x18600] =	vst v63  }
0x23b: {  	s25 =	simm.s32 $0xE00  }
0x23c: {  	[tilespmem:s25], [sflag:$0x1] =	stream.indirect_vreg.gather [hbm4b:s5+s3], $0x80, v4, vm1, $0xb8;
	[tilespmem:$0x18600] =	vst v63  }
0x23d: {  	_ = 	snop  }
0x23e: {  	[tilespmem:s1], [sflag:$0x1] =	stream.indirect_vreg.gather [hbm4b:s2+s3], $0x80, v3, vm0, $0xb8;
	[tilespmem:$0x18600] =	vst v63  }
0x23f: {  	s25 =	simm.s32 $0x1A00  }
0x240: {  	[tilespmem:s25], [sflag:$0x1] =	stream.indirect_vreg.gather [hbm4b:s5+s3], $0x80, v3, vm1, $0xb8;
	[tilespmem:$0x18600] =	vst v63  }
0x241: {  	v3 =	vld [tilespmem:$0x210];
	_ =	sdelay $0x4  }
0x242: {  	v57 =	vshrl.u32 v3, $0x3  }
0x243: {  	v4 =	vmul.u32 $0x18, v57  }
0x244: {  	v3 =	vand.u32 $0x7, v3  }
0x245: {  	v3 =	vor.u32 v3, v4  }
0x246: {  	v4 =	vperm.xlane v3, v0;
	_ =	sdelay $0x1  }
0x247: {  	v4 =	vadd.s32 v1, v4;
	_ =	sdelay $0x1  }
0x248: {  	v3 =	vperm.xlane v3, v2;
	_ =	sdelay $0x1  }
0x249: {  	v3 =	vadd.s32 v1, v3  }
0x24a: {  	[tilespmem:s4], [sflag:$0x1] =	stream.indirect_vreg.gather [hbm4b:s2+s3], $0x80, v4, vm0, $0xb8;
	[tilespmem:$0x18600] =	vst v63  }
0x24b: {  	_ = 	snop  }
0x24c: {  	[tilespmem:s8], [sflag:$0x1] =	stream.indirect_vreg.gather [hbm4b:s5+s3], $0x80, v4, vm1, $0xb8;
	[tilespmem:$0x18600] =	vst v63  }
0x24d: {  	_ = 	snop  }
0x24e: {  	[tilespmem:s18], [sflag:$0x1] =	stream.indirect_vreg.gather [hbm4b:s2+s3], $0x80, v3, vm0, $0xb8;
	[tilespmem:$0x18600] =	vst v63  }
0x24f: {  	s1 =	simm.s32 $0x3200  }
0x250: {  	[tilespmem:s1], [sflag:$0x1] =	stream.indirect_vreg.gather [hbm4b:s5+s3], $0x80, v3, vm1, $0xb8;
	[tilespmem:$0x18600] =	vst v63  }
0x251: {  	v3 =	vld [tilespmem:$0x220];
	_ =	sdelay $0x4  }
0x252: {  	v58 =	vshrl.u32 v3, $0x3  }
0x253: {  	v4 =	vmul.u32 $0x18, v58  }
0x254: {  	v3 =	vand.u32 $0x7, v3  }
0x255: {  	v3 =	vor.u32 v3, v4  }
0x256: {  	v4 =	vperm.xlane v3, v0;
	_ =	sdelay $0x1  }
0x257: {  	v4 =	vadd.s32 v1, v4;
	_ =	sdelay $0x1  }
0x258: {  	v3 =	vperm.xlane v3, v2;
	_ =	sdelay $0x1  }
0x259: {  	v3 =	vadd.s32 v1, v3  }
0x25a: {  	[tilespmem:s19], [sflag:$0x1] =	stream.indirect_vreg.gather [hbm4b:s2+s3], $0x80, v4, vm0, $0xb8;
	[tilespmem:$0x18600] =	vst v63  }
0x25b: {  	_ = 	snop  }
0x25c: {  	[tilespmem:s20], [sflag:$0x1] =	stream.indirect_vreg.gather [hbm4b:s5+s3], $0x80, v4, vm1, $0xb8;
	[tilespmem:$0x18600] =	vst v63  }
0x25d: {  	_ = 	snop  }
0x25e: {  	[tilespmem:s21], [sflag:$0x1] =	stream.indirect_vreg.gather [hbm4b:s2+s3], $0x80, v3, vm0, $0xb8;
	[tilespmem:$0x18600] =	vst v63  }
0x25f: {  	s4 =	simm.s32 $0x4A00  }
0x260: {  	[tilespmem:s4], [sflag:$0x1] =	stream.indirect_vreg.gather [hbm4b:s5+s3], $0x80, v3, vm1, $0xb8;
	[tilespmem:$0x18600] =	vst v63  }
0x261: {  	v3 =	vld [tilespmem:$0x230];
	_ =	sdelay $0x4  }
0x262: {  	v59 =	vshrl.u32 v3, $0x3  }
0x263: {  	v4 =	vmul.u32 $0x18, v59  }
0x264: {  	v3 =	vand.u32 $0x7, v3  }
0x265: {  	v3 =	vor.u32 v3, v4  }
0x266: {  	v4 =	vperm.xlane v3, v0;
	_ =	sdelay $0x1  }
0x267: {  	v4 =	vadd.s32 v1, v4;
	_ =	sdelay $0x1  }
0x268: {  	v3 =	vperm.xlane v3, v2;
	_ =	sdelay $0x1  }
0x269: {  	v3 =	vadd.s32 v1, v3  }
0x26a: {  	[tilespmem:s22], [sflag:$0x1] =	stream.indirect_vreg.gather [hbm4b:s2+s3], $0x80, v4, vm0, $0xb8;
	[tilespmem:$0x18600] =	vst v63  }
0x26b: {  	_ = 	snop  }
0x26c: {  	[tilespmem:s26], [sflag:$0x1] =	stream.indirect_vreg.gather [hbm4b:s5+s3], $0x80, v4, vm1, $0xb8;
	[tilespmem:$0x18600] =	vst v63  }
0x26d: {  	_ = 	snop  }
0x26e: {  	[tilespmem:s28], [sflag:$0x1] =	stream.indirect_vreg.gather [hbm4b:s2+s3], $0x80, v3, vm0, $0xb8;
	[tilespmem:$0x18600] =	vst v63  }
0x26f: {  	s8 =	simm.s32 $0x6200  }
0x270: {  	[tilespmem:s8], [sflag:$0x1] =	stream.indirect_vreg.gather [hbm4b:s5+s3], $0x80, v3, vm1, $0xb8;
	[tilespmem:$0x18600] =	vst v63  }
0x271: {  	v3 =	vld [tilespmem:$0x240];
	_ =	sdelay $0x4  }
0x272: {  	v60 =	vshrl.u32 v3, $0x3  }
0x273: {  	v4 =	vmul.u32 $0x18, v60  }
0x274: {  	v3 =	vand.u32 $0x7, v3  }
0x275: {  	v3 =	vor.u32 v3, v4  }
0x276: {  	v4 =	vperm.xlane v3, v0;
	_ =	sdelay $0x1  }
0x277: {  	v4 =	vadd.s32 v1, v4;
	_ =	sdelay $0x1  }
0x278: {  	v3 =	vperm.xlane v3, v2;
	_ =	sdelay $0x1  }
0x279: {  	v3 =	vadd.s32 v1, v3  }
0x27a: {  	[tilespmem:s29], [sflag:$0x1] =	stream.indirect_vreg.gather [hbm4b:s2+s3], $0x80, v4, vm0, $0xb8;
	[tilespmem:$0x18600] =	vst v63  }
0x27b: {  	_ = 	snop  }
0x27c: {  	[tilespmem:s30], [sflag:$0x1] =	stream.indirect_vreg.gather [hbm4b:s5+s3], $0x80, v4, vm1, $0xb8;
	[tilespmem:$0x18600] =	vst v63  }
0x27d: {  	_ = 	snop  }
0x27e: {  	[tilespmem:s31], [sflag:$0x1] =	stream.indirect_vreg.gather [hbm4b:s2+s3], $0x80, v3, vm0, $0xb8;
	[tilespmem:$0x18600] =	vst v63  }
0x27f: {  	s18 =	simm.s32 $0x7A00  }
0x280: {  	[tilespmem:s18], [sflag:$0x1] =	stream.indirect_vreg.gather [hbm4b:s5+s3], $0x80, v3, vm1, $0xb8;
	[tilespmem:$0x18600] =	vst v63  }
0x281: {  	v3 =	vld [tilespmem:$0x250];
	_ =	sdelay $0x4  }
0x282: {  	v61 =	vshrl.u32 v3, $0x3  }
0x283: {  	v4 =	vmul.u32 $0x18, v61  }
0x284: {  	v3 =	vand.u32 $0x7, v3  }
0x285: {  	v3 =	vor.u32 v3, v4  }
0x286: {  	v4 =	vperm.xlane v3, v0;
	_ =	sdelay $0x1  }
0x287: {  	v4 =	vadd.s32 v1, v4;
	_ =	sdelay $0x1  }
0x288: {  	v3 =	vperm.xlane v3, v2;
	_ =	sdelay $0x1  }
0x289: {  	v3 =	vadd.s32 v1, v3  }
0x28a: {  	[tilespmem:s9], [sflag:$0x1] =	stream.indirect_vreg.gather [hbm4b:s2+s3], $0x80, v4, vm0, $0xb8;
	[tilespmem:$0x18600] =	vst v63  }
0x28b: {  	_ = 	snop  }
0x28c: {  	[tilespmem:s10], [sflag:$0x1] =	stream.indirect_vreg.gather [hbm4b:s5+s3], $0x80, v4, vm1, $0xb8;
	[tilespmem:$0x18600] =	vst v63  }
0x28d: {  	_ = 	snop  }
0x28e: {  	[tilespmem:s11], [sflag:$0x1] =	stream.indirect_vreg.gather [hbm4b:s2+s3], $0x80, v3, vm0, $0xb8;
	[tilespmem:$0x18600] =	vst v63  }
0x28f: {  	s19 =	simm.s32 $0x9200  }
0x290: {  	[tilespmem:s19], [sflag:$0x1] =	stream.indirect_vreg.gather [hbm4b:s5+s3], $0x80, v3, vm1, $0xb8;
	[tilespmem:$0x18600] =	vst v63  }
0x291: {  	v3 =	vld [tilespmem:$0x260];
	_ =	sdelay $0x4  }
0x292: {  	v62 =	vshrl.u32 v3, $0x3  }
0x293: {  	v4 =	vmul.u32 $0x18, v62  }
0x294: {  	v3 =	vand.u32 $0x7, v3  }
0x295: {  	v3 =	vor.u32 v3, v4  }
0x296: {  	v4 =	vperm.xlane v3, v0;
	_ =	sdelay $0x1  }
0x297: {  	v4 =	vadd.s32 v1, v4;
	_ =	sdelay $0x1  }
0x298: {  	v3 =	vperm.xlane v3, v2;
	_ =	sdelay $0x1  }
0x299: {  	v3 =	vadd.s32 v1, v3  }
0x29a: {  	[tilespmem:s12], [sflag:$0x1] =	stream.indirect_vreg.gather [hbm4b:s2+s3], $0x80, v4, vm0, $0xb8;
	[tilespmem:$0x18600] =	vst v63  }
0x29b: {  	_ = 	snop  }
0x29c: {  	[tilespmem:s13], [sflag:$0x1] =	stream.indirect_vreg.gather [hbm4b:s5+s3], $0x80, v4, vm1, $0xb8;
	[tilespmem:$0x18600] =	vst v63  }
0x29d: {  	_ = 	snop  }
0x29e: {  	[tilespmem:s14], [sflag:$0x1] =	stream.indirect_vreg.gather [hbm4b:s2+s3], $0x80, v3, vm0, $0xb8;
	[tilespmem:$0x18600] =	vst v63  }
0x29f: {  	s20 =	simm.s32 $0xAA00  }
0x2a0: {  	[tilespmem:s20], [sflag:$0x1] =	stream.indirect_vreg.gather [hbm4b:s5+s3], $0x80, v3, vm1, $0xb8;
	[tilespmem:$0x18600] =	vst v63  }
0x2a1: {  	v3 =	vld [tilespmem:$0x270];
	_ =	sdelay $0x4  }
0x2a2: {  	v63 =	vshrl.u32 v3, $0x3  }
0x2a3: {  	v4 =	vmul.u32 $0x18, v63  }
0x2a4: {  	v3 =	vand.u32 $0x7, v3  }
0x2a5: {  	v3 =	vor.u32 v3, v4  }
0x2a6: {  	v4 =	vperm.xlane v3, v0;
	_ =	sdelay $0x1  }
0x2a7: {  	v4 =	vadd.s32 v1, v4;
	_ =	sdelay $0x1  }
0x2a8: {  	v3 =	vperm.xlane v3, v2;
	_ =	sdelay $0x1  }
0x2a9: {  	v3 =	vadd.s32 v1, v3  }
0x2aa: {  	[tilespmem:s16], [sflag:$0x1] =	stream.indirect_vreg.gather [hbm4b:s2+s3], $0x80, v4, vm0, $0xb8;
	[tilespmem:$0x18600] =	vst v63  }
0x2ab: {  	_ = 	snop  }
0x2ac: {  	[tilespmem:s17], [sflag:$0x1] =	stream.indirect_vreg.gather [hbm4b:s5+s3], $0x80, v4, vm1, $0xb8;
	[tilespmem:$0x18600] =	vst v63  }
0x2ad: {  	_ = 	snop  }
0x2ae: {  	[tilespmem:s15], [sflag:$0x1] =	stream.indirect_vreg.gather [hbm4b:s2+s3], $0x80, v3, vm0, $0xb8;
	[tilespmem:$0x18600] =	vst v63  }
0x2af: {  	_ = 	snop  }
0x2b0: {  	[tilespmem:s6], [sflag:$0x1] =	stream.indirect_vreg.gather [hbm4b:s5+s3], $0x80, v3, vm1, $0xb8;
	[tilespmem:$0x18600] =	vst v63  }
0x2b1: {  	_ =	swait.ge [sflag:s24], $0xC000  }
0x2b2: {  	[sflag:s24] =	ssyncset.done $0x0  }
0x2b3: {  	s22 =	simm.s32 $0xC600;
	s21 =	rddreg [dreg:$0x6];
	[sflag:s24] =	ssyncadd.s32 $0xFFFF4000  }
0x2b4: {  	[hbm4b:s21+s3] =	stream.linear.scatter [tilespmem:s22], [sflag:$0x3], $0xC000, $0x38;
	[tilespmem:$0x18600] =	vst v63  }
0x2b5: {  	_ =	swait.ge [sflag:s7], $0xC000  }
0x2b6: {  	[sflag:s7] =	ssyncset.done $0x0  }
0x2b7: {  	[sflag:s7] =	ssyncadd.s32 $0xFFFF4000  }
0x2b8: {  	v3 =	vld [tilespmem:$0x280];
	_ =	sdelay $0x4  }
0x2b9: {  	v8 =	vshrl.u32 v3, $0x3  }
0x2ba: {  	v4 =	vmul.u32 $0x18, v8  }
0x2bb: {  	v3 =	vand.u32 $0x7, v3  }
0x2bc: {  	v3 =	vor.u32 v3, v4  }
0x2bd: {  	v4 =	vperm.xlane v3, v0;
	_ =	sdelay $0x1  }
0x2be: {  	v4 =	vadd.s32 v1, v4;
	_ =	sdelay $0x1  }
0x2bf: {  	v3 =	vperm.xlane v3, v2;
	_ =	sdelay $0x1  }
0x2c0: {  	v3 =	vadd.s32 v1, v3  }
0x2c1: {  	[tilespmem:s22], [sflag:$0x2] =	stream.indirect_vreg.gather [hbm4b:s2+s3], $0x80, v4, vm0, $0xb8;
	[tilespmem:$0x18600] =	vst v63  }
0x2c2: {  	s1 =	simm.s32 $0xCE00  }
0x2c3: {  	[tilespmem:s1], [sflag:$0x2] =	stream.indirect_vreg.gather [hbm4b:s5+s3], $0x80, v4, vm1, $0xb8;
	[tilespmem:$0x18600] =	vst v63  }
0x2c4: {  	s4 =	simm.s32 $0xD200  }
0x2c5: {  	[tilespmem:s4], [sflag:$0x2] =	stream.indirect_vreg.gather [hbm4b:s2+s3], $0x80, v3, vm0, $0xb8;
	[tilespmem:$0x18600] =	vst v63  }
0x2c6: {  	s6 =	simm.s32 $0xDA00  }
0x2c7: {  	[tilespmem:s6], [sflag:$0x2] =	stream.indirect_vreg.gather [hbm4b:s5+s3], $0x80, v3, vm1, $0xb8;
	[tilespmem:$0x18600] =	vst v63  }
0x2c8: {  	v3 =	vld [tilespmem:$0x290];
	_ =	sdelay $0x4  }
0x2c9: {  	v9 =	vshrl.u32 v3, $0x3  }
0x2ca: {  	v4 =	vmul.u32 $0x18, v9  }
0x2cb: {  	v3 =	vand.u32 $0x7, v3  }
0x2cc: {  	v3 =	vor.u32 v3, v4  }
0x2cd: {  	v4 =	vperm.xlane v3, v0;
	_ =	sdelay $0x1  }
0x2ce: {  	v4 =	vadd.s32 v1, v4;
	_ =	sdelay $0x1  }
0x2cf: {  	v3 =	vperm.xlane v3, v2;
	_ =	sdelay $0x1  }
0x2d0: {  	s8 =	simm.s32 $0xDE00;
	v3 =	vadd.s32 v1, v3  }
0x2d1: {  	[tilespmem:s8], [sflag:$0x2] =	stream.indirect_vreg.gather [hbm4b:s2+s3], $0x80, v4, vm0, $0xb8;
	[tilespmem:$0x18600] =	vst v63  }
0x2d2: {  	s9 =	simm.s32 $0xE600  }
0x2d3: {  	[tilespmem:s9], [sflag:$0x2] =	stream.indirect_vreg.gather [hbm4b:s5+s3], $0x80, v4, vm1, $0xb8;
	[tilespmem:$0x18600] =	vst v63  }
0x2d4: {  	s10 =	simm.s32 $0xEA00  }
0x2d5: {  	[tilespmem:s10], [sflag:$0x2] =	stream.indirect_vreg.gather [hbm4b:s2+s3], $0x80, v3, vm0, $0xb8;
	[tilespmem:$0x18600] =	vst v63  }
0x2d6: {  	s25 =	simm.s32 $0xF200  }
0x2d7: {  	[tilespmem:s25], [sflag:$0x2] =	stream.indirect_vreg.gather [hbm4b:s5+s3], $0x80, v3, vm1, $0xb8;
	[tilespmem:$0x18600] =	vst v63  }
0x2d8: {  	v3 =	vld [tilespmem:$0x2A0];
	_ =	sdelay $0x4  }
0x2d9: {  	v10 =	vshrl.u32 v3, $0x3  }
0x2da: {  	v4 =	vmul.u32 $0x18, v10  }
0x2db: {  	v3 =	vand.u32 $0x7, v3  }
0x2dc: {  	v3 =	vor.u32 v3, v4  }
0x2dd: {  	v4 =	vperm.xlane v3, v0;
	_ =	sdelay $0x1  }
0x2de: {  	v4 =	vadd.s32 v1, v4;
	_ =	sdelay $0x1  }
0x2df: {  	v3 =	vperm.xlane v3, v2;
	_ =	sdelay $0x1  }
0x2e0: {  	s11 =	simm.s32 $0xF600;
	v3 =	vadd.s32 v1, v3  }
0x2e1: {  	[tilespmem:s11], [sflag:$0x2] =	stream.indirect_vreg.gather [hbm4b:s2+s3], $0x80, v4, vm0, $0xb8;
	[tilespmem:$0x18600] =	vst v63  }
0x2e2: {  	s12 =	simm.s32 $0xFE00  }
0x2e3: {  	[tilespmem:s12], [sflag:$0x2] =	stream.indirect_vreg.gather [hbm4b:s5+s3], $0x80, v4, vm1, $0xb8;
	[tilespmem:$0x18600] =	vst v63  }
0x2e4: {  	s13 =	simm.s32 $0x10200  }
0x2e5: {  	[tilespmem:s13], [sflag:$0x2] =	stream.indirect_vreg.gather [hbm4b:s2+s3], $0x80, v3, vm0, $0xb8;
	[tilespmem:$0x18600] =	vst v63  }
0x2e6: {  	s26 =	simm.s32 $0x10A00  }
0x2e7: {  	[tilespmem:s26], [sflag:$0x2] =	stream.indirect_vreg.gather [hbm4b:s5+s3], $0x80, v3, vm1, $0xb8;
	[tilespmem:$0x18600] =	vst v63  }
0x2e8: {  	v3 =	vld [tilespmem:$0x2B0];
	_ =	sdelay $0x4  }
0x2e9: {  	v11 =	vshrl.u32 v3, $0x3  }
0x2ea: {  	v4 =	vmul.u32 $0x18, v11  }
0x2eb: {  	v3 =	vand.u32 $0x7, v3  }
0x2ec: {  	v3 =	vor.u32 v3, v4  }
0x2ed: {  	v4 =	vperm.xlane v3, v0;
	_ =	sdelay $0x1  }
0x2ee: {  	v4 =	vadd.s32 v1, v4;
	_ =	sdelay $0x1  }
0x2ef: {  	v3 =	vperm.xlane v3, v2;
	_ =	sdelay $0x1  }
0x2f0: {  	s14 =	simm.s32 $0x10E00;
	v3 =	vadd.s32 v1, v3  }
0x2f1: {  	[tilespmem:s14], [sflag:$0x2] =	stream.indirect_vreg.gather [hbm4b:s2+s3], $0x80, v4, vm0, $0xb8;
	[tilespmem:$0x18600] =	vst v63  }
0x2f2: {  	s15 =	simm.s32 $0x11600  }
0x2f3: {  	[tilespmem:s15], [sflag:$0x2] =	stream.indirect_vreg.gather [hbm4b:s5+s3], $0x80, v4, vm1, $0xb8;
	[tilespmem:$0x18600] =	vst v63  }
0x2f4: {  	s16 =	simm.s32 $0x11A00  }
0x2f5: {  	[tilespmem:s16], [sflag:$0x2] =	stream.indirect_vreg.gather [hbm4b:s2+s3], $0x80, v3, vm0, $0xb8;
	[tilespmem:$0x18600] =	vst v63  }
0x2f6: {  	s28 =	simm.s32 $0x12200  }
0x2f7: {  	[tilespmem:s28], [sflag:$0x2] =	stream.indirect_vreg.gather [hbm4b:s5+s3], $0x80, v3, vm1, $0xb8;
	[tilespmem:$0x18600] =	vst v63  }
0x2f8: {  	v3 =	vld [tilespmem:$0x2C0];
	_ =	sdelay $0x4  }
0x2f9: {  	v12 =	vshrl.u32 v3, $0x3  }
0x2fa: {  	v4 =	vmul.u32 $0x18, v12  }
0x2fb: {  	v3 =	vand.u32 $0x7, v3  }
0x2fc: {  	v3 =	vor.u32 v3, v4  }
0x2fd: {  	v4 =	vperm.xlane v3, v0;
	_ =	sdelay $0x1  }
0x2fe: {  	v4 =	vadd.s32 v1, v4;
	_ =	sdelay $0x1  }
0x2ff: {  	v3 =	vperm.xlane v3, v2;
	_ =	sdelay $0x1  }
0x300: {  	s17 =	simm.s32 $0x12600;
	v3 =	vadd.s32 v1, v3  }
0x301: {  	[tilespmem:s17], [sflag:$0x2] =	stream.indirect_vreg.gather [hbm4b:s2+s3], $0x80, v4, vm0, $0xb8;
	[tilespmem:$0x18600] =	vst v63  }
0x302: {  	s18 =	simm.s32 $0x12E00  }
0x303: {  	[tilespmem:s18], [sflag:$0x2] =	stream.indirect_vreg.gather [hbm4b:s5+s3], $0x80, v4, vm1, $0xb8;
	[tilespmem:$0x18600] =	vst v63  }
0x304: {  	s19 =	simm.s32 $0x13200  }
0x305: {  	[tilespmem:s19], [sflag:$0x2] =	stream.indirect_vreg.gather [hbm4b:s2+s3], $0x80, v3, vm0, $0xb8;
	[tilespmem:$0x18600] =	vst v63  }
0x306: {  	s29 =	simm.s32 $0x13A00  }
0x307: {  	[tilespmem:s29], [sflag:$0x2] =	stream.indirect_vreg.gather [hbm4b:s5+s3], $0x80, v3, vm1, $0xb8;
	[tilespmem:$0x18600] =	vst v63  }
0x308: {  	v3 =	vld [tilespmem:$0x2D0];
	_ =	sdelay $0x4  }
0x309: {  	v13 =	vshrl.u32 v3, $0x3  }
0x30a: {  	v4 =	vmul.u32 $0x18, v13  }
0x30b: {  	v3 =	vand.u32 $0x7, v3  }
0x30c: {  	v3 =	vor.u32 v3, v4  }
0x30d: {  	v4 =	vperm.xlane v3, v0;
	_ =	sdelay $0x1  }
0x30e: {  	v4 =	vadd.s32 v1, v4;
	_ =	sdelay $0x1  }
0x30f: {  	v3 =	vperm.xlane v3, v2;
	_ =	sdelay $0x1  }
0x310: {  	s20 =	simm.s32 $0x13E00;
	v3 =	vadd.s32 v1, v3  }
0x311: {  	[tilespmem:s20], [sflag:$0x2] =	stream.indirect_vreg.gather [hbm4b:s2+s3], $0x80, v4, vm0, $0xb8;
	[tilespmem:$0x18600] =	vst v63  }
0x312: {  	s21 =	simm.s32 $0x14600  }
0x313: {  	[tilespmem:s21], [sflag:$0x2] =	stream.indirect_vreg.gather [hbm4b:s5+s3], $0x80, v4, vm1, $0xb8;
	[tilespmem:$0x18600] =	vst v63  }
0x314: {  	s22 =	simm.s32 $0x14A00  }
0x315: {  	[tilespmem:s22], [sflag:$0x2] =	stream.indirect_vreg.gather [hbm4b:s2+s3], $0x80, v3, vm0, $0xb8;
	[tilespmem:$0x18600] =	vst v63  }
0x316: {  	s30 =	simm.s32 $0x15200  }
0x317: {  	[tilespmem:s30], [sflag:$0x2] =	stream.indirect_vreg.gather [hbm4b:s5+s3], $0x80, v3, vm1, $0xb8;
	[tilespmem:$0x18600] =	vst v63  }
0x318: {  	v3 =	vld [tilespmem:$0x2E0];
	_ =	sdelay $0x4  }
0x319: {  	v14 =	vshrl.u32 v3, $0x3  }
0x31a: {  	v4 =	vmul.u32 $0x18, v14  }
0x31b: {  	v3 =	vand.u32 $0x7, v3  }
0x31c: {  	v3 =	vor.u32 v3, v4  }
0x31d: {  	v4 =	vperm.xlane v3, v0;
	_ =	sdelay $0x1  }
0x31e: {  	v4 =	vadd.s32 v1, v4;
	_ =	sdelay $0x1  }
0x31f: {  	v3 =	vperm.xlane v3, v2;
	_ =	sdelay $0x1  }
0x320: {  	s26 =	simm.s32 $0x15600;
	v3 =	vadd.s32 v1, v3  }
0x321: {  	[tilespmem:s26], [sflag:$0x2] =	stream.indirect_vreg.gather [hbm4b:s2+s3], $0x80, v4, vm0, $0xb8;
	[tilespmem:$0x18600] =	vst v63  }
0x322: {  	s28 =	simm.s32 $0x15E00  }
0x323: {  	[tilespmem:s28], [sflag:$0x2] =	stream.indirect_vreg.gather [hbm4b:s5+s3], $0x80, v4, vm1, $0xb8;
	[tilespmem:$0x18600] =	vst v63  }
0x324: {  	s29 =	simm.s32 $0x16200  }
0x325: {  	[tilespmem:s29], [sflag:$0x2] =	stream.indirect_vreg.gather [hbm4b:s2+s3], $0x80, v3, vm0, $0xb8;
	[tilespmem:$0x18600] =	vst v63  }
0x326: {  	s31 =	simm.s32 $0x16A00  }
0x327: {  	[tilespmem:s31], [sflag:$0x2] =	stream.indirect_vreg.gather [hbm4b:s5+s3], $0x80, v3, vm1, $0xb8;
	[tilespmem:$0x18600] =	vst v63  }
0x328: {  	v3 =	vld [tilespmem:$0x2F0];
	_ =	sdelay $0x4  }
0x329: {  	v15 =	vshrl.u32 v3, $0x3  }
0x32a: {  	v4 =	vmul.u32 $0x18, v15  }
0x32b: {  	v3 =	vand.u32 $0x7, v3  }
0x32c: {  	v3 =	vor.u32 v3, v4  }
0x32d: {  	v4 =	vperm.xlane v3, v0;
	_ =	sdelay $0x1  }
0x32e: {  	v4 =	vadd.s32 v1, v4;
	_ =	sdelay $0x1  }
0x32f: {  	v3 =	vperm.xlane v3, v2;
	_ =	sdelay $0x1  }
0x330: {  	s30 =	simm.s32 $0x16E00;
	v3 =	vadd.s32 v1, v3  }
0x331: {  	[tilespmem:s30], [sflag:$0x2] =	stream.indirect_vreg.gather [hbm4b:s2+s3], $0x80, v4, vm0, $0xb8;
	[tilespmem:$0x18600] =	vst v63  }
0x332: {  	s31 =	simm.s32 $0x17600  }
0x333: {  	[tilespmem:s31], [sflag:$0x2] =	stream.indirect_vreg.gather [hbm4b:s5+s3], $0x80, v4, vm1, $0xb8;
	[tilespmem:$0x18600] =	vst v63  }
0x334: {  	s25 =	simm.s32 $0x17A00  }
0x335: {  	[tilespmem:s25], [sflag:$0x2] =	stream.indirect_vreg.gather [hbm4b:s2+s3], $0x80, v3, vm0, $0xb8;
	[tilespmem:$0x18600] =	vst v63  }
0x336: {  	s25 =	simm.s32 $0x18200  }
0x337: {  	[tilespmem:s25], [sflag:$0x2] =	stream.indirect_vreg.gather [hbm4b:s5+s3], $0x80, v3, vm1, $0xb8;
	[tilespmem:$0x18600] =	vst v63  }
0x338: {  	_ =	swait.ge [sflag:s23], $0xC000  }
0x339: {  	[sflag:s23] =	ssyncset.done $0x0  }
0x33a: {  	s0 =	simm.s32 $0x600;
	s25 =	rddreg [dreg:$0x7];
	[sflag:s23] =	ssyncadd.s32 $0xFFFF4000  }
0x33b: {  	[hbm4b:s25+s3] =	stream.linear.scatter [tilespmem:s0], [sflag:$0x3], $0xC000, $0x38;
	[tilespmem:$0x18600] =	vst v63  }
0x33c: {  	_ =	swait.ge [sflag:s7], $0xC000  }
0x33d: {  	[sflag:s7] =	ssyncset.done $0x0  }
0x33e: {  	[sflag:s7] =	ssyncadd.s32 $0xFFFF4000  }
0x33f: {  	v3 =	vld [tilespmem:$0x300];
	_ =	sdelay $0x4  }
0x340: {  	v16 =	vshrl.u32 v3, $0x3  }
0x341: {  	v4 =	vmul.u32 $0x18, v16  }
0x342: {  	v3 =	vand.u32 $0x7, v3  }
0x343: {  	v3 =	vor.u32 v3, v4  }
0x344: {  	v4 =	vperm.xlane v3, v0;
	_ =	sdelay $0x1  }
0x345: {  	v4 =	vadd.s32 v1, v4;
	_ =	sdelay $0x1  }
0x346: {  	v3 =	vperm.xlane v3, v2;
	_ =	sdelay $0x1  }
0x347: {  	v3 =	vadd.s32 v1, v3  }
0x348: {  	[tilespmem:s0], [sflag:$0x1] =	stream.indirect_vreg.gather [hbm4b:s2+s3], $0x80, v4, vm0, $0xb8;
	[tilespmem:$0x18600] =	vst v63  }
0x349: {  	s25 =	simm.s32 $0xE00  }
0x34a: {  	[tilespmem:s25], [sflag:$0x1] =	stream.indirect_vreg.gather [hbm4b:s5+s3], $0x80, v4, vm1, $0xb8;
	[tilespmem:$0x18600] =	vst v63  }
0x34b: {  	s25 =	simm.s32 $0x1200  }
0x34c: {  	[tilespmem:s25], [sflag:$0x1] =	stream.indirect_vreg.gather [hbm4b:s2+s3], $0x80, v3, vm0, $0xb8;
	[tilespmem:$0x18600] =	vst v63  }
0x34d: {  	s25 =	simm.s32 $0x1A00  }
0x34e: {  	[tilespmem:s25], [sflag:$0x1] =	stream.indirect_vreg.gather [hbm4b:s5+s3], $0x80, v3, vm1, $0xb8;
	[tilespmem:$0x18600] =	vst v63  }
0x34f: {  	v3 =	vld [tilespmem:$0x310];
	_ =	sdelay $0x4  }
0x350: {  	v17 =	vshrl.u32 v3, $0x3  }
0x351: {  	v4 =	vmul.u32 $0x18, v17  }
0x352: {  	v3 =	vand.u32 $0x7, v3  }
0x353: {  	v3 =	vor.u32 v3, v4  }
0x354: {  	v4 =	vperm.xlane v3, v0;
	_ =	sdelay $0x1  }
0x355: {  	v4 =	vadd.s32 v1, v4;
	_ =	sdelay $0x1  }
0x356: {  	v3 =	vperm.xlane v3, v2;
	_ =	sdelay $0x1  }
0x357: {  	s25 =	simm.s32 $0x1E00;
	v3 =	vadd.s32 v1, v3  }
0x358: {  	[tilespmem:s25], [sflag:$0x1] =	stream.indirect_vreg.gather [hbm4b:s2+s3], $0x80, v4, vm0, $0xb8;
	[tilespmem:$0x18600] =	vst v63  }
0x359: {  	s25 =	simm.s32 $0x2600  }
0x35a: {  	[tilespmem:s25], [sflag:$0x1] =	stream.indirect_vreg.gather [hbm4b:s5+s3], $0x80, v4, vm1, $0xb8;
	[tilespmem:$0x18600] =	vst v63  }
0x35b: {  	s25 =	simm.s32 $0x2A00  }
0x35c: {  	[tilespmem:s25], [sflag:$0x1] =	stream.indirect_vreg.gather [hbm4b:s2+s3], $0x80, v3, vm0, $0xb8;
	[tilespmem:$0x18600] =	vst v63  }
0x35d: {  	s25 =	simm.s32 $0x3200  }
0x35e: {  	[tilespmem:s25], [sflag:$0x1] =	stream.indirect_vreg.gather [hbm4b:s5+s3], $0x80, v3, vm1, $0xb8;
	[tilespmem:$0x18600] =	vst v63  }
0x35f: {  	v3 =	vld [tilespmem:$0x320];
	_ =	sdelay $0x4  }
0x360: {  	v18 =	vshrl.u32 v3, $0x3  }
0x361: {  	v4 =	vmul.u32 $0x18, v18  }
0x362: {  	v3 =	vand.u32 $0x7, v3  }
0x363: {  	v3 =	vor.u32 v3, v4  }
0x364: {  	v4 =	vperm.xlane v3, v0;
	_ =	sdelay $0x1  }
0x365: {  	v4 =	vadd.s32 v1, v4;
	_ =	sdelay $0x1  }
0x366: {  	v3 =	vperm.xlane v3, v2;
	_ =	sdelay $0x1  }
0x367: {  	s25 =	simm.s32 $0x3600;
	v3 =	vadd.s32 v1, v3  }
0x368: {  	[tilespmem:s25], [sflag:$0x1] =	stream.indirect_vreg.gather [hbm4b:s2+s3], $0x80, v4, vm0, $0xb8;
	[tilespmem:$0x18600] =	vst v63  }
0x369: {  	s25 =	simm.s32 $0x3E00  }
0x36a: {  	[tilespmem:s25], [sflag:$0x1] =	stream.indirect_vreg.gather [hbm4b:s5+s3], $0x80, v4, vm1, $0xb8;
	[tilespmem:$0x18600] =	vst v63  }
0x36b: {  	s25 =	simm.s32 $0x4200  }
0x36c: {  	[tilespmem:s25], [sflag:$0x1] =	stream.indirect_vreg.gather [hbm4b:s2+s3], $0x80, v3, vm0, $0xb8;
	[tilespmem:$0x18600] =	vst v63  }
0x36d: {  	s25 =	simm.s32 $0x4A00  }
0x36e: {  	[tilespmem:s25], [sflag:$0x1] =	stream.indirect_vreg.gather [hbm4b:s5+s3], $0x80, v3, vm1, $0xb8;
	[tilespmem:$0x18600] =	vst v63  }
0x36f: {  	v3 =	vld [tilespmem:$0x330];
	_ =	sdelay $0x4  }
0x370: {  	v19 =	vshrl.u32 v3, $0x3  }
0x371: {  	v4 =	vmul.u32 $0x18, v19  }
0x372: {  	v3 =	vand.u32 $0x7, v3  }
0x373: {  	v3 =	vor.u32 v3, v4  }
0x374: {  	v4 =	vperm.xlane v3, v0;
	_ =	sdelay $0x1  }
0x375: {  	v4 =	vadd.s32 v1, v4;
	_ =	sdelay $0x1  }
0x376: {  	v3 =	vperm.xlane v3, v2;
	_ =	sdelay $0x1  }
0x377: {  	s25 =	simm.s32 $0x4E00;
	v3 =	vadd.s32 v1, v3  }
0x378: {  	[tilespmem:s25], [sflag:$0x1] =	stream.indirect_vreg.gather [hbm4b:s2+s3], $0x80, v4, vm0, $0xb8;
	[tilespmem:$0x18600] =	vst v63  }
0x379: {  	s25 =	simm.s32 $0x5600  }
0x37a: {  	[tilespmem:s25], [sflag:$0x1] =	stream.indirect_vreg.gather [hbm4b:s5+s3], $0x80, v4, vm1, $0xb8;
	[tilespmem:$0x18600] =	vst v63  }
0x37b: {  	s25 =	simm.s32 $0x5A00  }
0x37c: {  	[tilespmem:s25], [sflag:$0x1] =	stream.indirect_vreg.gather [hbm4b:s2+s3], $0x80, v3, vm0, $0xb8;
	[tilespmem:$0x18600] =	vst v63  }
0x37d: {  	s25 =	simm.s32 $0x6200  }
0x37e: {  	[tilespmem:s25], [sflag:$0x1] =	stream.indirect_vreg.gather [hbm4b:s5+s3], $0x80, v3, vm1, $0xb8;
	[tilespmem:$0x18600] =	vst v63  }
0x37f: {  	v3 =	vld [tilespmem:$0x340];
	_ =	sdelay $0x4  }
0x380: {  	v20 =	vshrl.u32 v3, $0x3  }
0x381: {  	v4 =	vmul.u32 $0x18, v20  }
0x382: {  	v3 =	vand.u32 $0x7, v3  }
0x383: {  	v3 =	vor.u32 v3, v4  }
0x384: {  	v4 =	vperm.xlane v3, v0;
	_ =	sdelay $0x1  }
0x385: {  	v4 =	vadd.s32 v1, v4;
	_ =	sdelay $0x1  }
0x386: {  	v3 =	vperm.xlane v3, v2;
	_ =	sdelay $0x1  }
0x387: {  	s25 =	simm.s32 $0x6600;
	v3 =	vadd.s32 v1, v3  }
0x388: {  	[tilespmem:s25], [sflag:$0x1] =	stream.indirect_vreg.gather [hbm4b:s2+s3], $0x80, v4, vm0, $0xb8;
	[tilespmem:$0x18600] =	vst v63  }
0x389: {  	s25 =	simm.s32 $0x6E00  }
0x38a: {  	[tilespmem:s25], [sflag:$0x1] =	stream.indirect_vreg.gather [hbm4b:s5+s3], $0x80, v4, vm1, $0xb8;
	[tilespmem:$0x18600] =	vst v63  }
0x38b: {  	s25 =	simm.s32 $0x7200  }
0x38c: {  	[tilespmem:s25], [sflag:$0x1] =	stream.indirect_vreg.gather [hbm4b:s2+s3], $0x80, v3, vm0, $0xb8;
	[tilespmem:$0x18600] =	vst v63  }
0x38d: {  	s25 =	simm.s32 $0x7A00  }
0x38e: {  	[tilespmem:s25], [sflag:$0x1] =	stream.indirect_vreg.gather [hbm4b:s5+s3], $0x80, v3, vm1, $0xb8;
	[tilespmem:$0x18600] =	vst v63  }
0x38f: {  	v3 =	vld [tilespmem:$0x350];
	_ =	sdelay $0x4  }
0x390: {  	v21 =	vshrl.u32 v3, $0x3  }
0x391: {  	v4 =	vmul.u32 $0x18, v21  }
0x392: {  	v3 =	vand.u32 $0x7, v3  }
0x393: {  	v3 =	vor.u32 v3, v4  }
0x394: {  	v4 =	vperm.xlane v3, v0;
	_ =	sdelay $0x1  }
0x395: {  	v4 =	vadd.s32 v1, v4;
	_ =	sdelay $0x1  }
0x396: {  	v3 =	vperm.xlane v3, v2;
	_ =	sdelay $0x1  }
0x397: {  	s25 =	simm.s32 $0x7E00;
	v3 =	vadd.s32 v1, v3  }
0x398: {  	[tilespmem:s25], [sflag:$0x1] =	stream.indirect_vreg.gather [hbm4b:s2+s3], $0x80, v4, vm0, $0xb8;
	[tilespmem:$0x18600] =	vst v63  }
0x399: {  	s25 =	simm.s32 $0x8600  }
0x39a: {  	[tilespmem:s25], [sflag:$0x1] =	stream.indirect_vreg.gather [hbm4b:s5+s3], $0x80, v4, vm1, $0xb8;
	[tilespmem:$0x18600] =	vst v63  }
0x39b: {  	s25 =	simm.s32 $0x8A00  }
0x39c: {  	[tilespmem:s25], [sflag:$0x1] =	stream.indirect_vreg.gather [hbm4b:s2+s3], $0x80, v3, vm0, $0xb8;
	[tilespmem:$0x18600] =	vst v63  }
0x39d: {  	s25 =	simm.s32 $0x9200  }
0x39e: {  	[tilespmem:s25], [sflag:$0x1] =	stream.indirect_vreg.gather [hbm4b:s5+s3], $0x80, v3, vm1, $0xb8;
	[tilespmem:$0x18600] =	vst v63  }
0x39f: {  	v3 =	vld [tilespmem:$0x360];
	_ =	sdelay $0x4  }
0x3a0: {  	v22 =	vshrl.u32 v3, $0x3  }
0x3a1: {  	v4 =	vmul.u32 $0x18, v22  }
0x3a2: {  	v3 =	vand.u32 $0x7, v3  }
0x3a3: {  	v3 =	vor.u32 v3, v4  }
0x3a4: {  	v4 =	vperm.xlane v3, v0;
	_ =	sdelay $0x1  }
0x3a5: {  	v4 =	vadd.s32 v1, v4;
	_ =	sdelay $0x1  }
0x3a6: {  	v3 =	vperm.xlane v3, v2;
	_ =	sdelay $0x1  }
0x3a7: {  	s25 =	simm.s32 $0x9600;
	v3 =	vadd.s32 v1, v3  }
0x3a8: {  	[tilespmem:s25], [sflag:$0x1] =	stream.indirect_vreg.gather [hbm4b:s2+s3], $0x80, v4, vm0, $0xb8;
	[tilespmem:$0x18600] =	vst v63  }
0x3a9: {  	s25 =	simm.s32 $0x9E00  }
0x3aa: {  	[tilespmem:s25], [sflag:$0x1] =	stream.indirect_vreg.gather [hbm4b:s5+s3], $0x80, v4, vm1, $0xb8;
	[tilespmem:$0x18600] =	vst v63  }
0x3ab: {  	s25 =	simm.s32 $0xA200  }
0x3ac: {  	[tilespmem:s25], [sflag:$0x1] =	stream.indirect_vreg.gather [hbm4b:s2+s3], $0x80, v3, vm0, $0xb8;
	[tilespmem:$0x18600] =	vst v63  }
0x3ad: {  	s25 =	simm.s32 $0xAA00  }
0x3ae: {  	[tilespmem:s25], [sflag:$0x1] =	stream.indirect_vreg.gather [hbm4b:s5+s3], $0x80, v3, vm1, $0xb8;
	[tilespmem:$0x18600] =	vst v63  }
0x3af: {  	v3 =	vld [tilespmem:$0x370];
	_ =	sdelay $0x4  }
0x3b0: {  	v23 =	vshrl.u32 v3, $0x3  }
0x3b1: {  	v4 =	vmul.u32 $0x18, v23  }
0x3b2: {  	v3 =	vand.u32 $0x7, v3  }
0x3b3: {  	v3 =	vor.u32 v3, v4  }
0x3b4: {  	v4 =	vperm.xlane v3, v0;
	_ =	sdelay $0x1  }
0x3b5: {  	v4 =	vadd.s32 v1, v4;
	_ =	sdelay $0x1  }
0x3b6: {  	v3 =	vperm.xlane v3, v2;
	_ =	sdelay $0x1  }
0x3b7: {  	s25 =	simm.s32 $0xAE00;
	v3 =	vadd.s32 v1, v3  }
0x3b8: {  	[tilespmem:s25], [sflag:$0x1] =	stream.indirect_vreg.gather [hbm4b:s2+s3], $0x80, v4, vm0, $0xb8;
	[tilespmem:$0x18600] =	vst v63  }
0x3b9: {  	s25 =	simm.s32 $0xB600  }
0x3ba: {  	[tilespmem:s25], [sflag:$0x1] =	stream.indirect_vreg.gather [hbm4b:s5+s3], $0x80, v4, vm1, $0xb8;
	[tilespmem:$0x18600] =	vst v63  }
0x3bb: {  	s25 =	simm.s32 $0xBA00  }
0x3bc: {  	[tilespmem:s25], [sflag:$0x1] =	stream.indirect_vreg.gather [hbm4b:s2+s3], $0x80, v3, vm0, $0xb8;
	[tilespmem:$0x18600] =	vst v63  }
0x3bd: {  	s25 =	simm.s32 $0xC200  }
0x3be: {  	[tilespmem:s25], [sflag:$0x1] =	stream.indirect_vreg.gather [hbm4b:s5+s3], $0x80, v3, vm1, $0xb8;
	[tilespmem:$0x18600] =	vst v63  }
0x3bf: {  	_ =	swait.ge [sflag:s24], $0xC000  }
0x3c0: {  	[sflag:s24] =	ssyncset.done $0x0  }
0x3c1: {  	s0 =	simm.s32 $0xC600;
	s25 =	rddreg [dreg:$0x8];
	[sflag:s24] =	ssyncadd.s32 $0xFFFF4000  }
0x3c2: {  	[hbm4b:s25+s3] =	stream.linear.scatter [tilespmem:s0], [sflag:$0x3], $0xC000, $0x38;
	[tilespmem:$0x18600] =	vst v63  }
0x3c3: {  	_ =	swait.ge [sflag:s7], $0xC000  }
0x3c4: {  	[sflag:s7] =	ssyncset.done $0x0  }
0x3c5: {  	[sflag:s7] =	ssyncadd.s32 $0xFFFF4000  }
0x3c6: {  	v3 =	vld [tilespmem:$0x380];
	_ =	sdelay $0x4  }
0x3c7: {  	v24 =	vshrl.u32 v3, $0x3  }
0x3c8: {  	v4 =	vmul.u32 $0x18, v24  }
0x3c9: {  	v3 =	vand.u32 $0x7, v3  }
0x3ca: {  	v3 =	vor.u32 v3, v4  }
0x3cb: {  	v4 =	vperm.xlane v3, v0;
	_ =	sdelay $0x1  }
0x3cc: {  	v4 =	vadd.s32 v1, v4;
	_ =	sdelay $0x1  }
0x3cd: {  	v3 =	vperm.xlane v3, v2;
	_ =	sdelay $0x1  }
0x3ce: {  	v3 =	vadd.s32 v1, v3  }
0x3cf: {  	[tilespmem:s0], [sflag:$0x2] =	stream.indirect_vreg.gather [hbm4b:s2+s3], $0x80, v4, vm0, $0xb8;
	[tilespmem:$0x18600] =	vst v63  }
0x3d0: {  	_ = 	snop  }
0x3d1: {  	[tilespmem:s1], [sflag:$0x2] =	stream.indirect_vreg.gather [hbm4b:s5+s3], $0x80, v4, vm1, $0xb8;
	[tilespmem:$0x18600] =	vst v63  }
0x3d2: {  	_ = 	snop  }
0x3d3: {  	[tilespmem:s4], [sflag:$0x2] =	stream.indirect_vreg.gather [hbm4b:s2+s3], $0x80, v3, vm0, $0xb8;
	[tilespmem:$0x18600] =	vst v63  }
0x3d4: {  	_ = 	snop  }
0x3d5: {  	[tilespmem:s6], [sflag:$0x2] =	stream.indirect_vreg.gather [hbm4b:s5+s3], $0x80, v3, vm1, $0xb8;
	[tilespmem:$0x18600] =	vst v63  }
0x3d6: {  	v3 =	vld [tilespmem:$0x390];
	_ =	sdelay $0x4  }
0x3d7: {  	v25 =	vshrl.u32 v3, $0x3  }
0x3d8: {  	v4 =	vmul.u32 $0x18, v25  }
0x3d9: {  	v3 =	vand.u32 $0x7, v3  }
0x3da: {  	v3 =	vor.u32 v3, v4  }
0x3db: {  	v4 =	vperm.xlane v3, v0;
	_ =	sdelay $0x1  }
0x3dc: {  	v4 =	vadd.s32 v1, v4;
	_ =	sdelay $0x1  }
0x3dd: {  	v3 =	vperm.xlane v3, v2;
	_ =	sdelay $0x1  }
0x3de: {  	v3 =	vadd.s32 v1, v3  }
0x3df: {  	[tilespmem:s8], [sflag:$0x2] =	stream.indirect_vreg.gather [hbm4b:s2+s3], $0x80, v4, vm0, $0xb8;
	[tilespmem:$0x18600] =	vst v63  }
0x3e0: {  	_ = 	snop  }
0x3e1: {  	[tilespmem:s9], [sflag:$0x2] =	stream.indirect_vreg.gather [hbm4b:s5+s3], $0x80, v4, vm1, $0xb8;
	[tilespmem:$0x18600] =	vst v63  }
0x3e2: {  	_ = 	snop  }
0x3e3: {  	[tilespmem:s10], [sflag:$0x2] =	stream.indirect_vreg.gather [hbm4b:s2+s3], $0x80, v3, vm0, $0xb8;
	[tilespmem:$0x18600] =	vst v63  }
0x3e4: {  	s10 =	simm.s32 $0xF200  }
0x3e5: {  	[tilespmem:s10], [sflag:$0x2] =	stream.indirect_vreg.gather [hbm4b:s5+s3], $0x80, v3, vm1, $0xb8;
	[tilespmem:$0x18600] =	vst v63  }
0x3e6: {  	v3 =	vld [tilespmem:$0x3A0];
	_ =	sdelay $0x4  }
0x3e7: {  	v26 =	vshrl.u32 v3, $0x3  }
0x3e8: {  	v4 =	vmul.u32 $0x18, v26  }
0x3e9: {  	v3 =	vand.u32 $0x7, v3  }
0x3ea: {  	v3 =	vor.u32 v3, v4  }
0x3eb: {  	v4 =	vperm.xlane v3, v0;
	_ =	sdelay $0x1  }
0x3ec: {  	v4 =	vadd.s32 v1, v4;
	_ =	sdelay $0x1  }
0x3ed: {  	v3 =	vperm.xlane v3, v2;
	_ =	sdelay $0x1  }
0x3ee: {  	v3 =	vadd.s32 v1, v3  }
0x3ef: {  	[tilespmem:s11], [sflag:$0x2] =	stream.indirect_vreg.gather [hbm4b:s2+s3], $0x80, v4, vm0, $0xb8;
	[tilespmem:$0x18600] =	vst v63  }
0x3f0: {  	_ = 	snop  }
0x3f1: {  	[tilespmem:s12], [sflag:$0x2] =	stream.indirect_vreg.gather [hbm4b:s5+s3], $0x80, v4, vm1, $0xb8;
	[tilespmem:$0x18600] =	vst v63  }
0x3f2: {  	_ = 	snop  }
0x3f3: {  	[tilespmem:s13], [sflag:$0x2] =	stream.indirect_vreg.gather [hbm4b:s2+s3], $0x80, v3, vm0, $0xb8;
	[tilespmem:$0x18600] =	vst v63  }
0x3f4: {  	s13 =	simm.s32 $0x10A00  }
0x3f5: {  	[tilespmem:s13], [sflag:$0x2] =	stream.indirect_vreg.gather [hbm4b:s5+s3], $0x80, v3, vm1, $0xb8;
	[tilespmem:$0x18600] =	vst v63  }
0x3f6: {  	v3 =	vld [tilespmem:$0x3B0];
	_ =	sdelay $0x4  }
0x3f7: {  	v27 =	vshrl.u32 v3, $0x3  }
0x3f8: {  	v4 =	vmul.u32 $0x18, v27  }
0x3f9: {  	v3 =	vand.u32 $0x7, v3  }
0x3fa: {  	v3 =	vor.u32 v3, v4  }
0x3fb: {  	v4 =	vperm.xlane v3, v0;
	_ =	sdelay $0x1  }
0x3fc: {  	v4 =	vadd.s32 v1, v4;
	_ =	sdelay $0x1  }
0x3fd: {  	v3 =	vperm.xlane v3, v2;
	_ =	sdelay $0x1  }
0x3fe: {  	v3 =	vadd.s32 v1, v3  }
0x3ff: {  	[tilespmem:s14], [sflag:$0x2] =	stream.indirect_vreg.gather [hbm4b:s2+s3], $0x80, v4, vm0, $0xb8;
	[tilespmem:$0x18600] =	vst v63  }
0x400: {  	_ = 	snop  }
0x401: {  	[tilespmem:s15], [sflag:$0x2] =	stream.indirect_vreg.gather [hbm4b:s5+s3], $0x80, v4, vm1, $0xb8;
	[tilespmem:$0x18600] =	vst v63  }
0x402: {  	_ = 	snop  }
0x403: {  	[tilespmem:s16], [sflag:$0x2] =	stream.indirect_vreg.gather [hbm4b:s2+s3], $0x80, v3, vm0, $0xb8;
	[tilespmem:$0x18600] =	vst v63  }
0x404: {  	s25 =	simm.s32 $0x12200  }
0x405: {  	[tilespmem:s25], [sflag:$0x2] =	stream.indirect_vreg.gather [hbm4b:s5+s3], $0x80, v3, vm1, $0xb8;
	[tilespmem:$0x18600] =	vst v63  }
0x406: {  	v3 =	vld [tilespmem:$0x3C0];
	_ =	sdelay $0x4  }
0x407: {  	v28 =	vshrl.u32 v3, $0x3  }
0x408: {  	v4 =	vmul.u32 $0x18, v28  }
0x409: {  	v3 =	vand.u32 $0x7, v3  }
0x40a: {  	v3 =	vor.u32 v3, v4  }
0x40b: {  	v4 =	vperm.xlane v3, v0;
	_ =	sdelay $0x1  }
0x40c: {  	v4 =	vadd.s32 v1, v4;
	_ =	sdelay $0x1  }
0x40d: {  	v3 =	vperm.xlane v3, v2;
	_ =	sdelay $0x1  }
0x40e: {  	v3 =	vadd.s32 v1, v3  }
0x40f: {  	[tilespmem:s17], [sflag:$0x2] =	stream.indirect_vreg.gather [hbm4b:s2+s3], $0x80, v4, vm0, $0xb8;
	[tilespmem:$0x18600] =	vst v63  }
0x410: {  	_ = 	snop  }
0x411: {  	[tilespmem:s18], [sflag:$0x2] =	stream.indirect_vreg.gather [hbm4b:s5+s3], $0x80, v4, vm1, $0xb8;
	[tilespmem:$0x18600] =	vst v63  }
0x412: {  	_ = 	snop  }
0x413: {  	[tilespmem:s19], [sflag:$0x2] =	stream.indirect_vreg.gather [hbm4b:s2+s3], $0x80, v3, vm0, $0xb8;
	[tilespmem:$0x18600] =	vst v63  }
0x414: {  	s1 =	simm.s32 $0x13A00  }
0x415: {  	[tilespmem:s1], [sflag:$0x2] =	stream.indirect_vreg.gather [hbm4b:s5+s3], $0x80, v3, vm1, $0xb8;
	[tilespmem:$0x18600] =	vst v63  }
0x416: {  	v3 =	vld [tilespmem:$0x3D0];
	_ =	sdelay $0x4  }
0x417: {  	v29 =	vshrl.u32 v3, $0x3  }
0x418: {  	v4 =	vmul.u32 $0x18, v29  }
0x419: {  	v3 =	vand.u32 $0x7, v3  }
0x41a: {  	v3 =	vor.u32 v3, v4  }
0x41b: {  	v4 =	vperm.xlane v3, v0;
	_ =	sdelay $0x1  }
0x41c: {  	v4 =	vadd.s32 v1, v4;
	_ =	sdelay $0x1  }
0x41d: {  	v3 =	vperm.xlane v3, v2;
	_ =	sdelay $0x1  }
0x41e: {  	v3 =	vadd.s32 v1, v3  }
0x41f: {  	[tilespmem:s20], [sflag:$0x2] =	stream.indirect_vreg.gather [hbm4b:s2+s3], $0x80, v4, vm0, $0xb8;
	[tilespmem:$0x18600] =	vst v63  }
0x420: {  	_ = 	snop  }
0x421: {  	[tilespmem:s21], [sflag:$0x2] =	stream.indirect_vreg.gather [hbm4b:s5+s3], $0x80, v4, vm1, $0xb8;
	[tilespmem:$0x18600] =	vst v63  }
0x422: {  	_ = 	snop  }
0x423: {  	[tilespmem:s22], [sflag:$0x2] =	stream.indirect_vreg.gather [hbm4b:s2+s3], $0x80, v3, vm0, $0xb8;
	[tilespmem:$0x18600] =	vst v63  }
0x424: {  	s4 =	simm.s32 $0x15200  }
0x425: {  	[tilespmem:s4], [sflag:$0x2] =	stream.indirect_vreg.gather [hbm4b:s5+s3], $0x80, v3, vm1, $0xb8;
	[tilespmem:$0x18600] =	vst v63  }
0x426: {  	v3 =	vld [tilespmem:$0x3E0];
	_ =	sdelay $0x4  }
0x427: {  	v30 =	vshrl.u32 v3, $0x3  }
0x428: {  	v4 =	vmul.u32 $0x18, v30  }
0x429: {  	v3 =	vand.u32 $0x7, v3  }
0x42a: {  	v3 =	vor.u32 v3, v4  }
0x42b: {  	v4 =	vperm.xlane v3, v0;
	_ =	sdelay $0x1  }
0x42c: {  	v4 =	vadd.s32 v1, v4;
	_ =	sdelay $0x1  }
0x42d: {  	v3 =	vperm.xlane v3, v2;
	_ =	sdelay $0x1  }
0x42e: {  	v3 =	vadd.s32 v1, v3  }
0x42f: {  	[tilespmem:s26], [sflag:$0x2] =	stream.indirect_vreg.gather [hbm4b:s2+s3], $0x80, v4, vm0, $0xb8;
	[tilespmem:$0x18600] =	vst v63  }
0x430: {  	_ = 	snop  }
0x431: {  	[tilespmem:s28], [sflag:$0x2] =	stream.indirect_vreg.gather [hbm4b:s5+s3], $0x80, v4, vm1, $0xb8;
	[tilespmem:$0x18600] =	vst v63  }
0x432: {  	_ = 	snop  }
0x433: {  	[tilespmem:s29], [sflag:$0x2] =	stream.indirect_vreg.gather [hbm4b:s2+s3], $0x80, v3, vm0, $0xb8;
	[tilespmem:$0x18600] =	vst v63  }
0x434: {  	s6 =	simm.s32 $0x16A00  }
0x435: {  	[tilespmem:s6], [sflag:$0x2] =	stream.indirect_vreg.gather [hbm4b:s5+s3], $0x80, v3, vm1, $0xb8;
	[tilespmem:$0x18600] =	vst v63  }
0x436: {  	v3 =	vld [tilespmem:$0x3F0];
	_ =	sdelay $0x4  }
0x437: {  	v31 =	vshrl.u32 v3, $0x3  }
0x438: {  	v4 =	vmul.u32 $0x18, v31  }
0x439: {  	v3 =	vand.u32 $0x7, v3  }
0x43a: {  	v3 =	vor.u32 v3, v4  }
0x43b: {  	v4 =	vperm.xlane v3, v0;
	_ =	sdelay $0x1  }
0x43c: {  	v4 =	vadd.s32 v1, v4;
	_ =	sdelay $0x1  }
0x43d: {  	v3 =	vperm.xlane v3, v2;
	_ =	sdelay $0x1  }
0x43e: {  	v3 =	vadd.s32 v1, v3  }
0x43f: {  	[tilespmem:s30], [sflag:$0x2] =	stream.indirect_vreg.gather [hbm4b:s2+s3], $0x80, v4, vm0, $0xb8;
	[tilespmem:$0x18600] =	vst v63  }
0x440: {  	_ = 	snop  }
0x441: {  	[tilespmem:s31], [sflag:$0x2] =	stream.indirect_vreg.gather [hbm4b:s5+s3], $0x80, v4, vm1, $0xb8;
	[tilespmem:$0x18600] =	vst v63  }
0x442: {  	s8 =	simm.s32 $0x17A00  }
0x443: {  	[tilespmem:s8], [sflag:$0x2] =	stream.indirect_vreg.gather [hbm4b:s2+s3], $0x80, v3, vm0, $0xb8;
	[tilespmem:$0x18600] =	vst v63  }
0x444: {  	s9 =	simm.s32 $0x18200  }
0x445: {  	[tilespmem:s9], [sflag:$0x2] =	stream.indirect_vreg.gather [hbm4b:s5+s3], $0x80, v3, vm1, $0xb8;
	[tilespmem:$0x18600] =	vst v63  }
0x446: {  	_ =	swait.ge [sflag:s23], $0xC000  }
0x447: {  	[sflag:s23] =	ssyncset.done $0x0  }
0x448: {  	s11 =	simm.s32 $0x600;
	s10 =	rddreg [dreg:$0x9];
	[sflag:s23] =	ssyncadd.s32 $0xFFFF4000  }
0x449: {  	[hbm4b:s10+s3] =	stream.linear.scatter [tilespmem:s11], [sflag:$0x3], $0xC000, $0x38;
	[tilespmem:$0x18600] =	vst v63  }
0x44a: {  	_ =	swait.ge [sflag:s7], $0xC000  }
0x44b: {  	[sflag:s7] =	ssyncset.done $0x0  }
0x44c: {  	[sflag:s7] =	ssyncadd.s32 $0xFFFF4000  }
0x44d: {  	v3 =	vld [tilespmem:$0x400];
	_ =	sdelay $0x4  }
0x44e: {  	v32 =	vshrl.u32 v3, $0x3  }
0x44f: {  	v4 =	vmul.u32 $0x18, v32  }
0x450: {  	v3 =	vand.u32 $0x7, v3  }
0x451: {  	v3 =	vor.u32 v3, v4  }
0x452: {  	v4 =	vperm.xlane v3, v0;
	_ =	sdelay $0x1  }
0x453: {  	v4 =	vadd.s32 v1, v4;
	_ =	sdelay $0x1  }
0x454: {  	v3 =	vperm.xlane v3, v2;
	_ =	sdelay $0x1  }
0x455: {  	v3 =	vadd.s32 v1, v3  }
0x456: {  	[tilespmem:s11], [sflag:$0x1] =	stream.indirect_vreg.gather [hbm4b:s2+s3], $0x80, v4, vm0, $0xb8;
	[tilespmem:$0x18600] =	vst v63  }
0x457: {  	s0 =	simm.s32 $0xE00  }
0x458: {  	[tilespmem:s0], [sflag:$0x1] =	stream.indirect_vreg.gather [hbm4b:s5+s3], $0x80, v4, vm1, $0xb8;
	[tilespmem:$0x18600] =	vst v63  }
0x459: {  	s12 =	simm.s32 $0x1200  }
0x45a: {  	[tilespmem:s12], [sflag:$0x1] =	stream.indirect_vreg.gather [hbm4b:s2+s3], $0x80, v3, vm0, $0xb8;
	[tilespmem:$0x18600] =	vst v63  }
0x45b: {  	s13 =	simm.s32 $0x1A00  }
0x45c: {  	[tilespmem:s13], [sflag:$0x1] =	stream.indirect_vreg.gather [hbm4b:s5+s3], $0x80, v3, vm1, $0xb8;
	[tilespmem:$0x18600] =	vst v63  }
0x45d: {  	v3 =	vld [tilespmem:$0x410];
	_ =	sdelay $0x4  }
0x45e: {  	v33 =	vshrl.u32 v3, $0x3  }
0x45f: {  	v4 =	vmul.u32 $0x18, v33  }
0x460: {  	v3 =	vand.u32 $0x7, v3  }
0x461: {  	v3 =	vor.u32 v3, v4  }
0x462: {  	v4 =	vperm.xlane v3, v0;
	_ =	sdelay $0x1  }
0x463: {  	v4 =	vadd.s32 v1, v4;
	_ =	sdelay $0x1  }
0x464: {  	v3 =	vperm.xlane v3, v2;
	_ =	sdelay $0x1  }
0x465: {  	s14 =	simm.s32 $0x1E00;
	v3 =	vadd.s32 v1, v3  }
0x466: {  	[tilespmem:s14], [sflag:$0x1] =	stream.indirect_vreg.gather [hbm4b:s2+s3], $0x80, v4, vm0, $0xb8;
	[tilespmem:$0x18600] =	vst v63  }
0x467: {  	s15 =	simm.s32 $0x2600  }
0x468: {  	[tilespmem:s15], [sflag:$0x1] =	stream.indirect_vreg.gather [hbm4b:s5+s3], $0x80, v4, vm1, $0xb8;
	[tilespmem:$0x18600] =	vst v63  }
0x469: {  	s16 =	simm.s32 $0x2A00  }
0x46a: {  	[tilespmem:s16], [sflag:$0x1] =	stream.indirect_vreg.gather [hbm4b:s2+s3], $0x80, v3, vm0, $0xb8;
	[tilespmem:$0x18600] =	vst v63  }
0x46b: {  	s18 =	simm.s32 $0x3200  }
0x46c: {  	[tilespmem:s18], [sflag:$0x1] =	stream.indirect_vreg.gather [hbm4b:s5+s3], $0x80, v3, vm1, $0xb8;
	[tilespmem:$0x18600] =	vst v63  }
0x46d: {  	v3 =	vld [tilespmem:$0x420];
	_ =	sdelay $0x4  }
0x46e: {  	v34 =	vshrl.u32 v3, $0x3  }
0x46f: {  	v4 =	vmul.u32 $0x18, v34  }
0x470: {  	v3 =	vand.u32 $0x7, v3  }
0x471: {  	v3 =	vor.u32 v3, v4  }
0x472: {  	v4 =	vperm.xlane v3, v0;
	_ =	sdelay $0x1  }
0x473: {  	v4 =	vadd.s32 v1, v4;
	_ =	sdelay $0x1  }
0x474: {  	v3 =	vperm.xlane v3, v2;
	_ =	sdelay $0x1  }
0x475: {  	s19 =	simm.s32 $0x3600;
	v3 =	vadd.s32 v1, v3  }
0x476: {  	[tilespmem:s19], [sflag:$0x1] =	stream.indirect_vreg.gather [hbm4b:s2+s3], $0x80, v4, vm0, $0xb8;
	[tilespmem:$0x18600] =	vst v63  }
0x477: {  	s1 =	simm.s32 $0x3E00  }
0x478: {  	[tilespmem:s1], [sflag:$0x1] =	stream.indirect_vreg.gather [hbm4b:s5+s3], $0x80, v4, vm1, $0xb8;
	[tilespmem:$0x18600] =	vst v63  }
0x479: {  	s9 =	simm.s32 $0x4200  }
0x47a: {  	[tilespmem:s9], [sflag:$0x1] =	stream.indirect_vreg.gather [hbm4b:s2+s3], $0x80, v3, vm0, $0xb8;
	[tilespmem:$0x18600] =	vst v63  }
0x47b: {  	s20 =	simm.s32 $0x4A00  }
0x47c: {  	[tilespmem:s20], [sflag:$0x1] =	stream.indirect_vreg.gather [hbm4b:s5+s3], $0x80, v3, vm1, $0xb8;
	[tilespmem:$0x18600] =	vst v63  }
0x47d: {  	v3 =	vld [tilespmem:$0x430];
	_ =	sdelay $0x4  }
0x47e: {  	v35 =	vshrl.u32 v3, $0x3  }
0x47f: {  	v4 =	vmul.u32 $0x18, v35  }
0x480: {  	v3 =	vand.u32 $0x7, v3  }
0x481: {  	v3 =	vor.u32 v3, v4  }
0x482: {  	v4 =	vperm.xlane v3, v0;
	_ =	sdelay $0x1  }
0x483: {  	v4 =	vadd.s32 v1, v4;
	_ =	sdelay $0x1  }
0x484: {  	v3 =	vperm.xlane v3, v2;
	_ =	sdelay $0x1  }
0x485: {  	s6 =	simm.s32 $0x4E00;
	v3 =	vadd.s32 v1, v3  }
0x486: {  	[tilespmem:s6], [sflag:$0x1] =	stream.indirect_vreg.gather [hbm4b:s2+s3], $0x80, v4, vm0, $0xb8;
	[tilespmem:$0x18600] =	vst v63  }
0x487: {  	s21 =	simm.s32 $0x5600  }
0x488: {  	[tilespmem:s21], [sflag:$0x1] =	stream.indirect_vreg.gather [hbm4b:s5+s3], $0x80, v4, vm1, $0xb8;
	[tilespmem:$0x18600] =	vst v63  }
0x489: {  	s22 =	simm.s32 $0x5A00  }
0x48a: {  	[tilespmem:s22], [sflag:$0x1] =	stream.indirect_vreg.gather [hbm4b:s2+s3], $0x80, v3, vm0, $0xb8;
	[tilespmem:$0x18600] =	vst v63  }
0x48b: {  	s25 =	simm.s32 $0x6200  }
0x48c: {  	[tilespmem:s25], [sflag:$0x1] =	stream.indirect_vreg.gather [hbm4b:s5+s3], $0x80, v3, vm1, $0xb8;
	[tilespmem:$0x18600] =	vst v63  }
0x48d: {  	v3 =	vld [tilespmem:$0x440];
	_ =	sdelay $0x4  }
0x48e: {  	v36 =	vshrl.u32 v3, $0x3  }
0x48f: {  	v4 =	vmul.u32 $0x18, v36  }
0x490: {  	v3 =	vand.u32 $0x7, v3  }
0x491: {  	v3 =	vor.u32 v3, v4  }
0x492: {  	v4 =	vperm.xlane v3, v0;
	_ =	sdelay $0x1  }
0x493: {  	v4 =	vadd.s32 v1, v4;
	_ =	sdelay $0x1  }
0x494: {  	v3 =	vperm.xlane v3, v2;
	_ =	sdelay $0x1  }
0x495: {  	s26 =	simm.s32 $0x6600;
	v3 =	vadd.s32 v1, v3  }
0x496: {  	[tilespmem:s26], [sflag:$0x1] =	stream.indirect_vreg.gather [hbm4b:s2+s3], $0x80, v4, vm0, $0xb8;
	[tilespmem:$0x18600] =	vst v63  }
0x497: {  	s28 =	simm.s32 $0x6E00  }
0x498: {  	[tilespmem:s28], [sflag:$0x1] =	stream.indirect_vreg.gather [hbm4b:s5+s3], $0x80, v4, vm1, $0xb8;
	[tilespmem:$0x18600] =	vst v63  }
0x499: {  	s29 =	simm.s32 $0x7200  }
0x49a: {  	[tilespmem:s29], [sflag:$0x1] =	stream.indirect_vreg.gather [hbm4b:s2+s3], $0x80, v3, vm0, $0xb8;
	[tilespmem:$0x18600] =	vst v63  }
0x49b: {  	s30 =	simm.s32 $0x7A00  }
0x49c: {  	[tilespmem:s30], [sflag:$0x1] =	stream.indirect_vreg.gather [hbm4b:s5+s3], $0x80, v3, vm1, $0xb8;
	[tilespmem:$0x18600] =	vst v63  }
0x49d: {  	v3 =	vld [tilespmem:$0x450];
	_ =	sdelay $0x4  }
0x49e: {  	v37 =	vshrl.u32 v3, $0x3  }
0x49f: {  	v4 =	vmul.u32 $0x18, v37  }
0x4a0: {  	v3 =	vand.u32 $0x7, v3  }
0x4a1: {  	v3 =	vor.u32 v3, v4  }
0x4a2: {  	v4 =	vperm.xlane v3, v0;
	_ =	sdelay $0x1  }
0x4a3: {  	v4 =	vadd.s32 v1, v4;
	_ =	sdelay $0x1  }
0x4a4: {  	v3 =	vperm.xlane v3, v2;
	_ =	sdelay $0x1  }
0x4a5: {  	s31 =	simm.s32 $0x7E00;
	v3 =	vadd.s32 v1, v3  }
0x4a6: {  	[tilespmem:s31], [sflag:$0x1] =	stream.indirect_vreg.gather [hbm4b:s2+s3], $0x80, v4, vm0, $0xb8;
	[tilespmem:$0x18600] =	vst v63  }
0x4a7: {  	s8 =	simm.s32 $0x8600  }
0x4a8: {  	[tilespmem:s8], [sflag:$0x1] =	stream.indirect_vreg.gather [hbm4b:s5+s3], $0x80, v4, vm1, $0xb8;
	[tilespmem:$0x18600] =	vst v63  }
0x4a9: {  	s10 =	simm.s32 $0x8A00  }
0x4aa: {  	[tilespmem:s10], [sflag:$0x1] =	stream.indirect_vreg.gather [hbm4b:s2+s3], $0x80, v3, vm0, $0xb8;
	[tilespmem:$0x18600] =	vst v63  }
0x4ab: {  	s25 =	simm.s32 $0x9200  }
0x4ac: {  	[tilespmem:s25], [sflag:$0x1] =	stream.indirect_vreg.gather [hbm4b:s5+s3], $0x80, v3, vm1, $0xb8;
	[tilespmem:$0x18600] =	vst v63  }
0x4ad: {  	v3 =	vld [tilespmem:$0x460];
	_ =	sdelay $0x4  }
0x4ae: {  	v38 =	vshrl.u32 v3, $0x3  }
0x4af: {  	v4 =	vmul.u32 $0x18, v38  }
0x4b0: {  	v3 =	vand.u32 $0x7, v3  }
0x4b1: {  	v3 =	vor.u32 v3, v4  }
0x4b2: {  	v4 =	vperm.xlane v3, v0;
	_ =	sdelay $0x1  }
0x4b3: {  	v4 =	vadd.s32 v1, v4;
	_ =	sdelay $0x1  }
0x4b4: {  	v3 =	vperm.xlane v3, v2;
	_ =	sdelay $0x1  }
0x4b5: {  	s29 =	simm.s32 $0x9600;
	v3 =	vadd.s32 v1, v3  }
0x4b6: {  	[tilespmem:s29], [sflag:$0x1] =	stream.indirect_vreg.gather [hbm4b:s2+s3], $0x80, v4, vm0, $0xb8;
	[tilespmem:$0x18600] =	vst v63  }
0x4b7: {  	s31 =	simm.s32 $0x9E00  }
0x4b8: {  	[tilespmem:s31], [sflag:$0x1] =	stream.indirect_vreg.gather [hbm4b:s5+s3], $0x80, v4, vm1, $0xb8;
	[tilespmem:$0x18600] =	vst v63  }
0x4b9: {  	s4 =	simm.s32 $0xA200  }
0x4ba: {  	[tilespmem:s4], [sflag:$0x1] =	stream.indirect_vreg.gather [hbm4b:s2+s3], $0x80, v3, vm0, $0xb8;
	[tilespmem:$0x18600] =	vst v63  }
0x4bb: {  	s10 =	simm.s32 $0xAA00  }
0x4bc: {  	[tilespmem:s10], [sflag:$0x1] =	stream.indirect_vreg.gather [hbm4b:s5+s3], $0x80, v3, vm1, $0xb8;
	[tilespmem:$0x18600] =	vst v63  }
0x4bd: {  	v3 =	vld [tilespmem:$0x470];
	_ =	sdelay $0x4  }
0x4be: {  	v39 =	vshrl.u32 v3, $0x3  }
0x4bf: {  	v4 =	vmul.u32 $0x18, v39  }
0x4c0: {  	v3 =	vand.u32 $0x7, v3  }
0x4c1: {  	v3 =	vor.u32 v3, v4  }
0x4c2: {  	v4 =	vperm.xlane v3, v0;
	_ =	sdelay $0x1  }
0x4c3: {  	v4 =	vadd.s32 v1, v4;
	_ =	sdelay $0x1  }
0x4c4: {  	v3 =	vperm.xlane v3, v2;
	_ =	sdelay $0x1  }
0x4c5: {  	s25 =	simm.s32 $0xAE00;
	v3 =	vadd.s32 v1, v3  }
0x4c6: {  	[tilespmem:s25], [sflag:$0x1] =	stream.indirect_vreg.gather [hbm4b:s2+s3], $0x80, v4, vm0, $0xb8;
	[tilespmem:$0x18600] =	vst v63  }
0x4c7: {  	s8 =	simm.s32 $0xB600  }
0x4c8: {  	[tilespmem:s8], [sflag:$0x1] =	stream.indirect_vreg.gather [hbm4b:s5+s3], $0x80, v4, vm1, $0xb8;
	[tilespmem:$0x18600] =	vst v63  }
0x4c9: {  	s10 =	simm.s32 $0xBA00  }
0x4ca: {  	[tilespmem:s10], [sflag:$0x1] =	stream.indirect_vreg.gather [hbm4b:s2+s3], $0x80, v3, vm0, $0xb8;
	[tilespmem:$0x18600] =	vst v63  }
0x4cb: {  	s25 =	simm.s32 $0xC200  }
0x4cc: {  	[tilespmem:s25], [sflag:$0x1] =	stream.indirect_vreg.gather [hbm4b:s5+s3], $0x80, v3, vm1, $0xb8;
	[tilespmem:$0x18600] =	vst v63  }
0x4cd: {  	_ =	swait.ge [sflag:s24], $0xC000  }
0x4ce: {  	[sflag:s24] =	ssyncset.done $0x0  }
0x4cf: {  	s10 =	simm.s32 $0xC600;
	s8 =	rddreg [dreg:$0xa];
	[sflag:s24] =	ssyncadd.s32 $0xFFFF4000  }
0x4d0: {  	[hbm4b:s8+s3] =	stream.linear.scatter [tilespmem:s10], [sflag:$0x3], $0xC000, $0x38;
	[tilespmem:$0x18600] =	vst v63  }
0x4d1: {  	_ =	swait.ge [sflag:s7], $0xC000  }
0x4d2: {  	[sflag:s7] =	ssyncset.done $0x0  }
0x4d3: {  	[sflag:s7] =	ssyncadd.s32 $0xFFFF4000  }
0x4d4: {  	v3 =	vld [tilespmem:$0x480];
	_ =	sdelay $0x4  }
0x4d5: {  	v40 =	vshrl.u32 v3, $0x3  }
0x4d6: {  	v4 =	vmul.u32 $0x18, v40  }
0x4d7: {  	v3 =	vand.u32 $0x7, v3  }
0x4d8: {  	v3 =	vor.u32 v3, v4  }
0x4d9: {  	v4 =	vperm.xlane v3, v0;
	_ =	sdelay $0x1  }
0x4da: {  	v4 =	vadd.s32 v1, v4;
	_ =	sdelay $0x1  }
0x4db: {  	v3 =	vperm.xlane v3, v2;
	_ =	sdelay $0x1  }
0x4dc: {  	v3 =	vadd.s32 v1, v3  }
0x4dd: {  	[tilespmem:s10], [sflag:$0x2] =	stream.indirect_vreg.gather [hbm4b:s2+s3], $0x80, v4, vm0, $0xb8;
	[tilespmem:$0x18600] =	vst v63  }
0x4de: {  	s4 =	simm.s32 $0xCE00  }
0x4df: {  	[tilespmem:s4], [sflag:$0x2] =	stream.indirect_vreg.gather [hbm4b:s5+s3], $0x80, v4, vm1, $0xb8;
	[tilespmem:$0x18600] =	vst v63  }
0x4e0: {  	s8 =	simm.s32 $0xD200  }
0x4e1: {  	[tilespmem:s8], [sflag:$0x2] =	stream.indirect_vreg.gather [hbm4b:s2+s3], $0x80, v3, vm0, $0xb8;
	[tilespmem:$0x18600] =	vst v63  }
0x4e2: {  	s25 =	simm.s32 $0xDA00  }
0x4e3: {  	[tilespmem:s25], [sflag:$0x2] =	stream.indirect_vreg.gather [hbm4b:s5+s3], $0x80, v3, vm1, $0xb8;
	[tilespmem:$0x18600] =	vst v63  }
0x4e4: {  	v3 =	vld [tilespmem:$0x490];
	_ =	sdelay $0x4  }
0x4e5: {  	v41 =	vshrl.u32 v3, $0x3  }
0x4e6: {  	v4 =	vmul.u32 $0x18, v41  }
0x4e7: {  	v3 =	vand.u32 $0x7, v3  }
0x4e8: {  	v3 =	vor.u32 v3, v4  }
0x4e9: {  	v4 =	vperm.xlane v3, v0;
	_ =	sdelay $0x1  }
0x4ea: {  	v4 =	vadd.s32 v1, v4;
	_ =	sdelay $0x1  }
0x4eb: {  	v3 =	vperm.xlane v3, v2;
	_ =	sdelay $0x1  }
0x4ec: {  	s25 =	simm.s32 $0xDE00;
	v3 =	vadd.s32 v1, v3  }
0x4ed: {  	[tilespmem:s25], [sflag:$0x2] =	stream.indirect_vreg.gather [hbm4b:s2+s3], $0x80, v4, vm0, $0xb8;
	[tilespmem:$0x18600] =	vst v63  }
0x4ee: {  	s25 =	simm.s32 $0xE600  }
0x4ef: {  	[tilespmem:s25], [sflag:$0x2] =	stream.indirect_vreg.gather [hbm4b:s5+s3], $0x80, v4, vm1, $0xb8;
	[tilespmem:$0x18600] =	vst v63  }
0x4f0: {  	s25 =	simm.s32 $0xEA00  }
0x4f1: {  	[tilespmem:s25], [sflag:$0x2] =	stream.indirect_vreg.gather [hbm4b:s2+s3], $0x80, v3, vm0, $0xb8;
	[tilespmem:$0x18600] =	vst v63  }
0x4f2: {  	s25 =	simm.s32 $0xF200  }
0x4f3: {  	[tilespmem:s25], [sflag:$0x2] =	stream.indirect_vreg.gather [hbm4b:s5+s3], $0x80, v3, vm1, $0xb8;
	[tilespmem:$0x18600] =	vst v63  }
0x4f4: {  	v3 =	vld [tilespmem:$0x4A0];
	_ =	sdelay $0x4  }
0x4f5: {  	v42 =	vshrl.u32 v3, $0x3  }
0x4f6: {  	v4 =	vmul.u32 $0x18, v42  }
0x4f7: {  	v3 =	vand.u32 $0x7, v3  }
0x4f8: {  	v3 =	vor.u32 v3, v4  }
0x4f9: {  	v4 =	vperm.xlane v3, v0;
	_ =	sdelay $0x1  }
0x4fa: {  	v4 =	vadd.s32 v1, v4;
	_ =	sdelay $0x1  }
0x4fb: {  	v3 =	vperm.xlane v3, v2;
	_ =	sdelay $0x1  }
0x4fc: {  	s25 =	simm.s32 $0xF600;
	v3 =	vadd.s32 v1, v3  }
0x4fd: {  	[tilespmem:s25], [sflag:$0x2] =	stream.indirect_vreg.gather [hbm4b:s2+s3], $0x80, v4, vm0, $0xb8;
	[tilespmem:$0x18600] =	vst v63  }
0x4fe: {  	s25 =	simm.s32 $0xFE00  }
0x4ff: {  	[tilespmem:s25], [sflag:$0x2] =	stream.indirect_vreg.gather [hbm4b:s5+s3], $0x80, v4, vm1, $0xb8;
	[tilespmem:$0x18600] =	vst v63  }
0x500: {  	s25 =	simm.s32 $0x10200  }
0x501: {  	[tilespmem:s25], [sflag:$0x2] =	stream.indirect_vreg.gather [hbm4b:s2+s3], $0x80, v3, vm0, $0xb8;
	[tilespmem:$0x18600] =	vst v63  }
0x502: {  	s25 =	simm.s32 $0x10A00  }
0x503: {  	[tilespmem:s25], [sflag:$0x2] =	stream.indirect_vreg.gather [hbm4b:s5+s3], $0x80, v3, vm1, $0xb8;
	[tilespmem:$0x18600] =	vst v63  }
0x504: {  	v3 =	vld [tilespmem:$0x4B0];
	_ =	sdelay $0x4  }
0x505: {  	v43 =	vshrl.u32 v3, $0x3  }
0x506: {  	v4 =	vmul.u32 $0x18, v43  }
0x507: {  	v3 =	vand.u32 $0x7, v3  }
0x508: {  	v3 =	vor.u32 v3, v4  }
0x509: {  	v4 =	vperm.xlane v3, v0;
	_ =	sdelay $0x1  }
0x50a: {  	v4 =	vadd.s32 v1, v4;
	_ =	sdelay $0x1  }
0x50b: {  	v3 =	vperm.xlane v3, v2;
	_ =	sdelay $0x1  }
0x50c: {  	s25 =	simm.s32 $0x10E00;
	v3 =	vadd.s32 v1, v3  }
0x50d: {  	[tilespmem:s25], [sflag:$0x2] =	stream.indirect_vreg.gather [hbm4b:s2+s3], $0x80, v4, vm0, $0xb8;
	[tilespmem:$0x18600] =	vst v63  }
0x50e: {  	s25 =	simm.s32 $0x11600  }
0x50f: {  	[tilespmem:s25], [sflag:$0x2] =	stream.indirect_vreg.gather [hbm4b:s5+s3], $0x80, v4, vm1, $0xb8;
	[tilespmem:$0x18600] =	vst v63  }
0x510: {  	s25 =	simm.s32 $0x11A00  }
0x511: {  	[tilespmem:s25], [sflag:$0x2] =	stream.indirect_vreg.gather [hbm4b:s2+s3], $0x80, v3, vm0, $0xb8;
	[tilespmem:$0x18600] =	vst v63  }
0x512: {  	s25 =	simm.s32 $0x12200  }
0x513: {  	[tilespmem:s25], [sflag:$0x2] =	stream.indirect_vreg.gather [hbm4b:s5+s3], $0x80, v3, vm1, $0xb8;
	[tilespmem:$0x18600] =	vst v63  }
0x514: {  	v3 =	vld [tilespmem:$0x4C0];
	_ =	sdelay $0x4  }
0x515: {  	v44 =	vshrl.u32 v3, $0x3  }
0x516: {  	v4 =	vmul.u32 $0x18, v44  }
0x517: {  	v3 =	vand.u32 $0x7, v3  }
0x518: {  	v3 =	vor.u32 v3, v4  }
0x519: {  	v4 =	vperm.xlane v3, v0;
	_ =	sdelay $0x1  }
0x51a: {  	v4 =	vadd.s32 v1, v4;
	_ =	sdelay $0x1  }
0x51b: {  	v3 =	vperm.xlane v3, v2;
	_ =	sdelay $0x1  }
0x51c: {  	s25 =	simm.s32 $0x12600;
	v3 =	vadd.s32 v1, v3  }
0x51d: {  	[tilespmem:s25], [sflag:$0x2] =	stream.indirect_vreg.gather [hbm4b:s2+s3], $0x80, v4, vm0, $0xb8;
	[tilespmem:$0x18600] =	vst v63  }
0x51e: {  	s25 =	simm.s32 $0x12E00  }
0x51f: {  	[tilespmem:s25], [sflag:$0x2] =	stream.indirect_vreg.gather [hbm4b:s5+s3], $0x80, v4, vm1, $0xb8;
	[tilespmem:$0x18600] =	vst v63  }
0x520: {  	s25 =	simm.s32 $0x13200  }
0x521: {  	[tilespmem:s25], [sflag:$0x2] =	stream.indirect_vreg.gather [hbm4b:s2+s3], $0x80, v3, vm0, $0xb8;
	[tilespmem:$0x18600] =	vst v63  }
0x522: {  	s25 =	simm.s32 $0x13A00  }
0x523: {  	[tilespmem:s25], [sflag:$0x2] =	stream.indirect_vreg.gather [hbm4b:s5+s3], $0x80, v3, vm1, $0xb8;
	[tilespmem:$0x18600] =	vst v63  }
0x524: {  	v3 =	vld [tilespmem:$0x4D0];
	_ =	sdelay $0x4  }
0x525: {  	v45 =	vshrl.u32 v3, $0x3  }
0x526: {  	v4 =	vmul.u32 $0x18, v45  }
0x527: {  	v3 =	vand.u32 $0x7, v3  }
0x528: {  	v3 =	vor.u32 v3, v4  }
0x529: {  	v4 =	vperm.xlane v3, v0;
	_ =	sdelay $0x1  }
0x52a: {  	v4 =	vadd.s32 v1, v4;
	_ =	sdelay $0x1  }
0x52b: {  	v3 =	vperm.xlane v3, v2;
	_ =	sdelay $0x1  }
0x52c: {  	s25 =	simm.s32 $0x13E00;
	v3 =	vadd.s32 v1, v3  }
0x52d: {  	[tilespmem:s25], [sflag:$0x2] =	stream.indirect_vreg.gather [hbm4b:s2+s3], $0x80, v4, vm0, $0xb8;
	[tilespmem:$0x18600] =	vst v63  }
0x52e: {  	s25 =	simm.s32 $0x14600  }
0x52f: {  	[tilespmem:s25], [sflag:$0x2] =	stream.indirect_vreg.gather [hbm4b:s5+s3], $0x80, v4, vm1, $0xb8;
	[tilespmem:$0x18600] =	vst v63  }
0x530: {  	s25 =	simm.s32 $0x14A00  }
0x531: {  	[tilespmem:s25], [sflag:$0x2] =	stream.indirect_vreg.gather [hbm4b:s2+s3], $0x80, v3, vm0, $0xb8;
	[tilespmem:$0x18600] =	vst v63  }
0x532: {  	s25 =	simm.s32 $0x15200  }
0x533: {  	[tilespmem:s25], [sflag:$0x2] =	stream.indirect_vreg.gather [hbm4b:s5+s3], $0x80, v3, vm1, $0xb8;
	[tilespmem:$0x18600] =	vst v63  }
0x534: {  	v3 =	vld [tilespmem:$0x4E0];
	_ =	sdelay $0x4  }
0x535: {  	v46 =	vshrl.u32 v3, $0x3  }
0x536: {  	v4 =	vmul.u32 $0x18, v46  }
0x537: {  	v3 =	vand.u32 $0x7, v3  }
0x538: {  	v3 =	vor.u32 v3, v4  }
0x539: {  	v4 =	vperm.xlane v3, v0;
	_ =	sdelay $0x1  }
0x53a: {  	v4 =	vadd.s32 v1, v4;
	_ =	sdelay $0x1  }
0x53b: {  	v3 =	vperm.xlane v3, v2;
	_ =	sdelay $0x1  }
0x53c: {  	s25 =	simm.s32 $0x15600;
	v3 =	vadd.s32 v1, v3  }
0x53d: {  	[tilespmem:s25], [sflag:$0x2] =	stream.indirect_vreg.gather [hbm4b:s2+s3], $0x80, v4, vm0, $0xb8;
	[tilespmem:$0x18600] =	vst v63  }
0x53e: {  	s25 =	simm.s32 $0x15E00  }
0x53f: {  	[tilespmem:s25], [sflag:$0x2] =	stream.indirect_vreg.gather [hbm4b:s5+s3], $0x80, v4, vm1, $0xb8;
	[tilespmem:$0x18600] =	vst v63  }
0x540: {  	s25 =	simm.s32 $0x16200  }
0x541: {  	[tilespmem:s25], [sflag:$0x2] =	stream.indirect_vreg.gather [hbm4b:s2+s3], $0x80, v3, vm0, $0xb8;
	[tilespmem:$0x18600] =	vst v63  }
0x542: {  	s25 =	simm.s32 $0x16A00  }
0x543: {  	[tilespmem:s25], [sflag:$0x2] =	stream.indirect_vreg.gather [hbm4b:s5+s3], $0x80, v3, vm1, $0xb8;
	[tilespmem:$0x18600] =	vst v63  }
0x544: {  	v3 =	vld [tilespmem:$0x4F0];
	_ =	sdelay $0x4  }
0x545: {  	v47 =	vshrl.u32 v3, $0x3  }
0x546: {  	v4 =	vmul.u32 $0x18, v47  }
0x547: {  	v3 =	vand.u32 $0x7, v3  }
0x548: {  	v3 =	vor.u32 v3, v4  }
0x549: {  	v4 =	vperm.xlane v3, v0;
	_ =	sdelay $0x1  }
0x54a: {  	v4 =	vadd.s32 v1, v4;
	_ =	sdelay $0x1  }
0x54b: {  	v3 =	vperm.xlane v3, v2;
	_ =	sdelay $0x1  }
0x54c: {  	s25 =	simm.s32 $0x16E00;
	v3 =	vadd.s32 v1, v3  }
0x54d: {  	[tilespmem:s25], [sflag:$0x2] =	stream.indirect_vreg.gather [hbm4b:s2+s3], $0x80, v4, vm0, $0xb8;
	[tilespmem:$0x18600] =	vst v63  }
0x54e: {  	s25 =	simm.s32 $0x17600  }
0x54f: {  	[tilespmem:s25], [sflag:$0x2] =	stream.indirect_vreg.gather [hbm4b:s5+s3], $0x80, v4, vm1, $0xb8;
	[tilespmem:$0x18600] =	vst v63  }
0x550: {  	s25 =	simm.s32 $0x17A00  }
0x551: {  	[tilespmem:s25], [sflag:$0x2] =	stream.indirect_vreg.gather [hbm4b:s2+s3], $0x80, v3, vm0, $0xb8;
	[tilespmem:$0x18600] =	vst v63  }
0x552: {  	s25 =	simm.s32 $0x18200  }
0x553: {  	[tilespmem:s25], [sflag:$0x2] =	stream.indirect_vreg.gather [hbm4b:s5+s3], $0x80, v3, vm1, $0xb8;
	[tilespmem:$0x18600] =	vst v63  }
0x554: {  	_ =	swait.ge [sflag:s23], $0xC000  }
0x555: {  	[sflag:s23] =	ssyncset.done $0x0  }
0x556: {  	s11 =	simm.s32 $0x600;
	s25 =	rddreg [dreg:$0xb];
	[sflag:s23] =	ssyncadd.s32 $0xFFFF4000  }
0x557: {  	[hbm4b:s25+s3] =	stream.linear.scatter [tilespmem:s11], [sflag:$0x3], $0xC000, $0x38;
	[tilespmem:$0x18600] =	vst v63  }
0x558: {  	_ =	swait.ge [sflag:s7], $0xC000  }
0x559: {  	[sflag:s7] =	ssyncset.done $0x0  }
0x55a: {  	[sflag:s7] =	ssyncadd.s32 $0xFFFF4000  }
0x55b: {  	v3 =	vld [tilespmem:$0x500];
	_ =	sdelay $0x4  }
0x55c: {  	v48 =	vshrl.u32 v3, $0x3  }
0x55d: {  	v4 =	vmul.u32 $0x18, v48  }
0x55e: {  	v3 =	vand.u32 $0x7, v3  }
0x55f: {  	v3 =	vor.u32 v3, v4  }
0x560: {  	v4 =	vperm.xlane v3, v0;
	_ =	sdelay $0x1  }
0x561: {  	v4 =	vadd.s32 v1, v4;
	_ =	sdelay $0x1  }
0x562: {  	v3 =	vperm.xlane v3, v2;
	_ =	sdelay $0x1  }
0x563: {  	v3 =	vadd.s32 v1, v3  }
0x564: {  	[tilespmem:s11], [sflag:$0x1] =	stream.indirect_vreg.gather [hbm4b:s2+s3], $0x80, v4, vm0, $0xb8;
	[tilespmem:$0x18600] =	vst v63  }
0x565: {  	_ = 	snop  }
0x566: {  	[tilespmem:s0], [sflag:$0x1] =	stream.indirect_vreg.gather [hbm4b:s5+s3], $0x80, v4, vm1, $0xb8;
	[tilespmem:$0x18600] =	vst v63  }
0x567: {  	s12 =	simm.s32 $0x1200  }
0x568: {  	[tilespmem:s12], [sflag:$0x1] =	stream.indirect_vreg.gather [hbm4b:s2+s3], $0x80, v3, vm0, $0xb8;
	[tilespmem:$0x18600] =	vst v63  }
0x569: {  	s17 =	simm.s32 $0x1A00  }
0x56a: {  	[tilespmem:s17], [sflag:$0x1] =	stream.indirect_vreg.gather [hbm4b:s5+s3], $0x80, v3, vm1, $0xb8;
	[tilespmem:$0x18600] =	vst v63  }
0x56b: {  	v3 =	vld [tilespmem:$0x510];
	_ =	sdelay $0x4  }
0x56c: {  	v49 =	vshrl.u32 v3, $0x3  }
0x56d: {  	v4 =	vmul.u32 $0x18, v49  }
0x56e: {  	v3 =	vand.u32 $0x7, v3  }
0x56f: {  	v3 =	vor.u32 v3, v4  }
0x570: {  	v4 =	vperm.xlane v3, v0;
	_ =	sdelay $0x1  }
0x571: {  	v4 =	vadd.s32 v1, v4;
	_ =	sdelay $0x1  }
0x572: {  	v3 =	vperm.xlane v3, v2;
	_ =	sdelay $0x1  }
0x573: {  	s13 =	simm.s32 $0x1E00;
	v3 =	vadd.s32 v1, v3  }
0x574: {  	[tilespmem:s13], [sflag:$0x1] =	stream.indirect_vreg.gather [hbm4b:s2+s3], $0x80, v4, vm0, $0xb8;
	[tilespmem:$0x18600] =	vst v63  }
0x575: {  	s14 =	simm.s32 $0x2600  }
0x576: {  	[tilespmem:s14], [sflag:$0x1] =	stream.indirect_vreg.gather [hbm4b:s5+s3], $0x80, v4, vm1, $0xb8;
	[tilespmem:$0x18600] =	vst v63  }
0x577: {  	s15 =	simm.s32 $0x2A00  }
0x578: {  	[tilespmem:s15], [sflag:$0x1] =	stream.indirect_vreg.gather [hbm4b:s2+s3], $0x80, v3, vm0, $0xb8;
	[tilespmem:$0x18600] =	vst v63  }
0x579: {  	s18 =	simm.s32 $0x3200  }
0x57a: {  	[tilespmem:s18], [sflag:$0x1] =	stream.indirect_vreg.gather [hbm4b:s5+s3], $0x80, v3, vm1, $0xb8;
	[tilespmem:$0x18600] =	vst v63  }
0x57b: {  	v3 =	vld [tilespmem:$0x520];
	_ =	sdelay $0x4  }
0x57c: {  	v50 =	vshrl.u32 v3, $0x3  }
0x57d: {  	v4 =	vmul.u32 $0x18, v50  }
0x57e: {  	v3 =	vand.u32 $0x7, v3  }
0x57f: {  	v3 =	vor.u32 v3, v4  }
0x580: {  	v4 =	vperm.xlane v3, v0;
	_ =	sdelay $0x1  }
0x581: {  	v4 =	vadd.s32 v1, v4;
	_ =	sdelay $0x1  }
0x582: {  	v3 =	vperm.xlane v3, v2;
	_ =	sdelay $0x1  }
0x583: {  	s16 =	simm.s32 $0x3600;
	v3 =	vadd.s32 v1, v3  }
0x584: {  	[tilespmem:s16], [sflag:$0x1] =	stream.indirect_vreg.gather [hbm4b:s2+s3], $0x80, v4, vm0, $0xb8;
	[tilespmem:$0x18600] =	vst v63  }
0x585: {  	_ = 	snop  }
0x586: {  	[tilespmem:s1], [sflag:$0x1] =	stream.indirect_vreg.gather [hbm4b:s5+s3], $0x80, v4, vm1, $0xb8;
	[tilespmem:$0x18600] =	vst v63  }
0x587: {  	_ = 	snop  }
0x588: {  	[tilespmem:s9], [sflag:$0x1] =	stream.indirect_vreg.gather [hbm4b:s2+s3], $0x80, v3, vm0, $0xb8;
	[tilespmem:$0x18600] =	vst v63  }
0x589: {  	s19 =	simm.s32 $0x4A00  }
0x58a: {  	[tilespmem:s19], [sflag:$0x1] =	stream.indirect_vreg.gather [hbm4b:s5+s3], $0x80, v3, vm1, $0xb8;
	[tilespmem:$0x18600] =	vst v63  }
0x58b: {  	v3 =	vld [tilespmem:$0x530];
	_ =	sdelay $0x4  }
0x58c: {  	v51 =	vshrl.u32 v3, $0x3  }
0x58d: {  	v4 =	vmul.u32 $0x18, v51  }
0x58e: {  	v3 =	vand.u32 $0x7, v3  }
0x58f: {  	v3 =	vor.u32 v3, v4  }
0x590: {  	v4 =	vperm.xlane v3, v0;
	_ =	sdelay $0x1  }
0x591: {  	v4 =	vadd.s32 v1, v4;
	_ =	sdelay $0x1  }
0x592: {  	v3 =	vperm.xlane v3, v2;
	_ =	sdelay $0x1  }
0x593: {  	v3 =	vadd.s32 v1, v3  }
0x594: {  	[tilespmem:s6], [sflag:$0x1] =	stream.indirect_vreg.gather [hbm4b:s2+s3], $0x80, v4, vm0, $0xb8;
	[tilespmem:$0x18600] =	vst v63  }
0x595: {  	s19 =	simm.s32 $0x5600  }
0x596: {  	[tilespmem:s19], [sflag:$0x1] =	stream.indirect_vreg.gather [hbm4b:s5+s3], $0x80, v4, vm1, $0xb8;
	[tilespmem:$0x18600] =	vst v63  }
0x597: {  	s22 =	simm.s32 $0x5A00  }
0x598: {  	[tilespmem:s22], [sflag:$0x1] =	stream.indirect_vreg.gather [hbm4b:s2+s3], $0x80, v3, vm0, $0xb8;
	[tilespmem:$0x18600] =	vst v63  }
0x599: {  	s20 =	simm.s32 $0x6200  }
0x59a: {  	[tilespmem:s20], [sflag:$0x1] =	stream.indirect_vreg.gather [hbm4b:s5+s3], $0x80, v3, vm1, $0xb8;
	[tilespmem:$0x18600] =	vst v63  }
0x59b: {  	v3 =	vld [tilespmem:$0x540];
	_ =	sdelay $0x4  }
0x59c: {  	v52 =	vshrl.u32 v3, $0x3  }
0x59d: {  	v4 =	vmul.u32 $0x18, v52  }
0x59e: {  	v3 =	vand.u32 $0x7, v3  }
0x59f: {  	v3 =	vor.u32 v3, v4  }
0x5a0: {  	v4 =	vperm.xlane v3, v0;
	_ =	sdelay $0x1  }
0x5a1: {  	v4 =	vadd.s32 v1, v4;
	_ =	sdelay $0x1  }
0x5a2: {  	v3 =	vperm.xlane v3, v2;
	_ =	sdelay $0x1  }
0x5a3: {  	s22 =	simm.s32 $0x6600;
	v3 =	vadd.s32 v1, v3  }
0x5a4: {  	[tilespmem:s22], [sflag:$0x1] =	stream.indirect_vreg.gather [hbm4b:s2+s3], $0x80, v4, vm0, $0xb8;
	[tilespmem:$0x18600] =	vst v63  }
0x5a5: {  	s25 =	simm.s32 $0x6E00  }
0x5a6: {  	[tilespmem:s25], [sflag:$0x1] =	stream.indirect_vreg.gather [hbm4b:s5+s3], $0x80, v4, vm1, $0xb8;
	[tilespmem:$0x18600] =	vst v63  }
0x5a7: {  	s26 =	simm.s32 $0x7200  }
0x5a8: {  	[tilespmem:s26], [sflag:$0x1] =	stream.indirect_vreg.gather [hbm4b:s2+s3], $0x80, v3, vm0, $0xb8;
	[tilespmem:$0x18600] =	vst v63  }
0x5a9: {  	s21 =	simm.s32 $0x7A00  }
0x5aa: {  	[tilespmem:s21], [sflag:$0x1] =	stream.indirect_vreg.gather [hbm4b:s5+s3], $0x80, v3, vm1, $0xb8;
	[tilespmem:$0x18600] =	vst v63  }
0x5ab: {  	v3 =	vld [tilespmem:$0x550];
	_ =	sdelay $0x4  }
0x5ac: {  	v53 =	vshrl.u32 v3, $0x3  }
0x5ad: {  	v4 =	vmul.u32 $0x18, v53  }
0x5ae: {  	v3 =	vand.u32 $0x7, v3  }
0x5af: {  	v3 =	vor.u32 v3, v4  }
0x5b0: {  	v4 =	vperm.xlane v3, v0;
	_ =	sdelay $0x1  }
0x5b1: {  	v4 =	vadd.s32 v1, v4;
	_ =	sdelay $0x1  }
0x5b2: {  	v3 =	vperm.xlane v3, v2;
	_ =	sdelay $0x1  }
0x5b3: {  	s6 =	simm.s32 $0x7E00;
	v3 =	vadd.s32 v1, v3  }
0x5b4: {  	[tilespmem:s6], [sflag:$0x1] =	stream.indirect_vreg.gather [hbm4b:s2+s3], $0x80, v4, vm0, $0xb8;
	[tilespmem:$0x18600] =	vst v63  }
0x5b5: {  	s9 =	simm.s32 $0x8600  }
0x5b6: {  	[tilespmem:s9], [sflag:$0x1] =	stream.indirect_vreg.gather [hbm4b:s5+s3], $0x80, v4, vm1, $0xb8;
	[tilespmem:$0x18600] =	vst v63  }
0x5b7: {  	s28 =	simm.s32 $0x8A00  }
0x5b8: {  	[tilespmem:s28], [sflag:$0x1] =	stream.indirect_vreg.gather [hbm4b:s2+s3], $0x80, v3, vm0, $0xb8;
	[tilespmem:$0x18600] =	vst v63  }
0x5b9: {  	s30 =	simm.s32 $0x9200  }
0x5ba: {  	[tilespmem:s30], [sflag:$0x1] =	stream.indirect_vreg.gather [hbm4b:s5+s3], $0x80, v3, vm1, $0xb8;
	[tilespmem:$0x18600] =	vst v63  }
0x5bb: {  	v3 =	vld [tilespmem:$0x560];
	_ =	sdelay $0x4  }
0x5bc: {  	v54 =	vshrl.u32 v3, $0x3  }
0x5bd: {  	v4 =	vmul.u32 $0x18, v54  }
0x5be: {  	v3 =	vand.u32 $0x7, v3  }
0x5bf: {  	v3 =	vor.u32 v3, v4  }
0x5c0: {  	v4 =	vperm.xlane v3, v0;
	_ =	sdelay $0x1  }
0x5c1: {  	v4 =	vadd.s32 v1, v4;
	_ =	sdelay $0x1  }
0x5c2: {  	v3 =	vperm.xlane v3, v2;
	_ =	sdelay $0x1  }
0x5c3: {  	s12 =	simm.s32 $0x9600;
	v3 =	vadd.s32 v1, v3  }
0x5c4: {  	[tilespmem:s12], [sflag:$0x1] =	stream.indirect_vreg.gather [hbm4b:s2+s3], $0x80, v4, vm0, $0xb8;
	[tilespmem:$0x18600] =	vst v63  }
0x5c5: {  	s13 =	simm.s32 $0x9E00  }
0x5c6: {  	[tilespmem:s13], [sflag:$0x1] =	stream.indirect_vreg.gather [hbm4b:s5+s3], $0x80, v4, vm1, $0xb8;
	[tilespmem:$0x18600] =	vst v63  }
0x5c7: {  	s29 =	simm.s32 $0xA200  }
0x5c8: {  	[tilespmem:s29], [sflag:$0x1] =	stream.indirect_vreg.gather [hbm4b:s2+s3], $0x80, v3, vm0, $0xb8;
	[tilespmem:$0x18600] =	vst v63  }
0x5c9: {  	s31 =	simm.s32 $0xAA00  }
0x5ca: {  	[tilespmem:s31], [sflag:$0x1] =	stream.indirect_vreg.gather [hbm4b:s5+s3], $0x80, v3, vm1, $0xb8;
	[tilespmem:$0x18600] =	vst v63  }
0x5cb: {  	v3 =	vld [tilespmem:$0x570];
	_ =	sdelay $0x4  }
0x5cc: {  	v55 =	vshrl.u32 v3, $0x3  }
0x5cd: {  	v4 =	vmul.u32 $0x18, v55  }
0x5ce: {  	v3 =	vand.u32 $0x7, v3  }
0x5cf: {  	v3 =	vor.u32 v3, v4  }
0x5d0: {  	v4 =	vperm.xlane v3, v0;
	_ =	sdelay $0x1  }
0x5d1: {  	v4 =	vadd.s32 v1, v4;
	_ =	sdelay $0x1  }
0x5d2: {  	v3 =	vperm.xlane v3, v2;
	_ =	sdelay $0x1  }
0x5d3: {  	s14 =	simm.s32 $0xAE00;
	v3 =	vadd.s32 v1, v3  }
0x5d4: {  	[tilespmem:s14], [sflag:$0x1] =	stream.indirect_vreg.gather [hbm4b:s2+s3], $0x80, v4, vm0, $0xb8;
	[tilespmem:$0x18600] =	vst v63  }
0x5d5: {  	s15 =	simm.s32 $0xB600  }
0x5d6: {  	[tilespmem:s15], [sflag:$0x1] =	stream.indirect_vreg.gather [hbm4b:s5+s3], $0x80, v4, vm1, $0xb8;
	[tilespmem:$0x18600] =	vst v63  }
0x5d7: {  	s16 =	simm.s32 $0xBA00  }
0x5d8: {  	[tilespmem:s16], [sflag:$0x1] =	stream.indirect_vreg.gather [hbm4b:s2+s3], $0x80, v3, vm0, $0xb8;
	[tilespmem:$0x18600] =	vst v63  }
0x5d9: {  	s17 =	simm.s32 $0xC200  }
0x5da: {  	[tilespmem:s17], [sflag:$0x1] =	stream.indirect_vreg.gather [hbm4b:s5+s3], $0x80, v3, vm1, $0xb8;
	[tilespmem:$0x18600] =	vst v63  }
0x5db: {  	s0 =	rddreg [dreg:$0x10];
	_ =	swait.ge [sflag:s24], $0xC000  }
0x5dc: {  	[sflag:s24] =	ssyncset.done $0x0  }
0x5dd: {  	s10 =	simm.s32 $0xC600;
	s18 =	rddreg [dreg:$0xc];
	[sflag:s24] =	ssyncadd.s32 $0xFFFF4000  }
0x5de: {  	[hbm4b:s18+s3] =	stream.linear.scatter [tilespmem:s10], [sflag:$0x3], $0xC000, $0x38;
	[tilespmem:$0x18600] =	vst v63  }
0x5df: {  	_ =	swait.ge [sflag:s7], $0xC000  }
0x5e0: {  	[sflag:s7] =	ssyncset.done $0x0  }
0x5e1: {  	[sflag:s7] =	ssyncadd.s32 $0xFFFF4000  }
0x5e2: {  	v3 =	vld [tilespmem:$0x580];
	_ =	sdelay $0x4  }
0x5e3: {  	v56 =	vshrl.u32 v3, $0x3  }
0x5e4: {  	v4 =	vmul.u32 $0x18, v56  }
0x5e5: {  	v3 =	vand.u32 $0x7, v3  }
0x5e6: {  	v3 =	vor.u32 v3, v4  }
0x5e7: {  	v4 =	vperm.xlane v3, v0;
	_ =	sdelay $0x1  }
0x5e8: {  	v4 =	vadd.s32 v1, v4;
	_ =	sdelay $0x1  }
0x5e9: {  	v3 =	vperm.xlane v3, v2;
	_ =	sdelay $0x1  }
0x5ea: {  	v3 =	vadd.s32 v1, v3  }
0x5eb: {  	[tilespmem:s10], [sflag:$0x2] =	stream.indirect_vreg.gather [hbm4b:s2+s3], $0x80, v4, vm0, $0xb8;
	[tilespmem:$0x18600] =	vst v63  }
0x5ec: {  	_ = 	snop  }
0x5ed: {  	[tilespmem:s4], [sflag:$0x2] =	stream.indirect_vreg.gather [hbm4b:s5+s3], $0x80, v4, vm1, $0xb8;
	[tilespmem:$0x18600] =	vst v63  }
0x5ee: {  	_ = 	snop  }
0x5ef: {  	[tilespmem:s8], [sflag:$0x2] =	stream.indirect_vreg.gather [hbm4b:s2+s3], $0x80, v3, vm0, $0xb8;
	[tilespmem:$0x18600] =	vst v63  }
0x5f0: {  	s19 =	simm.s32 $0xDA00  }
0x5f1: {  	[tilespmem:s19], [sflag:$0x2] =	stream.indirect_vreg.gather [hbm4b:s5+s3], $0x80, v3, vm1, $0xb8;
	[tilespmem:$0x18600] =	vst v63  }
0x5f2: {  	v3 =	vld [tilespmem:$0x590];
	_ =	sdelay $0x4  }
0x5f3: {  	v57 =	vshrl.u32 v3, $0x3  }
0x5f4: {  	v4 =	vmul.u32 $0x18, v57  }
0x5f5: {  	v3 =	vand.u32 $0x7, v3  }
0x5f6: {  	v3 =	vor.u32 v3, v4  }
0x5f7: {  	v4 =	vperm.xlane v3, v0;
	_ =	sdelay $0x1  }
0x5f8: {  	v4 =	vadd.s32 v1, v4;
	_ =	sdelay $0x1  }
0x5f9: {  	v3 =	vperm.xlane v3, v2;
	_ =	sdelay $0x1  }
0x5fa: {  	s20 =	simm.s32 $0xDE00;
	v3 =	vadd.s32 v1, v3  }
0x5fb: {  	[tilespmem:s20], [sflag:$0x2] =	stream.indirect_vreg.gather [hbm4b:s2+s3], $0x80, v4, vm0, $0xb8;
	[tilespmem:$0x18600] =	vst v63  }
0x5fc: {  	s21 =	simm.s32 $0xE600  }
0x5fd: {  	[tilespmem:s21], [sflag:$0x2] =	stream.indirect_vreg.gather [hbm4b:s5+s3], $0x80, v4, vm1, $0xb8;
	[tilespmem:$0x18600] =	vst v63  }
0x5fe: {  	s22 =	simm.s32 $0xEA00  }
0x5ff: {  	[tilespmem:s22], [sflag:$0x2] =	stream.indirect_vreg.gather [hbm4b:s2+s3], $0x80, v3, vm0, $0xb8;
	[tilespmem:$0x18600] =	vst v63  }
0x600: {  	s25 =	simm.s32 $0xF200  }
0x601: {  	[tilespmem:s25], [sflag:$0x2] =	stream.indirect_vreg.gather [hbm4b:s5+s3], $0x80, v3, vm1, $0xb8;
	[tilespmem:$0x18600] =	vst v63  }
0x602: {  	v3 =	vld [tilespmem:$0x5A0];
	_ =	sdelay $0x4  }
0x603: {  	v58 =	vshrl.u32 v3, $0x3  }
0x604: {  	v4 =	vmul.u32 $0x18, v58  }
0x605: {  	v3 =	vand.u32 $0x7, v3  }
0x606: {  	v3 =	vor.u32 v3, v4  }
0x607: {  	v4 =	vperm.xlane v3, v0;
	_ =	sdelay $0x1  }
0x608: {  	v4 =	vadd.s32 v1, v4;
	_ =	sdelay $0x1  }
0x609: {  	v3 =	vperm.xlane v3, v2;
	_ =	sdelay $0x1  }
0x60a: {  	s26 =	simm.s32 $0xF600;
	v3 =	vadd.s32 v1, v3  }
0x60b: {  	[tilespmem:s26], [sflag:$0x2] =	stream.indirect_vreg.gather [hbm4b:s2+s3], $0x80, v4, vm0, $0xb8;
	[tilespmem:$0x18600] =	vst v63  }
0x60c: {  	s28 =	simm.s32 $0xFE00  }
0x60d: {  	[tilespmem:s28], [sflag:$0x2] =	stream.indirect_vreg.gather [hbm4b:s5+s3], $0x80, v4, vm1, $0xb8;
	[tilespmem:$0x18600] =	vst v63  }
0x60e: {  	s29 =	simm.s32 $0x10200  }
0x60f: {  	[tilespmem:s29], [sflag:$0x2] =	stream.indirect_vreg.gather [hbm4b:s2+s3], $0x80, v3, vm0, $0xb8;
	[tilespmem:$0x18600] =	vst v63  }
0x610: {  	s30 =	simm.s32 $0x10A00  }
0x611: {  	[tilespmem:s30], [sflag:$0x2] =	stream.indirect_vreg.gather [hbm4b:s5+s3], $0x80, v3, vm1, $0xb8;
	[tilespmem:$0x18600] =	vst v63  }
0x612: {  	v3 =	vld [tilespmem:$0x5B0];
	_ =	sdelay $0x4  }
0x613: {  	v59 =	vshrl.u32 v3, $0x3  }
0x614: {  	v4 =	vmul.u32 $0x18, v59  }
0x615: {  	v3 =	vand.u32 $0x7, v3  }
0x616: {  	v3 =	vor.u32 v3, v4  }
0x617: {  	v4 =	vperm.xlane v3, v0;
	_ =	sdelay $0x1  }
0x618: {  	v4 =	vadd.s32 v1, v4;
	_ =	sdelay $0x1  }
0x619: {  	v3 =	vperm.xlane v3, v2;
	_ =	sdelay $0x1  }
0x61a: {  	s31 =	simm.s32 $0x10E00;
	v3 =	vadd.s32 v1, v3  }
0x61b: {  	[tilespmem:s31], [sflag:$0x2] =	stream.indirect_vreg.gather [hbm4b:s2+s3], $0x80, v4, vm0, $0xb8;
	[tilespmem:$0x18600] =	vst v63  }
0x61c: {  	s4 =	simm.s32 $0x11600  }
0x61d: {  	[tilespmem:s4], [sflag:$0x2] =	stream.indirect_vreg.gather [hbm4b:s5+s3], $0x80, v4, vm1, $0xb8;
	[tilespmem:$0x18600] =	vst v63  }
0x61e: {  	s6 =	simm.s32 $0x11A00  }
0x61f: {  	[tilespmem:s6], [sflag:$0x2] =	stream.indirect_vreg.gather [hbm4b:s2+s3], $0x80, v3, vm0, $0xb8;
	[tilespmem:$0x18600] =	vst v63  }
0x620: {  	s8 =	simm.s32 $0x12200  }
0x621: {  	[tilespmem:s8], [sflag:$0x2] =	stream.indirect_vreg.gather [hbm4b:s5+s3], $0x80, v3, vm1, $0xb8;
	[tilespmem:$0x18600] =	vst v63  }
0x622: {  	v3 =	vld [tilespmem:$0x5C0];
	_ =	sdelay $0x4  }
0x623: {  	v60 =	vshrl.u32 v3, $0x3  }
0x624: {  	v4 =	vmul.u32 $0x18, v60  }
0x625: {  	v3 =	vand.u32 $0x7, v3  }
0x626: {  	v3 =	vor.u32 v3, v4  }
0x627: {  	v4 =	vperm.xlane v3, v0;
	_ =	sdelay $0x1  }
0x628: {  	v4 =	vadd.s32 v1, v4;
	_ =	sdelay $0x1  }
0x629: {  	v3 =	vperm.xlane v3, v2;
	_ =	sdelay $0x1  }
0x62a: {  	s9 =	simm.s32 $0x12600;
	v3 =	vadd.s32 v1, v3  }
0x62b: {  	[tilespmem:s9], [sflag:$0x2] =	stream.indirect_vreg.gather [hbm4b:s2+s3], $0x80, v4, vm0, $0xb8;
	[tilespmem:$0x18600] =	vst v63  }
0x62c: {  	s12 =	simm.s32 $0x12E00  }
0x62d: {  	[tilespmem:s12], [sflag:$0x2] =	stream.indirect_vreg.gather [hbm4b:s5+s3], $0x80, v4, vm1, $0xb8;
	[tilespmem:$0x18600] =	vst v63  }
0x62e: {  	s13 =	simm.s32 $0x13200  }
0x62f: {  	[tilespmem:s13], [sflag:$0x2] =	stream.indirect_vreg.gather [hbm4b:s2+s3], $0x80, v3, vm0, $0xb8;
	[tilespmem:$0x18600] =	vst v63  }
0x630: {  	s14 =	simm.s32 $0x13A00  }
0x631: {  	[tilespmem:s14], [sflag:$0x2] =	stream.indirect_vreg.gather [hbm4b:s5+s3], $0x80, v3, vm1, $0xb8;
	[tilespmem:$0x18600] =	vst v63  }
0x632: {  	v3 =	vld [tilespmem:$0x5D0];
	_ =	sdelay $0x4  }
0x633: {  	v61 =	vshrl.u32 v3, $0x3  }
0x634: {  	v4 =	vmul.u32 $0x18, v61  }
0x635: {  	v3 =	vand.u32 $0x7, v3  }
0x636: {  	v3 =	vor.u32 v3, v4  }
0x637: {  	v4 =	vperm.xlane v3, v0;
	_ =	sdelay $0x1  }
0x638: {  	v4 =	vadd.s32 v1, v4;
	_ =	sdelay $0x1  }
0x639: {  	v3 =	vperm.xlane v3, v2;
	_ =	sdelay $0x1  }
0x63a: {  	s15 =	simm.s32 $0x13E00;
	v3 =	vadd.s32 v1, v3  }
0x63b: {  	[tilespmem:s15], [sflag:$0x2] =	stream.indirect_vreg.gather [hbm4b:s2+s3], $0x80, v4, vm0, $0xb8;
	[tilespmem:$0x18600] =	vst v63  }
0x63c: {  	s16 =	simm.s32 $0x14600  }
0x63d: {  	[tilespmem:s16], [sflag:$0x2] =	stream.indirect_vreg.gather [hbm4b:s5+s3], $0x80, v4, vm1, $0xb8;
	[tilespmem:$0x18600] =	vst v63  }
0x63e: {  	s17 =	simm.s32 $0x14A00  }
0x63f: {  	[tilespmem:s17], [sflag:$0x2] =	stream.indirect_vreg.gather [hbm4b:s2+s3], $0x80, v3, vm0, $0xb8;
	[tilespmem:$0x18600] =	vst v63  }
0x640: {  	s18 =	simm.s32 $0x15200  }
0x641: {  	[tilespmem:s18], [sflag:$0x2] =	stream.indirect_vreg.gather [hbm4b:s5+s3], $0x80, v3, vm1, $0xb8;
	[tilespmem:$0x18600] =	vst v63  }
0x642: {  	v3 =	vld [tilespmem:$0x5E0];
	_ =	sdelay $0x4  }
0x643: {  	v62 =	vshrl.u32 v3, $0x3  }
0x644: {  	v4 =	vmul.u32 $0x18, v62  }
0x645: {  	v3 =	vand.u32 $0x7, v3  }
0x646: {  	v3 =	vor.u32 v3, v4  }
0x647: {  	v4 =	vperm.xlane v3, v0;
	_ =	sdelay $0x1  }
0x648: {  	v4 =	vadd.s32 v1, v4;
	_ =	sdelay $0x1  }
0x649: {  	v3 =	vperm.xlane v3, v2;
	_ =	sdelay $0x1  }
0x64a: {  	s19 =	simm.s32 $0x15600;
	v3 =	vadd.s32 v1, v3  }
0x64b: {  	[tilespmem:s19], [sflag:$0x2] =	stream.indirect_vreg.gather [hbm4b:s2+s3], $0x80, v4, vm0, $0xb8;
	[tilespmem:$0x18600] =	vst v63  }
0x64c: {  	s20 =	simm.s32 $0x15E00  }
0x64d: {  	[tilespmem:s20], [sflag:$0x2] =	stream.indirect_vreg.gather [hbm4b:s5+s3], $0x80, v4, vm1, $0xb8;
	[tilespmem:$0x18600] =	vst v63  }
0x64e: {  	s21 =	simm.s32 $0x16200  }
0x64f: {  	[tilespmem:s21], [sflag:$0x2] =	stream.indirect_vreg.gather [hbm4b:s2+s3], $0x80, v3, vm0, $0xb8;
	[tilespmem:$0x18600] =	vst v63  }
0x650: {  	s22 =	simm.s32 $0x16A00  }
0x651: {  	[tilespmem:s22], [sflag:$0x2] =	stream.indirect_vreg.gather [hbm4b:s5+s3], $0x80, v3, vm1, $0xb8;
	[tilespmem:$0x18600] =	vst v63  }
0x652: {  	v3 =	vld [tilespmem:$0x5F0];
	_ =	sdelay $0x4  }
0x653: {  	v63 =	vshrl.u32 v3, $0x3  }
0x654: {  	v4 =	vmul.u32 $0x18, v63  }
0x655: {  	v3 =	vand.u32 $0x7, v3  }
0x656: {  	v3 =	vor.u32 v3, v4  }
0x657: {  	v4 =	vperm.xlane v3, v0;
	_ =	sdelay $0x1  }
0x658: {  	v4 =	vadd.s32 v1, v4;
	_ =	sdelay $0x1  }
0x659: {  	v3 =	vperm.xlane v3, v2;
	_ =	sdelay $0x1  }
0x65a: {  	s25 =	simm.s32 $0x16E00;
	v3 =	vadd.s32 v1, v3  }
0x65b: {  	[tilespmem:s25], [sflag:$0x2] =	stream.indirect_vreg.gather [hbm4b:s2+s3], $0x80, v4, vm0, $0xb8;
	[tilespmem:$0x18600] =	vst v63  }
0x65c: {  	s26 =	simm.s32 $0x17600  }
0x65d: {  	[tilespmem:s26], [sflag:$0x2] =	stream.indirect_vreg.gather [hbm4b:s5+s3], $0x80, v4, vm1, $0xb8;
	[tilespmem:$0x18600] =	vst v63  }
0x65e: {  	s28 =	simm.s32 $0x17A00  }
0x65f: {  	[tilespmem:s28], [sflag:$0x2] =	stream.indirect_vreg.gather [hbm4b:s2+s3], $0x80, v3, vm0, $0xb8;
	[tilespmem:$0x18600] =	vst v63  }
0x660: {  	s29 =	simm.s32 $0x18200  }
0x661: {  	[tilespmem:s29], [sflag:$0x2] =	stream.indirect_vreg.gather [hbm4b:s5+s3], $0x80, v3, vm1, $0xb8;
	[tilespmem:$0x18600] =	vst v63  }
0x662: {  	_ =	swait.ge [sflag:s23], $0xC000  }
0x663: {  	[sflag:s23] =	ssyncset.done $0x0  }
0x664: {  	s30 =	rddreg [dreg:$0xd];
	[sflag:s23] =	ssyncadd.s32 $0xFFFF4000  }
0x665: {  	[hbm4b:s30+s3] =	stream.linear.scatter [tilespmem:s11], [sflag:$0x3], $0xC000, $0x38;
	[tilespmem:$0x18600] =	vst v63  }
0x666: {  	_ =	swait.ge [sflag:s7], $0xC000  }
0x667: {  	[sflag:s7] =	ssyncset.done $0x0  }
0x668: {  	[sflag:s7] =	ssyncadd.s32 $0xFFFF4000  }
0x669: {  	_ =	swait.ge [sflag:s24], $0xC000  }
0x66a: {  	p0 =	sne.s32 s0, $0x1;
	[sflag:s24] =	ssyncset.done $0x0  }
.Ltmp0:
0x66b: {  	s31 =	rddreg [dreg:$0xe];
	[sflag:s24] =	ssyncadd.s32 $0xFFFF4000;
	(pc) =	sbr.rel @p0 .LBB2_1-.Ltmp0, $4  }
0x66c: {  	[hbm4b:s31+s3] =	stream.linear.scatter [tilespmem:s10], [sflag:$0x3], $0xC000, $0x38;
	[tilespmem:$0x18600] =	vst v63  }
0x66d: {  	_ =	swait.ge [sflag:s7], $0xC000  }
0x66e: {  	[sflag:s7] =	ssyncset.done $0x0  }
0x66f: {  	s0 =	sadd.s32 $0xFFFFFFFF, s0;
	[sflag:s7] =	ssyncadd.s32 $0xFFFF4000  }
0x670: {  	_ =	sfence.sel $0x180000  }
0x671: {  	[bflag:$0x0] =	sbarrier.arrive $0xFFFF  }
0x672: {  	_ =	strace $0x90000047  }
0x673: {  	s0 =	stileid.u32;
	[bflag:$0x2] =	sbarrier.arrive $0xFFFF  }
0x674: {  	p0 =	sne.s32 s0, $0x0;
	s0 =	rddreg [dreg:$0x2]  }
0x675: {  	s0 =	sadd.s32 @!p0 $0x100000, s0  }
0x676: {  	[sflag:s0] =	ssyncadd.tile.s32 @!p0 $0x1;
	_ =	shalt  }
.Lfunc_end2:
_tile_overlayer_lowered:
.L_overlay_start_2:
0x677: {  	(tag) =	ssettag $0x2  }
0x678: {  	s0 =	rddreg [dreg:$0x0];
	s2 =	stileid.u32  }
0x679: {  	s1 =	rddreg [dreg:$0x1];
	p0 =	sne.s32 s2, $0x0  }
0x67a: {  	s3 =	rddreg [dreg:$0x2];
	[bflag:$0x3] =	sbarrier.arrive $0xFFFF;
	s2 =	simm.s32 @!p0 $0x1C03  }
0x67b: {  	[timem:s3], [sflag:s2] =	dma.local @!p0 [hbm:s0], s1  }
0x67c: {  	s0 =	simm.s32 @!p0 $0x3  }
0x67d: {  	_ =	swait.ge @!p0 [sflag:s0], s1  }
0x67e: {  	s1 =	ssub.s32 @!p0 $0x0, s1;
	[sflag:s0] =	ssyncset.done @!p0 $0x0  }
0x67f: {  	[sflag:s0] =	ssyncadd.s32 @!p0 s1  }
0x680: {  	[bflag:$0x3] =	sbarrier.arrive $0xFFFF  }
0x681: {  	_ =	shalt  }

</sc_bundles>
